<compile_context>
chip_gen: v7x
topology: tpu7x:2x2x1
jax: 0.10.2.dev20260603
libtpu: 0.0.44.dev20260713+nightly
codegen_flags: <defaults>
</compile_context>

<pallas_src>
import functools

import numpy as np
import jax
import jax.numpy as jnp
from jax import lax
from jax.experimental import pallas as pl
from jax.experimental.pallas import tpu as pltpu
from jax.experimental.pallas import tpu_sc as plsc

_BINS = 30
_NC, _NS, _L = 2, 16, 16
_NW = _NC * _NS
_LUT_SIZE = 32768
_BANKS = 4
_SLOTS = 32 * _L

_CHUNK_ROWS = 16
_QPR_SHIFT = 4


@functools.cache
def _neglog_lut() -> jax.Array:
    idx = np.arange(_LUT_SIZE, dtype=np.int64)
    bits = (idx << 15) | (1 << 14)
    vals = bits.astype(np.uint32).view(np.float32).astype(np.float64)
    with np.errstate(divide="ignore"):
        neglog = np.minimum(-np.log(vals), 100.0)
    neglog[0] = 100.0
    neglog[(0x3F800000 >> 15)] = 0.0
    return jnp.asarray(neglog.astype(np.float32))


def _sc_partials(pred: jax.Array, target: jax.Array, sc_rows: int) -> jax.Array:
    rows, cols = pred.shape
    rows_per_w = sc_rows // _NW
    chunks = rows_per_w // _CHUNK_ROWS
    vecs_per_row = cols // _L
    quads = _CHUNK_ROWS * vecs_per_row // _BANKS
    quads_per_row = vecs_per_row // _BANKS
    assert quads_per_row == 1 << _QPR_SHIFT
    mesh = plsc.VectorSubcoreMesh(core_axis_name="c", subcore_axis_name="s")

    @functools.partial(
        pl.kernel,
        out_type=jax.ShapeDtypeStruct((2, _NW, _BANKS * _SLOTS), jnp.float32),
        mesh=mesh,
        compiler_params=pltpu.CompilerParams(needs_layout_passes=False),
        scratch_types=[
            pltpu.VMEM((_LUT_SIZE,), jnp.float32),
            pltpu.VMEM((2, _CHUNK_ROWS, cols), jnp.float32),
            pltpu.VMEM((2, _CHUNK_ROWS, cols), jnp.float32),
            pltpu.VMEM((_BANKS * _SLOTS,), jnp.float32),
            pltpu.VMEM((_BANKS * _SLOTS,), jnp.float32),
            pltpu.SemaphoreType.DMA,
            pltpu.SemaphoreType.DMA,
        ],
    )
    def run(pred_hbm, target_hbm, lut_hbm, out_hbm,
            lut_v, p_v, t_v, nb_v, sb_v, sem0, sem1):
        wid = lax.axis_index("s") * _NC + lax.axis_index("c")
        pltpu.sync_copy(lut_hbm, lut_v)

        zeros = jnp.zeros((_L,), jnp.float32)
        for j in range(_BANKS * _SLOTS // _L):
            nb_v[pl.ds(j * _L, _L)] = zeros
            sb_v[pl.ds(j * _L, _L)] = zeros

        lane = lax.iota(jnp.int32, _L)
        lanes = [lane + jnp.int32(k * _SLOTS) for k in range(_BANKS)]
        ones = jnp.ones((_L,), jnp.float32)
        row0 = wid * rows_per_w
        sems = (sem0, sem1)

        def copies(c, b):
            base = row0 + c * _CHUNK_ROWS
            return (
                pltpu.make_async_copy(
                    pred_hbm.at[pl.ds(base, _CHUNK_ROWS)], p_v.at[b], sems[b]),
                pltpu.make_async_copy(
                    target_hbm.at[pl.ds(base, _CHUNK_ROWS)], t_v.at[b], sems[b]),
            )

        def start(c, b):
            for cp in copies(c, b):
                cp.start()

        def wait(c, b):
            for cp in copies(c, b):
                cp.wait()

        def process(b):
            @plsc.parallel_loop(0, quads, unroll=2)
            def quad_body(v):
                i = lax.shift_right_logical(v, _QPR_SHIFT)
                col0 = (v & (quads_per_row - 1)) * (_BANKS * _L)
                for k in range(_BANKS):
                    off = col0 + k * _L
                    p = p_v[b, i, pl.ds(off, _L)]
                    t = t_v[b, i, pl.ds(off, _L)]
                    g = jnp.abs(p - t)
                    bidx = (g * jnp.float32(_BINS)).astype(jnp.int32)
                    bp = lax.shift_right_logical(
                        lax.bitcast_convert_type(p, jnp.int32), 15)
                    q = jnp.float32(1.0) - p
                    bq = lax.shift_right_logical(
                        lax.bitcast_convert_type(q, jnp.int32), 15)
                    nlp = plsc.load_gather(lut_v, [bp])
                    nlq = plsc.load_gather(lut_v, [bq])
                    bce = nlq + t * (nlp - nlq)
                    slot = bidx * _L + lanes[k]
                    plsc.addupdate_scatter(nb_v, [slot], ones)
                    plsc.addupdate_scatter(sb_v, [slot], bce)

        start(0, 0)

        def pair_body(j, _):
            c0 = 2 * j
            start(c0 + 1, 1)
            wait(c0, 0)
            process(0)

            @pl.when(j < chunks // 2 - 1)
            def _start_next():
                start(c0 + 2, 0)

            wait(c0 + 1, 1)
            process(1)
            return _

        lax.fori_loop(0, chunks // 2, pair_body, 0)

        pltpu.sync_copy(nb_v, out_hbm.at[0, wid])
        pltpu.sync_copy(sb_v, out_hbm.at[1, wid])

    return run(pred, target, _neglog_lut())


_TC_BLOCK_ROWS = 512


def _tc_partials(pred: jax.Array, target: jax.Array, sc_rows: int) -> jax.Array:
    rows, cols = pred.shape
    tc_rows = rows - sc_rows
    nblocks = tc_rows // _TC_BLOCK_ROWS
    block0 = sc_rows // _TC_BLOCK_ROWS

    def body(p_ref, t_ref, out_ref):
        @pl.when(pl.program_id(0) == 0)
        def _init():
            for k in range(2):
                for i in range(32):
                    out_ref[k, i] = jnp.float32(0.0)

        p = p_ref[...]
        t = t_ref[...]
        g = jnp.abs(p - t)
        bidx = (g * jnp.float32(_BINS)).astype(jnp.int32)
        log_p = jnp.clip(jnp.log(p), -100.0, None)
        log_1mp = jnp.clip(jnp.log(1.0 - p), -100.0, None)
        bce = -(t * log_p + (1.0 - t) * log_1mp)
        for i in range(_BINS):
            m = (bidx == i).astype(jnp.float32)
            out_ref[0, i] += jnp.sum(m)
            out_ref[1, i] += jnp.sum(m * bce)

    return pl.pallas_call(
        body,
        grid=(nblocks,),
        in_specs=[
            pl.BlockSpec((_TC_BLOCK_ROWS, cols), lambda j: (block0 + j, 0)),
            pl.BlockSpec((_TC_BLOCK_ROWS, cols), lambda j: (block0 + j, 0)),
        ],
        out_specs=pl.BlockSpec(memory_space=pltpu.SMEM),
        out_shape=jax.ShapeDtypeStruct((2, 32), jnp.float32),
    )(pred, target)


def _combine_body(parts_ref, tc_ref, out_ref):
    nslots = _BANKS * _SLOTS
    acc = jnp.zeros((2, nslots), jnp.float32)
    for w in range(_NW):
        acc = acc + parts_ref[:, w]
    slot_bin = (lax.broadcasted_iota(jnp.int32, (nslots, 32), 0) % _SLOTS) // _L
    bin_col = lax.broadcasted_iota(jnp.int32, (nslots, 32), 1)
    fold = (slot_bin == bin_col).astype(jnp.float32)
    per_bin = jnp.dot(acc, fold) + tc_ref[...]
    counts = per_bin[0:1, :]
    sums = per_bin[1:2, :]
    nonempty = counts > 0.0
    terms = jnp.where(nonempty, sums / jnp.maximum(counts, 1.0), 0.0)
    n = jnp.sum(nonempty.astype(jnp.float32))
    loss = jnp.sum(terms) / jnp.maximum(n, 1.0)
    out_ref[:, :] = jnp.full((1, 1), loss, jnp.float32)


_SC_ROWS = 12288


def kernel(pred, target, batch_size):
    del batch_size
    target = target.astype(jnp.float32)
    sc_parts = _sc_partials(pred, target, _SC_ROWS)
    tc_parts = _tc_partials(pred, target, _SC_ROWS)

    loss = pl.pallas_call(
        _combine_body,
        out_shape=jax.ShapeDtypeStruct((1, 1), jnp.float32),
    )(sc_parts, tc_parts)
    return loss.reshape(())

# --- scband reference (transcript-rebuilt; emitter-appended) ---
"""Pipeline reference for scband-ghmcloss-10737418240845 (READ-ONLY COPY).

The authoritative reference and input builder live on the scoring server;
editing this copy changes nothing except your own understanding.
"""

import jax, jax.numpy as jnp
import numpy as np

BINS = 30
MOMENTUM = 0.0


def setup_inputs(seed: int = 0) -> dict:
    key = jax.random.key(seed)
    k1, k2 = jax.random.split(key)
    pred = jax.random.uniform(k1, (16384, 1024), dtype=jnp.float32)
    target = jax.random.uniform(k2, (16384, 1024), dtype=jnp.float32)
    return {"pred": pred, "target": target, "batch_size": 16384}


def _bce_sum(pred, target, weights):
    # torch F.binary_cross_entropy clamps log terms at -100
    log_p = jnp.clip(jnp.log(pred), -100.0, None)
    log_1mp = jnp.clip(jnp.log(1.0 - pred), -100.0, None)
    loss = -(target * log_p + (1.0 - target) * log_1mp)
    return jnp.sum(weights * loss)


def reference(pred, target, batch_size):
    target = target.astype(jnp.float32)
    edges_list = [float(x) / BINS for x in range(BINS + 1)]
    edges_list[-1] += 1e-06
    edges = jnp.asarray(edges_list, dtype=jnp.float32)
    tot = jnp.asarray(batch_size, dtype=jnp.float32)

    # gradient-norm proxy; pred is detached in the torch reference
    g = jnp.abs(jax.lax.stop_gradient(pred) - target)

    weights = jnp.zeros_like(pred)
    n = jnp.asarray(0.0, dtype=jnp.float32)
    for i in range(BINS):
        inds = (g >= edges[i]) & (g < edges[i + 1])
        num_in_bin = jnp.sum(inds.astype(jnp.float32))
        # momentum == 0 path: weights[inds] = tot / num_in_bin (only if bin non-empty)
        w_i = jnp.where(num_in_bin > 0, tot / jnp.maximum(num_in_bin, 1.0), 0.0)
        weights = weights + inds.astype(weights.dtype) * w_i
        n = n + (num_in_bin > 0).astype(jnp.float32)
    weights = jnp.where(n > 0, weights / jnp.maximum(n, 1.0), weights)
    # weights carry no gradient in the torch reference (built via .item() / masked assignment)
    weights = jax.lax.stop_gradient(weights)

    loss = _bce_sum(pred, target, weights) / tot
    return loss

if __name__ == "__main__":
    import jax
    _d = setup_inputs()
    print(jax.jit(kernel)(*tuple(_d.values())))

</pallas_src>

<mosaic_0001>
#map = affine_map<(d0, d1) -> (0, 0)>
#map1 = affine_map<(d0, d1) -> (0)>
#map2 = affine_map<(d0, d1) -> (0, 0, 0)>
module attributes {stable_mosaic.version = 14 : i64} {
  func.func @run(%arg0: i32, %arg1: i32, %arg2: memref<16384x1024xf32, #tpu.memory_space<hbm>>, %arg3: memref<16384x1024xf32, #tpu.memory_space<hbm>>, %arg4: memref<32768xf32, #tpu.memory_space<hbm>>, %arg5: memref<2x32x2048xf32, #tpu.memory_space<hbm>>, %arg6: memref<32768xf32, #tpu.memory_space<vmem>>, %arg7: memref<2x16x1024xf32, #tpu.memory_space<vmem>>, %arg8: memref<2x16x1024xf32, #tpu.memory_space<vmem>>, %arg9: memref<2048xf32, #tpu.memory_space<vmem>>, %arg10: memref<2048xf32, #tpu.memory_space<vmem>>, %arg11: memref<!tpu.dma_semaphore, #tpu.memory_space<semaphore_mem>>, %arg12: memref<!tpu.dma_semaphore, #tpu.memory_space<semaphore_mem>>) attributes {dimension_semantics = [#tpu.dimension_semantics<core_parallel>, #tpu.dimension_semantics<subcore_parallel>], iteration_bounds = array<i64: 2, 16>, scalar_prefetch = 0 : i64, scratch_operands = 7 : i64, tpu.core_type = #tpu.core_type<sc_vector_subcore>, window_params = [{transform_indices = #map}, {transform_indices = #map}, {transform_indices = #map1}, {transform_indices = #map2}]} {
    %mul3A = arith.constant 2 : i32
    %mul3A_0 = arith.muli %arg1, %mul3A : i32
    %add3A = arith.addi %mul3A_0, %arg0 : i32
    "tpu.region"() ({
      %run_scoped3A_562 = tpu.sem_alloc : memref<!tpu.dma_semaphore, #tpu.memory_space<semaphore_mem>>
      tpu.enqueue_dma source(%arg4 : memref<32768xf32, #tpu.memory_space<hbm>>) target(%arg6 : memref<32768xf32, #tpu.memory_space<vmem>>) target_semaphore(%run_scoped3A_562 : memref<!tpu.dma_semaphore, #tpu.memory_space<semaphore_mem>>)
      tpu.wait_dma2 semaphore(%run_scoped3A_562 : memref<!tpu.dma_semaphore, #tpu.memory_space<semaphore_mem>>) src(%arg4 : memref<32768xf32, #tpu.memory_space<hbm>>) dst(%arg6 : memref<32768xf32, #tpu.memory_space<vmem>>)
      tpu.yield
    }) : () -> ()
    %broadcast_in_dim3A = arith.constant 0.000000e+00 : f32
    %broadcast_in_dim3A_1 = vector.broadcast %broadcast_in_dim3A : f32 to vector<16xf32>
    %swap3A = arith.constant 0 : index
    %swap3A_2 = tpu.vector_load %arg9[%swap3A] {strides = array<i32>} : memref<2048xf32, #tpu.memory_space<vmem>>, vector<16xf32>,
    tpu.vector_store %arg9[%swap3A], %broadcast_in_dim3A_1 {strides = array<i32>} : memref<2048xf32, #tpu.memory_space<vmem>>, vector<16xf32>,
    %swap3A_3 = arith.constant 0 : index
    %swap3A_4 = tpu.vector_load %arg10[%swap3A_3] {strides = array<i32>} : memref<2048xf32, #tpu.memory_space<vmem>>, vector<16xf32>,
    tpu.vector_store %arg10[%swap3A_3], %broadcast_in_dim3A_1 {strides = array<i32>} : memref<2048xf32, #tpu.memory_space<vmem>>, vector<16xf32>,
    %swap3A_5 = arith.constant 16 : index
    %swap3A_6 = tpu.vector_load %arg9[%swap3A_5] {strides = array<i32>} : memref<2048xf32, #tpu.memory_space<vmem>>, vector<16xf32>,
    tpu.vector_store %arg9[%swap3A_5], %broadcast_in_dim3A_1 {strides = array<i32>} : memref<2048xf32, #tpu.memory_space<vmem>>, vector<16xf32>,
    %swap3A_7 = arith.constant 16 : index
    %swap3A_8 = tpu.vector_load %arg10[%swap3A_7] {strides = array<i32>} : memref<2048xf32, #tpu.memory_space<vmem>>, vector<16xf32>,
    tpu.vector_store %arg10[%swap3A_7], %broadcast_in_dim3A_1 {strides = array<i32>} : memref<2048xf32, #tpu.memory_space<vmem>>, vector<16xf32>,
    %swap3A_9 = arith.constant 32 : index
    %swap3A_10 = tpu.vector_load %arg9[%swap3A_9] {strides = array<i32>} : memref<2048xf32, #tpu.memory_space<vmem>>, vector<16xf32>,
    tpu.vector_store %arg9[%swap3A_9], %broadcast_in_dim3A_1 {strides = array<i32>} : memref<2048xf32, #tpu.memory_space<vmem>>, vector<16xf32>,
    %swap3A_11 = arith.constant 32 : index
    %swap3A_12 = tpu.vector_load %arg10[%swap3A_11] {strides = array<i32>} : memref<2048xf32, #tpu.memory_space<vmem>>, vector<16xf32>,
    tpu.vector_store %arg10[%swap3A_11], %broadcast_in_dim3A_1 {strides = array<i32>} : memref<2048xf32, #tpu.memory_space<vmem>>, vector<16xf32>,
    %swap3A_13 = arith.constant 48 : index
    %swap3A_14 = tpu.vector_load %arg9[%swap3A_13] {strides = array<i32>} : memref<2048xf32, #tpu.memory_space<vmem>>, vector<16xf32>,
    tpu.vector_store %arg9[%swap3A_13], %broadcast_in_dim3A_1 {strides = array<i32>} : memref<2048xf32, #tpu.memory_space<vmem>>, vector<16xf32>,
    %swap3A_15 = arith.constant 48 : index
    %swap3A_16 = tpu.vector_load %arg10[%swap3A_15] {strides = array<i32>} : memref<2048xf32, #tpu.memory_space<vmem>>, vector<16xf32>,
    tpu.vector_store %arg10[%swap3A_15], %broadcast_in_dim3A_1 {strides = array<i32>} : memref<2048xf32, #tpu.memory_space<vmem>>, vector<16xf32>,
    %swap3A_17 = arith.constant 64 : index
    %swap3A_18 = tpu.vector_load %arg9[%swap3A_17] {strides = array<i32>} : memref<2048xf32, #tpu.memory_space<vmem>>, vector<16xf32>,
    tpu.vector_store %arg9[%swap3A_17], %broadcast_in_dim3A_1 {strides = array<i32>} : memref<2048xf32, #tpu.memory_space<vmem>>, vector<16xf32>,
    %swap3A_19 = arith.constant 64 : index
    %swap3A_20 = tpu.vector_load %arg10[%swap3A_19] {strides = array<i32>} : memref<2048xf32, #tpu.memory_space<vmem>>, vector<16xf32>,
    tpu.vector_store %arg10[%swap3A_19], %broadcast_in_dim3A_1 {strides = array<i32>} : memref<2048xf32, #tpu.memory_space<vmem>>, vector<16xf32>,
    %swap3A_21 = arith.constant 80 : index
    %swap3A_22 = tpu.vector_load %arg9[%swap3A_21] {strides = array<i32>} : memref<2048xf32, #tpu.memory_space<vmem>>, vector<16xf32>,
    tpu.vector_store %arg9[%swap3A_21], %broadcast_in_dim3A_1 {strides = array<i32>} : memref<2048xf32, #tpu.memory_space<vmem>>, vector<16xf32>,
    %swap3A_23 = arith.constant 80 : index
    %swap3A_24 = tpu.vector_load %arg10[%swap3A_23] {strides = array<i32>} : memref<2048xf32, #tpu.memory_space<vmem>>, vector<16xf32>,
    tpu.vector_store %arg10[%swap3A_23], %broadcast_in_dim3A_1 {strides = array<i32>} : memref<2048xf32, #tpu.memory_space<vmem>>, vector<16xf32>,
    %swap3A_25 = arith.constant 96 : index
    %swap3A_26 = tpu.vector_load %arg9[%swap3A_25] {strides = array<i32>} : memref<2048xf32, #tpu.memory_space<vmem>>, vector<16xf32>,
    tpu.vector_store %arg9[%swap3A_25], %broadcast_in_dim3A_1 {strides = array<i32>} : memref<2048xf32, #tpu.memory_space<vmem>>, vector<16xf32>,
    %swap3A_27 = arith.constant 96 : index
    %swap3A_28 = tpu.vector_load %arg10[%swap3A_27] {strides = array<i32>} : memref<2048xf32, #tpu.memory_space<vmem>>, vector<16xf32>,
    tpu.vector_store %arg10[%swap3A_27], %broadcast_in_dim3A_1 {strides = array<i32>} : memref<2048xf32, #tpu.memory_space<vmem>>, vector<16xf32>,
    %swap3A_29 = arith.constant 112 : index
    %swap3A_30 = tpu.vector_load %arg9[%swap3A_29] {strides = array<i32>} : memref<2048xf32, #tpu.memory_space<vmem>>, vector<16xf32>,
    tpu.vector_store %arg9[%swap3A_29], %broadcast_in_dim3A_1 {strides = array<i32>} : memref<2048xf32, #tpu.memory_space<vmem>>, vector<16xf32>,
    %swap3A_31 = arith.constant 112 : index
    %swap3A_32 = tpu.vector_load %arg10[%swap3A_31] {strides = array<i32>} : memref<2048xf32, #tpu.memory_space<vmem>>, vector<16xf32>,
    tpu.vector_store %arg10[%swap3A_31], %broadcast_in_dim3A_1 {strides = array<i32>} : memref<2048xf32, #tpu.memory_space<vmem>>, vector<16xf32>,
    %swap3A_33 = arith.constant 128 : index
    %swap3A_34 = tpu.vector_load %arg9[%swap3A_33] {strides = array<i32>} : memref<2048xf32, #tpu.memory_space<vmem>>, vector<16xf32>,
    tpu.vector_store %arg9[%swap3A_33], %broadcast_in_dim3A_1 {strides = array<i32>} : memref<2048xf32, #tpu.memory_space<vmem>>, vector<16xf32>,
    %swap3A_35 = arith.constant 128 : index
    %swap3A_36 = tpu.vector_load %arg10[%swap3A_35] {strides = array<i32>} : memref<2048xf32, #tpu.memory_space<vmem>>, vector<16xf32>,
    tpu.vector_store %arg10[%swap3A_35], %broadcast_in_dim3A_1 {strides = array<i32>} : memref<2048xf32, #tpu.memory_space<vmem>>, vector<16xf32>,
    %swap3A_37 = arith.constant 144 : index
    %swap3A_38 = tpu.vector_load %arg9[%swap3A_37] {strides = array<i32>} : memref<2048xf32, #tpu.memory_space<vmem>>, vector<16xf32>,
    tpu.vector_store %arg9[%swap3A_37], %broadcast_in_dim3A_1 {strides = array<i32>} : memref<2048xf32, #tpu.memory_space<vmem>>, vector<16xf32>,
    %swap3A_39 = arith.constant 144 : index
    %swap3A_40 = tpu.vector_load %arg10[%swap3A_39] {strides = array<i32>} : memref<2048xf32, #tpu.memory_space<vmem>>, vector<16xf32>,
    tpu.vector_store %arg10[%swap3A_39], %broadcast_in_dim3A_1 {strides = array<i32>} : memref<2048xf32, #tpu.memory_space<vmem>>, vector<16xf32>,
    %swap3A_41 = arith.constant 160 : index
    %swap3A_42 = tpu.vector_load %arg9[%swap3A_41] {strides = array<i32>} : memref<2048xf32, #tpu.memory_space<vmem>>, vector<16xf32>,
    tpu.vector_store %arg9[%swap3A_41], %broadcast_in_dim3A_1 {strides = array<i32>} : memref<2048xf32, #tpu.memory_space<vmem>>, vector<16xf32>,
    %swap3A_43 = arith.constant 160 : index
    %swap3A_44 = tpu.vector_load %arg10[%swap3A_43] {strides = array<i32>} : memref<2048xf32, #tpu.memory_space<vmem>>, vector<16xf32>,
    tpu.vector_store %arg10[%swap3A_43], %broadcast_in_dim3A_1 {strides = array<i32>} : memref<2048xf32, #tpu.memory_space<vmem>>, vector<16xf32>,
    %swap3A_45 = arith.constant 176 : index
    %swap3A_46 = tpu.vector_load %arg9[%swap3A_45] {strides = array<i32>} : memref<2048xf32, #tpu.memory_space<vmem>>, vector<16xf32>,
    tpu.vector_store %arg9[%swap3A_45], %broadcast_in_dim3A_1 {strides = array<i32>} : memref<2048xf32, #tpu.memory_space<vmem>>, vector<16xf32>,
    %swap3A_47 = arith.constant 176 : index
    %swap3A_48 = tpu.vector_load %arg10[%swap3A_47] {strides = array<i32>} : memref<2048xf32, #tpu.memory_space<vmem>>, vector<16xf32>,
    tpu.vector_store %arg10[%swap3A_47], %broadcast_in_dim3A_1 {strides = array<i32>} : memref<2048xf32, #tpu.memory_space<vmem>>, vector<16xf32>,
    %swap3A_49 = arith.constant 192 : index
    %swap3A_50 = tpu.vector_load %arg9[%swap3A_49] {strides = array<i32>} : memref<2048xf32, #tpu.memory_space<vmem>>, vector<16xf32>,
    tpu.vector_store %arg9[%swap3A_49], %broadcast_in_dim3A_1 {strides = array<i32>} : memref<2048xf32, #tpu.memory_space<vmem>>, vector<16xf32>,
    %swap3A_51 = arith.constant 192 : index
    %swap3A_52 = tpu.vector_load %arg10[%swap3A_51] {strides = array<i32>} : memref<2048xf32, #tpu.memory_space<vmem>>, vector<16xf32>,
    tpu.vector_store %arg10[%swap3A_51], %broadcast_in_dim3A_1 {strides = array<i32>} : memref<2048xf32, #tpu.memory_space<vmem>>, vector<16xf32>,
    %swap3A_53 = arith.constant 208 : index
    %swap3A_54 = tpu.vector_load %arg9[%swap3A_53] {strides = array<i32>} : memref<2048xf32, #tpu.memory_space<vmem>>, vector<16xf32>,
    tpu.vector_store %arg9[%swap3A_53], %broadcast_in_dim3A_1 {strides = array<i32>} : memref<2048xf32, #tpu.memory_space<vmem>>, vector<16xf32>,
    %swap3A_55 = arith.constant 208 : index
    %swap3A_56 = tpu.vector_load %arg10[%swap3A_55] {strides = array<i32>} : memref<2048xf32, #tpu.memory_space<vmem>>, vector<16xf32>,
    tpu.vector_store %arg10[%swap3A_55], %broadcast_in_dim3A_1 {strides = array<i32>} : memref<2048xf32, #tpu.memory_space<vmem>>, vector<16xf32>,
    %swap3A_57 = arith.constant 224 : index
    %swap3A_58 = tpu.vector_load %arg9[%swap3A_57] {strides = array<i32>} : memref<2048xf32, #tpu.memory_space<vmem>>, vector<16xf32>,
    tpu.vector_store %arg9[%swap3A_57], %broadcast_in_dim3A_1 {strides = array<i32>} : memref<2048xf32, #tpu.memory_space<vmem>>, vector<16xf32>,
    %swap3A_59 = arith.constant 224 : index
    %swap3A_60 = tpu.vector_load %arg10[%swap3A_59] {strides = array<i32>} : memref<2048xf32, #tpu.memory_space<vmem>>, vector<16xf32>,
    tpu.vector_store %arg10[%swap3A_59], %broadcast_in_dim3A_1 {strides = array<i32>} : memref<2048xf32, #tpu.memory_space<vmem>>, vector<16xf32>,
    %swap3A_61 = arith.constant 240 : index
    %swap3A_62 = tpu.vector_load %arg9[%swap3A_61] {strides = array<i32>} : memref<2048xf32, #tpu.memory_space<vmem>>, vector<16xf32>,
    tpu.vector_store %arg9[%swap3A_61], %broadcast_in_dim3A_1 {strides = array<i32>} : memref<2048xf32, #tpu.memory_space<vmem>>, vector<16xf32>,
    %swap3A_63 = arith.constant 240 : index
    %swap3A_64 = tpu.vector_load %arg10[%swap3A_63] {strides = array<i32>} : memref<2048xf32, #tpu.memory_space<vmem>>, vector<16xf32>,
    tpu.vector_store %arg10[%swap3A_63], %broadcast_in_dim3A_1 {strides = array<i32>} : memref<2048xf32, #tpu.memory_space<vmem>>, vector<16xf32>,
    %swap3A_65 = arith.constant 256 : index
    %swap3A_66 = tpu.vector_load %arg9[%swap3A_65] {strides = array<i32>} : memref<2048xf32, #tpu.memory_space<vmem>>, vector<16xf32>,
    tpu.vector_store %arg9[%swap3A_65], %broadcast_in_dim3A_1 {strides = array<i32>} : memref<2048xf32, #tpu.memory_space<vmem>>, vector<16xf32>,
    %swap3A_67 = arith.constant 256 : index
    %swap3A_68 = tpu.vector_load %arg10[%swap3A_67] {strides = array<i32>} : memref<2048xf32, #tpu.memory_space<vmem>>, vector<16xf32>,
    tpu.vector_store %arg10[%swap3A_67], %broadcast_in_dim3A_1 {strides = array<i32>} : memref<2048xf32, #tpu.memory_space<vmem>>, vector<16xf32>,
    %swap3A_69 = arith.constant 272 : index
    %swap3A_70 = tpu.vector_load %arg9[%swap3A_69] {strides = array<i32>} : memref<2048xf32, #tpu.memory_space<vmem>>, vector<16xf32>,
    tpu.vector_store %arg9[%swap3A_69], %broadcast_in_dim3A_1 {strides = array<i32>} : memref<2048xf32, #tpu.memory_space<vmem>>, vector<16xf32>,
    %swap3A_71 = arith.constant 272 : index
    %swap3A_72 = tpu.vector_load %arg10[%swap3A_71] {strides = array<i32>} : memref<2048xf32, #tpu.memory_space<vmem>>, vector<16xf32>,
    tpu.vector_store %arg10[%swap3A_71], %broadcast_in_dim3A_1 {strides = array<i32>} : memref<2048xf32, #tpu.memory_space<vmem>>, vector<16xf32>,
    %swap3A_73 = arith.constant 288 : index
    %swap3A_74 = tpu.vector_load %arg9[%swap3A_73] {strides = array<i32>} : memref<2048xf32, #tpu.memory_space<vmem>>, vector<16xf32>,
    tpu.vector_store %arg9[%swap3A_73], %broadcast_in_dim3A_1 {strides = array<i32>} : memref<2048xf32, #tpu.memory_space<vmem>>, vector<16xf32>,
    %swap3A_75 = arith.constant 288 : index
    %swap3A_76 = tpu.vector_load %arg10[%swap3A_75] {strides = array<i32>} : memref<2048xf32, #tpu.memory_space<vmem>>, vector<16xf32>,
    tpu.vector_store %arg10[%swap3A_75], %broadcast_in_dim3A_1 {strides = array<i32>} : memref<2048xf32, #tpu.memory_space<vmem>>, vector<16xf32>,
    %swap3A_77 = arith.constant 304 : index
    %swap3A_78 = tpu.vector_load %arg9[%swap3A_77] {strides = array<i32>} : memref<2048xf32, #tpu.memory_space<vmem>>, vector<16xf32>,
    tpu.vector_store %arg9[%swap3A_77], %broadcast_in_dim3A_1 {strides = array<i32>} : memref<2048xf32, #tpu.memory_space<vmem>>, vector<16xf32>,
    %swap3A_79 = arith.constant 304 : index
    %swap3A_80 = tpu.vector_load %arg10[%swap3A_79] {strides = array<i32>} : memref<2048xf32, #tpu.memory_space<vmem>>, vector<16xf32>,
    tpu.vector_store %arg10[%swap3A_79], %broadcast_in_dim3A_1 {strides = array<i32>} : memref<2048xf32, #tpu.memory_space<vmem>>, vector<16xf32>,
    %swap3A_81 = arith.constant 320 : index
    %swap3A_82 = tpu.vector_load %arg9[%swap3A_81] {strides = array<i32>} : memref<2048xf32, #tpu.memory_space<vmem>>, vector<16xf32>,
    tpu.vector_store %arg9[%swap3A_81], %broadcast_in_dim3A_1 {strides = array<i32>} : memref<2048xf32, #tpu.memory_space<vmem>>, vector<16xf32>,
    %swap3A_83 = arith.constant 320 : index
    %swap3A_84 = tpu.vector_load %arg10[%swap3A_83] {strides = array<i32>} : memref<2048xf32, #tpu.memory_space<vmem>>, vector<16xf32>,
    tpu.vector_store %arg10[%swap3A_83], %broadcast_in_dim3A_1 {strides = array<i32>} : memref<2048xf32, #tpu.memory_space<vmem>>, vector<16xf32>,
    %swap3A_85 = arith.constant 336 : index
    %swap3A_86 = tpu.vector_load %arg9[%swap3A_85] {strides = array<i32>} : memref<2048xf32, #tpu.memory_space<vmem>>, vector<16xf32>,
    tpu.vector_store %arg9[%swap3A_85], %broadcast_in_dim3A_1 {strides = array<i32>} : memref<2048xf32, #tpu.memory_space<vmem>>, vector<16xf32>,
    %swap3A_87 = arith.constant 336 : index
    %swap3A_88 = tpu.vector_load %arg10[%swap3A_87] {strides = array<i32>} : memref<2048xf32, #tpu.memory_space<vmem>>, vector<16xf32>,
    tpu.vector_store %arg10[%swap3A_87], %broadcast_in_dim3A_1 {strides = array<i32>} : memref<2048xf32, #tpu.memory_space<vmem>>, vector<16xf32>,
    %swap3A_89 = arith.constant 352 : index
    %swap3A_90 = tpu.vector_load %arg9[%swap3A_89] {strides = array<i32>} : memref<2048xf32, #tpu.memory_space<vmem>>, vector<16xf32>,
    tpu.vector_store %arg9[%swap3A_89], %broadcast_in_dim3A_1 {strides = array<i32>} : memref<2048xf32, #tpu.memory_space<vmem>>, vector<16xf32>,
    %swap3A_91 = arith.constant 352 : index
    %swap3A_92 = tpu.vector_load %arg10[%swap3A_91] {strides = array<i32>} : memref<2048xf32, #tpu.memory_space<vmem>>, vector<16xf32>,
    tpu.vector_store %arg10[%swap3A_91], %broadcast_in_dim3A_1 {strides = array<i32>} : memref<2048xf32, #tpu.memory_space<vmem>>, vector<16xf32>,
    %swap3A_93 = arith.constant 368 : index
    %swap3A_94 = tpu.vector_load %arg9[%swap3A_93] {strides = array<i32>} : memref<2048xf32, #tpu.memory_space<vmem>>, vector<16xf32>,
    tpu.vector_store %arg9[%swap3A_93], %broadcast_in_dim3A_1 {strides = array<i32>} : memref<2048xf32, #tpu.memory_space<vmem>>, vector<16xf32>,
    %swap3A_95 = arith.constant 368 : index
    %swap3A_96 = tpu.vector_load %arg10[%swap3A_95] {strides = array<i32>} : memref<2048xf32, #tpu.memory_space<vmem>>, vector<16xf32>,
    tpu.vector_store %arg10[%swap3A_95], %broadcast_in_dim3A_1 {strides = array<i32>} : memref<2048xf32, #tpu.memory_space<vmem>>, vector<16xf32>,
    %swap3A_97 = arith.constant 384 : index
    %swap3A_98 = tpu.vector_load %arg9[%swap3A_97] {strides = array<i32>} : memref<2048xf32, #tpu.memory_space<vmem>>, vector<16xf32>,
    tpu.vector_store %arg9[%swap3A_97], %broadcast_in_dim3A_1 {strides = array<i32>} : memref<2048xf32, #tpu.memory_space<vmem>>, vector<16xf32>,
    %swap3A_99 = arith.constant 384 : index
    %swap3A_100 = tpu.vector_load %arg10[%swap3A_99] {strides = array<i32>} : memref<2048xf32, #tpu.memory_space<vmem>>, vector<16xf32>,
    tpu.vector_store %arg10[%swap3A_99], %broadcast_in_dim3A_1 {strides = array<i32>} : memref<2048xf32, #tpu.memory_space<vmem>>, vector<16xf32>,
    %swap3A_101 = arith.constant 400 : index
    %swap3A_102 = tpu.vector_load %arg9[%swap3A_101] {strides = array<i32>} : memref<2048xf32, #tpu.memory_space<vmem>>, vector<16xf32>,
    tpu.vector_store %arg9[%swap3A_101], %broadcast_in_dim3A_1 {strides = array<i32>} : memref<2048xf32, #tpu.memory_space<vmem>>, vector<16xf32>,
    %swap3A_103 = arith.constant 400 : index
    %swap3A_104 = tpu.vector_load %arg10[%swap3A_103] {strides = array<i32>} : memref<2048xf32, #tpu.memory_space<vmem>>, vector<16xf32>,
    tpu.vector_store %arg10[%swap3A_103], %broadcast_in_dim3A_1 {strides = array<i32>} : memref<2048xf32, #tpu.memory_space<vmem>>, vector<16xf32>,
    %swap3A_105 = arith.constant 416 : index
    %swap3A_106 = tpu.vector_load %arg9[%swap3A_105] {strides = array<i32>} : memref<2048xf32, #tpu.memory_space<vmem>>, vector<16xf32>,
    tpu.vector_store %arg9[%swap3A_105], %broadcast_in_dim3A_1 {strides = array<i32>} : memref<2048xf32, #tpu.memory_space<vmem>>, vector<16xf32>,
    %swap3A_107 = arith.constant 416 : index
    %swap3A_108 = tpu.vector_load %arg10[%swap3A_107] {strides = array<i32>} : memref<2048xf32, #tpu.memory_space<vmem>>, vector<16xf32>,
    tpu.vector_store %arg10[%swap3A_107], %broadcast_in_dim3A_1 {strides = array<i32>} : memref<2048xf32, #tpu.memory_space<vmem>>, vector<16xf32>,
    %swap3A_109 = arith.constant 432 : index
    %swap3A_110 = tpu.vector_load %arg9[%swap3A_109] {strides = array<i32>} : memref<2048xf32, #tpu.memory_space<vmem>>, vector<16xf32>,
    tpu.vector_store %arg9[%swap3A_109], %broadcast_in_dim3A_1 {strides = array<i32>} : memref<2048xf32, #tpu.memory_space<vmem>>, vector<16xf32>,
    %swap3A_111 = arith.constant 432 : index
    %swap3A_112 = tpu.vector_load %arg10[%swap3A_111] {strides = array<i32>} : memref<2048xf32, #tpu.memory_space<vmem>>, vector<16xf32>,
    tpu.vector_store %arg10[%swap3A_111], %broadcast_in_dim3A_1 {strides = array<i32>} : memref<2048xf32, #tpu.memory_space<vmem>>, vector<16xf32>,
    %swap3A_113 = arith.constant 448 : index
    %swap3A_114 = tpu.vector_load %arg9[%swap3A_113] {strides = array<i32>} : memref<2048xf32, #tpu.memory_space<vmem>>, vector<16xf32>,
    tpu.vector_store %arg9[%swap3A_113], %broadcast_in_dim3A_1 {strides = array<i32>} : memref<2048xf32, #tpu.memory_space<vmem>>, vector<16xf32>,
    %swap3A_115 = arith.constant 448 : index
    %swap3A_116 = tpu.vector_load %arg10[%swap3A_115] {strides = array<i32>} : memref<2048xf32, #tpu.memory_space<vmem>>, vector<16xf32>,
    tpu.vector_store %arg10[%swap3A_115], %broadcast_in_dim3A_1 {strides = array<i32>} : memref<2048xf32, #tpu.memory_space<vmem>>, vector<16xf32>,
    %swap3A_117 = arith.constant 464 : index
    %swap3A_118 = tpu.vector_load %arg9[%swap3A_117] {strides = array<i32>} : memref<2048xf32, #tpu.memory_space<vmem>>, vector<16xf32>,
    tpu.vector_store %arg9[%swap3A_117], %broadcast_in_dim3A_1 {strides = array<i32>} : memref<2048xf32, #tpu.memory_space<vmem>>, vector<16xf32>,
    %swap3A_119 = arith.constant 464 : index
    %swap3A_120 = tpu.vector_load %arg10[%swap3A_119] {strides = array<i32>} : memref<2048xf32, #tpu.memory_space<vmem>>, vector<16xf32>,
    tpu.vector_store %arg10[%swap3A_119], %broadcast_in_dim3A_1 {strides = array<i32>} : memref<2048xf32, #tpu.memory_space<vmem>>, vector<16xf32>,
    %swap3A_121 = arith.constant 480 : index
    %swap3A_122 = tpu.vector_load %arg9[%swap3A_121] {strides = array<i32>} : memref<2048xf32, #tpu.memory_space<vmem>>, vector<16xf32>,
    tpu.vector_store %arg9[%swap3A_121], %broadcast_in_dim3A_1 {strides = array<i32>} : memref<2048xf32, #tpu.memory_space<vmem>>, vector<16xf32>,
    %swap3A_123 = arith.constant 480 : index
    %swap3A_124 = tpu.vector_load %arg10[%swap3A_123] {strides = array<i32>} : memref<2048xf32, #tpu.memory_space<vmem>>, vector<16xf32>,
    tpu.vector_store %arg10[%swap3A_123], %broadcast_in_dim3A_1 {strides = array<i32>} : memref<2048xf32, #tpu.memory_space<vmem>>, vector<16xf32>,
    %swap3A_125 = arith.constant 496 : index
    %swap3A_126 = tpu.vector_load %arg9[%swap3A_125] {strides = array<i32>} : memref<2048xf32, #tpu.memory_space<vmem>>, vector<16xf32>,
    tpu.vector_store %arg9[%swap3A_125], %broadcast_in_dim3A_1 {strides = array<i32>} : memref<2048xf32, #tpu.memory_space<vmem>>, vector<16xf32>,
    %swap3A_127 = arith.constant 496 : index
    %swap3A_128 = tpu.vector_load %arg10[%swap3A_127] {strides = array<i32>} : memref<2048xf32, #tpu.memory_space<vmem>>, vector<16xf32>,
    tpu.vector_store %arg10[%swap3A_127], %broadcast_in_dim3A_1 {strides = array<i32>} : memref<2048xf32, #tpu.memory_space<vmem>>, vector<16xf32>,
    %swap3A_129 = arith.constant 512 : index
    %swap3A_130 = tpu.vector_load %arg9[%swap3A_129] {strides = array<i32>} : memref<2048xf32, #tpu.memory_space<vmem>>, vector<16xf32>,
    tpu.vector_store %arg9[%swap3A_129], %broadcast_in_dim3A_1 {strides = array<i32>} : memref<2048xf32, #tpu.memory_space<vmem>>, vector<16xf32>,
    %swap3A_131 = arith.constant 512 : index
    %swap3A_132 = tpu.vector_load %arg10[%swap3A_131] {strides = array<i32>} : memref<2048xf32, #tpu.memory_space<vmem>>, vector<16xf32>,
    tpu.vector_store %arg10[%swap3A_131], %broadcast_in_dim3A_1 {strides = array<i32>} : memref<2048xf32, #tpu.memory_space<vmem>>, vector<16xf32>,
    %swap3A_133 = arith.constant 528 : index
    %swap3A_134 = tpu.vector_load %arg9[%swap3A_133] {strides = array<i32>} : memref<2048xf32, #tpu.memory_space<vmem>>, vector<16xf32>,
    tpu.vector_store %arg9[%swap3A_133], %broadcast_in_dim3A_1 {strides = array<i32>} : memref<2048xf32, #tpu.memory_space<vmem>>, vector<16xf32>,
    %swap3A_135 = arith.constant 528 : index
    %swap3A_136 = tpu.vector_load %arg10[%swap3A_135] {strides = array<i32>} : memref<2048xf32, #tpu.memory_space<vmem>>, vector<16xf32>,
    tpu.vector_store %arg10[%swap3A_135], %broadcast_in_dim3A_1 {strides = array<i32>} : memref<2048xf32, #tpu.memory_space<vmem>>, vector<16xf32>,
    %swap3A_137 = arith.constant 544 : index
    %swap3A_138 = tpu.vector_load %arg9[%swap3A_137] {strides = array<i32>} : memref<2048xf32, #tpu.memory_space<vmem>>, vector<16xf32>,
    tpu.vector_store %arg9[%swap3A_137], %broadcast_in_dim3A_1 {strides = array<i32>} : memref<2048xf32, #tpu.memory_space<vmem>>, vector<16xf32>,
    %swap3A_139 = arith.constant 544 : index
    %swap3A_140 = tpu.vector_load %arg10[%swap3A_139] {strides = array<i32>} : memref<2048xf32, #tpu.memory_space<vmem>>, vector<16xf32>,
    tpu.vector_store %arg10[%swap3A_139], %broadcast_in_dim3A_1 {strides = array<i32>} : memref<2048xf32, #tpu.memory_space<vmem>>, vector<16xf32>,
    %swap3A_141 = arith.constant 560 : index
    %swap3A_142 = tpu.vector_load %arg9[%swap3A_141] {strides = array<i32>} : memref<2048xf32, #tpu.memory_space<vmem>>, vector<16xf32>,
    tpu.vector_store %arg9[%swap3A_141], %broadcast_in_dim3A_1 {strides = array<i32>} : memref<2048xf32, #tpu.memory_space<vmem>>, vector<16xf32>,
    %swap3A_143 = arith.constant 560 : index
    %swap3A_144 = tpu.vector_load %arg10[%swap3A_143] {strides = array<i32>} : memref<2048xf32, #tpu.memory_space<vmem>>, vector<16xf32>,
    tpu.vector_store %arg10[%swap3A_143], %broadcast_in_dim3A_1 {strides = array<i32>} : memref<2048xf32, #tpu.memory_space<vmem>>, vector<16xf32>,
    %swap3A_145 = arith.constant 576 : index
    %swap3A_146 = tpu.vector_load %arg9[%swap3A_145] {strides = array<i32>} : memref<2048xf32, #tpu.memory_space<vmem>>, vector<16xf32>,
    tpu.vector_store %arg9[%swap3A_145], %broadcast_in_dim3A_1 {strides = array<i32>} : memref<2048xf32, #tpu.memory_space<vmem>>, vector<16xf32>,
    %swap3A_147 = arith.constant 576 : index
    %swap3A_148 = tpu.vector_load %arg10[%swap3A_147] {strides = array<i32>} : memref<2048xf32, #tpu.memory_space<vmem>>, vector<16xf32>,
    tpu.vector_store %arg10[%swap3A_147], %broadcast_in_dim3A_1 {strides = array<i32>} : memref<2048xf32, #tpu.memory_space<vmem>>, vector<16xf32>,
    %swap3A_149 = arith.constant 592 : index
    %swap3A_150 = tpu.vector_load %arg9[%swap3A_149] {strides = array<i32>} : memref<2048xf32, #tpu.memory_space<vmem>>, vector<16xf32>,
    tpu.vector_store %arg9[%swap3A_149], %broadcast_in_dim3A_1 {strides = array<i32>} : memref<2048xf32, #tpu.memory_space<vmem>>, vector<16xf32>,
    %swap3A_151 = arith.constant 592 : index
    %swap3A_152 = tpu.vector_load %arg10[%swap3A_151] {strides = array<i32>} : memref<2048xf32, #tpu.memory_space<vmem>>, vector<16xf32>,
    tpu.vector_store %arg10[%swap3A_151], %broadcast_in_dim3A_1 {strides = array<i32>} : memref<2048xf32, #tpu.memory_space<vmem>>, vector<16xf32>,
    %swap3A_153 = arith.constant 608 : index
    %swap3A_154 = tpu.vector_load %arg9[%swap3A_153] {strides = array<i32>} : memref<2048xf32, #tpu.memory_space<vmem>>, vector<16xf32>,
    tpu.vector_store %arg9[%swap3A_153], %broadcast_in_dim3A_1 {strides = array<i32>} : memref<2048xf32, #tpu.memory_space<vmem>>, vector<16xf32>,
    %swap3A_155 = arith.constant 608 : index
    %swap3A_156 = tpu.vector_load %arg10[%swap3A_155] {strides = array<i32>} : memref<2048xf32, #tpu.memory_space<vmem>>, vector<16xf32>,
    tpu.vector_store %arg10[%swap3A_155], %broadcast_in_dim3A_1 {strides = array<i32>} : memref<2048xf32, #tpu.memory_space<vmem>>, vector<16xf32>,
    %swap3A_157 = arith.constant 624 : index
    %swap3A_158 = tpu.vector_load %arg9[%swap3A_157] {strides = array<i32>} : memref<2048xf32, #tpu.memory_space<vmem>>, vector<16xf32>,
    tpu.vector_store %arg9[%swap3A_157], %broadcast_in_dim3A_1 {strides = array<i32>} : memref<2048xf32, #tpu.memory_space<vmem>>, vector<16xf32>,
    %swap3A_159 = arith.constant 624 : index
    %swap3A_160 = tpu.vector_load %arg10[%swap3A_159] {strides = array<i32>} : memref<2048xf32, #tpu.memory_space<vmem>>, vector<16xf32>,
    tpu.vector_store %arg10[%swap3A_159], %broadcast_in_dim3A_1 {strides = array<i32>} : memref<2048xf32, #tpu.memory_space<vmem>>, vector<16xf32>,
    %swap3A_161 = arith.constant 640 : index
    %swap3A_162 = tpu.vector_load %arg9[%swap3A_161] {strides = array<i32>} : memref<2048xf32, #tpu.memory_space<vmem>>, vector<16xf32>,
    tpu.vector_store %arg9[%swap3A_161], %broadcast_in_dim3A_1 {strides = array<i32>} : memref<2048xf32, #tpu.memory_space<vmem>>, vector<16xf32>,
    %swap3A_163 = arith.constant 640 : index
    %swap3A_164 = tpu.vector_load %arg10[%swap3A_163] {strides = array<i32>} : memref<2048xf32, #tpu.memory_space<vmem>>, vector<16xf32>,
    tpu.vector_store %arg10[%swap3A_163], %broadcast_in_dim3A_1 {strides = array<i32>} : memref<2048xf32, #tpu.memory_space<vmem>>, vector<16xf32>,
    %swap3A_165 = arith.constant 656 : index
    %swap3A_166 = tpu.vector_load %arg9[%swap3A_165] {strides = array<i32>} : memref<2048xf32, #tpu.memory_space<vmem>>, vector<16xf32>,
    tpu.vector_store %arg9[%swap3A_165], %broadcast_in_dim3A_1 {strides = array<i32>} : memref<2048xf32, #tpu.memory_space<vmem>>, vector<16xf32>,
    %swap3A_167 = arith.constant 656 : index
    %swap3A_168 = tpu.vector_load %arg10[%swap3A_167] {strides = array<i32>} : memref<2048xf32, #tpu.memory_space<vmem>>, vector<16xf32>,
    tpu.vector_store %arg10[%swap3A_167], %broadcast_in_dim3A_1 {strides = array<i32>} : memref<2048xf32, #tpu.memory_space<vmem>>, vector<16xf32>,
    %swap3A_169 = arith.constant 672 : index
    %swap3A_170 = tpu.vector_load %arg9[%swap3A_169] {strides = array<i32>} : memref<2048xf32, #tpu.memory_space<vmem>>, vector<16xf32>,
    tpu.vector_store %arg9[%swap3A_169], %broadcast_in_dim3A_1 {strides = array<i32>} : memref<2048xf32, #tpu.memory_space<vmem>>, vector<16xf32>,
    %swap3A_171 = arith.constant 672 : index
    %swap3A_172 = tpu.vector_load %arg10[%swap3A_171] {strides = array<i32>} : memref<2048xf32, #tpu.memory_space<vmem>>, vector<16xf32>,
    tpu.vector_store %arg10[%swap3A_171], %broadcast_in_dim3A_1 {strides = array<i32>} : memref<2048xf32, #tpu.memory_space<vmem>>, vector<16xf32>,
    %swap3A_173 = arith.constant 688 : index
    %swap3A_174 = tpu.vector_load %arg9[%swap3A_173] {strides = array<i32>} : memref<2048xf32, #tpu.memory_space<vmem>>, vector<16xf32>,
    tpu.vector_store %arg9[%swap3A_173], %broadcast_in_dim3A_1 {strides = array<i32>} : memref<2048xf32, #tpu.memory_space<vmem>>, vector<16xf32>,
    %swap3A_175 = arith.constant 688 : index
    %swap3A_176 = tpu.vector_load %arg10[%swap3A_175] {strides = array<i32>} : memref<2048xf32, #tpu.memory_space<vmem>>, vector<16xf32>,
    tpu.vector_store %arg10[%swap3A_175], %broadcast_in_dim3A_1 {strides = array<i32>} : memref<2048xf32, #tpu.memory_space<vmem>>, vector<16xf32>,
    %swap3A_177 = arith.constant 704 : index
    %swap3A_178 = tpu.vector_load %arg9[%swap3A_177] {strides = array<i32>} : memref<2048xf32, #tpu.memory_space<vmem>>, vector<16xf32>,
    tpu.vector_store %arg9[%swap3A_177], %broadcast_in_dim3A_1 {strides = array<i32>} : memref<2048xf32, #tpu.memory_space<vmem>>, vector<16xf32>,
    %swap3A_179 = arith.constant 704 : index
    %swap3A_180 = tpu.vector_load %arg10[%swap3A_179] {strides = array<i32>} : memref<2048xf32, #tpu.memory_space<vmem>>, vector<16xf32>,
    tpu.vector_store %arg10[%swap3A_179], %broadcast_in_dim3A_1 {strides = array<i32>} : memref<2048xf32, #tpu.memory_space<vmem>>, vector<16xf32>,
    %swap3A_181 = arith.constant 720 : index
    %swap3A_182 = tpu.vector_load %arg9[%swap3A_181] {strides = array<i32>} : memref<2048xf32, #tpu.memory_space<vmem>>, vector<16xf32>,
    tpu.vector_store %arg9[%swap3A_181], %broadcast_in_dim3A_1 {strides = array<i32>} : memref<2048xf32, #tpu.memory_space<vmem>>, vector<16xf32>,
    %swap3A_183 = arith.constant 720 : index
    %swap3A_184 = tpu.vector_load %arg10[%swap3A_183] {strides = array<i32>} : memref<2048xf32, #tpu.memory_space<vmem>>, vector<16xf32>,
    tpu.vector_store %arg10[%swap3A_183], %broadcast_in_dim3A_1 {strides = array<i32>} : memref<2048xf32, #tpu.memory_space<vmem>>, vector<16xf32>,
    %swap3A_185 = arith.constant 736 : index
    %swap3A_186 = tpu.vector_load %arg9[%swap3A_185] {strides = array<i32>} : memref<2048xf32, #tpu.memory_space<vmem>>, vector<16xf32>,
    tpu.vector_store %arg9[%swap3A_185], %broadcast_in_dim3A_1 {strides = array<i32>} : memref<2048xf32, #tpu.memory_space<vmem>>, vector<16xf32>,
    %swap3A_187 = arith.constant 736 : index
    %swap3A_188 = tpu.vector_load %arg10[%swap3A_187] {strides = array<i32>} : memref<2048xf32, #tpu.memory_space<vmem>>, vector<16xf32>,
    tpu.vector_store %arg10[%swap3A_187], %broadcast_in_dim3A_1 {strides = array<i32>} : memref<2048xf32, #tpu.memory_space<vmem>>, vector<16xf32>,
    %swap3A_189 = arith.constant 752 : index
    %swap3A_190 = tpu.vector_load %arg9[%swap3A_189] {strides = array<i32>} : memref<2048xf32, #tpu.memory_space<vmem>>, vector<16xf32>,
    tpu.vector_store %arg9[%swap3A_189], %broadcast_in_dim3A_1 {strides = array<i32>} : memref<2048xf32, #tpu.memory_space<vmem>>, vector<16xf32>,
    %swap3A_191 = arith.constant 752 : index
    %swap3A_192 = tpu.vector_load %arg10[%swap3A_191] {strides = array<i32>} : memref<2048xf32, #tpu.memory_space<vmem>>, vector<16xf32>,
    tpu.vector_store %arg10[%swap3A_191], %broadcast_in_dim3A_1 {strides = array<i32>} : memref<2048xf32, #tpu.memory_space<vmem>>, vector<16xf32>,
    %swap3A_193 = arith.constant 768 : index
    %swap3A_194 = tpu.vector_load %arg9[%swap3A_193] {strides = array<i32>} : memref<2048xf32, #tpu.memory_space<vmem>>, vector<16xf32>,
    tpu.vector_store %arg9[%swap3A_193], %broadcast_in_dim3A_1 {strides = array<i32>} : memref<2048xf32, #tpu.memory_space<vmem>>, vector<16xf32>,
    %swap3A_195 = arith.constant 768 : index
    %swap3A_196 = tpu.vector_load %arg10[%swap3A_195] {strides = array<i32>} : memref<2048xf32, #tpu.memory_space<vmem>>, vector<16xf32>,
    tpu.vector_store %arg10[%swap3A_195], %broadcast_in_dim3A_1 {strides = array<i32>} : memref<2048xf32, #tpu.memory_space<vmem>>, vector<16xf32>,
    %swap3A_197 = arith.constant 784 : index
    %swap3A_198 = tpu.vector_load %arg9[%swap3A_197] {strides = array<i32>} : memref<2048xf32, #tpu.memory_space<vmem>>, vector<16xf32>,
    tpu.vector_store %arg9[%swap3A_197], %broadcast_in_dim3A_1 {strides = array<i32>} : memref<2048xf32, #tpu.memory_space<vmem>>, vector<16xf32>,
    %swap3A_199 = arith.constant 784 : index
    %swap3A_200 = tpu.vector_load %arg10[%swap3A_199] {strides = array<i32>} : memref<2048xf32, #tpu.memory_space<vmem>>, vector<16xf32>,
    tpu.vector_store %arg10[%swap3A_199], %broadcast_in_dim3A_1 {strides = array<i32>} : memref<2048xf32, #tpu.memory_space<vmem>>, vector<16xf32>,
    %swap3A_201 = arith.constant 800 : index
    %swap3A_202 = tpu.vector_load %arg9[%swap3A_201] {strides = array<i32>} : memref<2048xf32, #tpu.memory_space<vmem>>, vector<16xf32>,
    tpu.vector_store %arg9[%swap3A_201], %broadcast_in_dim3A_1 {strides = array<i32>} : memref<2048xf32, #tpu.memory_space<vmem>>, vector<16xf32>,
    %swap3A_203 = arith.constant 800 : index
    %swap3A_204 = tpu.vector_load %arg10[%swap3A_203] {strides = array<i32>} : memref<2048xf32, #tpu.memory_space<vmem>>, vector<16xf32>,
    tpu.vector_store %arg10[%swap3A_203], %broadcast_in_dim3A_1 {strides = array<i32>} : memref<2048xf32, #tpu.memory_space<vmem>>, vector<16xf32>,
    %swap3A_205 = arith.constant 816 : index
    %swap3A_206 = tpu.vector_load %arg9[%swap3A_205] {strides = array<i32>} : memref<2048xf32, #tpu.memory_space<vmem>>, vector<16xf32>,
    tpu.vector_store %arg9[%swap3A_205], %broadcast_in_dim3A_1 {strides = array<i32>} : memref<2048xf32, #tpu.memory_space<vmem>>, vector<16xf32>,
    %swap3A_207 = arith.constant 816 : index
    %swap3A_208 = tpu.vector_load %arg10[%swap3A_207] {strides = array<i32>} : memref<2048xf32, #tpu.memory_space<vmem>>, vector<16xf32>,
    tpu.vector_store %arg10[%swap3A_207], %broadcast_in_dim3A_1 {strides = array<i32>} : memref<2048xf32, #tpu.memory_space<vmem>>, vector<16xf32>,
    %swap3A_209 = arith.constant 832 : index
    %swap3A_210 = tpu.vector_load %arg9[%swap3A_209] {strides = array<i32>} : memref<2048xf32, #tpu.memory_space<vmem>>, vector<16xf32>,
    tpu.vector_store %arg9[%swap3A_209], %broadcast_in_dim3A_1 {strides = array<i32>} : memref<2048xf32, #tpu.memory_space<vmem>>, vector<16xf32>,
    %swap3A_211 = arith.constant 832 : index
    %swap3A_212 = tpu.vector_load %arg10[%swap3A_211] {strides = array<i32>} : memref<2048xf32, #tpu.memory_space<vmem>>, vector<16xf32>,
    tpu.vector_store %arg10[%swap3A_211], %broadcast_in_dim3A_1 {strides = array<i32>} : memref<2048xf32, #tpu.memory_space<vmem>>, vector<16xf32>,
    %swap3A_213 = arith.constant 848 : index
    %swap3A_214 = tpu.vector_load %arg9[%swap3A_213] {strides = array<i32>} : memref<2048xf32, #tpu.memory_space<vmem>>, vector<16xf32>,
    tpu.vector_store %arg9[%swap3A_213], %broadcast_in_dim3A_1 {strides = array<i32>} : memref<2048xf32, #tpu.memory_space<vmem>>, vector<16xf32>,
    %swap3A_215 = arith.constant 848 : index
    %swap3A_216 = tpu.vector_load %arg10[%swap3A_215] {strides = array<i32>} : memref<2048xf32, #tpu.memory_space<vmem>>, vector<16xf32>,
    tpu.vector_store %arg10[%swap3A_215], %broadcast_in_dim3A_1 {strides = array<i32>} : memref<2048xf32, #tpu.memory_space<vmem>>, vector<16xf32>,
    %swap3A_217 = arith.constant 864 : index
    %swap3A_218 = tpu.vector_load %arg9[%swap3A_217] {strides = array<i32>} : memref<2048xf32, #tpu.memory_space<vmem>>, vector<16xf32>,
    tpu.vector_store %arg9[%swap3A_217], %broadcast_in_dim3A_1 {strides = array<i32>} : memref<2048xf32, #tpu.memory_space<vmem>>, vector<16xf32>,
    %swap3A_219 = arith.constant 864 : index
    %swap3A_220 = tpu.vector_load %arg10[%swap3A_219] {strides = array<i32>} : memref<2048xf32, #tpu.memory_space<vmem>>, vector<16xf32>,
    tpu.vector_store %arg10[%swap3A_219], %broadcast_in_dim3A_1 {strides = array<i32>} : memref<2048xf32, #tpu.memory_space<vmem>>, vector<16xf32>,
    %swap3A_221 = arith.constant 880 : index
    %swap3A_222 = tpu.vector_load %arg9[%swap3A_221] {strides = array<i32>} : memref<2048xf32, #tpu.memory_space<vmem>>, vector<16xf32>,
    tpu.vector_store %arg9[%swap3A_221], %broadcast_in_dim3A_1 {strides = array<i32>} : memref<2048xf32, #tpu.memory_space<vmem>>, vector<16xf32>,
    %swap3A_223 = arith.constant 880 : index
    %swap3A_224 = tpu.vector_load %arg10[%swap3A_223] {strides = array<i32>} : memref<2048xf32, #tpu.memory_space<vmem>>, vector<16xf32>,
    tpu.vector_store %arg10[%swap3A_223], %broadcast_in_dim3A_1 {strides = array<i32>} : memref<2048xf32, #tpu.memory_space<vmem>>, vector<16xf32>,
    %swap3A_225 = arith.constant 896 : index
    %swap3A_226 = tpu.vector_load %arg9[%swap3A_225] {strides = array<i32>} : memref<2048xf32, #tpu.memory_space<vmem>>, vector<16xf32>,
    tpu.vector_store %arg9[%swap3A_225], %broadcast_in_dim3A_1 {strides = array<i32>} : memref<2048xf32, #tpu.memory_space<vmem>>, vector<16xf32>,
    %swap3A_227 = arith.constant 896 : index
    %swap3A_228 = tpu.vector_load %arg10[%swap3A_227] {strides = array<i32>} : memref<2048xf32, #tpu.memory_space<vmem>>, vector<16xf32>,
    tpu.vector_store %arg10[%swap3A_227], %broadcast_in_dim3A_1 {strides = array<i32>} : memref<2048xf32, #tpu.memory_space<vmem>>, vector<16xf32>,
    %swap3A_229 = arith.constant 912 : index
    %swap3A_230 = tpu.vector_load %arg9[%swap3A_229] {strides = array<i32>} : memref<2048xf32, #tpu.memory_space<vmem>>, vector<16xf32>,
    tpu.vector_store %arg9[%swap3A_229], %broadcast_in_dim3A_1 {strides = array<i32>} : memref<2048xf32, #tpu.memory_space<vmem>>, vector<16xf32>,
    %swap3A_231 = arith.constant 912 : index
    %swap3A_232 = tpu.vector_load %arg10[%swap3A_231] {strides = array<i32>} : memref<2048xf32, #tpu.memory_space<vmem>>, vector<16xf32>,
    tpu.vector_store %arg10[%swap3A_231], %broadcast_in_dim3A_1 {strides = array<i32>} : memref<2048xf32, #tpu.memory_space<vmem>>, vector<16xf32>,
    %swap3A_233 = arith.constant 928 : index
    %swap3A_234 = tpu.vector_load %arg9[%swap3A_233] {strides = array<i32>} : memref<2048xf32, #tpu.memory_space<vmem>>, vector<16xf32>,
    tpu.vector_store %arg9[%swap3A_233], %broadcast_in_dim3A_1 {strides = array<i32>} : memref<2048xf32, #tpu.memory_space<vmem>>, vector<16xf32>,
    %swap3A_235 = arith.constant 928 : index
    %swap3A_236 = tpu.vector_load %arg10[%swap3A_235] {strides = array<i32>} : memref<2048xf32, #tpu.memory_space<vmem>>, vector<16xf32>,
    tpu.vector_store %arg10[%swap3A_235], %broadcast_in_dim3A_1 {strides = array<i32>} : memref<2048xf32, #tpu.memory_space<vmem>>, vector<16xf32>,
    %swap3A_237 = arith.constant 944 : index
    %swap3A_238 = tpu.vector_load %arg9[%swap3A_237] {strides = array<i32>} : memref<2048xf32, #tpu.memory_space<vmem>>, vector<16xf32>,
    tpu.vector_store %arg9[%swap3A_237], %broadcast_in_dim3A_1 {strides = array<i32>} : memref<2048xf32, #tpu.memory_space<vmem>>, vector<16xf32>,
    %swap3A_239 = arith.constant 944 : index
    %swap3A_240 = tpu.vector_load %arg10[%swap3A_239] {strides = array<i32>} : memref<2048xf32, #tpu.memory_space<vmem>>, vector<16xf32>,
    tpu.vector_store %arg10[%swap3A_239], %broadcast_in_dim3A_1 {strides = array<i32>} : memref<2048xf32, #tpu.memory_space<vmem>>, vector<16xf32>,
    %swap3A_241 = arith.constant 960 : index
    %swap3A_242 = tpu.vector_load %arg9[%swap3A_241] {strides = array<i32>} : memref<2048xf32, #tpu.memory_space<vmem>>, vector<16xf32>,
    tpu.vector_store %arg9[%swap3A_241], %broadcast_in_dim3A_1 {strides = array<i32>} : memref<2048xf32, #tpu.memory_space<vmem>>, vector<16xf32>,
    %swap3A_243 = arith.constant 960 : index
    %swap3A_244 = tpu.vector_load %arg10[%swap3A_243] {strides = array<i32>} : memref<2048xf32, #tpu.memory_space<vmem>>, vector<16xf32>,
    tpu.vector_store %arg10[%swap3A_243], %broadcast_in_dim3A_1 {strides = array<i32>} : memref<2048xf32, #tpu.memory_space<vmem>>, vector<16xf32>,
    %swap3A_245 = arith.constant 976 : index
    %swap3A_246 = tpu.vector_load %arg9[%swap3A_245] {strides = array<i32>} : memref<2048xf32, #tpu.memory_space<vmem>>, vector<16xf32>,
    tpu.vector_store %arg9[%swap3A_245], %broadcast_in_dim3A_1 {strides = array<i32>} : memref<2048xf32, #tpu.memory_space<vmem>>, vector<16xf32>,
    %swap3A_247 = arith.constant 976 : index
    %swap3A_248 = tpu.vector_load %arg10[%swap3A_247] {strides = array<i32>} : memref<2048xf32, #tpu.memory_space<vmem>>, vector<16xf32>,
    tpu.vector_store %arg10[%swap3A_247], %broadcast_in_dim3A_1 {strides = array<i32>} : memref<2048xf32, #tpu.memory_space<vmem>>, vector<16xf32>,
    %swap3A_249 = arith.constant 992 : index
    %swap3A_250 = tpu.vector_load %arg9[%swap3A_249] {strides = array<i32>} : memref<2048xf32, #tpu.memory_space<vmem>>, vector<16xf32>,
    tpu.vector_store %arg9[%swap3A_249], %broadcast_in_dim3A_1 {strides = array<i32>} : memref<2048xf32, #tpu.memory_space<vmem>>, vector<16xf32>,
    %swap3A_251 = arith.constant 992 : index
    %swap3A_252 = tpu.vector_load %arg10[%swap3A_251] {strides = array<i32>} : memref<2048xf32, #tpu.memory_space<vmem>>, vector<16xf32>,
    tpu.vector_store %arg10[%swap3A_251], %broadcast_in_dim3A_1 {strides = array<i32>} : memref<2048xf32, #tpu.memory_space<vmem>>, vector<16xf32>,
    %swap3A_253 = arith.constant 1008 : index
    %swap3A_254 = tpu.vector_load %arg9[%swap3A_253] {strides = array<i32>} : memref<2048xf32, #tpu.memory_space<vmem>>, vector<16xf32>,
    tpu.vector_store %arg9[%swap3A_253], %broadcast_in_dim3A_1 {strides = array<i32>} : memref<2048xf32, #tpu.memory_space<vmem>>, vector<16xf32>,
    %swap3A_255 = arith.constant 1008 : index
    %swap3A_256 = tpu.vector_load %arg10[%swap3A_255] {strides = array<i32>} : memref<2048xf32, #tpu.memory_space<vmem>>, vector<16xf32>,
    tpu.vector_store %arg10[%swap3A_255], %broadcast_in_dim3A_1 {strides = array<i32>} : memref<2048xf32, #tpu.memory_space<vmem>>, vector<16xf32>,
    %swap3A_257 = arith.constant 1024 : index
    %swap3A_258 = tpu.vector_load %arg9[%swap3A_257] {strides = array<i32>} : memref<2048xf32, #tpu.memory_space<vmem>>, vector<16xf32>,
    tpu.vector_store %arg9[%swap3A_257], %broadcast_in_dim3A_1 {strides = array<i32>} : memref<2048xf32, #tpu.memory_space<vmem>>, vector<16xf32>,
    %swap3A_259 = arith.constant 1024 : index
    %swap3A_260 = tpu.vector_load %arg10[%swap3A_259] {strides = array<i32>} : memref<2048xf32, #tpu.memory_space<vmem>>, vector<16xf32>,
    tpu.vector_store %arg10[%swap3A_259], %broadcast_in_dim3A_1 {strides = array<i32>} : memref<2048xf32, #tpu.memory_space<vmem>>, vector<16xf32>,
    %swap3A_261 = arith.constant 1040 : index
    %swap3A_262 = tpu.vector_load %arg9[%swap3A_261] {strides = array<i32>} : memref<2048xf32, #tpu.memory_space<vmem>>, vector<16xf32>,
    tpu.vector_store %arg9[%swap3A_261], %broadcast_in_dim3A_1 {strides = array<i32>} : memref<2048xf32, #tpu.memory_space<vmem>>, vector<16xf32>,
    %swap3A_263 = arith.constant 1040 : index
    %swap3A_264 = tpu.vector_load %arg10[%swap3A_263] {strides = array<i32>} : memref<2048xf32, #tpu.memory_space<vmem>>, vector<16xf32>,
    tpu.vector_store %arg10[%swap3A_263], %broadcast_in_dim3A_1 {strides = array<i32>} : memref<2048xf32, #tpu.memory_space<vmem>>, vector<16xf32>,
    %swap3A_265 = arith.constant 1056 : index
    %swap3A_266 = tpu.vector_load %arg9[%swap3A_265] {strides = array<i32>} : memref<2048xf32, #tpu.memory_space<vmem>>, vector<16xf32>,
    tpu.vector_store %arg9[%swap3A_265], %broadcast_in_dim3A_1 {strides = array<i32>} : memref<2048xf32, #tpu.memory_space<vmem>>, vector<16xf32>,
    %swap3A_267 = arith.constant 1056 : index
    %swap3A_268 = tpu.vector_load %arg10[%swap3A_267] {strides = array<i32>} : memref<2048xf32, #tpu.memory_space<vmem>>, vector<16xf32>,
    tpu.vector_store %arg10[%swap3A_267], %broadcast_in_dim3A_1 {strides = array<i32>} : memref<2048xf32, #tpu.memory_space<vmem>>, vector<16xf32>,
    %swap3A_269 = arith.constant 1072 : index
    %swap3A_270 = tpu.vector_load %arg9[%swap3A_269] {strides = array<i32>} : memref<2048xf32, #tpu.memory_space<vmem>>, vector<16xf32>,
    tpu.vector_store %arg9[%swap3A_269], %broadcast_in_dim3A_1 {strides = array<i32>} : memref<2048xf32, #tpu.memory_space<vmem>>, vector<16xf32>,
    %swap3A_271 = arith.constant 1072 : index
    %swap3A_272 = tpu.vector_load %arg10[%swap3A_271] {strides = array<i32>} : memref<2048xf32, #tpu.memory_space<vmem>>, vector<16xf32>,
    tpu.vector_store %arg10[%swap3A_271], %broadcast_in_dim3A_1 {strides = array<i32>} : memref<2048xf32, #tpu.memory_space<vmem>>, vector<16xf32>,
    %swap3A_273 = arith.constant 1088 : index
    %swap3A_274 = tpu.vector_load %arg9[%swap3A_273] {strides = array<i32>} : memref<2048xf32, #tpu.memory_space<vmem>>, vector<16xf32>,
    tpu.vector_store %arg9[%swap3A_273], %broadcast_in_dim3A_1 {strides = array<i32>} : memref<2048xf32, #tpu.memory_space<vmem>>, vector<16xf32>,
    %swap3A_275 = arith.constant 1088 : index
    %swap3A_276 = tpu.vector_load %arg10[%swap3A_275] {strides = array<i32>} : memref<2048xf32, #tpu.memory_space<vmem>>, vector<16xf32>,
    tpu.vector_store %arg10[%swap3A_275], %broadcast_in_dim3A_1 {strides = array<i32>} : memref<2048xf32, #tpu.memory_space<vmem>>, vector<16xf32>,
    %swap3A_277 = arith.constant 1104 : index
    %swap3A_278 = tpu.vector_load %arg9[%swap3A_277] {strides = array<i32>} : memref<2048xf32, #tpu.memory_space<vmem>>, vector<16xf32>,
    tpu.vector_store %arg9[%swap3A_277], %broadcast_in_dim3A_1 {strides = array<i32>} : memref<2048xf32, #tpu.memory_space<vmem>>, vector<16xf32>,
    %swap3A_279 = arith.constant 1104 : index
    %swap3A_280 = tpu.vector_load %arg10[%swap3A_279] {strides = array<i32>} : memref<2048xf32, #tpu.memory_space<vmem>>, vector<16xf32>,
    tpu.vector_store %arg10[%swap3A_279], %broadcast_in_dim3A_1 {strides = array<i32>} : memref<2048xf32, #tpu.memory_space<vmem>>, vector<16xf32>,
    %swap3A_281 = arith.constant 1120 : index
    %swap3A_282 = tpu.vector_load %arg9[%swap3A_281] {strides = array<i32>} : memref<2048xf32, #tpu.memory_space<vmem>>, vector<16xf32>,
    tpu.vector_store %arg9[%swap3A_281], %broadcast_in_dim3A_1 {strides = array<i32>} : memref<2048xf32, #tpu.memory_space<vmem>>, vector<16xf32>,
    %swap3A_283 = arith.constant 1120 : index
    %swap3A_284 = tpu.vector_load %arg10[%swap3A_283] {strides = array<i32>} : memref<2048xf32, #tpu.memory_space<vmem>>, vector<16xf32>,
    tpu.vector_store %arg10[%swap3A_283], %broadcast_in_dim3A_1 {strides = array<i32>} : memref<2048xf32, #tpu.memory_space<vmem>>, vector<16xf32>,
    %swap3A_285 = arith.constant 1136 : index
    %swap3A_286 = tpu.vector_load %arg9[%swap3A_285] {strides = array<i32>} : memref<2048xf32, #tpu.memory_space<vmem>>, vector<16xf32>,
    tpu.vector_store %arg9[%swap3A_285], %broadcast_in_dim3A_1 {strides = array<i32>} : memref<2048xf32, #tpu.memory_space<vmem>>, vector<16xf32>,
    %swap3A_287 = arith.constant 1136 : index
    %swap3A_288 = tpu.vector_load %arg10[%swap3A_287] {strides = array<i32>} : memref<2048xf32, #tpu.memory_space<vmem>>, vector<16xf32>,
    tpu.vector_store %arg10[%swap3A_287], %broadcast_in_dim3A_1 {strides = array<i32>} : memref<2048xf32, #tpu.memory_space<vmem>>, vector<16xf32>,
    %swap3A_289 = arith.constant 1152 : index
    %swap3A_290 = tpu.vector_load %arg9[%swap3A_289] {strides = array<i32>} : memref<2048xf32, #tpu.memory_space<vmem>>, vector<16xf32>,
    tpu.vector_store %arg9[%swap3A_289], %broadcast_in_dim3A_1 {strides = array<i32>} : memref<2048xf32, #tpu.memory_space<vmem>>, vector<16xf32>,
    %swap3A_291 = arith.constant 1152 : index
    %swap3A_292 = tpu.vector_load %arg10[%swap3A_291] {strides = array<i32>} : memref<2048xf32, #tpu.memory_space<vmem>>, vector<16xf32>,
    tpu.vector_store %arg10[%swap3A_291], %broadcast_in_dim3A_1 {strides = array<i32>} : memref<2048xf32, #tpu.memory_space<vmem>>, vector<16xf32>,
    %swap3A_293 = arith.constant 1168 : index
    %swap3A_294 = tpu.vector_load %arg9[%swap3A_293] {strides = array<i32>} : memref<2048xf32, #tpu.memory_space<vmem>>, vector<16xf32>,
    tpu.vector_store %arg9[%swap3A_293], %broadcast_in_dim3A_1 {strides = array<i32>} : memref<2048xf32, #tpu.memory_space<vmem>>, vector<16xf32>,
    %swap3A_295 = arith.constant 1168 : index
    %swap3A_296 = tpu.vector_load %arg10[%swap3A_295] {strides = array<i32>} : memref<2048xf32, #tpu.memory_space<vmem>>, vector<16xf32>,
    tpu.vector_store %arg10[%swap3A_295], %broadcast_in_dim3A_1 {strides = array<i32>} : memref<2048xf32, #tpu.memory_space<vmem>>, vector<16xf32>,
    %swap3A_297 = arith.constant 1184 : index
    %swap3A_298 = tpu.vector_load %arg9[%swap3A_297] {strides = array<i32>} : memref<2048xf32, #tpu.memory_space<vmem>>, vector<16xf32>,
    tpu.vector_store %arg9[%swap3A_297], %broadcast_in_dim3A_1 {strides = array<i32>} : memref<2048xf32, #tpu.memory_space<vmem>>, vector<16xf32>,
    %swap3A_299 = arith.constant 1184 : index
    %swap3A_300 = tpu.vector_load %arg10[%swap3A_299] {strides = array<i32>} : memref<2048xf32, #tpu.memory_space<vmem>>, vector<16xf32>,
    tpu.vector_store %arg10[%swap3A_299], %broadcast_in_dim3A_1 {strides = array<i32>} : memref<2048xf32, #tpu.memory_space<vmem>>, vector<16xf32>,
    %swap3A_301 = arith.constant 1200 : index
    %swap3A_302 = tpu.vector_load %arg9[%swap3A_301] {strides = array<i32>} : memref<2048xf32, #tpu.memory_space<vmem>>, vector<16xf32>,
    tpu.vector_store %arg9[%swap3A_301], %broadcast_in_dim3A_1 {strides = array<i32>} : memref<2048xf32, #tpu.memory_space<vmem>>, vector<16xf32>,
    %swap3A_303 = arith.constant 1200 : index
    %swap3A_304 = tpu.vector_load %arg10[%swap3A_303] {strides = array<i32>} : memref<2048xf32, #tpu.memory_space<vmem>>, vector<16xf32>,
    tpu.vector_store %arg10[%swap3A_303], %broadcast_in_dim3A_1 {strides = array<i32>} : memref<2048xf32, #tpu.memory_space<vmem>>, vector<16xf32>,
    %swap3A_305 = arith.constant 1216 : index
    %swap3A_306 = tpu.vector_load %arg9[%swap3A_305] {strides = array<i32>} : memref<2048xf32, #tpu.memory_space<vmem>>, vector<16xf32>,
    tpu.vector_store %arg9[%swap3A_305], %broadcast_in_dim3A_1 {strides = array<i32>} : memref<2048xf32, #tpu.memory_space<vmem>>, vector<16xf32>,
    %swap3A_307 = arith.constant 1216 : index
    %swap3A_308 = tpu.vector_load %arg10[%swap3A_307] {strides = array<i32>} : memref<2048xf32, #tpu.memory_space<vmem>>, vector<16xf32>,
    tpu.vector_store %arg10[%swap3A_307], %broadcast_in_dim3A_1 {strides = array<i32>} : memref<2048xf32, #tpu.memory_space<vmem>>, vector<16xf32>,
    %swap3A_309 = arith.constant 1232 : index
    %swap3A_310 = tpu.vector_load %arg9[%swap3A_309] {strides = array<i32>} : memref<2048xf32, #tpu.memory_space<vmem>>, vector<16xf32>,
    tpu.vector_store %arg9[%swap3A_309], %broadcast_in_dim3A_1 {strides = array<i32>} : memref<2048xf32, #tpu.memory_space<vmem>>, vector<16xf32>,
    %swap3A_311 = arith.constant 1232 : index
    %swap3A_312 = tpu.vector_load %arg10[%swap3A_311] {strides = array<i32>} : memref<2048xf32, #tpu.memory_space<vmem>>, vector<16xf32>,
    tpu.vector_store %arg10[%swap3A_311], %broadcast_in_dim3A_1 {strides = array<i32>} : memref<2048xf32, #tpu.memory_space<vmem>>, vector<16xf32>,
    %swap3A_313 = arith.constant 1248 : index
    %swap3A_314 = tpu.vector_load %arg9[%swap3A_313] {strides = array<i32>} : memref<2048xf32, #tpu.memory_space<vmem>>, vector<16xf32>,
    tpu.vector_store %arg9[%swap3A_313], %broadcast_in_dim3A_1 {strides = array<i32>} : memref<2048xf32, #tpu.memory_space<vmem>>, vector<16xf32>,
    %swap3A_315 = arith.constant 1248 : index
    %swap3A_316 = tpu.vector_load %arg10[%swap3A_315] {strides = array<i32>} : memref<2048xf32, #tpu.memory_space<vmem>>, vector<16xf32>,
    tpu.vector_store %arg10[%swap3A_315], %broadcast_in_dim3A_1 {strides = array<i32>} : memref<2048xf32, #tpu.memory_space<vmem>>, vector<16xf32>,
    %swap3A_317 = arith.constant 1264 : index
    %swap3A_318 = tpu.vector_load %arg9[%swap3A_317] {strides = array<i32>} : memref<2048xf32, #tpu.memory_space<vmem>>, vector<16xf32>,
    tpu.vector_store %arg9[%swap3A_317], %broadcast_in_dim3A_1 {strides = array<i32>} : memref<2048xf32, #tpu.memory_space<vmem>>, vector<16xf32>,
    %swap3A_319 = arith.constant 1264 : index
    %swap3A_320 = tpu.vector_load %arg10[%swap3A_319] {strides = array<i32>} : memref<2048xf32, #tpu.memory_space<vmem>>, vector<16xf32>,
    tpu.vector_store %arg10[%swap3A_319], %broadcast_in_dim3A_1 {strides = array<i32>} : memref<2048xf32, #tpu.memory_space<vmem>>, vector<16xf32>,
    %swap3A_321 = arith.constant 1280 : index
    %swap3A_322 = tpu.vector_load %arg9[%swap3A_321] {strides = array<i32>} : memref<2048xf32, #tpu.memory_space<vmem>>, vector<16xf32>,
    tpu.vector_store %arg9[%swap3A_321], %broadcast_in_dim3A_1 {strides = array<i32>} : memref<2048xf32, #tpu.memory_space<vmem>>, vector<16xf32>,
    %swap3A_323 = arith.constant 1280 : index
    %swap3A_324 = tpu.vector_load %arg10[%swap3A_323] {strides = array<i32>} : memref<2048xf32, #tpu.memory_space<vmem>>, vector<16xf32>,
    tpu.vector_store %arg10[%swap3A_323], %broadcast_in_dim3A_1 {strides = array<i32>} : memref<2048xf32, #tpu.memory_space<vmem>>, vector<16xf32>,
    %swap3A_325 = arith.constant 1296 : index
    %swap3A_326 = tpu.vector_load %arg9[%swap3A_325] {strides = array<i32>} : memref<2048xf32, #tpu.memory_space<vmem>>, vector<16xf32>,
    tpu.vector_store %arg9[%swap3A_325], %broadcast_in_dim3A_1 {strides = array<i32>} : memref<2048xf32, #tpu.memory_space<vmem>>, vector<16xf32>,
    %swap3A_327 = arith.constant 1296 : index
    %swap3A_328 = tpu.vector_load %arg10[%swap3A_327] {strides = array<i32>} : memref<2048xf32, #tpu.memory_space<vmem>>, vector<16xf32>,
    tpu.vector_store %arg10[%swap3A_327], %broadcast_in_dim3A_1 {strides = array<i32>} : memref<2048xf32, #tpu.memory_space<vmem>>, vector<16xf32>,
    %swap3A_329 = arith.constant 1312 : index
    %swap3A_330 = tpu.vector_load %arg9[%swap3A_329] {strides = array<i32>} : memref<2048xf32, #tpu.memory_space<vmem>>, vector<16xf32>,
    tpu.vector_store %arg9[%swap3A_329], %broadcast_in_dim3A_1 {strides = array<i32>} : memref<2048xf32, #tpu.memory_space<vmem>>, vector<16xf32>,
    %swap3A_331 = arith.constant 1312 : index
    %swap3A_332 = tpu.vector_load %arg10[%swap3A_331] {strides = array<i32>} : memref<2048xf32, #tpu.memory_space<vmem>>, vector<16xf32>,
    tpu.vector_store %arg10[%swap3A_331], %broadcast_in_dim3A_1 {strides = array<i32>} : memref<2048xf32, #tpu.memory_space<vmem>>, vector<16xf32>,
    %swap3A_333 = arith.constant 1328 : index
    %swap3A_334 = tpu.vector_load %arg9[%swap3A_333] {strides = array<i32>} : memref<2048xf32, #tpu.memory_space<vmem>>, vector<16xf32>,
    tpu.vector_store %arg9[%swap3A_333], %broadcast_in_dim3A_1 {strides = array<i32>} : memref<2048xf32, #tpu.memory_space<vmem>>, vector<16xf32>,
    %swap3A_335 = arith.constant 1328 : index
    %swap3A_336 = tpu.vector_load %arg10[%swap3A_335] {strides = array<i32>} : memref<2048xf32, #tpu.memory_space<vmem>>, vector<16xf32>,
    tpu.vector_store %arg10[%swap3A_335], %broadcast_in_dim3A_1 {strides = array<i32>} : memref<2048xf32, #tpu.memory_space<vmem>>, vector<16xf32>,
    %swap3A_337 = arith.constant 1344 : index
    %swap3A_338 = tpu.vector_load %arg9[%swap3A_337] {strides = array<i32>} : memref<2048xf32, #tpu.memory_space<vmem>>, vector<16xf32>,
    tpu.vector_store %arg9[%swap3A_337], %broadcast_in_dim3A_1 {strides = array<i32>} : memref<2048xf32, #tpu.memory_space<vmem>>, vector<16xf32>,
    %swap3A_339 = arith.constant 1344 : index
    %swap3A_340 = tpu.vector_load %arg10[%swap3A_339] {strides = array<i32>} : memref<2048xf32, #tpu.memory_space<vmem>>, vector<16xf32>,
    tpu.vector_store %arg10[%swap3A_339], %broadcast_in_dim3A_1 {strides = array<i32>} : memref<2048xf32, #tpu.memory_space<vmem>>, vector<16xf32>,
    %swap3A_341 = arith.constant 1360 : index
    %swap3A_342 = tpu.vector_load %arg9[%swap3A_341] {strides = array<i32>} : memref<2048xf32, #tpu.memory_space<vmem>>, vector<16xf32>,
    tpu.vector_store %arg9[%swap3A_341], %broadcast_in_dim3A_1 {strides = array<i32>} : memref<2048xf32, #tpu.memory_space<vmem>>, vector<16xf32>,
    %swap3A_343 = arith.constant 1360 : index
    %swap3A_344 = tpu.vector_load %arg10[%swap3A_343] {strides = array<i32>} : memref<2048xf32, #tpu.memory_space<vmem>>, vector<16xf32>,
    tpu.vector_store %arg10[%swap3A_343], %broadcast_in_dim3A_1 {strides = array<i32>} : memref<2048xf32, #tpu.memory_space<vmem>>, vector<16xf32>,
    %swap3A_345 = arith.constant 1376 : index
    %swap3A_346 = tpu.vector_load %arg9[%swap3A_345] {strides = array<i32>} : memref<2048xf32, #tpu.memory_space<vmem>>, vector<16xf32>,
    tpu.vector_store %arg9[%swap3A_345], %broadcast_in_dim3A_1 {strides = array<i32>} : memref<2048xf32, #tpu.memory_space<vmem>>, vector<16xf32>,
    %swap3A_347 = arith.constant 1376 : index
    %swap3A_348 = tpu.vector_load %arg10[%swap3A_347] {strides = array<i32>} : memref<2048xf32, #tpu.memory_space<vmem>>, vector<16xf32>,
    tpu.vector_store %arg10[%swap3A_347], %broadcast_in_dim3A_1 {strides = array<i32>} : memref<2048xf32, #tpu.memory_space<vmem>>, vector<16xf32>,
    %swap3A_349 = arith.constant 1392 : index
    %swap3A_350 = tpu.vector_load %arg9[%swap3A_349] {strides = array<i32>} : memref<2048xf32, #tpu.memory_space<vmem>>, vector<16xf32>,
    tpu.vector_store %arg9[%swap3A_349], %broadcast_in_dim3A_1 {strides = array<i32>} : memref<2048xf32, #tpu.memory_space<vmem>>, vector<16xf32>,
    %swap3A_351 = arith.constant 1392 : index
    %swap3A_352 = tpu.vector_load %arg10[%swap3A_351] {strides = array<i32>} : memref<2048xf32, #tpu.memory_space<vmem>>, vector<16xf32>,
    tpu.vector_store %arg10[%swap3A_351], %broadcast_in_dim3A_1 {strides = array<i32>} : memref<2048xf32, #tpu.memory_space<vmem>>, vector<16xf32>,
    %swap3A_353 = arith.constant 1408 : index
    %swap3A_354 = tpu.vector_load %arg9[%swap3A_353] {strides = array<i32>} : memref<2048xf32, #tpu.memory_space<vmem>>, vector<16xf32>,
    tpu.vector_store %arg9[%swap3A_353], %broadcast_in_dim3A_1 {strides = array<i32>} : memref<2048xf32, #tpu.memory_space<vmem>>, vector<16xf32>,
    %swap3A_355 = arith.constant 1408 : index
    %swap3A_356 = tpu.vector_load %arg10[%swap3A_355] {strides = array<i32>} : memref<2048xf32, #tpu.memory_space<vmem>>, vector<16xf32>,
    tpu.vector_store %arg10[%swap3A_355], %broadcast_in_dim3A_1 {strides = array<i32>} : memref<2048xf32, #tpu.memory_space<vmem>>, vector<16xf32>,
    %swap3A_357 = arith.constant 1424 : index
    %swap3A_358 = tpu.vector_load %arg9[%swap3A_357] {strides = array<i32>} : memref<2048xf32, #tpu.memory_space<vmem>>, vector<16xf32>,
    tpu.vector_store %arg9[%swap3A_357], %broadcast_in_dim3A_1 {strides = array<i32>} : memref<2048xf32, #tpu.memory_space<vmem>>, vector<16xf32>,
    %swap3A_359 = arith.constant 1424 : index
    %swap3A_360 = tpu.vector_load %arg10[%swap3A_359] {strides = array<i32>} : memref<2048xf32, #tpu.memory_space<vmem>>, vector<16xf32>,
    tpu.vector_store %arg10[%swap3A_359], %broadcast_in_dim3A_1 {strides = array<i32>} : memref<2048xf32, #tpu.memory_space<vmem>>, vector<16xf32>,
    %swap3A_361 = arith.constant 1440 : index
    %swap3A_362 = tpu.vector_load %arg9[%swap3A_361] {strides = array<i32>} : memref<2048xf32, #tpu.memory_space<vmem>>, vector<16xf32>,
    tpu.vector_store %arg9[%swap3A_361], %broadcast_in_dim3A_1 {strides = array<i32>} : memref<2048xf32, #tpu.memory_space<vmem>>, vector<16xf32>,
    %swap3A_363 = arith.constant 1440 : index
    %swap3A_364 = tpu.vector_load %arg10[%swap3A_363] {strides = array<i32>} : memref<2048xf32, #tpu.memory_space<vmem>>, vector<16xf32>,
    tpu.vector_store %arg10[%swap3A_363], %broadcast_in_dim3A_1 {strides = array<i32>} : memref<2048xf32, #tpu.memory_space<vmem>>, vector<16xf32>,
    %swap3A_365 = arith.constant 1456 : index
    %swap3A_366 = tpu.vector_load %arg9[%swap3A_365] {strides = array<i32>} : memref<2048xf32, #tpu.memory_space<vmem>>, vector<16xf32>,
    tpu.vector_store %arg9[%swap3A_365], %broadcast_in_dim3A_1 {strides = array<i32>} : memref<2048xf32, #tpu.memory_space<vmem>>, vector<16xf32>,
    %swap3A_367 = arith.constant 1456 : index
    %swap3A_368 = tpu.vector_load %arg10[%swap3A_367] {strides = array<i32>} : memref<2048xf32, #tpu.memory_space<vmem>>, vector<16xf32>,
    tpu.vector_store %arg10[%swap3A_367], %broadcast_in_dim3A_1 {strides = array<i32>} : memref<2048xf32, #tpu.memory_space<vmem>>, vector<16xf32>,
    %swap3A_369 = arith.constant 1472 : index
    %swap3A_370 = tpu.vector_load %arg9[%swap3A_369] {strides = array<i32>} : memref<2048xf32, #tpu.memory_space<vmem>>, vector<16xf32>,
    tpu.vector_store %arg9[%swap3A_369], %broadcast_in_dim3A_1 {strides = array<i32>} : memref<2048xf32, #tpu.memory_space<vmem>>, vector<16xf32>,
    %swap3A_371 = arith.constant 1472 : index
    %swap3A_372 = tpu.vector_load %arg10[%swap3A_371] {strides = array<i32>} : memref<2048xf32, #tpu.memory_space<vmem>>, vector<16xf32>,
    tpu.vector_store %arg10[%swap3A_371], %broadcast_in_dim3A_1 {strides = array<i32>} : memref<2048xf32, #tpu.memory_space<vmem>>, vector<16xf32>,
    %swap3A_373 = arith.constant 1488 : index
    %swap3A_374 = tpu.vector_load %arg9[%swap3A_373] {strides = array<i32>} : memref<2048xf32, #tpu.memory_space<vmem>>, vector<16xf32>,
    tpu.vector_store %arg9[%swap3A_373], %broadcast_in_dim3A_1 {strides = array<i32>} : memref<2048xf32, #tpu.memory_space<vmem>>, vector<16xf32>,
    %swap3A_375 = arith.constant 1488 : index
    %swap3A_376 = tpu.vector_load %arg10[%swap3A_375] {strides = array<i32>} : memref<2048xf32, #tpu.memory_space<vmem>>, vector<16xf32>,
    tpu.vector_store %arg10[%swap3A_375], %broadcast_in_dim3A_1 {strides = array<i32>} : memref<2048xf32, #tpu.memory_space<vmem>>, vector<16xf32>,
    %swap3A_377 = arith.constant 1504 : index
    %swap3A_378 = tpu.vector_load %arg9[%swap3A_377] {strides = array<i32>} : memref<2048xf32, #tpu.memory_space<vmem>>, vector<16xf32>,
    tpu.vector_store %arg9[%swap3A_377], %broadcast_in_dim3A_1 {strides = array<i32>} : memref<2048xf32, #tpu.memory_space<vmem>>, vector<16xf32>,
    %swap3A_379 = arith.constant 1504 : index
    %swap3A_380 = tpu.vector_load %arg10[%swap3A_379] {strides = array<i32>} : memref<2048xf32, #tpu.memory_space<vmem>>, vector<16xf32>,
    tpu.vector_store %arg10[%swap3A_379], %broadcast_in_dim3A_1 {strides = array<i32>} : memref<2048xf32, #tpu.memory_space<vmem>>, vector<16xf32>,
    %swap3A_381 = arith.constant 1520 : index
    %swap3A_382 = tpu.vector_load %arg9[%swap3A_381] {strides = array<i32>} : memref<2048xf32, #tpu.memory_space<vmem>>, vector<16xf32>,
    tpu.vector_store %arg9[%swap3A_381], %broadcast_in_dim3A_1 {strides = array<i32>} : memref<2048xf32, #tpu.memory_space<vmem>>, vector<16xf32>,
    %swap3A_383 = arith.constant 1520 : index
    %swap3A_384 = tpu.vector_load %arg10[%swap3A_383] {strides = array<i32>} : memref<2048xf32, #tpu.memory_space<vmem>>, vector<16xf32>,
    tpu.vector_store %arg10[%swap3A_383], %broadcast_in_dim3A_1 {strides = array<i32>} : memref<2048xf32, #tpu.memory_space<vmem>>, vector<16xf32>,
    %swap3A_385 = arith.constant 1536 : index
    %swap3A_386 = tpu.vector_load %arg9[%swap3A_385] {strides = array<i32>} : memref<2048xf32, #tpu.memory_space<vmem>>, vector<16xf32>,
    tpu.vector_store %arg9[%swap3A_385], %broadcast_in_dim3A_1 {strides = array<i32>} : memref<2048xf32, #tpu.memory_space<vmem>>, vector<16xf32>,
    %swap3A_387 = arith.constant 1536 : index
    %swap3A_388 = tpu.vector_load %arg10[%swap3A_387] {strides = array<i32>} : memref<2048xf32, #tpu.memory_space<vmem>>, vector<16xf32>,
    tpu.vector_store %arg10[%swap3A_387], %broadcast_in_dim3A_1 {strides = array<i32>} : memref<2048xf32, #tpu.memory_space<vmem>>, vector<16xf32>,
    %swap3A_389 = arith.constant 1552 : index
    %swap3A_390 = tpu.vector_load %arg9[%swap3A_389] {strides = array<i32>} : memref<2048xf32, #tpu.memory_space<vmem>>, vector<16xf32>,
    tpu.vector_store %arg9[%swap3A_389], %broadcast_in_dim3A_1 {strides = array<i32>} : memref<2048xf32, #tpu.memory_space<vmem>>, vector<16xf32>,
    %swap3A_391 = arith.constant 1552 : index
    %swap3A_392 = tpu.vector_load %arg10[%swap3A_391] {strides = array<i32>} : memref<2048xf32, #tpu.memory_space<vmem>>, vector<16xf32>,
    tpu.vector_store %arg10[%swap3A_391], %broadcast_in_dim3A_1 {strides = array<i32>} : memref<2048xf32, #tpu.memory_space<vmem>>, vector<16xf32>,
    %swap3A_393 = arith.constant 1568 : index
    %swap3A_394 = tpu.vector_load %arg9[%swap3A_393] {strides = array<i32>} : memref<2048xf32, #tpu.memory_space<vmem>>, vector<16xf32>,
    tpu.vector_store %arg9[%swap3A_393], %broadcast_in_dim3A_1 {strides = array<i32>} : memref<2048xf32, #tpu.memory_space<vmem>>, vector<16xf32>,
    %swap3A_395 = arith.constant 1568 : index
    %swap3A_396 = tpu.vector_load %arg10[%swap3A_395] {strides = array<i32>} : memref<2048xf32, #tpu.memory_space<vmem>>, vector<16xf32>,
    tpu.vector_store %arg10[%swap3A_395], %broadcast_in_dim3A_1 {strides = array<i32>} : memref<2048xf32, #tpu.memory_space<vmem>>, vector<16xf32>,
    %swap3A_397 = arith.constant 1584 : index
    %swap3A_398 = tpu.vector_load %arg9[%swap3A_397] {strides = array<i32>} : memref<2048xf32, #tpu.memory_space<vmem>>, vector<16xf32>,
    tpu.vector_store %arg9[%swap3A_397], %broadcast_in_dim3A_1 {strides = array<i32>} : memref<2048xf32, #tpu.memory_space<vmem>>, vector<16xf32>,
    %swap3A_399 = arith.constant 1584 : index
    %swap3A_400 = tpu.vector_load %arg10[%swap3A_399] {strides = array<i32>} : memref<2048xf32, #tpu.memory_space<vmem>>, vector<16xf32>,
    tpu.vector_store %arg10[%swap3A_399], %broadcast_in_dim3A_1 {strides = array<i32>} : memref<2048xf32, #tpu.memory_space<vmem>>, vector<16xf32>,
    %swap3A_401 = arith.constant 1600 : index
    %swap3A_402 = tpu.vector_load %arg9[%swap3A_401] {strides = array<i32>} : memref<2048xf32, #tpu.memory_space<vmem>>, vector<16xf32>,
    tpu.vector_store %arg9[%swap3A_401], %broadcast_in_dim3A_1 {strides = array<i32>} : memref<2048xf32, #tpu.memory_space<vmem>>, vector<16xf32>,
    %swap3A_403 = arith.constant 1600 : index
    %swap3A_404 = tpu.vector_load %arg10[%swap3A_403] {strides = array<i32>} : memref<2048xf32, #tpu.memory_space<vmem>>, vector<16xf32>,
    tpu.vector_store %arg10[%swap3A_403], %broadcast_in_dim3A_1 {strides = array<i32>} : memref<2048xf32, #tpu.memory_space<vmem>>, vector<16xf32>,
    %swap3A_405 = arith.constant 1616 : index
    %swap3A_406 = tpu.vector_load %arg9[%swap3A_405] {strides = array<i32>} : memref<2048xf32, #tpu.memory_space<vmem>>, vector<16xf32>,
    tpu.vector_store %arg9[%swap3A_405], %broadcast_in_dim3A_1 {strides = array<i32>} : memref<2048xf32, #tpu.memory_space<vmem>>, vector<16xf32>,
    %swap3A_407 = arith.constant 1616 : index
    %swap3A_408 = tpu.vector_load %arg10[%swap3A_407] {strides = array<i32>} : memref<2048xf32, #tpu.memory_space<vmem>>, vector<16xf32>,
    tpu.vector_store %arg10[%swap3A_407], %broadcast_in_dim3A_1 {strides = array<i32>} : memref<2048xf32, #tpu.memory_space<vmem>>, vector<16xf32>,
    %swap3A_409 = arith.constant 1632 : index
    %swap3A_410 = tpu.vector_load %arg9[%swap3A_409] {strides = array<i32>} : memref<2048xf32, #tpu.memory_space<vmem>>, vector<16xf32>,
    tpu.vector_store %arg9[%swap3A_409], %broadcast_in_dim3A_1 {strides = array<i32>} : memref<2048xf32, #tpu.memory_space<vmem>>, vector<16xf32>,
    %swap3A_411 = arith.constant 1632 : index
    %swap3A_412 = tpu.vector_load %arg10[%swap3A_411] {strides = array<i32>} : memref<2048xf32, #tpu.memory_space<vmem>>, vector<16xf32>,
    tpu.vector_store %arg10[%swap3A_411], %broadcast_in_dim3A_1 {strides = array<i32>} : memref<2048xf32, #tpu.memory_space<vmem>>, vector<16xf32>,
    %swap3A_413 = arith.constant 1648 : index
    %swap3A_414 = tpu.vector_load %arg9[%swap3A_413] {strides = array<i32>} : memref<2048xf32, #tpu.memory_space<vmem>>, vector<16xf32>,
    tpu.vector_store %arg9[%swap3A_413], %broadcast_in_dim3A_1 {strides = array<i32>} : memref<2048xf32, #tpu.memory_space<vmem>>, vector<16xf32>,
    %swap3A_415 = arith.constant 1648 : index
    %swap3A_416 = tpu.vector_load %arg10[%swap3A_415] {strides = array<i32>} : memref<2048xf32, #tpu.memory_space<vmem>>, vector<16xf32>,
    tpu.vector_store %arg10[%swap3A_415], %broadcast_in_dim3A_1 {strides = array<i32>} : memref<2048xf32, #tpu.memory_space<vmem>>, vector<16xf32>,
    %swap3A_417 = arith.constant 1664 : index
    %swap3A_418 = tpu.vector_load %arg9[%swap3A_417] {strides = array<i32>} : memref<2048xf32, #tpu.memory_space<vmem>>, vector<16xf32>,
    tpu.vector_store %arg9[%swap3A_417], %broadcast_in_dim3A_1 {strides = array<i32>} : memref<2048xf32, #tpu.memory_space<vmem>>, vector<16xf32>,
    %swap3A_419 = arith.constant 1664 : index
    %swap3A_420 = tpu.vector_load %arg10[%swap3A_419] {strides = array<i32>} : memref<2048xf32, #tpu.memory_space<vmem>>, vector<16xf32>,
    tpu.vector_store %arg10[%swap3A_419], %broadcast_in_dim3A_1 {strides = array<i32>} : memref<2048xf32, #tpu.memory_space<vmem>>, vector<16xf32>,
    %swap3A_421 = arith.constant 1680 : index
    %swap3A_422 = tpu.vector_load %arg9[%swap3A_421] {strides = array<i32>} : memref<2048xf32, #tpu.memory_space<vmem>>, vector<16xf32>,
    tpu.vector_store %arg9[%swap3A_421], %broadcast_in_dim3A_1 {strides = array<i32>} : memref<2048xf32, #tpu.memory_space<vmem>>, vector<16xf32>,
    %swap3A_423 = arith.constant 1680 : index
    %swap3A_424 = tpu.vector_load %arg10[%swap3A_423] {strides = array<i32>} : memref<2048xf32, #tpu.memory_space<vmem>>, vector<16xf32>,
    tpu.vector_store %arg10[%swap3A_423], %broadcast_in_dim3A_1 {strides = array<i32>} : memref<2048xf32, #tpu.memory_space<vmem>>, vector<16xf32>,
    %swap3A_425 = arith.constant 1696 : index
    %swap3A_426 = tpu.vector_load %arg9[%swap3A_425] {strides = array<i32>} : memref<2048xf32, #tpu.memory_space<vmem>>, vector<16xf32>,
    tpu.vector_store %arg9[%swap3A_425], %broadcast_in_dim3A_1 {strides = array<i32>} : memref<2048xf32, #tpu.memory_space<vmem>>, vector<16xf32>,
    %swap3A_427 = arith.constant 1696 : index
    %swap3A_428 = tpu.vector_load %arg10[%swap3A_427] {strides = array<i32>} : memref<2048xf32, #tpu.memory_space<vmem>>, vector<16xf32>,
    tpu.vector_store %arg10[%swap3A_427], %broadcast_in_dim3A_1 {strides = array<i32>} : memref<2048xf32, #tpu.memory_space<vmem>>, vector<16xf32>,
    %swap3A_429 = arith.constant 1712 : index
    %swap3A_430 = tpu.vector_load %arg9[%swap3A_429] {strides = array<i32>} : memref<2048xf32, #tpu.memory_space<vmem>>, vector<16xf32>,
    tpu.vector_store %arg9[%swap3A_429], %broadcast_in_dim3A_1 {strides = array<i32>} : memref<2048xf32, #tpu.memory_space<vmem>>, vector<16xf32>,
    %swap3A_431 = arith.constant 1712 : index
    %swap3A_432 = tpu.vector_load %arg10[%swap3A_431] {strides = array<i32>} : memref<2048xf32, #tpu.memory_space<vmem>>, vector<16xf32>,
    tpu.vector_store %arg10[%swap3A_431], %broadcast_in_dim3A_1 {strides = array<i32>} : memref<2048xf32, #tpu.memory_space<vmem>>, vector<16xf32>,
    %swap3A_433 = arith.constant 1728 : index
    %swap3A_434 = tpu.vector_load %arg9[%swap3A_433] {strides = array<i32>} : memref<2048xf32, #tpu.memory_space<vmem>>, vector<16xf32>,
    tpu.vector_store %arg9[%swap3A_433], %broadcast_in_dim3A_1 {strides = array<i32>} : memref<2048xf32, #tpu.memory_space<vmem>>, vector<16xf32>,
    %swap3A_435 = arith.constant 1728 : index
    %swap3A_436 = tpu.vector_load %arg10[%swap3A_435] {strides = array<i32>} : memref<2048xf32, #tpu.memory_space<vmem>>, vector<16xf32>,
    tpu.vector_store %arg10[%swap3A_435], %broadcast_in_dim3A_1 {strides = array<i32>} : memref<2048xf32, #tpu.memory_space<vmem>>, vector<16xf32>,
    %swap3A_437 = arith.constant 1744 : index
    %swap3A_438 = tpu.vector_load %arg9[%swap3A_437] {strides = array<i32>} : memref<2048xf32, #tpu.memory_space<vmem>>, vector<16xf32>,
    tpu.vector_store %arg9[%swap3A_437], %broadcast_in_dim3A_1 {strides = array<i32>} : memref<2048xf32, #tpu.memory_space<vmem>>, vector<16xf32>,
    %swap3A_439 = arith.constant 1744 : index
    %swap3A_440 = tpu.vector_load %arg10[%swap3A_439] {strides = array<i32>} : memref<2048xf32, #tpu.memory_space<vmem>>, vector<16xf32>,
    tpu.vector_store %arg10[%swap3A_439], %broadcast_in_dim3A_1 {strides = array<i32>} : memref<2048xf32, #tpu.memory_space<vmem>>, vector<16xf32>,
    %swap3A_441 = arith.constant 1760 : index
    %swap3A_442 = tpu.vector_load %arg9[%swap3A_441] {strides = array<i32>} : memref<2048xf32, #tpu.memory_space<vmem>>, vector<16xf32>,
    tpu.vector_store %arg9[%swap3A_441], %broadcast_in_dim3A_1 {strides = array<i32>} : memref<2048xf32, #tpu.memory_space<vmem>>, vector<16xf32>,
    %swap3A_443 = arith.constant 1760 : index
    %swap3A_444 = tpu.vector_load %arg10[%swap3A_443] {strides = array<i32>} : memref<2048xf32, #tpu.memory_space<vmem>>, vector<16xf32>,
    tpu.vector_store %arg10[%swap3A_443], %broadcast_in_dim3A_1 {strides = array<i32>} : memref<2048xf32, #tpu.memory_space<vmem>>, vector<16xf32>,
    %swap3A_445 = arith.constant 1776 : index
    %swap3A_446 = tpu.vector_load %arg9[%swap3A_445] {strides = array<i32>} : memref<2048xf32, #tpu.memory_space<vmem>>, vector<16xf32>,
    tpu.vector_store %arg9[%swap3A_445], %broadcast_in_dim3A_1 {strides = array<i32>} : memref<2048xf32, #tpu.memory_space<vmem>>, vector<16xf32>,
    %swap3A_447 = arith.constant 1776 : index
    %swap3A_448 = tpu.vector_load %arg10[%swap3A_447] {strides = array<i32>} : memref<2048xf32, #tpu.memory_space<vmem>>, vector<16xf32>,
    tpu.vector_store %arg10[%swap3A_447], %broadcast_in_dim3A_1 {strides = array<i32>} : memref<2048xf32, #tpu.memory_space<vmem>>, vector<16xf32>,
    %swap3A_449 = arith.constant 1792 : index
    %swap3A_450 = tpu.vector_load %arg9[%swap3A_449] {strides = array<i32>} : memref<2048xf32, #tpu.memory_space<vmem>>, vector<16xf32>,
    tpu.vector_store %arg9[%swap3A_449], %broadcast_in_dim3A_1 {strides = array<i32>} : memref<2048xf32, #tpu.memory_space<vmem>>, vector<16xf32>,
    %swap3A_451 = arith.constant 1792 : index
    %swap3A_452 = tpu.vector_load %arg10[%swap3A_451] {strides = array<i32>} : memref<2048xf32, #tpu.memory_space<vmem>>, vector<16xf32>,
    tpu.vector_store %arg10[%swap3A_451], %broadcast_in_dim3A_1 {strides = array<i32>} : memref<2048xf32, #tpu.memory_space<vmem>>, vector<16xf32>,
    %swap3A_453 = arith.constant 1808 : index
    %swap3A_454 = tpu.vector_load %arg9[%swap3A_453] {strides = array<i32>} : memref<2048xf32, #tpu.memory_space<vmem>>, vector<16xf32>,
    tpu.vector_store %arg9[%swap3A_453], %broadcast_in_dim3A_1 {strides = array<i32>} : memref<2048xf32, #tpu.memory_space<vmem>>, vector<16xf32>,
    %swap3A_455 = arith.constant 1808 : index
    %swap3A_456 = tpu.vector_load %arg10[%swap3A_455] {strides = array<i32>} : memref<2048xf32, #tpu.memory_space<vmem>>, vector<16xf32>,
    tpu.vector_store %arg10[%swap3A_455], %broadcast_in_dim3A_1 {strides = array<i32>} : memref<2048xf32, #tpu.memory_space<vmem>>, vector<16xf32>,
    %swap3A_457 = arith.constant 1824 : index
    %swap3A_458 = tpu.vector_load %arg9[%swap3A_457] {strides = array<i32>} : memref<2048xf32, #tpu.memory_space<vmem>>, vector<16xf32>,
    tpu.vector_store %arg9[%swap3A_457], %broadcast_in_dim3A_1 {strides = array<i32>} : memref<2048xf32, #tpu.memory_space<vmem>>, vector<16xf32>,
    %swap3A_459 = arith.constant 1824 : index
    %swap3A_460 = tpu.vector_load %arg10[%swap3A_459] {strides = array<i32>} : memref<2048xf32, #tpu.memory_space<vmem>>, vector<16xf32>,
    tpu.vector_store %arg10[%swap3A_459], %broadcast_in_dim3A_1 {strides = array<i32>} : memref<2048xf32, #tpu.memory_space<vmem>>, vector<16xf32>,
    %swap3A_461 = arith.constant 1840 : index
    %swap3A_462 = tpu.vector_load %arg9[%swap3A_461] {strides = array<i32>} : memref<2048xf32, #tpu.memory_space<vmem>>, vector<16xf32>,
    tpu.vector_store %arg9[%swap3A_461], %broadcast_in_dim3A_1 {strides = array<i32>} : memref<2048xf32, #tpu.memory_space<vmem>>, vector<16xf32>,
    %swap3A_463 = arith.constant 1840 : index
    %swap3A_464 = tpu.vector_load %arg10[%swap3A_463] {strides = array<i32>} : memref<2048xf32, #tpu.memory_space<vmem>>, vector<16xf32>,
    tpu.vector_store %arg10[%swap3A_463], %broadcast_in_dim3A_1 {strides = array<i32>} : memref<2048xf32, #tpu.memory_space<vmem>>, vector<16xf32>,
    %swap3A_465 = arith.constant 1856 : index
    %swap3A_466 = tpu.vector_load %arg9[%swap3A_465] {strides = array<i32>} : memref<2048xf32, #tpu.memory_space<vmem>>, vector<16xf32>,
    tpu.vector_store %arg9[%swap3A_465], %broadcast_in_dim3A_1 {strides = array<i32>} : memref<2048xf32, #tpu.memory_space<vmem>>, vector<16xf32>,
    %swap3A_467 = arith.constant 1856 : index
    %swap3A_468 = tpu.vector_load %arg10[%swap3A_467] {strides = array<i32>} : memref<2048xf32, #tpu.memory_space<vmem>>, vector<16xf32>,
    tpu.vector_store %arg10[%swap3A_467], %broadcast_in_dim3A_1 {strides = array<i32>} : memref<2048xf32, #tpu.memory_space<vmem>>, vector<16xf32>,
    %swap3A_469 = arith.constant 1872 : index
    %swap3A_470 = tpu.vector_load %arg9[%swap3A_469] {strides = array<i32>} : memref<2048xf32, #tpu.memory_space<vmem>>, vector<16xf32>,
    tpu.vector_store %arg9[%swap3A_469], %broadcast_in_dim3A_1 {strides = array<i32>} : memref<2048xf32, #tpu.memory_space<vmem>>, vector<16xf32>,
    %swap3A_471 = arith.constant 1872 : index
    %swap3A_472 = tpu.vector_load %arg10[%swap3A_471] {strides = array<i32>} : memref<2048xf32, #tpu.memory_space<vmem>>, vector<16xf32>,
    tpu.vector_store %arg10[%swap3A_471], %broadcast_in_dim3A_1 {strides = array<i32>} : memref<2048xf32, #tpu.memory_space<vmem>>, vector<16xf32>,
    %swap3A_473 = arith.constant 1888 : index
    %swap3A_474 = tpu.vector_load %arg9[%swap3A_473] {strides = array<i32>} : memref<2048xf32, #tpu.memory_space<vmem>>, vector<16xf32>,
    tpu.vector_store %arg9[%swap3A_473], %broadcast_in_dim3A_1 {strides = array<i32>} : memref<2048xf32, #tpu.memory_space<vmem>>, vector<16xf32>,
    %swap3A_475 = arith.constant 1888 : index
    %swap3A_476 = tpu.vector_load %arg10[%swap3A_475] {strides = array<i32>} : memref<2048xf32, #tpu.memory_space<vmem>>, vector<16xf32>,
    tpu.vector_store %arg10[%swap3A_475], %broadcast_in_dim3A_1 {strides = array<i32>} : memref<2048xf32, #tpu.memory_space<vmem>>, vector<16xf32>,
    %swap3A_477 = arith.constant 1904 : index
    %swap3A_478 = tpu.vector_load %arg9[%swap3A_477] {strides = array<i32>} : memref<2048xf32, #tpu.memory_space<vmem>>, vector<16xf32>,
    tpu.vector_store %arg9[%swap3A_477], %broadcast_in_dim3A_1 {strides = array<i32>} : memref<2048xf32, #tpu.memory_space<vmem>>, vector<16xf32>,
    %swap3A_479 = arith.constant 1904 : index
    %swap3A_480 = tpu.vector_load %arg10[%swap3A_479] {strides = array<i32>} : memref<2048xf32, #tpu.memory_space<vmem>>, vector<16xf32>,
    tpu.vector_store %arg10[%swap3A_479], %broadcast_in_dim3A_1 {strides = array<i32>} : memref<2048xf32, #tpu.memory_space<vmem>>, vector<16xf32>,
    %swap3A_481 = arith.constant 1920 : index
    %swap3A_482 = tpu.vector_load %arg9[%swap3A_481] {strides = array<i32>} : memref<2048xf32, #tpu.memory_space<vmem>>, vector<16xf32>,
    tpu.vector_store %arg9[%swap3A_481], %broadcast_in_dim3A_1 {strides = array<i32>} : memref<2048xf32, #tpu.memory_space<vmem>>, vector<16xf32>,
    %swap3A_483 = arith.constant 1920 : index
    %swap3A_484 = tpu.vector_load %arg10[%swap3A_483] {strides = array<i32>} : memref<2048xf32, #tpu.memory_space<vmem>>, vector<16xf32>,
    tpu.vector_store %arg10[%swap3A_483], %broadcast_in_dim3A_1 {strides = array<i32>} : memref<2048xf32, #tpu.memory_space<vmem>>, vector<16xf32>,
    %swap3A_485 = arith.constant 1936 : index
    %swap3A_486 = tpu.vector_load %arg9[%swap3A_485] {strides = array<i32>} : memref<2048xf32, #tpu.memory_space<vmem>>, vector<16xf32>,
    tpu.vector_store %arg9[%swap3A_485], %broadcast_in_dim3A_1 {strides = array<i32>} : memref<2048xf32, #tpu.memory_space<vmem>>, vector<16xf32>,
    %swap3A_487 = arith.constant 1936 : index
    %swap3A_488 = tpu.vector_load %arg10[%swap3A_487] {strides = array<i32>} : memref<2048xf32, #tpu.memory_space<vmem>>, vector<16xf32>,
    tpu.vector_store %arg10[%swap3A_487], %broadcast_in_dim3A_1 {strides = array<i32>} : memref<2048xf32, #tpu.memory_space<vmem>>, vector<16xf32>,
    %swap3A_489 = arith.constant 1952 : index
    %swap3A_490 = tpu.vector_load %arg9[%swap3A_489] {strides = array<i32>} : memref<2048xf32, #tpu.memory_space<vmem>>, vector<16xf32>,
    tpu.vector_store %arg9[%swap3A_489], %broadcast_in_dim3A_1 {strides = array<i32>} : memref<2048xf32, #tpu.memory_space<vmem>>, vector<16xf32>,
    %swap3A_491 = arith.constant 1952 : index
    %swap3A_492 = tpu.vector_load %arg10[%swap3A_491] {strides = array<i32>} : memref<2048xf32, #tpu.memory_space<vmem>>, vector<16xf32>,
    tpu.vector_store %arg10[%swap3A_491], %broadcast_in_dim3A_1 {strides = array<i32>} : memref<2048xf32, #tpu.memory_space<vmem>>, vector<16xf32>,
    %swap3A_493 = arith.constant 1968 : index
    %swap3A_494 = tpu.vector_load %arg9[%swap3A_493] {strides = array<i32>} : memref<2048xf32, #tpu.memory_space<vmem>>, vector<16xf32>,
    tpu.vector_store %arg9[%swap3A_493], %broadcast_in_dim3A_1 {strides = array<i32>} : memref<2048xf32, #tpu.memory_space<vmem>>, vector<16xf32>,
    %swap3A_495 = arith.constant 1968 : index
    %swap3A_496 = tpu.vector_load %arg10[%swap3A_495] {strides = array<i32>} : memref<2048xf32, #tpu.memory_space<vmem>>, vector<16xf32>,
    tpu.vector_store %arg10[%swap3A_495], %broadcast_in_dim3A_1 {strides = array<i32>} : memref<2048xf32, #tpu.memory_space<vmem>>, vector<16xf32>,
    %swap3A_497 = arith.constant 1984 : index
    %swap3A_498 = tpu.vector_load %arg9[%swap3A_497] {strides = array<i32>} : memref<2048xf32, #tpu.memory_space<vmem>>, vector<16xf32>,
    tpu.vector_store %arg9[%swap3A_497], %broadcast_in_dim3A_1 {strides = array<i32>} : memref<2048xf32, #tpu.memory_space<vmem>>, vector<16xf32>,
    %swap3A_499 = arith.constant 1984 : index
    %swap3A_500 = tpu.vector_load %arg10[%swap3A_499] {strides = array<i32>} : memref<2048xf32, #tpu.memory_space<vmem>>, vector<16xf32>,
    tpu.vector_store %arg10[%swap3A_499], %broadcast_in_dim3A_1 {strides = array<i32>} : memref<2048xf32, #tpu.memory_space<vmem>>, vector<16xf32>,
    %swap3A_501 = arith.constant 2000 : index
    %swap3A_502 = tpu.vector_load %arg9[%swap3A_501] {strides = array<i32>} : memref<2048xf32, #tpu.memory_space<vmem>>, vector<16xf32>,
    tpu.vector_store %arg9[%swap3A_501], %broadcast_in_dim3A_1 {strides = array<i32>} : memref<2048xf32, #tpu.memory_space<vmem>>, vector<16xf32>,
    %swap3A_503 = arith.constant 2000 : index
    %swap3A_504 = tpu.vector_load %arg10[%swap3A_503] {strides = array<i32>} : memref<2048xf32, #tpu.memory_space<vmem>>, vector<16xf32>,
    tpu.vector_store %arg10[%swap3A_503], %broadcast_in_dim3A_1 {strides = array<i32>} : memref<2048xf32, #tpu.memory_space<vmem>>, vector<16xf32>,
    %swap3A_505 = arith.constant 2016 : index
    %swap3A_506 = tpu.vector_load %arg9[%swap3A_505] {strides = array<i32>} : memref<2048xf32, #tpu.memory_space<vmem>>, vector<16xf32>,
    tpu.vector_store %arg9[%swap3A_505], %broadcast_in_dim3A_1 {strides = array<i32>} : memref<2048xf32, #tpu.memory_space<vmem>>, vector<16xf32>,
    %swap3A_507 = arith.constant 2016 : index
    %swap3A_508 = tpu.vector_load %arg10[%swap3A_507] {strides = array<i32>} : memref<2048xf32, #tpu.memory_space<vmem>>, vector<16xf32>,
    tpu.vector_store %arg10[%swap3A_507], %broadcast_in_dim3A_1 {strides = array<i32>} : memref<2048xf32, #tpu.memory_space<vmem>>, vector<16xf32>,
    %swap3A_509 = arith.constant 2032 : index
    %swap3A_510 = tpu.vector_load %arg9[%swap3A_509] {strides = array<i32>} : memref<2048xf32, #tpu.memory_space<vmem>>, vector<16xf32>,
    tpu.vector_store %arg9[%swap3A_509], %broadcast_in_dim3A_1 {strides = array<i32>} : memref<2048xf32, #tpu.memory_space<vmem>>, vector<16xf32>,
    %swap3A_511 = arith.constant 2032 : index
    %swap3A_512 = tpu.vector_load %arg10[%swap3A_511] {strides = array<i32>} : memref<2048xf32, #tpu.memory_space<vmem>>, vector<16xf32>,
    tpu.vector_store %arg10[%swap3A_511], %broadcast_in_dim3A_1 {strides = array<i32>} : memref<2048xf32, #tpu.memory_space<vmem>>, vector<16xf32>,
    %iota3A = tpu.iota {dimensions = array<i32: 0>} : vector<16xi32>
    %add3A_513 = arith.constant 0 : i32
    %add3A_514 = vector.broadcast %add3A_513 : i32 to vector<16xi32>
    %add3A_515 = arith.addi %iota3A, %add3A_514 : vector<16xi32>
    %add3A_516 = arith.constant 512 : i32
    %add3A_517 = vector.broadcast %add3A_516 : i32 to vector<16xi32>
    %add3A_518 = arith.addi %iota3A, %add3A_517 : vector<16xi32>
    %add3A_519 = arith.constant 1024 : i32
    %add3A_520 = vector.broadcast %add3A_519 : i32 to vector<16xi32>
    %add3A_521 = arith.addi %iota3A, %add3A_520 : vector<16xi32>
    %add3A_522 = arith.constant 1536 : i32
    %add3A_523 = vector.broadcast %add3A_522 : i32 to vector<16xi32>
    %add3A_524 = arith.addi %iota3A, %add3A_523 : vector<16xi32>
    %broadcast_in_dim3A_525 = arith.constant 1.000000e+00 : f32
    %broadcast_in_dim3A_526 = vector.broadcast %broadcast_in_dim3A_525 : f32 to vector<16xf32>
    %mul3A_527 = arith.constant 384 : i32
    %mul3A_528 = arith.muli %add3A, %mul3A_527 : i32
    %add3A_529 = arith.constant 0 : i32
    %add3A_530 = arith.addi %mul3A_528, %add3A_529 : i32
    %dma_start3A = arith.constant 0 : i32
    %dma_start3A_531 = arith.constant 0 : i32
    %dma_start3A_532 = arith.constant 0 : i32
    %dma_start3A_533 = tpu.memref_slice %arg7[%dma_start3A, %dma_start3A_531, %dma_start3A_532] : memref<2x16x1024xf32, #tpu.memory_space<vmem>> -> memref<1x16x1024xf32, #tpu.memory_space<vmem>>
    %dma_start3A_534 = tpu.memref_squeeze %dma_start3A_533 : memref<1x16x1024xf32, #tpu.memory_space<vmem>> -> memref<16x1024xf32, #tpu.memory_space<vmem>>
    %dma_start3A_535 = arith.constant 0 : i32
    %dma_start3A_536 = tpu.memref_slice %arg2[%add3A_530, %dma_start3A_535] : memref<16384x1024xf32, #tpu.memory_space<hbm>> -> memref<16x1024xf32, #tpu.memory_space<hbm>>
    %dma_start3A_537 = arith.constant 0 : i32
    %dma_start3A_538 = arith.constant 0 : i32
    %dma_start3A_539 = tpu.memref_slice %arg7[%dma_start3A, %dma_start3A_537, %dma_start3A_538] : memref<2x16x1024xf32, #tpu.memory_space<vmem>> -> memref<1x16x1024xf32, #tpu.memory_space<vmem>>
    %dma_start3A_540 = tpu.memref_squeeze %dma_start3A_539 : memref<1x16x1024xf32, #tpu.memory_space<vmem>> -> memref<16x1024xf32, #tpu.memory_space<vmem>>
    %dma_start3A_541 = arith.constant 0 : i32
    %dma_start3A_542 = tpu.memref_slice %arg2[%add3A_530, %dma_start3A_541] : memref<16384x1024xf32, #tpu.memory_space<hbm>> -> memref<16x1024xf32, #tpu.memory_space<hbm>>
    tpu.enqueue_dma source(%dma_start3A_542 : memref<16x1024xf32, #tpu.memory_space<hbm>>) target(%dma_start3A_540 : memref<16x1024xf32, #tpu.memory_space<vmem>>) target_semaphore(%arg11 : memref<!tpu.dma_semaphore, #tpu.memory_space<semaphore_mem>>)
    %dma_start3A_543 = arith.constant 0 : i32
    %dma_start3A_544 = arith.constant 0 : i32
    %dma_start3A_545 = arith.constant 0 : i32
    %dma_start3A_546 = tpu.memref_slice %arg8[%dma_start3A_543, %dma_start3A_544, %dma_start3A_545] : memref<2x16x1024xf32, #tpu.memory_space<vmem>> -> memref<1x16x1024xf32, #tpu.memory_space<vmem>>
    %dma_start3A_547 = tpu.memref_squeeze %dma_start3A_546 : memref<1x16x1024xf32, #tpu.memory_space<vmem>> -> memref<16x1024xf32, #tpu.memory_space<vmem>>
    %dma_start3A_548 = arith.constant 0 : i32
    %dma_start3A_549 = tpu.memref_slice %arg3[%add3A_530, %dma_start3A_548] : memref<16384x1024xf32, #tpu.memory_space<hbm>> -> memref<16x1024xf32, #tpu.memory_space<hbm>>
    %dma_start3A_550 = arith.constant 0 : i32
    %dma_start3A_551 = arith.constant 0 : i32
    %dma_start3A_552 = tpu.memref_slice %arg8[%dma_start3A_543, %dma_start3A_550, %dma_start3A_551] : memref<2x16x1024xf32, #tpu.memory_space<vmem>> -> memref<1x16x1024xf32, #tpu.memory_space<vmem>>
    %dma_start3A_553 = tpu.memref_squeeze %dma_start3A_552 : memref<1x16x1024xf32, #tpu.memory_space<vmem>> -> memref<16x1024xf32, #tpu.memory_space<vmem>>
    %dma_start3A_554 = arith.constant 0 : i32
    %dma_start3A_555 = tpu.memref_slice %arg3[%add3A_530, %dma_start3A_554] : memref<16384x1024xf32, #tpu.memory_space<hbm>> -> memref<16x1024xf32, #tpu.memory_space<hbm>>
    tpu.enqueue_dma source(%dma_start3A_555 : memref<16x1024xf32, #tpu.memory_space<hbm>>) target(%dma_start3A_553 : memref<16x1024xf32, #tpu.memory_space<vmem>>) target_semaphore(%arg11 : memref<!tpu.dma_semaphore, #tpu.memory_space<semaphore_mem>>)
    %scan3A = arith.constant 0 : i32
    %scan3A_556 = arith.constant 0 : i32
    %scan3A_557 = arith.constant 12 : i32
    %scan3A_558 = arith.addi %scan3A_556, %scan3A_557 : i32
    %scan3A_559 = arith.constant 1 : i32
    scf.for %scan3A_562 = %scan3A_556 to %scan3A_558 step %scan3A_559  : i32 {
      %mul3A_563 = arith.constant 2 : i32
      %mul3A_564 = arith.muli %mul3A_563, %scan3A_562 : i32
      %add3A_565 = arith.constant 1 : i32
      %add3A_566 = arith.addi %mul3A_564, %add3A_565 : i32
      %mul3A_567 = arith.constant 16 : i32
      %mul3A_568 = arith.muli %add3A_566, %mul3A_567 : i32
      %add3A_569 = arith.addi %mul3A_528, %mul3A_568 : i32
      %dma_start3A_570 = arith.constant 1 : i32
      %dma_start3A_571 = arith.constant 0 : i32
      %dma_start3A_572 = arith.constant 0 : i32
      %dma_start3A_573 = tpu.memref_slice %arg7[%dma_start3A_570, %dma_start3A_571, %dma_start3A_572] : memref<2x16x1024xf32, #tpu.memory_space<vmem>> -> memref<1x16x1024xf32, #tpu.memory_space<vmem>>
      %dma_start3A_574 = tpu.memref_squeeze %dma_start3A_573 : memref<1x16x1024xf32, #tpu.memory_space<vmem>> -> memref<16x1024xf32, #tpu.memory_space<vmem>>
      %dma_start3A_575 = arith.constant 0 : i32
      %dma_start3A_576 = tpu.memref_slice %arg2[%add3A_569, %dma_start3A_575] : memref<16384x1024xf32, #tpu.memory_space<hbm>> -> memref<16x1024xf32, #tpu.memory_space<hbm>>
      %dma_start3A_577 = arith.constant 0 : i32
      %dma_start3A_578 = arith.constant 0 : i32
      %dma_start3A_579 = tpu.memref_slice %arg7[%dma_start3A_570, %dma_start3A_577, %dma_start3A_578] : memref<2x16x1024xf32, #tpu.memory_space<vmem>> -> memref<1x16x1024xf32, #tpu.memory_space<vmem>>
      %dma_start3A_580 = tpu.memref_squeeze %dma_start3A_579 : memref<1x16x1024xf32, #tpu.memory_space<vmem>> -> memref<16x1024xf32, #tpu.memory_space<vmem>>
      %dma_start3A_581 = arith.constant 0 : i32
      %dma_start3A_582 = tpu.memref_slice %arg2[%add3A_569, %dma_start3A_581] : memref<16384x1024xf32, #tpu.memory_space<hbm>> -> memref<16x1024xf32, #tpu.memory_space<hbm>>
      tpu.enqueue_dma source(%dma_start3A_582 : memref<16x1024xf32, #tpu.memory_space<hbm>>) target(%dma_start3A_580 : memref<16x1024xf32, #tpu.memory_space<vmem>>) target_semaphore(%arg12 : memref<!tpu.dma_semaphore, #tpu.memory_space<semaphore_mem>>)
      %dma_start3A_583 = arith.constant 1 : i32
      %dma_start3A_584 = arith.constant 0 : i32
      %dma_start3A_585 = arith.constant 0 : i32
      %dma_start3A_586 = tpu.memref_slice %arg8[%dma_start3A_583, %dma_start3A_584, %dma_start3A_585] : memref<2x16x1024xf32, #tpu.memory_space<vmem>> -> memref<1x16x1024xf32, #tpu.memory_space<vmem>>
      %dma_start3A_587 = tpu.memref_squeeze %dma_start3A_586 : memref<1x16x1024xf32, #tpu.memory_space<vmem>> -> memref<16x1024xf32, #tpu.memory_space<vmem>>
      %dma_start3A_588 = arith.constant 0 : i32
      %dma_start3A_589 = tpu.memref_slice %arg3[%add3A_569, %dma_start3A_588] : memref<16384x1024xf32, #tpu.memory_space<hbm>> -> memref<16x1024xf32, #tpu.memory_space<hbm>>
      %dma_start3A_590 = arith.constant 0 : i32
      %dma_start3A_591 = arith.constant 0 : i32
      %dma_start3A_592 = tpu.memref_slice %arg8[%dma_start3A_583, %dma_start3A_590, %dma_start3A_591] : memref<2x16x1024xf32, #tpu.memory_space<vmem>> -> memref<1x16x1024xf32, #tpu.memory_space<vmem>>
      %dma_start3A_593 = tpu.memref_squeeze %dma_start3A_592 : memref<1x16x1024xf32, #tpu.memory_space<vmem>> -> memref<16x1024xf32, #tpu.memory_space<vmem>>
      %dma_start3A_594 = arith.constant 0 : i32
      %dma_start3A_595 = tpu.memref_slice %arg3[%add3A_569, %dma_start3A_594] : memref<16384x1024xf32, #tpu.memory_space<hbm>> -> memref<16x1024xf32, #tpu.memory_space<hbm>>
      tpu.enqueue_dma source(%dma_start3A_595 : memref<16x1024xf32, #tpu.memory_space<hbm>>) target(%dma_start3A_593 : memref<16x1024xf32, #tpu.memory_space<vmem>>) target_semaphore(%arg12 : memref<!tpu.dma_semaphore, #tpu.memory_space<semaphore_mem>>)
      %mul3A_596 = arith.constant 16 : i32
      %mul3A_597 = arith.muli %mul3A_564, %mul3A_596 : i32
      %add3A_598 = arith.addi %mul3A_528, %mul3A_597 : i32
      %dma_wait3A = arith.constant 0 : i32
      %dma_wait3A_599 = arith.constant 0 : i32
      %dma_wait3A_600 = arith.constant 0 : i32
      %dma_wait3A_601 = tpu.memref_slice %arg7[%dma_wait3A, %dma_wait3A_599, %dma_wait3A_600] : memref<2x16x1024xf32, #tpu.memory_space<vmem>> -> memref<1x16x1024xf32, #tpu.memory_space<vmem>>
      %dma_wait3A_602 = tpu.memref_squeeze %dma_wait3A_601 : memref<1x16x1024xf32, #tpu.memory_space<vmem>> -> memref<16x1024xf32, #tpu.memory_space<vmem>>
      %dma_wait3A_603 = arith.constant 0 : i32
      %dma_wait3A_604 = tpu.memref_slice %arg2[%add3A_598, %dma_wait3A_603] : memref<16384x1024xf32, #tpu.memory_space<hbm>> -> memref<16x1024xf32, #tpu.memory_space<hbm>>
      %dma_wait3A_605 = arith.constant 0 : i32
      %dma_wait3A_606 = arith.constant 0 : i32
      %dma_wait3A_607 = tpu.memref_slice %arg7[%dma_wait3A, %dma_wait3A_605, %dma_wait3A_606] : memref<2x16x1024xf32, #tpu.memory_space<vmem>> -> memref<1x16x1024xf32, #tpu.memory_space<vmem>>
      %dma_wait3A_608 = tpu.memref_squeeze %dma_wait3A_607 : memref<1x16x1024xf32, #tpu.memory_space<vmem>> -> memref<16x1024xf32, #tpu.memory_space<vmem>>
      %dma_wait3A_609 = arith.constant 0 : i32
      %dma_wait3A_610 = tpu.memref_slice %arg2[%add3A_598, %dma_wait3A_609] : memref<16384x1024xf32, #tpu.memory_space<hbm>> -> memref<16x1024xf32, #tpu.memory_space<hbm>>
      tpu.wait_dma2 semaphore(%arg11 : memref<!tpu.dma_semaphore, #tpu.memory_space<semaphore_mem>>) src(%dma_wait3A_610 : memref<16x1024xf32, #tpu.memory_space<hbm>>) dst(%dma_wait3A_608 : memref<16x1024xf32, #tpu.memory_space<vmem>>)
      %dma_wait3A_611 = arith.constant 0 : i32
      %dma_wait3A_612 = arith.constant 0 : i32
      %dma_wait3A_613 = arith.constant 0 : i32
      %dma_wait3A_614 = tpu.memref_slice %arg8[%dma_wait3A_611, %dma_wait3A_612, %dma_wait3A_613] : memref<2x16x1024xf32, #tpu.memory_space<vmem>> -> memref<1x16x1024xf32, #tpu.memory_space<vmem>>
      %dma_wait3A_615 = tpu.memref_squeeze %dma_wait3A_614 : memref<1x16x1024xf32, #tpu.memory_space<vmem>> -> memref<16x1024xf32, #tpu.memory_space<vmem>>
      %dma_wait3A_616 = arith.constant 0 : i32
      %dma_wait3A_617 = tpu.memref_slice %arg3[%add3A_598, %dma_wait3A_616] : memref<16384x1024xf32, #tpu.memory_space<hbm>> -> memref<16x1024xf32, #tpu.memory_space<hbm>>
      %dma_wait3A_618 = arith.constant 0 : i32
      %dma_wait3A_619 = arith.constant 0 : i32
      %dma_wait3A_620 = tpu.memref_slice %arg8[%dma_wait3A_611, %dma_wait3A_618, %dma_wait3A_619] : memref<2x16x1024xf32, #tpu.memory_space<vmem>> -> memref<1x16x1024xf32, #tpu.memory_space<vmem>>
      %dma_wait3A_621 = tpu.memref_squeeze %dma_wait3A_620 : memref<1x16x1024xf32, #tpu.memory_space<vmem>> -> memref<16x1024xf32, #tpu.memory_space<vmem>>
      %dma_wait3A_622 = arith.constant 0 : i32
      %dma_wait3A_623 = tpu.memref_slice %arg3[%add3A_598, %dma_wait3A_622] : memref<16384x1024xf32, #tpu.memory_space<hbm>> -> memref<16x1024xf32, #tpu.memory_space<hbm>>
      tpu.wait_dma2 semaphore(%arg11 : memref<!tpu.dma_semaphore, #tpu.memory_space<semaphore_mem>>) src(%dma_wait3A_623 : memref<16x1024xf32, #tpu.memory_space<hbm>>) dst(%dma_wait3A_621 : memref<16x1024xf32, #tpu.memory_space<vmem>>)
      %parallel_loop3A = arith.constant 0 : i32
      %parallel_loop3A_624 = arith.constant 256 : i32
      %parallel_loop3A_625 = arith.constant 1 : i32
      scf.for %parallel_loop3A_662 = %parallel_loop3A to %parallel_loop3A_624 step %parallel_loop3A_625  : i32 {
        %parallel_loop3A_663 = arith.constant 4 : i32
        %parallel_loop3A_664 = arith.shrui %parallel_loop3A_662, %parallel_loop3A_663 : i32
        %parallel_loop3A_665 = arith.constant 15 : i32
        %parallel_loop3A_666 = arith.andi %parallel_loop3A_662, %parallel_loop3A_665 : i32
        %parallel_loop3A_667 = arith.constant 64 : i32
        %parallel_loop3A_668 = arith.muli %parallel_loop3A_666, %parallel_loop3A_667 : i32
        %parallel_loop3A_669 = arith.constant 0 : i32
        %parallel_loop3A_670 = arith.addi %parallel_loop3A_668, %parallel_loop3A_669 : i32
        %parallel_loop3A_671 = arith.constant 0 : i32
        %parallel_loop3A_672 = arith.index_cast %parallel_loop3A_671 : i32 to index
        %parallel_loop3A_673 = arith.index_cast %parallel_loop3A_664 : i32 to index
        %parallel_loop3A_674 = arith.index_cast %parallel_loop3A_670 : i32 to index
        %parallel_loop3A_675 = tpu.vector_load %arg7[%parallel_loop3A_672, %parallel_loop3A_673, %parallel_loop3A_674] {strides = array<i32>} : memref<2x16x1024xf32, #tpu.memory_space<vmem>>, vector<16xf32>,
        %parallel_loop3A_676 = arith.constant 0 : i32
        %parallel_loop3A_677 = arith.index_cast %parallel_loop3A_676 : i32 to index
        %parallel_loop3A_678 = arith.index_cast %parallel_loop3A_664 : i32 to index
        %parallel_loop3A_679 = arith.index_cast %parallel_loop3A_670 : i32 to index
        %parallel_loop3A_680 = tpu.vector_load %arg8[%parallel_loop3A_677, %parallel_loop3A_678, %parallel_loop3A_679] {strides = array<i32>} : memref<2x16x1024xf32, #tpu.memory_space<vmem>>, vector<16xf32>,
        %parallel_loop3A_681 = arith.subf %parallel_loop3A_675, %parallel_loop3A_680 : vector<16xf32>
        %parallel_loop3A_682 = math.absf %parallel_loop3A_681 : vector<16xf32>
        %parallel_loop3A_683 = arith.constant 3.000000e+01 : f32
        %parallel_loop3A_684 = vector.broadcast %parallel_loop3A_683 : f32 to vector<16xf32>
        %parallel_loop3A_685 = arith.mulf %parallel_loop3A_682, %parallel_loop3A_684 : vector<16xf32>
        %parallel_loop3A_686 = arith.fptosi %parallel_loop3A_685 : vector<16xf32> to vector<16xi32>
        %parallel_loop3A_687 = tpu.bitcast %parallel_loop3A_675 : vector<16xf32> -> vector<16xi32>
        %parallel_loop3A_688 = arith.constant 15 : i32
        %parallel_loop3A_689 = vector.broadcast %parallel_loop3A_688 : i32 to vector<16xi32>
        %parallel_loop3A_690 = arith.shrui %parallel_loop3A_687, %parallel_loop3A_689 : vector<16xi32>
        %parallel_loop3A_691 = arith.constant 1.000000e+00 : f32
        %parallel_loop3A_692 = vector.broadcast %parallel_loop3A_691 : f32 to vector<16xf32>
        %parallel_loop3A_693 = arith.subf %parallel_loop3A_692, %parallel_loop3A_675 : vector<16xf32>
        %parallel_loop3A_694 = tpu.bitcast %parallel_loop3A_693 : vector<16xf32> -> vector<16xi32>
        %parallel_loop3A_695 = arith.constant 15 : i32
        %parallel_loop3A_696 = vector.broadcast %parallel_loop3A_695 : i32 to vector<16xi32>
        %parallel_loop3A_697 = arith.shrui %parallel_loop3A_694, %parallel_loop3A_696 : vector<16xi32>
        %parallel_loop3A_698 = tpu.vector_load_idx %arg6[%parallel_loop3A_690] : memref<32768xf32, #tpu.memory_space<vmem>>[vector<16xi32>], vector<16xf32>,
        %parallel_loop3A_699 = tpu.vector_load_idx %arg6[%parallel_loop3A_697] : memref<32768xf32, #tpu.memory_space<vmem>>[vector<16xi32>], vector<16xf32>,
        %parallel_loop3A_700 = arith.subf %parallel_loop3A_698, %parallel_loop3A_699 : vector<16xf32>
        %parallel_loop3A_701 = arith.mulf %parallel_loop3A_680, %parallel_loop3A_700 : vector<16xf32>
        %parallel_loop3A_702 = arith.addf %parallel_loop3A_699, %parallel_loop3A_701 : vector<16xf32>
        %parallel_loop3A_703 = arith.constant 16 : i32
        %parallel_loop3A_704 = vector.broadcast %parallel_loop3A_703 : i32 to vector<16xi32>
        %parallel_loop3A_705 = arith.muli %parallel_loop3A_686, %parallel_loop3A_704 : vector<16xi32>
        %parallel_loop3A_706 = arith.addi %parallel_loop3A_705, %add3A_515 : vector<16xi32>
        tpu.vector_store_idx %arg9[%parallel_loop3A_706], %broadcast_in_dim3A_526 {add = true} : memref<2048xf32, #tpu.memory_space<vmem>>[vector<16xi32>], vector<16xf32>,
        tpu.vector_store_idx %arg10[%parallel_loop3A_706], %parallel_loop3A_702 {add = true} : memref<2048xf32, #tpu.memory_space<vmem>>[vector<16xi32>], vector<16xf32>,
        %parallel_loop3A_707 = arith.constant 16 : i32
        %parallel_loop3A_708 = arith.addi %parallel_loop3A_668, %parallel_loop3A_707 : i32
        %parallel_loop3A_709 = arith.constant 0 : i32
        %parallel_loop3A_710 = arith.index_cast %parallel_loop3A_709 : i32 to index
        %parallel_loop3A_711 = arith.index_cast %parallel_loop3A_664 : i32 to index
        %parallel_loop3A_712 = arith.index_cast %parallel_loop3A_708 : i32 to index
        %parallel_loop3A_713 = tpu.vector_load %arg7[%parallel_loop3A_710, %parallel_loop3A_711, %parallel_loop3A_712] {strides = array<i32>} : memref<2x16x1024xf32, #tpu.memory_space<vmem>>, vector<16xf32>,
        %parallel_loop3A_714 = arith.constant 0 : i32
        %parallel_loop3A_715 = arith.index_cast %parallel_loop3A_714 : i32 to index
        %parallel_loop3A_716 = arith.index_cast %parallel_loop3A_664 : i32 to index
        %parallel_loop3A_717 = arith.index_cast %parallel_loop3A_708 : i32 to index
        %parallel_loop3A_718 = tpu.vector_load %arg8[%parallel_loop3A_715, %parallel_loop3A_716, %parallel_loop3A_717] {strides = array<i32>} : memref<2x16x1024xf32, #tpu.memory_space<vmem>>, vector<16xf32>,
        %parallel_loop3A_719 = arith.subf %parallel_loop3A_713, %parallel_loop3A_718 : vector<16xf32>
        %parallel_loop3A_720 = math.absf %parallel_loop3A_719 : vector<16xf32>
        %parallel_loop3A_721 = arith.constant 3.000000e+01 : f32
        %parallel_loop3A_722 = vector.broadcast %parallel_loop3A_721 : f32 to vector<16xf32>
        %parallel_loop3A_723 = arith.mulf %parallel_loop3A_720, %parallel_loop3A_722 : vector<16xf32>
        %parallel_loop3A_724 = arith.fptosi %parallel_loop3A_723 : vector<16xf32> to vector<16xi32>
        %parallel_loop3A_725 = tpu.bitcast %parallel_loop3A_713 : vector<16xf32> -> vector<16xi32>
        %parallel_loop3A_726 = arith.constant 15 : i32
        %parallel_loop3A_727 = vector.broadcast %parallel_loop3A_726 : i32 to vector<16xi32>
        %parallel_loop3A_728 = arith.shrui %parallel_loop3A_725, %parallel_loop3A_727 : vector<16xi32>
        %parallel_loop3A_729 = arith.constant 1.000000e+00 : f32
        %parallel_loop3A_730 = vector.broadcast %parallel_loop3A_729 : f32 to vector<16xf32>
        %parallel_loop3A_731 = arith.subf %parallel_loop3A_730, %parallel_loop3A_713 : vector<16xf32>
        %parallel_loop3A_732 = tpu.bitcast %parallel_loop3A_731 : vector<16xf32> -> vector<16xi32>
        %parallel_loop3A_733 = arith.constant 15 : i32
        %parallel_loop3A_734 = vector.broadcast %parallel_loop3A_733 : i32 to vector<16xi32>
        %parallel_loop3A_735 = arith.shrui %parallel_loop3A_732, %parallel_loop3A_734 : vector<16xi32>
        %parallel_loop3A_736 = tpu.vector_load_idx %arg6[%parallel_loop3A_728] : memref<32768xf32, #tpu.memory_space<vmem>>[vector<16xi32>], vector<16xf32>,
        %parallel_loop3A_737 = tpu.vector_load_idx %arg6[%parallel_loop3A_735] : memref<32768xf32, #tpu.memory_space<vmem>>[vector<16xi32>], vector<16xf32>,
        %parallel_loop3A_738 = arith.subf %parallel_loop3A_736, %parallel_loop3A_737 : vector<16xf32>
        %parallel_loop3A_739 = arith.mulf %parallel_loop3A_718, %parallel_loop3A_738 : vector<16xf32>
        %parallel_loop3A_740 = arith.addf %parallel_loop3A_737, %parallel_loop3A_739 : vector<16xf32>
        %parallel_loop3A_741 = arith.constant 16 : i32
        %parallel_loop3A_742 = vector.broadcast %parallel_loop3A_741 : i32 to vector<16xi32>
        %parallel_loop3A_743 = arith.muli %parallel_loop3A_724, %parallel_loop3A_742 : vector<16xi32>
        %parallel_loop3A_744 = arith.addi %parallel_loop3A_743, %add3A_518 : vector<16xi32>
        tpu.vector_store_idx %arg9[%parallel_loop3A_744], %broadcast_in_dim3A_526 {add = true} : memref<2048xf32, #tpu.memory_space<vmem>>[vector<16xi32>], vector<16xf32>,
        tpu.vector_store_idx %arg10[%parallel_loop3A_744], %parallel_loop3A_740 {add = true} : memref<2048xf32, #tpu.memory_space<vmem>>[vector<16xi32>], vector<16xf32>,
        %parallel_loop3A_745 = arith.constant 32 : i32
        %parallel_loop3A_746 = arith.addi %parallel_loop3A_668, %parallel_loop3A_745 : i32
        %parallel_loop3A_747 = arith.constant 0 : i32
        %parallel_loop3A_748 = arith.index_cast %parallel_loop3A_747 : i32 to index
        %parallel_loop3A_749 = arith.index_cast %parallel_loop3A_664 : i32 to index
        %parallel_loop3A_750 = arith.index_cast %parallel_loop3A_746 : i32 to index
        %parallel_loop3A_751 = tpu.vector_load %arg7[%parallel_loop3A_748, %parallel_loop3A_749, %parallel_loop3A_750] {strides = array<i32>} : memref<2x16x1024xf32, #tpu.memory_space<vmem>>, vector<16xf32>,
        %parallel_loop3A_752 = arith.constant 0 : i32
        %parallel_loop3A_753 = arith.index_cast %parallel_loop3A_752 : i32 to index
        %parallel_loop3A_754 = arith.index_cast %parallel_loop3A_664 : i32 to index
        %parallel_loop3A_755 = arith.index_cast %parallel_loop3A_746 : i32 to index
        %parallel_loop3A_756 = tpu.vector_load %arg8[%parallel_loop3A_753, %parallel_loop3A_754, %parallel_loop3A_755] {strides = array<i32>} : memref<2x16x1024xf32, #tpu.memory_space<vmem>>, vector<16xf32>,
        %parallel_loop3A_757 = arith.subf %parallel_loop3A_751, %parallel_loop3A_756 : vector<16xf32>
        %parallel_loop3A_758 = math.absf %parallel_loop3A_757 : vector<16xf32>
        %parallel_loop3A_759 = arith.constant 3.000000e+01 : f32
        %parallel_loop3A_760 = vector.broadcast %parallel_loop3A_759 : f32 to vector<16xf32>
        %parallel_loop3A_761 = arith.mulf %parallel_loop3A_758, %parallel_loop3A_760 : vector<16xf32>
        %parallel_loop3A_762 = arith.fptosi %parallel_loop3A_761 : vector<16xf32> to vector<16xi32>
        %parallel_loop3A_763 = tpu.bitcast %parallel_loop3A_751 : vector<16xf32> -> vector<16xi32>
        %parallel_loop3A_764 = arith.constant 15 : i32
        %parallel_loop3A_765 = vector.broadcast %parallel_loop3A_764 : i32 to vector<16xi32>
        %parallel_loop3A_766 = arith.shrui %parallel_loop3A_763, %parallel_loop3A_765 : vector<16xi32>
        %parallel_loop3A_767 = arith.constant 1.000000e+00 : f32
        %parallel_loop3A_768 = vector.broadcast %parallel_loop3A_767 : f32 to vector<16xf32>
        %parallel_loop3A_769 = arith.subf %parallel_loop3A_768, %parallel_loop3A_751 : vector<16xf32>
        %parallel_loop3A_770 = tpu.bitcast %parallel_loop3A_769 : vector<16xf32> -> vector<16xi32>
        %parallel_loop3A_771 = arith.constant 15 : i32
        %parallel_loop3A_772 = vector.broadcast %parallel_loop3A_771 : i32 to vector<16xi32>
        %parallel_loop3A_773 = arith.shrui %parallel_loop3A_770, %parallel_loop3A_772 : vector<16xi32>
        %parallel_loop3A_774 = tpu.vector_load_idx %arg6[%parallel_loop3A_766] : memref<32768xf32, #tpu.memory_space<vmem>>[vector<16xi32>], vector<16xf32>,
        %parallel_loop3A_775 = tpu.vector_load_idx %arg6[%parallel_loop3A_773] : memref<32768xf32, #tpu.memory_space<vmem>>[vector<16xi32>], vector<16xf32>,
        %parallel_loop3A_776 = arith.subf %parallel_loop3A_774, %parallel_loop3A_775 : vector<16xf32>
        %parallel_loop3A_777 = arith.mulf %parallel_loop3A_756, %parallel_loop3A_776 : vector<16xf32>
        %parallel_loop3A_778 = arith.addf %parallel_loop3A_775, %parallel_loop3A_777 : vector<16xf32>
        %parallel_loop3A_779 = arith.constant 16 : i32
        %parallel_loop3A_780 = vector.broadcast %parallel_loop3A_779 : i32 to vector<16xi32>
        %parallel_loop3A_781 = arith.muli %parallel_loop3A_762, %parallel_loop3A_780 : vector<16xi32>
        %parallel_loop3A_782 = arith.addi %parallel_loop3A_781, %add3A_521 : vector<16xi32>
        tpu.vector_store_idx %arg9[%parallel_loop3A_782], %broadcast_in_dim3A_526 {add = true} : memref<2048xf32, #tpu.memory_space<vmem>>[vector<16xi32>], vector<16xf32>,
        tpu.vector_store_idx %arg10[%parallel_loop3A_782], %parallel_loop3A_778 {add = true} : memref<2048xf32, #tpu.memory_space<vmem>>[vector<16xi32>], vector<16xf32>,
        %parallel_loop3A_783 = arith.constant 48 : i32
        %parallel_loop3A_784 = arith.addi %parallel_loop3A_668, %parallel_loop3A_783 : i32
        %parallel_loop3A_785 = arith.constant 0 : i32
        %parallel_loop3A_786 = arith.index_cast %parallel_loop3A_785 : i32 to index
        %parallel_loop3A_787 = arith.index_cast %parallel_loop3A_664 : i32 to index
        %parallel_loop3A_788 = arith.index_cast %parallel_loop3A_784 : i32 to index
        %parallel_loop3A_789 = tpu.vector_load %arg7[%parallel_loop3A_786, %parallel_loop3A_787, %parallel_loop3A_788] {strides = array<i32>} : memref<2x16x1024xf32, #tpu.memory_space<vmem>>, vector<16xf32>,
        %parallel_loop3A_790 = arith.constant 0 : i32
        %parallel_loop3A_791 = arith.index_cast %parallel_loop3A_790 : i32 to index
        %parallel_loop3A_792 = arith.index_cast %parallel_loop3A_664 : i32 to index
        %parallel_loop3A_793 = arith.index_cast %parallel_loop3A_784 : i32 to index
        %parallel_loop3A_794 = tpu.vector_load %arg8[%parallel_loop3A_791, %parallel_loop3A_792, %parallel_loop3A_793] {strides = array<i32>} : memref<2x16x1024xf32, #tpu.memory_space<vmem>>, vector<16xf32>,
        %parallel_loop3A_795 = arith.subf %parallel_loop3A_789, %parallel_loop3A_794 : vector<16xf32>
        %parallel_loop3A_796 = math.absf %parallel_loop3A_795 : vector<16xf32>
        %parallel_loop3A_797 = arith.constant 3.000000e+01 : f32
        %parallel_loop3A_798 = vector.broadcast %parallel_loop3A_797 : f32 to vector<16xf32>
        %parallel_loop3A_799 = arith.mulf %parallel_loop3A_796, %parallel_loop3A_798 : vector<16xf32>
        %parallel_loop3A_800 = arith.fptosi %parallel_loop3A_799 : vector<16xf32> to vector<16xi32>
        %parallel_loop3A_801 = tpu.bitcast %parallel_loop3A_789 : vector<16xf32> -> vector<16xi32>
        %parallel_loop3A_802 = arith.constant 15 : i32
        %parallel_loop3A_803 = vector.broadcast %parallel_loop3A_802 : i32 to vector<16xi32>
        %parallel_loop3A_804 = arith.shrui %parallel_loop3A_801, %parallel_loop3A_803 : vector<16xi32>
        %parallel_loop3A_805 = arith.constant 1.000000e+00 : f32
        %parallel_loop3A_806 = vector.broadcast %parallel_loop3A_805 : f32 to vector<16xf32>
        %parallel_loop3A_807 = arith.subf %parallel_loop3A_806, %parallel_loop3A_789 : vector<16xf32>
        %parallel_loop3A_808 = tpu.bitcast %parallel_loop3A_807 : vector<16xf32> -> vector<16xi32>
        %parallel_loop3A_809 = arith.constant 15 : i32
        %parallel_loop3A_810 = vector.broadcast %parallel_loop3A_809 : i32 to vector<16xi32>
        %parallel_loop3A_811 = arith.shrui %parallel_loop3A_808, %parallel_loop3A_810 : vector<16xi32>
        %parallel_loop3A_812 = tpu.vector_load_idx %arg6[%parallel_loop3A_804] : memref<32768xf32, #tpu.memory_space<vmem>>[vector<16xi32>], vector<16xf32>,
        %parallel_loop3A_813 = tpu.vector_load_idx %arg6[%parallel_loop3A_811] : memref<32768xf32, #tpu.memory_space<vmem>>[vector<16xi32>], vector<16xf32>,
        %parallel_loop3A_814 = arith.subf %parallel_loop3A_812, %parallel_loop3A_813 : vector<16xf32>
        %parallel_loop3A_815 = arith.mulf %parallel_loop3A_794, %parallel_loop3A_814 : vector<16xf32>
        %parallel_loop3A_816 = arith.addf %parallel_loop3A_813, %parallel_loop3A_815 : vector<16xf32>
        %parallel_loop3A_817 = arith.constant 16 : i32
        %parallel_loop3A_818 = vector.broadcast %parallel_loop3A_817 : i32 to vector<16xi32>
        %parallel_loop3A_819 = arith.muli %parallel_loop3A_800, %parallel_loop3A_818 : vector<16xi32>
        %parallel_loop3A_820 = arith.addi %parallel_loop3A_819, %add3A_524 : vector<16xi32>
        tpu.vector_store_idx %arg9[%parallel_loop3A_820], %broadcast_in_dim3A_526 {add = true} : memref<2048xf32, #tpu.memory_space<vmem>>[vector<16xi32>], vector<16xf32>,
        tpu.vector_store_idx %arg10[%parallel_loop3A_820], %parallel_loop3A_816 {add = true} : memref<2048xf32, #tpu.memory_space<vmem>>[vector<16xi32>], vector<16xf32>,
      } {sc.loop_unroll_factor = 2 : i64, sc.parallel_access}
      %lt3A = arith.constant 11 : i32
      %lt3A_626 = arith.cmpi slt, %scan3A_562, %lt3A : i32
      %convert_element_type3A = arith.extui %lt3A_626 : i1 to i32
      %cond3A = arith.constant 0 : i32
      %cond3A_627 = arith.cmpi ne, %convert_element_type3A, %cond3A : i32
      scf.if %cond3A_627 {
        %add3A_662 = arith.constant 2 : i32
        %add3A_663 = arith.addi %mul3A_564, %add3A_662 : i32
        %mul3A_664 = arith.constant 16 : i32
        %mul3A_665 = arith.muli %add3A_663, %mul3A_664 : i32
        %add3A_666 = arith.addi %mul3A_528, %mul3A_665 : i32
        %dma_start3A_667 = arith.constant 0 : i32
        %dma_start3A_668 = arith.constant 0 : i32
        %dma_start3A_669 = arith.constant 0 : i32
        %dma_start3A_670 = tpu.memref_slice %arg7[%dma_start3A_667, %dma_start3A_668, %dma_start3A_669] : memref<2x16x1024xf32, #tpu.memory_space<vmem>> -> memref<1x16x1024xf32, #tpu.memory_space<vmem>>
        %dma_start3A_671 = tpu.memref_squeeze %dma_start3A_670 : memref<1x16x1024xf32, #tpu.memory_space<vmem>> -> memref<16x1024xf32, #tpu.memory_space<vmem>>
        %dma_start3A_672 = arith.constant 0 : i32
        %dma_start3A_673 = tpu.memref_slice %arg2[%add3A_666, %dma_start3A_672] : memref<16384x1024xf32, #tpu.memory_space<hbm>> -> memref<16x1024xf32, #tpu.memory_space<hbm>>
        %dma_start3A_674 = arith.constant 0 : i32
        %dma_start3A_675 = arith.constant 0 : i32
        %dma_start3A_676 = tpu.memref_slice %arg7[%dma_start3A_667, %dma_start3A_674, %dma_start3A_675] : memref<2x16x1024xf32, #tpu.memory_space<vmem>> -> memref<1x16x1024xf32, #tpu.memory_space<vmem>>
        %dma_start3A_677 = tpu.memref_squeeze %dma_start3A_676 : memref<1x16x1024xf32, #tpu.memory_space<vmem>> -> memref<16x1024xf32, #tpu.memory_space<vmem>>
        %dma_start3A_678 = arith.constant 0 : i32
        %dma_start3A_679 = tpu.memref_slice %arg2[%add3A_666, %dma_start3A_678] : memref<16384x1024xf32, #tpu.memory_space<hbm>> -> memref<16x1024xf32, #tpu.memory_space<hbm>>
        tpu.enqueue_dma source(%dma_start3A_679 : memref<16x1024xf32, #tpu.memory_space<hbm>>) target(%dma_start3A_677 : memref<16x1024xf32, #tpu.memory_space<vmem>>) target_semaphore(%arg11 : memref<!tpu.dma_semaphore, #tpu.memory_space<semaphore_mem>>)
        %dma_start3A_680 = arith.constant 0 : i32
        %dma_start3A_681 = arith.constant 0 : i32
        %dma_start3A_682 = arith.constant 0 : i32
        %dma_start3A_683 = tpu.memref_slice %arg8[%dma_start3A_680, %dma_start3A_681, %dma_start3A_682] : memref<2x16x1024xf32, #tpu.memory_space<vmem>> -> memref<1x16x1024xf32, #tpu.memory_space<vmem>>
        %dma_start3A_684 = tpu.memref_squeeze %dma_start3A_683 : memref<1x16x1024xf32, #tpu.memory_space<vmem>> -> memref<16x1024xf32, #tpu.memory_space<vmem>>
        %dma_start3A_685 = arith.constant 0 : i32
        %dma_start3A_686 = tpu.memref_slice %arg3[%add3A_666, %dma_start3A_685] : memref<16384x1024xf32, #tpu.memory_space<hbm>> -> memref<16x1024xf32, #tpu.memory_space<hbm>>
        %dma_start3A_687 = arith.constant 0 : i32
        %dma_start3A_688 = arith.constant 0 : i32
        %dma_start3A_689 = tpu.memref_slice %arg8[%dma_start3A_680, %dma_start3A_687, %dma_start3A_688] : memref<2x16x1024xf32, #tpu.memory_space<vmem>> -> memref<1x16x1024xf32, #tpu.memory_space<vmem>>
        %dma_start3A_690 = tpu.memref_squeeze %dma_start3A_689 : memref<1x16x1024xf32, #tpu.memory_space<vmem>> -> memref<16x1024xf32, #tpu.memory_space<vmem>>
        %dma_start3A_691 = arith.constant 0 : i32
        %dma_start3A_692 = tpu.memref_slice %arg3[%add3A_666, %dma_start3A_691] : memref<16384x1024xf32, #tpu.memory_space<hbm>> -> memref<16x1024xf32, #tpu.memory_space<hbm>>
        tpu.enqueue_dma source(%dma_start3A_692 : memref<16x1024xf32, #tpu.memory_space<hbm>>) target(%dma_start3A_690 : memref<16x1024xf32, #tpu.memory_space<vmem>>) target_semaphore(%arg11 : memref<!tpu.dma_semaphore, #tpu.memory_space<semaphore_mem>>)
      } else {
      }
      %add3A_628 = arith.constant 1 : i32
      %add3A_629 = arith.addi %mul3A_564, %add3A_628 : i32
      %mul3A_630 = arith.constant 16 : i32
      %mul3A_631 = arith.muli %add3A_629, %mul3A_630 : i32
      %add3A_632 = arith.addi %mul3A_528, %mul3A_631 : i32
      %dma_wait3A_633 = arith.constant 1 : i32
      %dma_wait3A_634 = arith.constant 0 : i32
      %dma_wait3A_635 = arith.constant 0 : i32
      %dma_wait3A_636 = tpu.memref_slice %arg7[%dma_wait3A_633, %dma_wait3A_634, %dma_wait3A_635] : memref<2x16x1024xf32, #tpu.memory_space<vmem>> -> memref<1x16x1024xf32, #tpu.memory_space<vmem>>
      %dma_wait3A_637 = tpu.memref_squeeze %dma_wait3A_636 : memref<1x16x1024xf32, #tpu.memory_space<vmem>> -> memref<16x1024xf32, #tpu.memory_space<vmem>>
      %dma_wait3A_638 = arith.constant 0 : i32
      %dma_wait3A_639 = tpu.memref_slice %arg2[%add3A_632, %dma_wait3A_638] : memref<16384x1024xf32, #tpu.memory_space<hbm>> -> memref<16x1024xf32, #tpu.memory_space<hbm>>
      %dma_wait3A_640 = arith.constant 0 : i32
      %dma_wait3A_641 = arith.constant 0 : i32
      %dma_wait3A_642 = tpu.memref_slice %arg7[%dma_wait3A_633, %dma_wait3A_640, %dma_wait3A_641] : memref<2x16x1024xf32, #tpu.memory_space<vmem>> -> memref<1x16x1024xf32, #tpu.memory_space<vmem>>
      %dma_wait3A_643 = tpu.memref_squeeze %dma_wait3A_642 : memref<1x16x1024xf32, #tpu.memory_space<vmem>> -> memref<16x1024xf32, #tpu.memory_space<vmem>>
      %dma_wait3A_644 = arith.constant 0 : i32
      %dma_wait3A_645 = tpu.memref_slice %arg2[%add3A_632, %dma_wait3A_644] : memref<16384x1024xf32, #tpu.memory_space<hbm>> -> memref<16x1024xf32, #tpu.memory_space<hbm>>
      tpu.wait_dma2 semaphore(%arg12 : memref<!tpu.dma_semaphore, #tpu.memory_space<semaphore_mem>>) src(%dma_wait3A_645 : memref<16x1024xf32, #tpu.memory_space<hbm>>) dst(%dma_wait3A_643 : memref<16x1024xf32, #tpu.memory_space<vmem>>)
      %dma_wait3A_646 = arith.constant 1 : i32
      %dma_wait3A_647 = arith.constant 0 : i32
      %dma_wait3A_648 = arith.constant 0 : i32
      %dma_wait3A_649 = tpu.memref_slice %arg8[%dma_wait3A_646, %dma_wait3A_647, %dma_wait3A_648] : memref<2x16x1024xf32, #tpu.memory_space<vmem>> -> memref<1x16x1024xf32, #tpu.memory_space<vmem>>
      %dma_wait3A_650 = tpu.memref_squeeze %dma_wait3A_649 : memref<1x16x1024xf32, #tpu.memory_space<vmem>> -> memref<16x1024xf32, #tpu.memory_space<vmem>>
      %dma_wait3A_651 = arith.constant 0 : i32
      %dma_wait3A_652 = tpu.memref_slice %arg3[%add3A_632, %dma_wait3A_651] : memref<16384x1024xf32, #tpu.memory_space<hbm>> -> memref<16x1024xf32, #tpu.memory_space<hbm>>
      %dma_wait3A_653 = arith.constant 0 : i32
      %dma_wait3A_654 = arith.constant 0 : i32
      %dma_wait3A_655 = tpu.memref_slice %arg8[%dma_wait3A_646, %dma_wait3A_653, %dma_wait3A_654] : memref<2x16x1024xf32, #tpu.memory_space<vmem>> -> memref<1x16x1024xf32, #tpu.memory_space<vmem>>
      %dma_wait3A_656 = tpu.memref_squeeze %dma_wait3A_655 : memref<1x16x1024xf32, #tpu.memory_space<vmem>> -> memref<16x1024xf32, #tpu.memory_space<vmem>>
      %dma_wait3A_657 = arith.constant 0 : i32
      %dma_wait3A_658 = tpu.memref_slice %arg3[%add3A_632, %dma_wait3A_657] : memref<16384x1024xf32, #tpu.memory_space<hbm>> -> memref<16x1024xf32, #tpu.memory_space<hbm>>
      tpu.wait_dma2 semaphore(%arg12 : memref<!tpu.dma_semaphore, #tpu.memory_space<semaphore_mem>>) src(%dma_wait3A_658 : memref<16x1024xf32, #tpu.memory_space<hbm>>) dst(%dma_wait3A_656 : memref<16x1024xf32, #tpu.memory_space<vmem>>)
      %parallel_loop3A_659 = arith.constant 0 : i32
      %parallel_loop3A_660 = arith.constant 256 : i32
      %parallel_loop3A_661 = arith.constant 1 : i32
      scf.for %parallel_loop3A_662 = %parallel_loop3A_659 to %parallel_loop3A_660 step %parallel_loop3A_661  : i32 {
        %parallel_loop3A_663 = arith.constant 4 : i32
        %parallel_loop3A_664 = arith.shrui %parallel_loop3A_662, %parallel_loop3A_663 : i32
        %parallel_loop3A_665 = arith.constant 15 : i32
        %parallel_loop3A_666 = arith.andi %parallel_loop3A_662, %parallel_loop3A_665 : i32
        %parallel_loop3A_667 = arith.constant 64 : i32
        %parallel_loop3A_668 = arith.muli %parallel_loop3A_666, %parallel_loop3A_667 : i32
        %parallel_loop3A_669 = arith.constant 0 : i32
        %parallel_loop3A_670 = arith.addi %parallel_loop3A_668, %parallel_loop3A_669 : i32
        %parallel_loop3A_671 = arith.constant 1 : i32
        %parallel_loop3A_672 = arith.index_cast %parallel_loop3A_671 : i32 to index
        %parallel_loop3A_673 = arith.index_cast %parallel_loop3A_664 : i32 to index
        %parallel_loop3A_674 = arith.index_cast %parallel_loop3A_670 : i32 to index
        %parallel_loop3A_675 = tpu.vector_load %arg7[%parallel_loop3A_672, %parallel_loop3A_673, %parallel_loop3A_674] {strides = array<i32>} : memref<2x16x1024xf32, #tpu.memory_space<vmem>>, vector<16xf32>,
        %parallel_loop3A_676 = arith.constant 1 : i32
        %parallel_loop3A_677 = arith.index_cast %parallel_loop3A_676 : i32 to index
        %parallel_loop3A_678 = arith.index_cast %parallel_loop3A_664 : i32 to index
        %parallel_loop3A_679 = arith.index_cast %parallel_loop3A_670 : i32 to index
        %parallel_loop3A_680 = tpu.vector_load %arg8[%parallel_loop3A_677, %parallel_loop3A_678, %parallel_loop3A_679] {strides = array<i32>} : memref<2x16x1024xf32, #tpu.memory_space<vmem>>, vector<16xf32>,
        %parallel_loop3A_681 = arith.subf %parallel_loop3A_675, %parallel_loop3A_680 : vector<16xf32>
        %parallel_loop3A_682 = math.absf %parallel_loop3A_681 : vector<16xf32>
        %parallel_loop3A_683 = arith.constant 3.000000e+01 : f32
        %parallel_loop3A_684 = vector.broadcast %parallel_loop3A_683 : f32 to vector<16xf32>
        %parallel_loop3A_685 = arith.mulf %parallel_loop3A_682, %parallel_loop3A_684 : vector<16xf32>
        %parallel_loop3A_686 = arith.fptosi %parallel_loop3A_685 : vector<16xf32> to vector<16xi32>
        %parallel_loop3A_687 = tpu.bitcast %parallel_loop3A_675 : vector<16xf32> -> vector<16xi32>
        %parallel_loop3A_688 = arith.constant 15 : i32
        %parallel_loop3A_689 = vector.broadcast %parallel_loop3A_688 : i32 to vector<16xi32>
        %parallel_loop3A_690 = arith.shrui %parallel_loop3A_687, %parallel_loop3A_689 : vector<16xi32>
        %parallel_loop3A_691 = arith.constant 1.000000e+00 : f32
        %parallel_loop3A_692 = vector.broadcast %parallel_loop3A_691 : f32 to vector<16xf32>
        %parallel_loop3A_693 = arith.subf %parallel_loop3A_692, %parallel_loop3A_675 : vector<16xf32>
        %parallel_loop3A_694 = tpu.bitcast %parallel_loop3A_693 : vector<16xf32> -> vector<16xi32>
        %parallel_loop3A_695 = arith.constant 15 : i32
        %parallel_loop3A_696 = vector.broadcast %parallel_loop3A_695 : i32 to vector<16xi32>
        %parallel_loop3A_697 = arith.shrui %parallel_loop3A_694, %parallel_loop3A_696 : vector<16xi32>
        %parallel_loop3A_698 = tpu.vector_load_idx %arg6[%parallel_loop3A_690] : memref<32768xf32, #tpu.memory_space<vmem>>[vector<16xi32>], vector<16xf32>,
        %parallel_loop3A_699 = tpu.vector_load_idx %arg6[%parallel_loop3A_697] : memref<32768xf32, #tpu.memory_space<vmem>>[vector<16xi32>], vector<16xf32>,
        %parallel_loop3A_700 = arith.subf %parallel_loop3A_698, %parallel_loop3A_699 : vector<16xf32>
        %parallel_loop3A_701 = arith.mulf %parallel_loop3A_680, %parallel_loop3A_700 : vector<16xf32>
        %parallel_loop3A_702 = arith.addf %parallel_loop3A_699, %parallel_loop3A_701 : vector<16xf32>
        %parallel_loop3A_703 = arith.constant 16 : i32
        %parallel_loop3A_704 = vector.broadcast %parallel_loop3A_703 : i32 to vector<16xi32>
        %parallel_loop3A_705 = arith.muli %parallel_loop3A_686, %parallel_loop3A_704 : vector<16xi32>
        %parallel_loop3A_706 = arith.addi %parallel_loop3A_705, %add3A_515 : vector<16xi32>
        tpu.vector_store_idx %arg9[%parallel_loop3A_706], %broadcast_in_dim3A_526 {add = true} : memref<2048xf32, #tpu.memory_space<vmem>>[vector<16xi32>], vector<16xf32>,
        tpu.vector_store_idx %arg10[%parallel_loop3A_706], %parallel_loop3A_702 {add = true} : memref<2048xf32, #tpu.memory_space<vmem>>[vector<16xi32>], vector<16xf32>,
        %parallel_loop3A_707 = arith.constant 16 : i32
        %parallel_loop3A_708 = arith.addi %parallel_loop3A_668, %parallel_loop3A_707 : i32
        %parallel_loop3A_709 = arith.constant 1 : i32
        %parallel_loop3A_710 = arith.index_cast %parallel_loop3A_709 : i32 to index
        %parallel_loop3A_711 = arith.index_cast %parallel_loop3A_664 : i32 to index
        %parallel_loop3A_712 = arith.index_cast %parallel_loop3A_708 : i32 to index
        %parallel_loop3A_713 = tpu.vector_load %arg7[%parallel_loop3A_710, %parallel_loop3A_711, %parallel_loop3A_712] {strides = array<i32>} : memref<2x16x1024xf32, #tpu.memory_space<vmem>>, vector<16xf32>,
        %parallel_loop3A_714 = arith.constant 1 : i32
        %parallel_loop3A_715 = arith.index_cast %parallel_loop3A_714 : i32 to index
        %parallel_loop3A_716 = arith.index_cast %parallel_loop3A_664 : i32 to index
        %parallel_loop3A_717 = arith.index_cast %parallel_loop3A_708 : i32 to index
        %parallel_loop3A_718 = tpu.vector_load %arg8[%parallel_loop3A_715, %parallel_loop3A_716, %parallel_loop3A_717] {strides = array<i32>} : memref<2x16x1024xf32, #tpu.memory_space<vmem>>, vector<16xf32>,
        %parallel_loop3A_719 = arith.subf %parallel_loop3A_713, %parallel_loop3A_718 : vector<16xf32>
        %parallel_loop3A_720 = math.absf %parallel_loop3A_719 : vector<16xf32>
        %parallel_loop3A_721 = arith.constant 3.000000e+01 : f32
        %parallel_loop3A_722 = vector.broadcast %parallel_loop3A_721 : f32 to vector<16xf32>
        %parallel_loop3A_723 = arith.mulf %parallel_loop3A_720, %parallel_loop3A_722 : vector<16xf32>
        %parallel_loop3A_724 = arith.fptosi %parallel_loop3A_723 : vector<16xf32> to vector<16xi32>
        %parallel_loop3A_725 = tpu.bitcast %parallel_loop3A_713 : vector<16xf32> -> vector<16xi32>
        %parallel_loop3A_726 = arith.constant 15 : i32
        %parallel_loop3A_727 = vector.broadcast %parallel_loop3A_726 : i32 to vector<16xi32>
        %parallel_loop3A_728 = arith.shrui %parallel_loop3A_725, %parallel_loop3A_727 : vector<16xi32>
        %parallel_loop3A_729 = arith.constant 1.000000e+00 : f32
        %parallel_loop3A_730 = vector.broadcast %parallel_loop3A_729 : f32 to vector<16xf32>
        %parallel_loop3A_731 = arith.subf %parallel_loop3A_730, %parallel_loop3A_713 : vector<16xf32>
        %parallel_loop3A_732 = tpu.bitcast %parallel_loop3A_731 : vector<16xf32> -> vector<16xi32>
        %parallel_loop3A_733 = arith.constant 15 : i32
        %parallel_loop3A_734 = vector.broadcast %parallel_loop3A_733 : i32 to vector<16xi32>
        %parallel_loop3A_735 = arith.shrui %parallel_loop3A_732, %parallel_loop3A_734 : vector<16xi32>
        %parallel_loop3A_736 = tpu.vector_load_idx %arg6[%parallel_loop3A_728] : memref<32768xf32, #tpu.memory_space<vmem>>[vector<16xi32>], vector<16xf32>,
        %parallel_loop3A_737 = tpu.vector_load_idx %arg6[%parallel_loop3A_735] : memref<32768xf32, #tpu.memory_space<vmem>>[vector<16xi32>], vector<16xf32>,
        %parallel_loop3A_738 = arith.subf %parallel_loop3A_736, %parallel_loop3A_737 : vector<16xf32>
        %parallel_loop3A_739 = arith.mulf %parallel_loop3A_718, %parallel_loop3A_738 : vector<16xf32>
        %parallel_loop3A_740 = arith.addf %parallel_loop3A_737, %parallel_loop3A_739 : vector<16xf32>
        %parallel_loop3A_741 = arith.constant 16 : i32
        %parallel_loop3A_742 = vector.broadcast %parallel_loop3A_741 : i32 to vector<16xi32>
        %parallel_loop3A_743 = arith.muli %parallel_loop3A_724, %parallel_loop3A_742 : vector<16xi32>
        %parallel_loop3A_744 = arith.addi %parallel_loop3A_743, %add3A_518 : vector<16xi32>
        tpu.vector_store_idx %arg9[%parallel_loop3A_744], %broadcast_in_dim3A_526 {add = true} : memref<2048xf32, #tpu.memory_space<vmem>>[vector<16xi32>], vector<16xf32>,
        tpu.vector_store_idx %arg10[%parallel_loop3A_744], %parallel_loop3A_740 {add = true} : memref<2048xf32, #tpu.memory_space<vmem>>[vector<16xi32>], vector<16xf32>,
        %parallel_loop3A_745 = arith.constant 32 : i32
        %parallel_loop3A_746 = arith.addi %parallel_loop3A_668, %parallel_loop3A_745 : i32
        %parallel_loop3A_747 = arith.constant 1 : i32
        %parallel_loop3A_748 = arith.index_cast %parallel_loop3A_747 : i32 to index
        %parallel_loop3A_749 = arith.index_cast %parallel_loop3A_664 : i32 to index
        %parallel_loop3A_750 = arith.index_cast %parallel_loop3A_746 : i32 to index
        %parallel_loop3A_751 = tpu.vector_load %arg7[%parallel_loop3A_748, %parallel_loop3A_749, %parallel_loop3A_750] {strides = array<i32>} : memref<2x16x1024xf32, #tpu.memory_space<vmem>>, vector<16xf32>,
        %parallel_loop3A_752 = arith.constant 1 : i32
        %parallel_loop3A_753 = arith.index_cast %parallel_loop3A_752 : i32 to index
        %parallel_loop3A_754 = arith.index_cast %parallel_loop3A_664 : i32 to index
        %parallel_loop3A_755 = arith.index_cast %parallel_loop3A_746 : i32 to index
        %parallel_loop3A_756 = tpu.vector_load %arg8[%parallel_loop3A_753, %parallel_loop3A_754, %parallel_loop3A_755] {strides = array<i32>} : memref<2x16x1024xf32, #tpu.memory_space<vmem>>, vector<16xf32>,
        %parallel_loop3A_757 = arith.subf %parallel_loop3A_751, %parallel_loop3A_756 : vector<16xf32>
        %parallel_loop3A_758 = math.absf %parallel_loop3A_757 : vector<16xf32>
        %parallel_loop3A_759 = arith.constant 3.000000e+01 : f32
        %parallel_loop3A_760 = vector.broadcast %parallel_loop3A_759 : f32 to vector<16xf32>
        %parallel_loop3A_761 = arith.mulf %parallel_loop3A_758, %parallel_loop3A_760 : vector<16xf32>
        %parallel_loop3A_762 = arith.fptosi %parallel_loop3A_761 : vector<16xf32> to vector<16xi32>
        %parallel_loop3A_763 = tpu.bitcast %parallel_loop3A_751 : vector<16xf32> -> vector<16xi32>
        %parallel_loop3A_764 = arith.constant 15 : i32
        %parallel_loop3A_765 = vector.broadcast %parallel_loop3A_764 : i32 to vector<16xi32>
        %parallel_loop3A_766 = arith.shrui %parallel_loop3A_763, %parallel_loop3A_765 : vector<16xi32>
        %parallel_loop3A_767 = arith.constant 1.000000e+00 : f32
        %parallel_loop3A_768 = vector.broadcast %parallel_loop3A_767 : f32 to vector<16xf32>
        %parallel_loop3A_769 = arith.subf %parallel_loop3A_768, %parallel_loop3A_751 : vector<16xf32>
        %parallel_loop3A_770 = tpu.bitcast %parallel_loop3A_769 : vector<16xf32> -> vector<16xi32>
        %parallel_loop3A_771 = arith.constant 15 : i32
        %parallel_loop3A_772 = vector.broadcast %parallel_loop3A_771 : i32 to vector<16xi32>
        %parallel_loop3A_773 = arith.shrui %parallel_loop3A_770, %parallel_loop3A_772 : vector<16xi32>
        %parallel_loop3A_774 = tpu.vector_load_idx %arg6[%parallel_loop3A_766] : memref<32768xf32, #tpu.memory_space<vmem>>[vector<16xi32>], vector<16xf32>,
        %parallel_loop3A_775 = tpu.vector_load_idx %arg6[%parallel_loop3A_773] : memref<32768xf32, #tpu.memory_space<vmem>>[vector<16xi32>], vector<16xf32>,
        %parallel_loop3A_776 = arith.subf %parallel_loop3A_774, %parallel_loop3A_775 : vector<16xf32>
        %parallel_loop3A_777 = arith.mulf %parallel_loop3A_756, %parallel_loop3A_776 : vector<16xf32>
        %parallel_loop3A_778 = arith.addf %parallel_loop3A_775, %parallel_loop3A_777 : vector<16xf32>
        %parallel_loop3A_779 = arith.constant 16 : i32
        %parallel_loop3A_780 = vector.broadcast %parallel_loop3A_779 : i32 to vector<16xi32>
        %parallel_loop3A_781 = arith.muli %parallel_loop3A_762, %parallel_loop3A_780 : vector<16xi32>
        %parallel_loop3A_782 = arith.addi %parallel_loop3A_781, %add3A_521 : vector<16xi32>
        tpu.vector_store_idx %arg9[%parallel_loop3A_782], %broadcast_in_dim3A_526 {add = true} : memref<2048xf32, #tpu.memory_space<vmem>>[vector<16xi32>], vector<16xf32>,
        tpu.vector_store_idx %arg10[%parallel_loop3A_782], %parallel_loop3A_778 {add = true} : memref<2048xf32, #tpu.memory_space<vmem>>[vector<16xi32>], vector<16xf32>,
        %parallel_loop3A_783 = arith.constant 48 : i32
        %parallel_loop3A_784 = arith.addi %parallel_loop3A_668, %parallel_loop3A_783 : i32
        %parallel_loop3A_785 = arith.constant 1 : i32
        %parallel_loop3A_786 = arith.index_cast %parallel_loop3A_785 : i32 to index
        %parallel_loop3A_787 = arith.index_cast %parallel_loop3A_664 : i32 to index
        %parallel_loop3A_788 = arith.index_cast %parallel_loop3A_784 : i32 to index
        %parallel_loop3A_789 = tpu.vector_load %arg7[%parallel_loop3A_786, %parallel_loop3A_787, %parallel_loop3A_788] {strides = array<i32>} : memref<2x16x1024xf32, #tpu.memory_space<vmem>>, vector<16xf32>,
        %parallel_loop3A_790 = arith.constant 1 : i32
        %parallel_loop3A_791 = arith.index_cast %parallel_loop3A_790 : i32 to index
        %parallel_loop3A_792 = arith.index_cast %parallel_loop3A_664 : i32 to index
        %parallel_loop3A_793 = arith.index_cast %parallel_loop3A_784 : i32 to index
        %parallel_loop3A_794 = tpu.vector_load %arg8[%parallel_loop3A_791, %parallel_loop3A_792, %parallel_loop3A_793] {strides = array<i32>} : memref<2x16x1024xf32, #tpu.memory_space<vmem>>, vector<16xf32>,
        %parallel_loop3A_795 = arith.subf %parallel_loop3A_789, %parallel_loop3A_794 : vector<16xf32>
        %parallel_loop3A_796 = math.absf %parallel_loop3A_795 : vector<16xf32>
        %parallel_loop3A_797 = arith.constant 3.000000e+01 : f32
        %parallel_loop3A_798 = vector.broadcast %parallel_loop3A_797 : f32 to vector<16xf32>
        %parallel_loop3A_799 = arith.mulf %parallel_loop3A_796, %parallel_loop3A_798 : vector<16xf32>
        %parallel_loop3A_800 = arith.fptosi %parallel_loop3A_799 : vector<16xf32> to vector<16xi32>
        %parallel_loop3A_801 = tpu.bitcast %parallel_loop3A_789 : vector<16xf32> -> vector<16xi32>
        %parallel_loop3A_802 = arith.constant 15 : i32
        %parallel_loop3A_803 = vector.broadcast %parallel_loop3A_802 : i32 to vector<16xi32>
        %parallel_loop3A_804 = arith.shrui %parallel_loop3A_801, %parallel_loop3A_803 : vector<16xi32>
        %parallel_loop3A_805 = arith.constant 1.000000e+00 : f32
        %parallel_loop3A_806 = vector.broadcast %parallel_loop3A_805 : f32 to vector<16xf32>
        %parallel_loop3A_807 = arith.subf %parallel_loop3A_806, %parallel_loop3A_789 : vector<16xf32>
        %parallel_loop3A_808 = tpu.bitcast %parallel_loop3A_807 : vector<16xf32> -> vector<16xi32>
        %parallel_loop3A_809 = arith.constant 15 : i32
        %parallel_loop3A_810 = vector.broadcast %parallel_loop3A_809 : i32 to vector<16xi32>
        %parallel_loop3A_811 = arith.shrui %parallel_loop3A_808, %parallel_loop3A_810 : vector<16xi32>
        %parallel_loop3A_812 = tpu.vector_load_idx %arg6[%parallel_loop3A_804] : memref<32768xf32, #tpu.memory_space<vmem>>[vector<16xi32>], vector<16xf32>,
        %parallel_loop3A_813 = tpu.vector_load_idx %arg6[%parallel_loop3A_811] : memref<32768xf32, #tpu.memory_space<vmem>>[vector<16xi32>], vector<16xf32>,
        %parallel_loop3A_814 = arith.subf %parallel_loop3A_812, %parallel_loop3A_813 : vector<16xf32>
        %parallel_loop3A_815 = arith.mulf %parallel_loop3A_794, %parallel_loop3A_814 : vector<16xf32>
        %parallel_loop3A_816 = arith.addf %parallel_loop3A_813, %parallel_loop3A_815 : vector<16xf32>
        %parallel_loop3A_817 = arith.constant 16 : i32
        %parallel_loop3A_818 = vector.broadcast %parallel_loop3A_817 : i32 to vector<16xi32>
        %parallel_loop3A_819 = arith.muli %parallel_loop3A_800, %parallel_loop3A_818 : vector<16xi32>
        %parallel_loop3A_820 = arith.addi %parallel_loop3A_819, %add3A_524 : vector<16xi32>
        tpu.vector_store_idx %arg9[%parallel_loop3A_820], %broadcast_in_dim3A_526 {add = true} : memref<2048xf32, #tpu.memory_space<vmem>>[vector<16xi32>], vector<16xf32>,
        tpu.vector_store_idx %arg10[%parallel_loop3A_820], %parallel_loop3A_816 {add = true} : memref<2048xf32, #tpu.memory_space<vmem>>[vector<16xi32>], vector<16xf32>,
      } {sc.loop_unroll_factor = 2 : i64, sc.parallel_access}
    }
    %scan3A_560 = arith.constant 12 : i32
    %run_scoped3A = arith.constant 0 : i32
    "tpu.region"() ({
      %run_scoped3A_562 = tpu.sem_alloc : memref<!tpu.dma_semaphore, #tpu.memory_space<semaphore_mem>>
      %dma_start3A_563 = arith.constant 0 : i32
      %dma_start3A_564 = tpu.memref_slice %arg5[%run_scoped3A, %add3A, %dma_start3A_563] : memref<2x32x2048xf32, #tpu.memory_space<hbm>> -> memref<1x1x2048xf32, #tpu.memory_space<hbm>>
      %dma_start3A_565 = tpu.memref_squeeze %dma_start3A_564 : memref<1x1x2048xf32, #tpu.memory_space<hbm>> -> memref<2048xf32, #tpu.memory_space<hbm>>
      %dma_start3A_566 = arith.constant 0 : i32
      %dma_start3A_567 = tpu.memref_slice %arg5[%run_scoped3A, %add3A, %dma_start3A_566] : memref<2x32x2048xf32, #tpu.memory_space<hbm>> -> memref<1x1x2048xf32, #tpu.memory_space<hbm>>
      %dma_start3A_568 = tpu.memref_squeeze %dma_start3A_567 : memref<1x1x2048xf32, #tpu.memory_space<hbm>> -> memref<2048xf32, #tpu.memory_space<hbm>>
      tpu.enqueue_dma source(%arg9 : memref<2048xf32, #tpu.memory_space<vmem>>) target(%dma_start3A_568 : memref<2048xf32, #tpu.memory_space<hbm>>) target_semaphore(%run_scoped3A_562 : memref<!tpu.dma_semaphore, #tpu.memory_space<semaphore_mem>>)
      %dma_wait3A = arith.constant 0 : i32
      %dma_wait3A_569 = tpu.memref_slice %arg5[%run_scoped3A, %add3A, %dma_wait3A] : memref<2x32x2048xf32, #tpu.memory_space<hbm>> -> memref<1x1x2048xf32, #tpu.memory_space<hbm>>
      %dma_wait3A_570 = tpu.memref_squeeze %dma_wait3A_569 : memref<1x1x2048xf32, #tpu.memory_space<hbm>> -> memref<2048xf32, #tpu.memory_space<hbm>>
      %dma_wait3A_571 = arith.constant 0 : i32
      %dma_wait3A_572 = tpu.memref_slice %arg5[%run_scoped3A, %add3A, %dma_wait3A_571] : memref<2x32x2048xf32, #tpu.memory_space<hbm>> -> memref<1x1x2048xf32, #tpu.memory_space<hbm>>
      %dma_wait3A_573 = tpu.memref_squeeze %dma_wait3A_572 : memref<1x1x2048xf32, #tpu.memory_space<hbm>> -> memref<2048xf32, #tpu.memory_space<hbm>>
      tpu.wait_dma2 semaphore(%run_scoped3A_562 : memref<!tpu.dma_semaphore, #tpu.memory_space<semaphore_mem>>) src(%arg9 : memref<2048xf32, #tpu.memory_space<vmem>>) dst(%dma_wait3A_573 : memref<2048xf32, #tpu.memory_space<hbm>>)
      tpu.yield
    }) : () -> ()
    %run_scoped3A_561 = arith.constant 1 : i32
    "tpu.region"() ({
      %run_scoped3A_562 = tpu.sem_alloc : memref<!tpu.dma_semaphore, #tpu.memory_space<semaphore_mem>>
      %dma_start3A_563 = arith.constant 0 : i32
      %dma_start3A_564 = tpu.memref_slice %arg5[%run_scoped3A_561, %add3A, %dma_start3A_563] : memref<2x32x2048xf32, #tpu.memory_space<hbm>> -> memref<1x1x2048xf32, #tpu.memory_space<hbm>>
      %dma_start3A_565 = tpu.memref_squeeze %dma_start3A_564 : memref<1x1x2048xf32, #tpu.memory_space<hbm>> -> memref<2048xf32, #tpu.memory_space<hbm>>
      %dma_start3A_566 = arith.constant 0 : i32
      %dma_start3A_567 = tpu.memref_slice %arg5[%run_scoped3A_561, %add3A, %dma_start3A_566] : memref<2x32x2048xf32, #tpu.memory_space<hbm>> -> memref<1x1x2048xf32, #tpu.memory_space<hbm>>
      %dma_start3A_568 = tpu.memref_squeeze %dma_start3A_567 : memref<1x1x2048xf32, #tpu.memory_space<hbm>> -> memref<2048xf32, #tpu.memory_space<hbm>>
      tpu.enqueue_dma source(%arg10 : memref<2048xf32, #tpu.memory_space<vmem>>) target(%dma_start3A_568 : memref<2048xf32, #tpu.memory_space<hbm>>) target_semaphore(%run_scoped3A_562 : memref<!tpu.dma_semaphore, #tpu.memory_space<semaphore_mem>>)
      %dma_wait3A = arith.constant 0 : i32
      %dma_wait3A_569 = tpu.memref_slice %arg5[%run_scoped3A_561, %add3A, %dma_wait3A] : memref<2x32x2048xf32, #tpu.memory_space<hbm>> -> memref<1x1x2048xf32, #tpu.memory_space<hbm>>
      %dma_wait3A_570 = tpu.memref_squeeze %dma_wait3A_569 : memref<1x1x2048xf32, #tpu.memory_space<hbm>> -> memref<2048xf32, #tpu.memory_space<hbm>>
      %dma_wait3A_571 = arith.constant 0 : i32
      %dma_wait3A_572 = tpu.memref_slice %arg5[%run_scoped3A_561, %add3A, %dma_wait3A_571] : memref<2x32x2048xf32, #tpu.memory_space<hbm>> -> memref<1x1x2048xf32, #tpu.memory_space<hbm>>
      %dma_wait3A_573 = tpu.memref_squeeze %dma_wait3A_572 : memref<1x1x2048xf32, #tpu.memory_space<hbm>> -> memref<2048xf32, #tpu.memory_space<hbm>>
      tpu.wait_dma2 semaphore(%run_scoped3A_562 : memref<!tpu.dma_semaphore, #tpu.memory_space<semaphore_mem>>) src(%arg10 : memref<2048xf32, #tpu.memory_space<vmem>>) dst(%dma_wait3A_573 : memref<2048xf32, #tpu.memory_space<hbm>>)
      tpu.yield
    }) : () -> ()
    return
  }
}

module attributes {stable_mosaic.version = 14 : i64} {
  func.func @_combine_body(%arg0: memref<2x32x2048xf32, #tpu.memory_space<vmem>>, %arg1: memref<2x32xf32, #tpu.memory_space<vmem>>, %arg2: memref<1x1xf32, #tpu.memory_space<vmem>>) attributes {dimension_semantics = [], scalar_prefetch = 0 : i64, scratch_operands = 0 : i64, tpu.core_type = #tpu.core_type<tc>} {
    %broadcast_in_dim3A = arith.constant 0.000000e+00 : f32
    %broadcast_in_dim3A_0 = vector.broadcast %broadcast_in_dim3A : f32 to vector<2x2048xf32>
    %get3A = arith.constant 0 : index
    %get3A_1 = arith.constant 0 : index
    %get3A_2 = arith.constant 0 : index
    %get3A_3 = vector.load %arg0[%get3A, %get3A_1, %get3A_2] : memref<2x32x2048xf32, #tpu.memory_space<vmem>>, vector<2x1x2048xf32>
    %get3A_4 = vector.shape_cast %get3A_3 : vector<2x1x2048xf32> to vector<2x2048xf32>
    %add3A = arith.addf %broadcast_in_dim3A_0, %get3A_4 : vector<2x2048xf32>
    %get3A_5 = arith.constant 0 : index
    %get3A_6 = arith.constant 1 : index
    %get3A_7 = arith.constant 0 : index
    %get3A_8 = vector.load %arg0[%get3A_5, %get3A_6, %get3A_7] : memref<2x32x2048xf32, #tpu.memory_space<vmem>>, vector<2x1x2048xf32>
    %get3A_9 = vector.shape_cast %get3A_8 : vector<2x1x2048xf32> to vector<2x2048xf32>
    %add3A_10 = arith.addf %add3A, %get3A_9 : vector<2x2048xf32>
    %get3A_11 = arith.constant 0 : index
    %get3A_12 = arith.constant 2 : index
    %get3A_13 = arith.constant 0 : index
    %get3A_14 = vector.load %arg0[%get3A_11, %get3A_12, %get3A_13] : memref<2x32x2048xf32, #tpu.memory_space<vmem>>, vector<2x1x2048xf32>
    %get3A_15 = vector.shape_cast %get3A_14 : vector<2x1x2048xf32> to vector<2x2048xf32>
    %add3A_16 = arith.addf %add3A_10, %get3A_15 : vector<2x2048xf32>
    %get3A_17 = arith.constant 0 : index
    %get3A_18 = arith.constant 3 : index
    %get3A_19 = arith.constant 0 : index
    %get3A_20 = vector.load %arg0[%get3A_17, %get3A_18, %get3A_19] : memref<2x32x2048xf32, #tpu.memory_space<vmem>>, vector<2x1x2048xf32>
    %get3A_21 = vector.shape_cast %get3A_20 : vector<2x1x2048xf32> to vector<2x2048xf32>
    %add3A_22 = arith.addf %add3A_16, %get3A_21 : vector<2x2048xf32>
    %get3A_23 = arith.constant 0 : index
    %get3A_24 = arith.constant 4 : index
    %get3A_25 = arith.constant 0 : index
    %get3A_26 = vector.load %arg0[%get3A_23, %get3A_24, %get3A_25] : memref<2x32x2048xf32, #tpu.memory_space<vmem>>, vector<2x1x2048xf32>
    %get3A_27 = vector.shape_cast %get3A_26 : vector<2x1x2048xf32> to vector<2x2048xf32>
    %add3A_28 = arith.addf %add3A_22, %get3A_27 : vector<2x2048xf32>
    %get3A_29 = arith.constant 0 : index
    %get3A_30 = arith.constant 5 : index
    %get3A_31 = arith.constant 0 : index
    %get3A_32 = vector.load %arg0[%get3A_29, %get3A_30, %get3A_31] : memref<2x32x2048xf32, #tpu.memory_space<vmem>>, vector<2x1x2048xf32>
    %get3A_33 = vector.shape_cast %get3A_32 : vector<2x1x2048xf32> to vector<2x2048xf32>
    %add3A_34 = arith.addf %add3A_28, %get3A_33 : vector<2x2048xf32>
    %get3A_35 = arith.constant 0 : index
    %get3A_36 = arith.constant 6 : index
    %get3A_37 = arith.constant 0 : index
    %get3A_38 = vector.load %arg0[%get3A_35, %get3A_36, %get3A_37] : memref<2x32x2048xf32, #tpu.memory_space<vmem>>, vector<2x1x2048xf32>
    %get3A_39 = vector.shape_cast %get3A_38 : vector<2x1x2048xf32> to vector<2x2048xf32>
    %add3A_40 = arith.addf %add3A_34, %get3A_39 : vector<2x2048xf32>
    %get3A_41 = arith.constant 0 : index
    %get3A_42 = arith.constant 7 : index
    %get3A_43 = arith.constant 0 : index
    %get3A_44 = vector.load %arg0[%get3A_41, %get3A_42, %get3A_43] : memref<2x32x2048xf32, #tpu.memory_space<vmem>>, vector<2x1x2048xf32>
    %get3A_45 = vector.shape_cast %get3A_44 : vector<2x1x2048xf32> to vector<2x2048xf32>
    %add3A_46 = arith.addf %add3A_40, %get3A_45 : vector<2x2048xf32>
    %get3A_47 = arith.constant 0 : index
    %get3A_48 = arith.constant 8 : index
    %get3A_49 = arith.constant 0 : index
    %get3A_50 = vector.load %arg0[%get3A_47, %get3A_48, %get3A_49] : memref<2x32x2048xf32, #tpu.memory_space<vmem>>, vector<2x1x2048xf32>
    %get3A_51 = vector.shape_cast %get3A_50 : vector<2x1x2048xf32> to vector<2x2048xf32>
    %add3A_52 = arith.addf %add3A_46, %get3A_51 : vector<2x2048xf32>
    %get3A_53 = arith.constant 0 : index
    %get3A_54 = arith.constant 9 : index
    %get3A_55 = arith.constant 0 : index
    %get3A_56 = vector.load %arg0[%get3A_53, %get3A_54, %get3A_55] : memref<2x32x2048xf32, #tpu.memory_space<vmem>>, vector<2x1x2048xf32>
    %get3A_57 = vector.shape_cast %get3A_56 : vector<2x1x2048xf32> to vector<2x2048xf32>
    %add3A_58 = arith.addf %add3A_52, %get3A_57 : vector<2x2048xf32>
    %get3A_59 = arith.constant 0 : index
    %get3A_60 = arith.constant 10 : index
    %get3A_61 = arith.constant 0 : index
    %get3A_62 = vector.load %arg0[%get3A_59, %get3A_60, %get3A_61] : memref<2x32x2048xf32, #tpu.memory_space<vmem>>, vector<2x1x2048xf32>
    %get3A_63 = vector.shape_cast %get3A_62 : vector<2x1x2048xf32> to vector<2x2048xf32>
    %add3A_64 = arith.addf %add3A_58, %get3A_63 : vector<2x2048xf32>
    %get3A_65 = arith.constant 0 : index
    %get3A_66 = arith.constant 11 : index
    %get3A_67 = arith.constant 0 : index
    %get3A_68 = vector.load %arg0[%get3A_65, %get3A_66, %get3A_67] : memref<2x32x2048xf32, #tpu.memory_space<vmem>>, vector<2x1x2048xf32>
    %get3A_69 = vector.shape_cast %get3A_68 : vector<2x1x2048xf32> to vector<2x2048xf32>
    %add3A_70 = arith.addf %add3A_64, %get3A_69 : vector<2x2048xf32>
    %get3A_71 = arith.constant 0 : index
    %get3A_72 = arith.constant 12 : index
    %get3A_73 = arith.constant 0 : index
    %get3A_74 = vector.load %arg0[%get3A_71, %get3A_72, %get3A_73] : memref<2x32x2048xf32, #tpu.memory_space<vmem>>, vector<2x1x2048xf32>
    %get3A_75 = vector.shape_cast %get3A_74 : vector<2x1x2048xf32> to vector<2x2048xf32>
    %add3A_76 = arith.addf %add3A_70, %get3A_75 : vector<2x2048xf32>
    %get3A_77 = arith.constant 0 : index
    %get3A_78 = arith.constant 13 : index
    %get3A_79 = arith.constant 0 : index
    %get3A_80 = vector.load %arg0[%get3A_77, %get3A_78, %get3A_79] : memref<2x32x2048xf32, #tpu.memory_space<vmem>>, vector<2x1x2048xf32>
    %get3A_81 = vector.shape_cast %get3A_80 : vector<2x1x2048xf32> to vector<2x2048xf32>
    %add3A_82 = arith.addf %add3A_76, %get3A_81 : vector<2x2048xf32>
    %get3A_83 = arith.constant 0 : index
    %get3A_84 = arith.constant 14 : index
    %get3A_85 = arith.constant 0 : index
    %get3A_86 = vector.load %arg0[%get3A_83, %get3A_84, %get3A_85] : memref<2x32x2048xf32, #tpu.memory_space<vmem>>, vector<2x1x2048xf32>
    %get3A_87 = vector.shape_cast %get3A_86 : vector<2x1x2048xf32> to vector<2x2048xf32>
    %add3A_88 = arith.addf %add3A_82, %get3A_87 : vector<2x2048xf32>
    %get3A_89 = arith.constant 0 : index
    %get3A_90 = arith.constant 15 : index
    %get3A_91 = arith.constant 0 : index
    %get3A_92 = vector.load %arg0[%get3A_89, %get3A_90, %get3A_91] : memref<2x32x2048xf32, #tpu.memory_space<vmem>>, vector<2x1x2048xf32>
    %get3A_93 = vector.shape_cast %get3A_92 : vector<2x1x2048xf32> to vector<2x2048xf32>
    %add3A_94 = arith.addf %add3A_88, %get3A_93 : vector<2x2048xf32>
    %get3A_95 = arith.constant 0 : index
    %get3A_96 = arith.constant 16 : index
    %get3A_97 = arith.constant 0 : index
    %get3A_98 = vector.load %arg0[%get3A_95, %get3A_96, %get3A_97] : memref<2x32x2048xf32, #tpu.memory_space<vmem>>, vector<2x1x2048xf32>
    %get3A_99 = vector.shape_cast %get3A_98 : vector<2x1x2048xf32> to vector<2x2048xf32>
    %add3A_100 = arith.addf %add3A_94, %get3A_99 : vector<2x2048xf32>
    %get3A_101 = arith.constant 0 : index
    %get3A_102 = arith.constant 17 : index
    %get3A_103 = arith.constant 0 : index
    %get3A_104 = vector.load %arg0[%get3A_101, %get3A_102, %get3A_103] : memref<2x32x2048xf32, #tpu.memory_space<vmem>>, vector<2x1x2048xf32>
    %get3A_105 = vector.shape_cast %get3A_104 : vector<2x1x2048xf32> to vector<2x2048xf32>
    %add3A_106 = arith.addf %add3A_100, %get3A_105 : vector<2x2048xf32>
    %get3A_107 = arith.constant 0 : index
    %get3A_108 = arith.constant 18 : index
    %get3A_109 = arith.constant 0 : index
    %get3A_110 = vector.load %arg0[%get3A_107, %get3A_108, %get3A_109] : memref<2x32x2048xf32, #tpu.memory_space<vmem>>, vector<2x1x2048xf32>
    %get3A_111 = vector.shape_cast %get3A_110 : vector<2x1x2048xf32> to vector<2x2048xf32>
    %add3A_112 = arith.addf %add3A_106, %get3A_111 : vector<2x2048xf32>
    %get3A_113 = arith.constant 0 : index
    %get3A_114 = arith.constant 19 : index
    %get3A_115 = arith.constant 0 : index
    %get3A_116 = vector.load %arg0[%get3A_113, %get3A_114, %get3A_115] : memref<2x32x2048xf32, #tpu.memory_space<vmem>>, vector<2x1x2048xf32>
    %get3A_117 = vector.shape_cast %get3A_116 : vector<2x1x2048xf32> to vector<2x2048xf32>
    %add3A_118 = arith.addf %add3A_112, %get3A_117 : vector<2x2048xf32>
    %get3A_119 = arith.constant 0 : index
    %get3A_120 = arith.constant 20 : index
    %get3A_121 = arith.constant 0 : index
    %get3A_122 = vector.load %arg0[%get3A_119, %get3A_120, %get3A_121] : memref<2x32x2048xf32, #tpu.memory_space<vmem>>, vector<2x1x2048xf32>
    %get3A_123 = vector.shape_cast %get3A_122 : vector<2x1x2048xf32> to vector<2x2048xf32>
    %add3A_124 = arith.addf %add3A_118, %get3A_123 : vector<2x2048xf32>
    %get3A_125 = arith.constant 0 : index
    %get3A_126 = arith.constant 21 : index
    %get3A_127 = arith.constant 0 : index
    %get3A_128 = vector.load %arg0[%get3A_125, %get3A_126, %get3A_127] : memref<2x32x2048xf32, #tpu.memory_space<vmem>>, vector<2x1x2048xf32>
    %get3A_129 = vector.shape_cast %get3A_128 : vector<2x1x2048xf32> to vector<2x2048xf32>
    %add3A_130 = arith.addf %add3A_124, %get3A_129 : vector<2x2048xf32>
    %get3A_131 = arith.constant 0 : index
    %get3A_132 = arith.constant 22 : index
    %get3A_133 = arith.constant 0 : index
    %get3A_134 = vector.load %arg0[%get3A_131, %get3A_132, %get3A_133] : memref<2x32x2048xf32, #tpu.memory_space<vmem>>, vector<2x1x2048xf32>
    %get3A_135 = vector.shape_cast %get3A_134 : vector<2x1x2048xf32> to vector<2x2048xf32>
    %add3A_136 = arith.addf %add3A_130, %get3A_135 : vector<2x2048xf32>
    %get3A_137 = arith.constant 0 : index
    %get3A_138 = arith.constant 23 : index
    %get3A_139 = arith.constant 0 : index
    %get3A_140 = vector.load %arg0[%get3A_137, %get3A_138, %get3A_139] : memref<2x32x2048xf32, #tpu.memory_space<vmem>>, vector<2x1x2048xf32>
    %get3A_141 = vector.shape_cast %get3A_140 : vector<2x1x2048xf32> to vector<2x2048xf32>
    %add3A_142 = arith.addf %add3A_136, %get3A_141 : vector<2x2048xf32>
    %get3A_143 = arith.constant 0 : index
    %get3A_144 = arith.constant 24 : index
    %get3A_145 = arith.constant 0 : index
    %get3A_146 = vector.load %arg0[%get3A_143, %get3A_144, %get3A_145] : memref<2x32x2048xf32, #tpu.memory_space<vmem>>, vector<2x1x2048xf32>
    %get3A_147 = vector.shape_cast %get3A_146 : vector<2x1x2048xf32> to vector<2x2048xf32>
    %add3A_148 = arith.addf %add3A_142, %get3A_147 : vector<2x2048xf32>
    %get3A_149 = arith.constant 0 : index
    %get3A_150 = arith.constant 25 : index
    %get3A_151 = arith.constant 0 : index
    %get3A_152 = vector.load %arg0[%get3A_149, %get3A_150, %get3A_151] : memref<2x32x2048xf32, #tpu.memory_space<vmem>>, vector<2x1x2048xf32>
    %get3A_153 = vector.shape_cast %get3A_152 : vector<2x1x2048xf32> to vector<2x2048xf32>
    %add3A_154 = arith.addf %add3A_148, %get3A_153 : vector<2x2048xf32>
    %get3A_155 = arith.constant 0 : index
    %get3A_156 = arith.constant 26 : index
    %get3A_157 = arith.constant 0 : index
    %get3A_158 = vector.load %arg0[%get3A_155, %get3A_156, %get3A_157] : memref<2x32x2048xf32, #tpu.memory_space<vmem>>, vector<2x1x2048xf32>
    %get3A_159 = vector.shape_cast %get3A_158 : vector<2x1x2048xf32> to vector<2x2048xf32>
    %add3A_160 = arith.addf %add3A_154, %get3A_159 : vector<2x2048xf32>
    %get3A_161 = arith.constant 0 : index
    %get3A_162 = arith.constant 27 : index
    %get3A_163 = arith.constant 0 : index
    %get3A_164 = vector.load %arg0[%get3A_161, %get3A_162, %get3A_163] : memref<2x32x2048xf32, #tpu.memory_space<vmem>>, vector<2x1x2048xf32>
    %get3A_165 = vector.shape_cast %get3A_164 : vector<2x1x2048xf32> to vector<2x2048xf32>
    %add3A_166 = arith.addf %add3A_160, %get3A_165 : vector<2x2048xf32>
    %get3A_167 = arith.constant 0 : index
    %get3A_168 = arith.constant 28 : index
    %get3A_169 = arith.constant 0 : index
    %get3A_170 = vector.load %arg0[%get3A_167, %get3A_168, %get3A_169] : memref<2x32x2048xf32, #tpu.memory_space<vmem>>, vector<2x1x2048xf32>
    %get3A_171 = vector.shape_cast %get3A_170 : vector<2x1x2048xf32> to vector<2x2048xf32>
    %add3A_172 = arith.addf %add3A_166, %get3A_171 : vector<2x2048xf32>
    %get3A_173 = arith.constant 0 : index
    %get3A_174 = arith.constant 29 : index
    %get3A_175 = arith.constant 0 : index
    %get3A_176 = vector.load %arg0[%get3A_173, %get3A_174, %get3A_175] : memref<2x32x2048xf32, #tpu.memory_space<vmem>>, vector<2x1x2048xf32>
    %get3A_177 = vector.shape_cast %get3A_176 : vector<2x1x2048xf32> to vector<2x2048xf32>
    %add3A_178 = arith.addf %add3A_172, %get3A_177 : vector<2x2048xf32>
    %get3A_179 = arith.constant 0 : index
    %get3A_180 = arith.constant 30 : index
    %get3A_181 = arith.constant 0 : index
    %get3A_182 = vector.load %arg0[%get3A_179, %get3A_180, %get3A_181] : memref<2x32x2048xf32, #tpu.memory_space<vmem>>, vector<2x1x2048xf32>
    %get3A_183 = vector.shape_cast %get3A_182 : vector<2x1x2048xf32> to vector<2x2048xf32>
    %add3A_184 = arith.addf %add3A_178, %get3A_183 : vector<2x2048xf32>
    %get3A_185 = arith.constant 0 : index
    %get3A_186 = arith.constant 31 : index
    %get3A_187 = arith.constant 0 : index
    %get3A_188 = vector.load %arg0[%get3A_185, %get3A_186, %get3A_187] : memref<2x32x2048xf32, #tpu.memory_space<vmem>>, vector<2x1x2048xf32>
    %get3A_189 = vector.shape_cast %get3A_188 : vector<2x1x2048xf32> to vector<2x2048xf32>
    %add3A_190 = arith.addf %add3A_184, %get3A_189 : vector<2x2048xf32>
    %iota3A = tpu.iota {dimensions = array<i32: 0>} : vector<2048x32xi32>
    %jit3A = arith.constant 512 : i32
    %eq3A = arith.constant 0 : i32
    %eq3A_191 = arith.cmpi eq, %jit3A, %eq3A : i32
    %jit3A_192 = arith.constant 1 : i32
    %select_n3A = arith.select %eq3A_191, %jit3A_192, %jit3A : i32
    %rem3A = vector.broadcast %select_n3A : i32 to vector<2048x32xi32>
    %rem3A_193 = arith.remsi %iota3A, %rem3A : vector<2048x32xi32>
    %ne3A = arith.constant 0 : i32
    %ne3A_194 = vector.broadcast %ne3A : i32 to vector<2048x32xi32>
    %ne3A_195 = arith.cmpi ne, %rem3A_193, %ne3A_194 : vector<2048x32xi32>
    %lt3A = arith.constant 0 : i32
    %lt3A_196 = vector.broadcast %lt3A : i32 to vector<2048x32xi32>
    %lt3A_197 = arith.cmpi slt, %rem3A_193, %lt3A_196 : vector<2048x32xi32>
    %lt3A_198 = arith.constant 0 : i32
    %lt3A_199 = arith.cmpi slt, %select_n3A, %lt3A_198 : i32
    %ne3A_200 = vector.broadcast %lt3A_199 : i1 to vector<2048x32xi1>
    %ne3A_201 = vector.broadcast %ne3A_200 : vector<2048x32xi1> to vector<2048x32xi1>
    %ne3A_202 = arith.xori %lt3A_197, %ne3A_201 : vector<2048x32xi1>
    %and3A = arith.andi %ne3A_202, %ne3A_195 : vector<2048x32xi1>
    %add3A_203 = vector.broadcast %select_n3A : i32 to vector<2048x32xi32>
    %add3A_204 = arith.addi %rem3A_193, %add3A_203 : vector<2048x32xi32>
    %select_n3A_205 = arith.select %and3A, %add3A_204, %rem3A_193 : vector<2048x32xi1>, vector<2048x32xi32>
    %jit3A_206 = arith.constant 16 : i32
    %div3A = vector.broadcast %jit3A_206 : i32 to vector<2048x32xi32>
    %div3A_207 = arith.divsi %select_n3A_205, %div3A : vector<2048x32xi32>
    %sign3A = arith.constant 0 : i32
    %sign3A_208 = vector.broadcast %sign3A : i32 to vector<2048x32xi32>
    %sign3A_209 = arith.cmpi sgt, %select_n3A_205, %sign3A_208 : vector<2048x32xi32>
    %sign3A_210 = arith.extui %sign3A_209 : vector<2048x32xi1> to vector<2048x32xi32>
    %sign3A_211 = arith.constant 0 : i32
    %sign3A_212 = vector.broadcast %sign3A_211 : i32 to vector<2048x32xi32>
    %sign3A_213 = arith.cmpi slt, %select_n3A_205, %sign3A_212 : vector<2048x32xi32>
    %sign3A_214 = arith.extui %sign3A_213 : vector<2048x32xi1> to vector<2048x32xi32>
    %sign3A_215 = arith.subi %sign3A_210, %sign3A_214 : vector<2048x32xi32>
    %sign3A_216 = arith.constant 0 : i32
    %sign3A_217 = arith.cmpi sgt, %jit3A_206, %sign3A_216 : i32
    %sign3A_218 = arith.extui %sign3A_217 : i1 to i32
    %sign3A_219 = arith.constant 0 : i32
    %sign3A_220 = arith.cmpi slt, %jit3A_206, %sign3A_219 : i32
    %sign3A_221 = arith.extui %sign3A_220 : i1 to i32
    %sign3A_222 = arith.subi %sign3A_218, %sign3A_221 : i32
    %ne3A_223 = vector.broadcast %sign3A_222 : i32 to vector<2048x32xi32>
    %ne3A_224 = arith.cmpi ne, %sign3A_215, %ne3A_223 : vector<2048x32xi32>
    %rem3A_225 = vector.broadcast %jit3A_206 : i32 to vector<2048x32xi32>
    %rem3A_226 = arith.remsi %select_n3A_205, %rem3A_225 : vector<2048x32xi32>
    %ne3A_227 = arith.constant 0 : i32
    %ne3A_228 = vector.broadcast %ne3A_227 : i32 to vector<2048x32xi32>
    %ne3A_229 = arith.cmpi ne, %rem3A_226, %ne3A_228 : vector<2048x32xi32>
    %and3A_230 = arith.andi %ne3A_224, %ne3A_229 : vector<2048x32xi1>
    %sub3A = arith.constant 1 : i32
    %sub3A_231 = vector.broadcast %sub3A : i32 to vector<2048x32xi32>
    %sub3A_232 = arith.subi %div3A_207, %sub3A_231 : vector<2048x32xi32>
    %select_n3A_233 = arith.select %and3A_230, %sub3A_232, %div3A_207 : vector<2048x32xi1>, vector<2048x32xi32>
    %iota3A_234 = tpu.iota {dimensions = array<i32: 1>} : vector<2048x32xi32>
    %eq3A_235 = arith.cmpi eq, %select_n3A_233, %iota3A_234 : vector<2048x32xi32>
    %convert_element_type3A = arith.extui %eq3A_235 : vector<2048x32xi1> to vector<2048x32xi32>
    %convert_element_type3A_236 = arith.sitofp %convert_element_type3A : vector<2048x32xi32> to vector<2048x32xf32>
    %dot_general3A = arith.constant dense<0.000000e+00> : vector<2x32xf32>
    %dot_general3A_237 = tpu.matmul %add3A_190, %convert_element_type3A_236, %dot_general3A {dimension_numbers = #tpu.dot_dimension_numbers<[1], [0], [0], [1], [0, 0, 1, 1], [], []>, transpose_lhs_hint = false} : vector<2x2048xf32>, vector<2048x32xf32>, vector<2x32xf32> -> vector<2x32xf32>
    %get3A_238 = arith.constant 0 : index
    %get3A_239 = arith.constant 0 : index
    %get3A_240 = vector.load %arg1[%get3A_238, %get3A_239] : memref<2x32xf32, #tpu.memory_space<vmem>>, vector<2x32xf32>
    %add3A_241 = arith.addf %dot_general3A_237, %get3A_240 : vector<2x32xf32>
    %slice3A = vector.extract_strided_slice %add3A_241 {offsets = [0, 0], sizes = [1, 32], strides = [1, 1]} : vector<2x32xf32> to vector<1x32xf32>
    %slice3A_242 = vector.extract_strided_slice %add3A_241 {offsets = [1, 0], sizes = [1, 32], strides = [1, 1]} : vector<2x32xf32> to vector<1x32xf32>
    %gt3A = arith.constant 0.000000e+00 : f32
    %gt3A_243 = vector.broadcast %gt3A : f32 to vector<1x32xf32>
    %gt3A_244 = arith.cmpf ogt, %slice3A, %gt3A_243 : vector<1x32xf32>
    %max3A = arith.constant 1.000000e+00 : f32
    %max3A_245 = vector.broadcast %max3A : f32 to vector<1x32xf32>
    %max3A_246 = arith.maximumf %slice3A, %max3A_245 : vector<1x32xf32>
    %div3A_247 = arith.divf %slice3A_242, %max3A_246 : vector<1x32xf32>
    %jit3A_248 = arith.constant 0.000000e+00 : f32
    %broadcast_in_dim3A_249 = vector.broadcast %jit3A_248 : f32 to vector<1x32xf32>
    %select_n3A_250 = arith.select %gt3A_244, %div3A_247, %broadcast_in_dim3A_249 : vector<1x32xi1>, vector<1x32xf32>
    %convert_element_type3A_251 = arith.extui %gt3A_244 : vector<1x32xi1> to vector<1x32xi32>
    %convert_element_type3A_252 = arith.sitofp %convert_element_type3A_251 : vector<1x32xi32> to vector<1x32xf32>
    %reduce_sum3A = vector.shape_cast %convert_element_type3A_252 : vector<1x32xf32> to vector<1x1x32xf32>
    %reduce_sum3A_253 = arith.constant dense<0.000000e+00> : vector<1xf32>
    %reduce_sum3A_254 = vector.multi_reduction <add>, %reduce_sum3A, %reduce_sum3A_253 [1, 2] : vector<1x1x32xf32> to vector<1xf32>
    %reduce_sum3A_255 = vector.shape_cast %reduce_sum3A_254 : vector<1xf32> to vector<1x1x1xf32>
    %reduce_sum3A_256 = vector.extract %reduce_sum3A_255[0, 0, 0] : f32 from vector<1x1x1xf32>
    %reduce_sum3A_257 = vector.shape_cast %select_n3A_250 : vector<1x32xf32> to vector<1x1x32xf32>
    %reduce_sum3A_258 = arith.constant dense<0.000000e+00> : vector<1xf32>
    %reduce_sum3A_259 = vector.multi_reduction <add>, %reduce_sum3A_257, %reduce_sum3A_258 [1, 2] : vector<1x1x32xf32> to vector<1xf32>
    %reduce_sum3A_260 = vector.shape_cast %reduce_sum3A_259 : vector<1xf32> to vector<1x1x1xf32>
    %reduce_sum3A_261 = vector.extract %reduce_sum3A_260[0, 0, 0] : f32 from vector<1x1x1xf32>
    %max3A_262 = arith.constant 1.000000e+00 : f32
    %max3A_263 = arith.maximumf %reduce_sum3A_256, %max3A_262 : f32
    %div3A_264 = arith.divf %reduce_sum3A_261, %max3A_263 : f32
    %broadcast_in_dim3A_265 = vector.broadcast %div3A_264 : f32 to vector<1x1xf32>
    %swap3A = arith.constant 0 : index
    %swap3A_266 = arith.constant 0 : index
    %swap3A_267 = vector.load %arg2[%swap3A, %swap3A_266] : memref<1x1xf32, #tpu.memory_space<vmem>>, vector<1x1xf32>
    tpu.vector_store %arg2[%swap3A, %swap3A_266], %broadcast_in_dim3A_265 {strides = array<i32>} : memref<1x1xf32, #tpu.memory_space<vmem>>, vector<1x1xf32>,
    return
  }
}

module attributes {stable_mosaic.version = 14 : i64} {
  func.func @body(%arg0: i32, %arg1: memref<512x1024xf32, #tpu.memory_space<vmem>>, %arg2: memref<512x1024xf32, #tpu.memory_space<vmem>>, %arg3: memref<2x32xf32, #tpu.memory_space<smem>>) attributes {dimension_semantics = [#tpu.dimension_semantics<arbitrary>], iteration_bounds = array<i64: 8>, scalar_prefetch = 0 : i64, scratch_operands = 0 : i64, tpu.core_type = #tpu.core_type<tc>, window_params = [{transform_indices = @transform_0, window_bounds = array<i64: 512, 1024>}, {transform_indices = @transform_1, window_bounds = array<i64: 512, 1024>}, {transform_indices = @transform_2, window_bounds = array<i64: 2, 32>}]} {
    %eq3A = arith.constant 0 : i32
    %eq3A_0 = arith.cmpi eq, %arg0, %eq3A : i32
    %convert_element_type3A = arith.extui %eq3A_0 : i1 to i32
    %cond3A = arith.constant 0 : i32
    %cond3A_1 = arith.cmpi ne, %convert_element_type3A, %cond3A : i32
    scf.if %cond3A_1 {
      %swap3A_923 = arith.constant 0.000000e+00 : f32
      %swap3A_924 = arith.constant 0 : index
      %swap3A_925 = arith.constant 0 : index
      %swap3A_926 = memref.load %arg3[%swap3A_924, %swap3A_925] : memref<2x32xf32, #tpu.memory_space<smem>>
      memref.store %swap3A_923, %arg3[%swap3A_924, %swap3A_925] : memref<2x32xf32, #tpu.memory_space<smem>>
      %swap3A_927 = arith.constant 0.000000e+00 : f32
      %swap3A_928 = arith.constant 0 : index
      %swap3A_929 = arith.constant 1 : index
      %swap3A_930 = memref.load %arg3[%swap3A_928, %swap3A_929] : memref<2x32xf32, #tpu.memory_space<smem>>
      memref.store %swap3A_927, %arg3[%swap3A_928, %swap3A_929] : memref<2x32xf32, #tpu.memory_space<smem>>
      %swap3A_931 = arith.constant 0.000000e+00 : f32
      %swap3A_932 = arith.constant 0 : index
      %swap3A_933 = arith.constant 2 : index
      %swap3A_934 = memref.load %arg3[%swap3A_932, %swap3A_933] : memref<2x32xf32, #tpu.memory_space<smem>>
      memref.store %swap3A_931, %arg3[%swap3A_932, %swap3A_933] : memref<2x32xf32, #tpu.memory_space<smem>>
      %swap3A_935 = arith.constant 0.000000e+00 : f32
      %swap3A_936 = arith.constant 0 : index
      %swap3A_937 = arith.constant 3 : index
      %swap3A_938 = memref.load %arg3[%swap3A_936, %swap3A_937] : memref<2x32xf32, #tpu.memory_space<smem>>
      memref.store %swap3A_935, %arg3[%swap3A_936, %swap3A_937] : memref<2x32xf32, #tpu.memory_space<smem>>
      %swap3A_939 = arith.constant 0.000000e+00 : f32
      %swap3A_940 = arith.constant 0 : index
      %swap3A_941 = arith.constant 4 : index
      %swap3A_942 = memref.load %arg3[%swap3A_940, %swap3A_941] : memref<2x32xf32, #tpu.memory_space<smem>>
      memref.store %swap3A_939, %arg3[%swap3A_940, %swap3A_941] : memref<2x32xf32, #tpu.memory_space<smem>>
      %swap3A_943 = arith.constant 0.000000e+00 : f32
      %swap3A_944 = arith.constant 0 : index
      %swap3A_945 = arith.constant 5 : index
      %swap3A_946 = memref.load %arg3[%swap3A_944, %swap3A_945] : memref<2x32xf32, #tpu.memory_space<smem>>
      memref.store %swap3A_943, %arg3[%swap3A_944, %swap3A_945] : memref<2x32xf32, #tpu.memory_space<smem>>
      %swap3A_947 = arith.constant 0.000000e+00 : f32
      %swap3A_948 = arith.constant 0 : index
      %swap3A_949 = arith.constant 6 : index
      %swap3A_950 = memref.load %arg3[%swap3A_948, %swap3A_949] : memref<2x32xf32, #tpu.memory_space<smem>>
      memref.store %swap3A_947, %arg3[%swap3A_948, %swap3A_949] : memref<2x32xf32, #tpu.memory_space<smem>>
      %swap3A_951 = arith.constant 0.000000e+00 : f32
      %swap3A_952 = arith.constant 0 : index
      %swap3A_953 = arith.constant 7 : index
      %swap3A_954 = memref.load %arg3[%swap3A_952, %swap3A_953] : memref<2x32xf32, #tpu.memory_space<smem>>
      memref.store %swap3A_951, %arg3[%swap3A_952, %swap3A_953] : memref<2x32xf32, #tpu.memory_space<smem>>
      %swap3A_955 = arith.constant 0.000000e+00 : f32
      %swap3A_956 = arith.constant 0 : index
      %swap3A_957 = arith.constant 8 : index
      %swap3A_958 = memref.load %arg3[%swap3A_956, %swap3A_957] : memref<2x32xf32, #tpu.memory_space<smem>>
      memref.store %swap3A_955, %arg3[%swap3A_956, %swap3A_957] : memref<2x32xf32, #tpu.memory_space<smem>>
      %swap3A_959 = arith.constant 0.000000e+00 : f32
      %swap3A_960 = arith.constant 0 : index
      %swap3A_961 = arith.constant 9 : index
      %swap3A_962 = memref.load %arg3[%swap3A_960, %swap3A_961] : memref<2x32xf32, #tpu.memory_space<smem>>
      memref.store %swap3A_959, %arg3[%swap3A_960, %swap3A_961] : memref<2x32xf32, #tpu.memory_space<smem>>
      %swap3A_963 = arith.constant 0.000000e+00 : f32
      %swap3A_964 = arith.constant 0 : index
      %swap3A_965 = arith.constant 10 : index
      %swap3A_966 = memref.load %arg3[%swap3A_964, %swap3A_965] : memref<2x32xf32, #tpu.memory_space<smem>>
      memref.store %swap3A_963, %arg3[%swap3A_964, %swap3A_965] : memref<2x32xf32, #tpu.memory_space<smem>>
      %swap3A_967 = arith.constant 0.000000e+00 : f32
      %swap3A_968 = arith.constant 0 : index
      %swap3A_969 = arith.constant 11 : index
      %swap3A_970 = memref.load %arg3[%swap3A_968, %swap3A_969] : memref<2x32xf32, #tpu.memory_space<smem>>
      memref.store %swap3A_967, %arg3[%swap3A_968, %swap3A_969] : memref<2x32xf32, #tpu.memory_space<smem>>
      %swap3A_971 = arith.constant 0.000000e+00 : f32
      %swap3A_972 = arith.constant 0 : index
      %swap3A_973 = arith.constant 12 : index
      %swap3A_974 = memref.load %arg3[%swap3A_972, %swap3A_973] : memref<2x32xf32, #tpu.memory_space<smem>>
      memref.store %swap3A_971, %arg3[%swap3A_972, %swap3A_973] : memref<2x32xf32, #tpu.memory_space<smem>>
      %swap3A_975 = arith.constant 0.000000e+00 : f32
      %swap3A_976 = arith.constant 0 : index
      %swap3A_977 = arith.constant 13 : index
      %swap3A_978 = memref.load %arg3[%swap3A_976, %swap3A_977] : memref<2x32xf32, #tpu.memory_space<smem>>
      memref.store %swap3A_975, %arg3[%swap3A_976, %swap3A_977] : memref<2x32xf32, #tpu.memory_space<smem>>
      %swap3A_979 = arith.constant 0.000000e+00 : f32
      %swap3A_980 = arith.constant 0 : index
      %swap3A_981 = arith.constant 14 : index
      %swap3A_982 = memref.load %arg3[%swap3A_980, %swap3A_981] : memref<2x32xf32, #tpu.memory_space<smem>>
      memref.store %swap3A_979, %arg3[%swap3A_980, %swap3A_981] : memref<2x32xf32, #tpu.memory_space<smem>>
      %swap3A_983 = arith.constant 0.000000e+00 : f32
      %swap3A_984 = arith.constant 0 : index
      %swap3A_985 = arith.constant 15 : index
      %swap3A_986 = memref.load %arg3[%swap3A_984, %swap3A_985] : memref<2x32xf32, #tpu.memory_space<smem>>
      memref.store %swap3A_983, %arg3[%swap3A_984, %swap3A_985] : memref<2x32xf32, #tpu.memory_space<smem>>
      %swap3A_987 = arith.constant 0.000000e+00 : f32
      %swap3A_988 = arith.constant 0 : index
      %swap3A_989 = arith.constant 16 : index
      %swap3A_990 = memref.load %arg3[%swap3A_988, %swap3A_989] : memref<2x32xf32, #tpu.memory_space<smem>>
      memref.store %swap3A_987, %arg3[%swap3A_988, %swap3A_989] : memref<2x32xf32, #tpu.memory_space<smem>>
      %swap3A_991 = arith.constant 0.000000e+00 : f32
      %swap3A_992 = arith.constant 0 : index
      %swap3A_993 = arith.constant 17 : index
      %swap3A_994 = memref.load %arg3[%swap3A_992, %swap3A_993] : memref<2x32xf32, #tpu.memory_space<smem>>
      memref.store %swap3A_991, %arg3[%swap3A_992, %swap3A_993] : memref<2x32xf32, #tpu.memory_space<smem>>
      %swap3A_995 = arith.constant 0.000000e+00 : f32
      %swap3A_996 = arith.constant 0 : index
      %swap3A_997 = arith.constant 18 : index
      %swap3A_998 = memref.load %arg3[%swap3A_996, %swap3A_997] : memref<2x32xf32, #tpu.memory_space<smem>>
      memref.store %swap3A_995, %arg3[%swap3A_996, %swap3A_997] : memref<2x32xf32, #tpu.memory_space<smem>>
      %swap3A_999 = arith.constant 0.000000e+00 : f32
      %swap3A_1000 = arith.constant 0 : index
      %swap3A_1001 = arith.constant 19 : index
      %swap3A_1002 = memref.load %arg3[%swap3A_1000, %swap3A_1001] : memref<2x32xf32, #tpu.memory_space<smem>>
      memref.store %swap3A_999, %arg3[%swap3A_1000, %swap3A_1001] : memref<2x32xf32, #tpu.memory_space<smem>>
      %swap3A_1003 = arith.constant 0.000000e+00 : f32
      %swap3A_1004 = arith.constant 0 : index
      %swap3A_1005 = arith.constant 20 : index
      %swap3A_1006 = memref.load %arg3[%swap3A_1004, %swap3A_1005] : memref<2x32xf32, #tpu.memory_space<smem>>
      memref.store %swap3A_1003, %arg3[%swap3A_1004, %swap3A_1005] : memref<2x32xf32, #tpu.memory_space<smem>>
      %swap3A_1007 = arith.constant 0.000000e+00 : f32
      %swap3A_1008 = arith.constant 0 : index
      %swap3A_1009 = arith.constant 21 : index
      %swap3A_1010 = memref.load %arg3[%swap3A_1008, %swap3A_1009] : memref<2x32xf32, #tpu.memory_space<smem>>
      memref.store %swap3A_1007, %arg3[%swap3A_1008, %swap3A_1009] : memref<2x32xf32, #tpu.memory_space<smem>>
      %swap3A_1011 = arith.constant 0.000000e+00 : f32
      %swap3A_1012 = arith.constant 0 : index
      %swap3A_1013 = arith.constant 22 : index
      %swap3A_1014 = memref.load %arg3[%swap3A_1012, %swap3A_1013] : memref<2x32xf32, #tpu.memory_space<smem>>
      memref.store %swap3A_1011, %arg3[%swap3A_1012, %swap3A_1013] : memref<2x32xf32, #tpu.memory_space<smem>>
      %swap3A_1015 = arith.constant 0.000000e+00 : f32
      %swap3A_1016 = arith.constant 0 : index
      %swap3A_1017 = arith.constant 23 : index
      %swap3A_1018 = memref.load %arg3[%swap3A_1016, %swap3A_1017] : memref<2x32xf32, #tpu.memory_space<smem>>
      memref.store %swap3A_1015, %arg3[%swap3A_1016, %swap3A_1017] : memref<2x32xf32, #tpu.memory_space<smem>>
      %swap3A_1019 = arith.constant 0.000000e+00 : f32
      %swap3A_1020 = arith.constant 0 : index
      %swap3A_1021 = arith.constant 24 : index
      %swap3A_1022 = memref.load %arg3[%swap3A_1020, %swap3A_1021] : memref<2x32xf32, #tpu.memory_space<smem>>
      memref.store %swap3A_1019, %arg3[%swap3A_1020, %swap3A_1021] : memref<2x32xf32, #tpu.memory_space<smem>>
      %swap3A_1023 = arith.constant 0.000000e+00 : f32
      %swap3A_1024 = arith.constant 0 : index
      %swap3A_1025 = arith.constant 25 : index
      %swap3A_1026 = memref.load %arg3[%swap3A_1024, %swap3A_1025] : memref<2x32xf32, #tpu.memory_space<smem>>
      memref.store %swap3A_1023, %arg3[%swap3A_1024, %swap3A_1025] : memref<2x32xf32, #tpu.memory_space<smem>>
      %swap3A_1027 = arith.constant 0.000000e+00 : f32
      %swap3A_1028 = arith.constant 0 : index
      %swap3A_1029 = arith.constant 26 : index
      %swap3A_1030 = memref.load %arg3[%swap3A_1028, %swap3A_1029] : memref<2x32xf32, #tpu.memory_space<smem>>
      memref.store %swap3A_1027, %arg3[%swap3A_1028, %swap3A_1029] : memref<2x32xf32, #tpu.memory_space<smem>>
      %swap3A_1031 = arith.constant 0.000000e+00 : f32
      %swap3A_1032 = arith.constant 0 : index
      %swap3A_1033 = arith.constant 27 : index
      %swap3A_1034 = memref.load %arg3[%swap3A_1032, %swap3A_1033] : memref<2x32xf32, #tpu.memory_space<smem>>
      memref.store %swap3A_1031, %arg3[%swap3A_1032, %swap3A_1033] : memref<2x32xf32, #tpu.memory_space<smem>>
      %swap3A_1035 = arith.constant 0.000000e+00 : f32
      %swap3A_1036 = arith.constant 0 : index
      %swap3A_1037 = arith.constant 28 : index
      %swap3A_1038 = memref.load %arg3[%swap3A_1036, %swap3A_1037] : memref<2x32xf32, #tpu.memory_space<smem>>
      memref.store %swap3A_1035, %arg3[%swap3A_1036, %swap3A_1037] : memref<2x32xf32, #tpu.memory_space<smem>>
      %swap3A_1039 = arith.constant 0.000000e+00 : f32
      %swap3A_1040 = arith.constant 0 : index
      %swap3A_1041 = arith.constant 29 : index
      %swap3A_1042 = memref.load %arg3[%swap3A_1040, %swap3A_1041] : memref<2x32xf32, #tpu.memory_space<smem>>
      memref.store %swap3A_1039, %arg3[%swap3A_1040, %swap3A_1041] : memref<2x32xf32, #tpu.memory_space<smem>>
      %swap3A_1043 = arith.constant 0.000000e+00 : f32
      %swap3A_1044 = arith.constant 0 : index
      %swap3A_1045 = arith.constant 30 : index
      %swap3A_1046 = memref.load %arg3[%swap3A_1044, %swap3A_1045] : memref<2x32xf32, #tpu.memory_space<smem>>
      memref.store %swap3A_1043, %arg3[%swap3A_1044, %swap3A_1045] : memref<2x32xf32, #tpu.memory_space<smem>>
      %swap3A_1047 = arith.constant 0.000000e+00 : f32
      %swap3A_1048 = arith.constant 0 : index
      %swap3A_1049 = arith.constant 31 : index
      %swap3A_1050 = memref.load %arg3[%swap3A_1048, %swap3A_1049] : memref<2x32xf32, #tpu.memory_space<smem>>
      memref.store %swap3A_1047, %arg3[%swap3A_1048, %swap3A_1049] : memref<2x32xf32, #tpu.memory_space<smem>>
      %swap3A_1051 = arith.constant 0.000000e+00 : f32
      %swap3A_1052 = arith.constant 1 : index
      %swap3A_1053 = arith.constant 0 : index
      %swap3A_1054 = memref.load %arg3[%swap3A_1052, %swap3A_1053] : memref<2x32xf32, #tpu.memory_space<smem>>
      memref.store %swap3A_1051, %arg3[%swap3A_1052, %swap3A_1053] : memref<2x32xf32, #tpu.memory_space<smem>>
      %swap3A_1055 = arith.constant 0.000000e+00 : f32
      %swap3A_1056 = arith.constant 1 : index
      %swap3A_1057 = arith.constant 1 : index
      %swap3A_1058 = memref.load %arg3[%swap3A_1056, %swap3A_1057] : memref<2x32xf32, #tpu.memory_space<smem>>
      memref.store %swap3A_1055, %arg3[%swap3A_1056, %swap3A_1057] : memref<2x32xf32, #tpu.memory_space<smem>>
      %swap3A_1059 = arith.constant 0.000000e+00 : f32
      %swap3A_1060 = arith.constant 1 : index
      %swap3A_1061 = arith.constant 2 : index
      %swap3A_1062 = memref.load %arg3[%swap3A_1060, %swap3A_1061] : memref<2x32xf32, #tpu.memory_space<smem>>
      memref.store %swap3A_1059, %arg3[%swap3A_1060, %swap3A_1061] : memref<2x32xf32, #tpu.memory_space<smem>>
      %swap3A_1063 = arith.constant 0.000000e+00 : f32
      %swap3A_1064 = arith.constant 1 : index
      %swap3A_1065 = arith.constant 3 : index
      %swap3A_1066 = memref.load %arg3[%swap3A_1064, %swap3A_1065] : memref<2x32xf32, #tpu.memory_space<smem>>
      memref.store %swap3A_1063, %arg3[%swap3A_1064, %swap3A_1065] : memref<2x32xf32, #tpu.memory_space<smem>>
      %swap3A_1067 = arith.constant 0.000000e+00 : f32
      %swap3A_1068 = arith.constant 1 : index
      %swap3A_1069 = arith.constant 4 : index
      %swap3A_1070 = memref.load %arg3[%swap3A_1068, %swap3A_1069] : memref<2x32xf32, #tpu.memory_space<smem>>
      memref.store %swap3A_1067, %arg3[%swap3A_1068, %swap3A_1069] : memref<2x32xf32, #tpu.memory_space<smem>>
      %swap3A_1071 = arith.constant 0.000000e+00 : f32
      %swap3A_1072 = arith.constant 1 : index
      %swap3A_1073 = arith.constant 5 : index
      %swap3A_1074 = memref.load %arg3[%swap3A_1072, %swap3A_1073] : memref<2x32xf32, #tpu.memory_space<smem>>
      memref.store %swap3A_1071, %arg3[%swap3A_1072, %swap3A_1073] : memref<2x32xf32, #tpu.memory_space<smem>>
      %swap3A_1075 = arith.constant 0.000000e+00 : f32
      %swap3A_1076 = arith.constant 1 : index
      %swap3A_1077 = arith.constant 6 : index
      %swap3A_1078 = memref.load %arg3[%swap3A_1076, %swap3A_1077] : memref<2x32xf32, #tpu.memory_space<smem>>
      memref.store %swap3A_1075, %arg3[%swap3A_1076, %swap3A_1077] : memref<2x32xf32, #tpu.memory_space<smem>>
      %swap3A_1079 = arith.constant 0.000000e+00 : f32
      %swap3A_1080 = arith.constant 1 : index
      %swap3A_1081 = arith.constant 7 : index
      %swap3A_1082 = memref.load %arg3[%swap3A_1080, %swap3A_1081] : memref<2x32xf32, #tpu.memory_space<smem>>
      memref.store %swap3A_1079, %arg3[%swap3A_1080, %swap3A_1081] : memref<2x32xf32, #tpu.memory_space<smem>>
      %swap3A_1083 = arith.constant 0.000000e+00 : f32
      %swap3A_1084 = arith.constant 1 : index
      %swap3A_1085 = arith.constant 8 : index
      %swap3A_1086 = memref.load %arg3[%swap3A_1084, %swap3A_1085] : memref<2x32xf32, #tpu.memory_space<smem>>
      memref.store %swap3A_1083, %arg3[%swap3A_1084, %swap3A_1085] : memref<2x32xf32, #tpu.memory_space<smem>>
      %swap3A_1087 = arith.constant 0.000000e+00 : f32
      %swap3A_1088 = arith.constant 1 : index
      %swap3A_1089 = arith.constant 9 : index
      %swap3A_1090 = memref.load %arg3[%swap3A_1088, %swap3A_1089] : memref<2x32xf32, #tpu.memory_space<smem>>
      memref.store %swap3A_1087, %arg3[%swap3A_1088, %swap3A_1089] : memref<2x32xf32, #tpu.memory_space<smem>>
      %swap3A_1091 = arith.constant 0.000000e+00 : f32
      %swap3A_1092 = arith.constant 1 : index
      %swap3A_1093 = arith.constant 10 : index
      %swap3A_1094 = memref.load %arg3[%swap3A_1092, %swap3A_1093] : memref<2x32xf32, #tpu.memory_space<smem>>
      memref.store %swap3A_1091, %arg3[%swap3A_1092, %swap3A_1093] : memref<2x32xf32, #tpu.memory_space<smem>>
      %swap3A_1095 = arith.constant 0.000000e+00 : f32
      %swap3A_1096 = arith.constant 1 : index
      %swap3A_1097 = arith.constant 11 : index
      %swap3A_1098 = memref.load %arg3[%swap3A_1096, %swap3A_1097] : memref<2x32xf32, #tpu.memory_space<smem>>
      memref.store %swap3A_1095, %arg3[%swap3A_1096, %swap3A_1097] : memref<2x32xf32, #tpu.memory_space<smem>>
      %swap3A_1099 = arith.constant 0.000000e+00 : f32
      %swap3A_1100 = arith.constant 1 : index
      %swap3A_1101 = arith.constant 12 : index
      %swap3A_1102 = memref.load %arg3[%swap3A_1100, %swap3A_1101] : memref<2x32xf32, #tpu.memory_space<smem>>
      memref.store %swap3A_1099, %arg3[%swap3A_1100, %swap3A_1101] : memref<2x32xf32, #tpu.memory_space<smem>>
      %swap3A_1103 = arith.constant 0.000000e+00 : f32
      %swap3A_1104 = arith.constant 1 : index
      %swap3A_1105 = arith.constant 13 : index
      %swap3A_1106 = memref.load %arg3[%swap3A_1104, %swap3A_1105] : memref<2x32xf32, #tpu.memory_space<smem>>
      memref.store %swap3A_1103, %arg3[%swap3A_1104, %swap3A_1105] : memref<2x32xf32, #tpu.memory_space<smem>>
      %swap3A_1107 = arith.constant 0.000000e+00 : f32
      %swap3A_1108 = arith.constant 1 : index
      %swap3A_1109 = arith.constant 14 : index
      %swap3A_1110 = memref.load %arg3[%swap3A_1108, %swap3A_1109] : memref<2x32xf32, #tpu.memory_space<smem>>
      memref.store %swap3A_1107, %arg3[%swap3A_1108, %swap3A_1109] : memref<2x32xf32, #tpu.memory_space<smem>>
      %swap3A_1111 = arith.constant 0.000000e+00 : f32
      %swap3A_1112 = arith.constant 1 : index
      %swap3A_1113 = arith.constant 15 : index
      %swap3A_1114 = memref.load %arg3[%swap3A_1112, %swap3A_1113] : memref<2x32xf32, #tpu.memory_space<smem>>
      memref.store %swap3A_1111, %arg3[%swap3A_1112, %swap3A_1113] : memref<2x32xf32, #tpu.memory_space<smem>>
      %swap3A_1115 = arith.constant 0.000000e+00 : f32
      %swap3A_1116 = arith.constant 1 : index
      %swap3A_1117 = arith.constant 16 : index
      %swap3A_1118 = memref.load %arg3[%swap3A_1116, %swap3A_1117] : memref<2x32xf32, #tpu.memory_space<smem>>
      memref.store %swap3A_1115, %arg3[%swap3A_1116, %swap3A_1117] : memref<2x32xf32, #tpu.memory_space<smem>>
      %swap3A_1119 = arith.constant 0.000000e+00 : f32
      %swap3A_1120 = arith.constant 1 : index
      %swap3A_1121 = arith.constant 17 : index
      %swap3A_1122 = memref.load %arg3[%swap3A_1120, %swap3A_1121] : memref<2x32xf32, #tpu.memory_space<smem>>
      memref.store %swap3A_1119, %arg3[%swap3A_1120, %swap3A_1121] : memref<2x32xf32, #tpu.memory_space<smem>>
      %swap3A_1123 = arith.constant 0.000000e+00 : f32
      %swap3A_1124 = arith.constant 1 : index
      %swap3A_1125 = arith.constant 18 : index
      %swap3A_1126 = memref.load %arg3[%swap3A_1124, %swap3A_1125] : memref<2x32xf32, #tpu.memory_space<smem>>
      memref.store %swap3A_1123, %arg3[%swap3A_1124, %swap3A_1125] : memref<2x32xf32, #tpu.memory_space<smem>>
      %swap3A_1127 = arith.constant 0.000000e+00 : f32
      %swap3A_1128 = arith.constant 1 : index
      %swap3A_1129 = arith.constant 19 : index
      %swap3A_1130 = memref.load %arg3[%swap3A_1128, %swap3A_1129] : memref<2x32xf32, #tpu.memory_space<smem>>
      memref.store %swap3A_1127, %arg3[%swap3A_1128, %swap3A_1129] : memref<2x32xf32, #tpu.memory_space<smem>>
      %swap3A_1131 = arith.constant 0.000000e+00 : f32
      %swap3A_1132 = arith.constant 1 : index
      %swap3A_1133 = arith.constant 20 : index
      %swap3A_1134 = memref.load %arg3[%swap3A_1132, %swap3A_1133] : memref<2x32xf32, #tpu.memory_space<smem>>
      memref.store %swap3A_1131, %arg3[%swap3A_1132, %swap3A_1133] : memref<2x32xf32, #tpu.memory_space<smem>>
      %swap3A_1135 = arith.constant 0.000000e+00 : f32
      %swap3A_1136 = arith.constant 1 : index
      %swap3A_1137 = arith.constant 21 : index
      %swap3A_1138 = memref.load %arg3[%swap3A_1136, %swap3A_1137] : memref<2x32xf32, #tpu.memory_space<smem>>
      memref.store %swap3A_1135, %arg3[%swap3A_1136, %swap3A_1137] : memref<2x32xf32, #tpu.memory_space<smem>>
      %swap3A_1139 = arith.constant 0.000000e+00 : f32
      %swap3A_1140 = arith.constant 1 : index
      %swap3A_1141 = arith.constant 22 : index
      %swap3A_1142 = memref.load %arg3[%swap3A_1140, %swap3A_1141] : memref<2x32xf32, #tpu.memory_space<smem>>
      memref.store %swap3A_1139, %arg3[%swap3A_1140, %swap3A_1141] : memref<2x32xf32, #tpu.memory_space<smem>>
      %swap3A_1143 = arith.constant 0.000000e+00 : f32
      %swap3A_1144 = arith.constant 1 : index
      %swap3A_1145 = arith.constant 23 : index
      %swap3A_1146 = memref.load %arg3[%swap3A_1144, %swap3A_1145] : memref<2x32xf32, #tpu.memory_space<smem>>
      memref.store %swap3A_1143, %arg3[%swap3A_1144, %swap3A_1145] : memref<2x32xf32, #tpu.memory_space<smem>>
      %swap3A_1147 = arith.constant 0.000000e+00 : f32
      %swap3A_1148 = arith.constant 1 : index
      %swap3A_1149 = arith.constant 24 : index
      %swap3A_1150 = memref.load %arg3[%swap3A_1148, %swap3A_1149] : memref<2x32xf32, #tpu.memory_space<smem>>
      memref.store %swap3A_1147, %arg3[%swap3A_1148, %swap3A_1149] : memref<2x32xf32, #tpu.memory_space<smem>>
      %swap3A_1151 = arith.constant 0.000000e+00 : f32
      %swap3A_1152 = arith.constant 1 : index
      %swap3A_1153 = arith.constant 25 : index
      %swap3A_1154 = memref.load %arg3[%swap3A_1152, %swap3A_1153] : memref<2x32xf32, #tpu.memory_space<smem>>
      memref.store %swap3A_1151, %arg3[%swap3A_1152, %swap3A_1153] : memref<2x32xf32, #tpu.memory_space<smem>>
      %swap3A_1155 = arith.constant 0.000000e+00 : f32
      %swap3A_1156 = arith.constant 1 : index
      %swap3A_1157 = arith.constant 26 : index
      %swap3A_1158 = memref.load %arg3[%swap3A_1156, %swap3A_1157] : memref<2x32xf32, #tpu.memory_space<smem>>
      memref.store %swap3A_1155, %arg3[%swap3A_1156, %swap3A_1157] : memref<2x32xf32, #tpu.memory_space<smem>>
      %swap3A_1159 = arith.constant 0.000000e+00 : f32
      %swap3A_1160 = arith.constant 1 : index
      %swap3A_1161 = arith.constant 27 : index
      %swap3A_1162 = memref.load %arg3[%swap3A_1160, %swap3A_1161] : memref<2x32xf32, #tpu.memory_space<smem>>
      memref.store %swap3A_1159, %arg3[%swap3A_1160, %swap3A_1161] : memref<2x32xf32, #tpu.memory_space<smem>>
      %swap3A_1163 = arith.constant 0.000000e+00 : f32
      %swap3A_1164 = arith.constant 1 : index
      %swap3A_1165 = arith.constant 28 : index
      %swap3A_1166 = memref.load %arg3[%swap3A_1164, %swap3A_1165] : memref<2x32xf32, #tpu.memory_space<smem>>
      memref.store %swap3A_1163, %arg3[%swap3A_1164, %swap3A_1165] : memref<2x32xf32, #tpu.memory_space<smem>>
      %swap3A_1167 = arith.constant 0.000000e+00 : f32
      %swap3A_1168 = arith.constant 1 : index
      %swap3A_1169 = arith.constant 29 : index
      %swap3A_1170 = memref.load %arg3[%swap3A_1168, %swap3A_1169] : memref<2x32xf32, #tpu.memory_space<smem>>
      memref.store %swap3A_1167, %arg3[%swap3A_1168, %swap3A_1169] : memref<2x32xf32, #tpu.memory_space<smem>>
      %swap3A_1171 = arith.constant 0.000000e+00 : f32
      %swap3A_1172 = arith.constant 1 : index
      %swap3A_1173 = arith.constant 30 : index
      %swap3A_1174 = memref.load %arg3[%swap3A_1172, %swap3A_1173] : memref<2x32xf32, #tpu.memory_space<smem>>
      memref.store %swap3A_1171, %arg3[%swap3A_1172, %swap3A_1173] : memref<2x32xf32, #tpu.memory_space<smem>>
      %swap3A_1175 = arith.constant 0.000000e+00 : f32
      %swap3A_1176 = arith.constant 1 : index
      %swap3A_1177 = arith.constant 31 : index
      %swap3A_1178 = memref.load %arg3[%swap3A_1176, %swap3A_1177] : memref<2x32xf32, #tpu.memory_space<smem>>
      memref.store %swap3A_1175, %arg3[%swap3A_1176, %swap3A_1177] : memref<2x32xf32, #tpu.memory_space<smem>>
    } else {
    }
    %get3A = arith.constant 0 : index
    %get3A_2 = arith.constant 0 : index
    %get3A_3 = vector.load %arg1[%get3A, %get3A_2] : memref<512x1024xf32, #tpu.memory_space<vmem>>, vector<512x1024xf32>
    %get3A_4 = arith.constant 0 : index
    %get3A_5 = arith.constant 0 : index
    %get3A_6 = vector.load %arg2[%get3A_4, %get3A_5] : memref<512x1024xf32, #tpu.memory_space<vmem>>, vector<512x1024xf32>
    %sub3A = arith.subf %get3A_3, %get3A_6 : vector<512x1024xf32>
    %abs3A = math.absf %sub3A : vector<512x1024xf32>
    %mul3A = arith.constant 3.000000e+01 : f32
    %mul3A_7 = vector.broadcast %mul3A : f32 to vector<512x1024xf32>
    %mul3A_8 = arith.mulf %abs3A, %mul3A_7 : vector<512x1024xf32>
    %convert_element_type3A_9 = arith.fptosi %mul3A_8 : vector<512x1024xf32> to vector<512x1024xi32>
    %log3A = math.log %get3A_3 : vector<512x1024xf32>
    %jit3A = arith.constant -1.000000e+02 : f32
    %max3A = vector.broadcast %jit3A : f32 to vector<512x1024xf32>
    %max3A_10 = arith.maximumf %max3A, %log3A : vector<512x1024xf32>
    %sub3A_11 = arith.constant 1.000000e+00 : f32
    %sub3A_12 = vector.broadcast %sub3A_11 : f32 to vector<512x1024xf32>
    %sub3A_13 = arith.subf %sub3A_12, %get3A_3 : vector<512x1024xf32>
    %log3A_14 = math.log %sub3A_13 : vector<512x1024xf32>
    %jit3A_15 = arith.constant -1.000000e+02 : f32
    %max3A_16 = vector.broadcast %jit3A_15 : f32 to vector<512x1024xf32>
    %max3A_17 = arith.maximumf %max3A_16, %log3A_14 : vector<512x1024xf32>
    %mul3A_18 = arith.mulf %get3A_6, %max3A_10 : vector<512x1024xf32>
    %sub3A_19 = arith.constant 1.000000e+00 : f32
    %sub3A_20 = vector.broadcast %sub3A_19 : f32 to vector<512x1024xf32>
    %sub3A_21 = arith.subf %sub3A_20, %get3A_6 : vector<512x1024xf32>
    %mul3A_22 = arith.mulf %sub3A_21, %max3A_17 : vector<512x1024xf32>
    %add3A = arith.addf %mul3A_18, %mul3A_22 : vector<512x1024xf32>
    %neg3A = arith.constant 0.000000e+00 : f32
    %neg3A_23 = vector.broadcast %neg3A : f32 to vector<512x1024xf32>
    %neg3A_24 = arith.subf %neg3A_23, %add3A : vector<512x1024xf32>
    %eq3A_25 = arith.constant 0 : i32
    %eq3A_26 = vector.broadcast %eq3A_25 : i32 to vector<512x1024xi32>
    %eq3A_27 = arith.cmpi eq, %convert_element_type3A_9, %eq3A_26 : vector<512x1024xi32>
    %convert_element_type3A_28 = arith.extui %eq3A_27 : vector<512x1024xi1> to vector<512x1024xi32>
    %convert_element_type3A_29 = arith.sitofp %convert_element_type3A_28 : vector<512x1024xi32> to vector<512x1024xf32>
    %get3A_30 = arith.constant 0 : index
    %get3A_31 = arith.constant 0 : index
    %get3A_32 = memref.load %arg3[%get3A_30, %get3A_31] : memref<2x32xf32, #tpu.memory_space<smem>>
    %reduce_sum3A = vector.shape_cast %convert_element_type3A_29 : vector<512x1024xf32> to vector<1x512x1024xf32>
    %reduce_sum3A_33 = arith.constant dense<0.000000e+00> : vector<1xf32>
    %reduce_sum3A_34 = vector.multi_reduction <add>, %reduce_sum3A, %reduce_sum3A_33 [1, 2] : vector<1x512x1024xf32> to vector<1xf32>
    %reduce_sum3A_35 = vector.shape_cast %reduce_sum3A_34 : vector<1xf32> to vector<1x1x1xf32>
    %reduce_sum3A_36 = vector.extract %reduce_sum3A_35[0, 0, 0] : f32 from vector<1x1x1xf32>
    %add3A_37 = arith.addf %get3A_32, %reduce_sum3A_36 : f32
    %swap3A = arith.constant 0 : index
    %swap3A_38 = arith.constant 0 : index
    %swap3A_39 = memref.load %arg3[%swap3A, %swap3A_38] : memref<2x32xf32, #tpu.memory_space<smem>>
    memref.store %add3A_37, %arg3[%swap3A, %swap3A_38] : memref<2x32xf32, #tpu.memory_space<smem>>
    %get3A_40 = arith.constant 1 : index
    %get3A_41 = arith.constant 0 : index
    %get3A_42 = memref.load %arg3[%get3A_40, %get3A_41] : memref<2x32xf32, #tpu.memory_space<smem>>
    %mul3A_43 = arith.mulf %convert_element_type3A_29, %neg3A_24 : vector<512x1024xf32>
    %reduce_sum3A_44 = vector.shape_cast %mul3A_43 : vector<512x1024xf32> to vector<1x512x1024xf32>
    %reduce_sum3A_45 = arith.constant dense<0.000000e+00> : vector<1xf32>
    %reduce_sum3A_46 = vector.multi_reduction <add>, %reduce_sum3A_44, %reduce_sum3A_45 [1, 2] : vector<1x512x1024xf32> to vector<1xf32>
    %reduce_sum3A_47 = vector.shape_cast %reduce_sum3A_46 : vector<1xf32> to vector<1x1x1xf32>
    %reduce_sum3A_48 = vector.extract %reduce_sum3A_47[0, 0, 0] : f32 from vector<1x1x1xf32>
    %add3A_49 = arith.addf %get3A_42, %reduce_sum3A_48 : f32
    %swap3A_50 = arith.constant 1 : index
    %swap3A_51 = arith.constant 0 : index
    %swap3A_52 = memref.load %arg3[%swap3A_50, %swap3A_51] : memref<2x32xf32, #tpu.memory_space<smem>>
    memref.store %add3A_49, %arg3[%swap3A_50, %swap3A_51] : memref<2x32xf32, #tpu.memory_space<smem>>
    %eq3A_53 = arith.constant 1 : i32
    %eq3A_54 = vector.broadcast %eq3A_53 : i32 to vector<512x1024xi32>
    %eq3A_55 = arith.cmpi eq, %convert_element_type3A_9, %eq3A_54 : vector<512x1024xi32>
    %convert_element_type3A_56 = arith.extui %eq3A_55 : vector<512x1024xi1> to vector<512x1024xi32>
    %convert_element_type3A_57 = arith.sitofp %convert_element_type3A_56 : vector<512x1024xi32> to vector<512x1024xf32>
    %get3A_58 = arith.constant 0 : index
    %get3A_59 = arith.constant 1 : index
    %get3A_60 = memref.load %arg3[%get3A_58, %get3A_59] : memref<2x32xf32, #tpu.memory_space<smem>>
    %reduce_sum3A_61 = vector.shape_cast %convert_element_type3A_57 : vector<512x1024xf32> to vector<1x512x1024xf32>
    %reduce_sum3A_62 = arith.constant dense<0.000000e+00> : vector<1xf32>
    %reduce_sum3A_63 = vector.multi_reduction <add>, %reduce_sum3A_61, %reduce_sum3A_62 [1, 2] : vector<1x512x1024xf32> to vector<1xf32>
    %reduce_sum3A_64 = vector.shape_cast %reduce_sum3A_63 : vector<1xf32> to vector<1x1x1xf32>
    %reduce_sum3A_65 = vector.extract %reduce_sum3A_64[0, 0, 0] : f32 from vector<1x1x1xf32>
    %add3A_66 = arith.addf %get3A_60, %reduce_sum3A_65 : f32
    %swap3A_67 = arith.constant 0 : index
    %swap3A_68 = arith.constant 1 : index
    %swap3A_69 = memref.load %arg3[%swap3A_67, %swap3A_68] : memref<2x32xf32, #tpu.memory_space<smem>>
    memref.store %add3A_66, %arg3[%swap3A_67, %swap3A_68] : memref<2x32xf32, #tpu.memory_space<smem>>
    %get3A_70 = arith.constant 1 : index
    %get3A_71 = arith.constant 1 : index
    %get3A_72 = memref.load %arg3[%get3A_70, %get3A_71] : memref<2x32xf32, #tpu.memory_space<smem>>
    %mul3A_73 = arith.mulf %convert_element_type3A_57, %neg3A_24 : vector<512x1024xf32>
    %reduce_sum3A_74 = vector.shape_cast %mul3A_73 : vector<512x1024xf32> to vector<1x512x1024xf32>
    %reduce_sum3A_75 = arith.constant dense<0.000000e+00> : vector<1xf32>
    %reduce_sum3A_76 = vector.multi_reduction <add>, %reduce_sum3A_74, %reduce_sum3A_75 [1, 2] : vector<1x512x1024xf32> to vector<1xf32>
    %reduce_sum3A_77 = vector.shape_cast %reduce_sum3A_76 : vector<1xf32> to vector<1x1x1xf32>
    %reduce_sum3A_78 = vector.extract %reduce_sum3A_77[0, 0, 0] : f32 from vector<1x1x1xf32>
    %add3A_79 = arith.addf %get3A_72, %reduce_sum3A_78 : f32
    %swap3A_80 = arith.constant 1 : index
    %swap3A_81 = arith.constant 1 : index
    %swap3A_82 = memref.load %arg3[%swap3A_80, %swap3A_81] : memref<2x32xf32, #tpu.memory_space<smem>>
    memref.store %add3A_79, %arg3[%swap3A_80, %swap3A_81] : memref<2x32xf32, #tpu.memory_space<smem>>
    %eq3A_83 = arith.constant 2 : i32
    %eq3A_84 = vector.broadcast %eq3A_83 : i32 to vector<512x1024xi32>
    %eq3A_85 = arith.cmpi eq, %convert_element_type3A_9, %eq3A_84 : vector<512x1024xi32>
    %convert_element_type3A_86 = arith.extui %eq3A_85 : vector<512x1024xi1> to vector<512x1024xi32>
    %convert_element_type3A_87 = arith.sitofp %convert_element_type3A_86 : vector<512x1024xi32> to vector<512x1024xf32>
    %get3A_88 = arith.constant 0 : index
    %get3A_89 = arith.constant 2 : index
    %get3A_90 = memref.load %arg3[%get3A_88, %get3A_89] : memref<2x32xf32, #tpu.memory_space<smem>>
    %reduce_sum3A_91 = vector.shape_cast %convert_element_type3A_87 : vector<512x1024xf32> to vector<1x512x1024xf32>
    %reduce_sum3A_92 = arith.constant dense<0.000000e+00> : vector<1xf32>
    %reduce_sum3A_93 = vector.multi_reduction <add>, %reduce_sum3A_91, %reduce_sum3A_92 [1, 2] : vector<1x512x1024xf32> to vector<1xf32>
    %reduce_sum3A_94 = vector.shape_cast %reduce_sum3A_93 : vector<1xf32> to vector<1x1x1xf32>
    %reduce_sum3A_95 = vector.extract %reduce_sum3A_94[0, 0, 0] : f32 from vector<1x1x1xf32>
    %add3A_96 = arith.addf %get3A_90, %reduce_sum3A_95 : f32
    %swap3A_97 = arith.constant 0 : index
    %swap3A_98 = arith.constant 2 : index
    %swap3A_99 = memref.load %arg3[%swap3A_97, %swap3A_98] : memref<2x32xf32, #tpu.memory_space<smem>>
    memref.store %add3A_96, %arg3[%swap3A_97, %swap3A_98] : memref<2x32xf32, #tpu.memory_space<smem>>
    %get3A_100 = arith.constant 1 : index
    %get3A_101 = arith.constant 2 : index
    %get3A_102 = memref.load %arg3[%get3A_100, %get3A_101] : memref<2x32xf32, #tpu.memory_space<smem>>
    %mul3A_103 = arith.mulf %convert_element_type3A_87, %neg3A_24 : vector<512x1024xf32>
    %reduce_sum3A_104 = vector.shape_cast %mul3A_103 : vector<512x1024xf32> to vector<1x512x1024xf32>
    %reduce_sum3A_105 = arith.constant dense<0.000000e+00> : vector<1xf32>
    %reduce_sum3A_106 = vector.multi_reduction <add>, %reduce_sum3A_104, %reduce_sum3A_105 [1, 2] : vector<1x512x1024xf32> to vector<1xf32>
    %reduce_sum3A_107 = vector.shape_cast %reduce_sum3A_106 : vector<1xf32> to vector<1x1x1xf32>
    %reduce_sum3A_108 = vector.extract %reduce_sum3A_107[0, 0, 0] : f32 from vector<1x1x1xf32>
    %add3A_109 = arith.addf %get3A_102, %reduce_sum3A_108 : f32
    %swap3A_110 = arith.constant 1 : index
    %swap3A_111 = arith.constant 2 : index
    %swap3A_112 = memref.load %arg3[%swap3A_110, %swap3A_111] : memref<2x32xf32, #tpu.memory_space<smem>>
    memref.store %add3A_109, %arg3[%swap3A_110, %swap3A_111] : memref<2x32xf32, #tpu.memory_space<smem>>
    %eq3A_113 = arith.constant 3 : i32
    %eq3A_114 = vector.broadcast %eq3A_113 : i32 to vector<512x1024xi32>
    %eq3A_115 = arith.cmpi eq, %convert_element_type3A_9, %eq3A_114 : vector<512x1024xi32>
    %convert_element_type3A_116 = arith.extui %eq3A_115 : vector<512x1024xi1> to vector<512x1024xi32>
    %convert_element_type3A_117 = arith.sitofp %convert_element_type3A_116 : vector<512x1024xi32> to vector<512x1024xf32>
    %get3A_118 = arith.constant 0 : index
    %get3A_119 = arith.constant 3 : index
    %get3A_120 = memref.load %arg3[%get3A_118, %get3A_119] : memref<2x32xf32, #tpu.memory_space<smem>>
    %reduce_sum3A_121 = vector.shape_cast %convert_element_type3A_117 : vector<512x1024xf32> to vector<1x512x1024xf32>
    %reduce_sum3A_122 = arith.constant dense<0.000000e+00> : vector<1xf32>
    %reduce_sum3A_123 = vector.multi_reduction <add>, %reduce_sum3A_121, %reduce_sum3A_122 [1, 2] : vector<1x512x1024xf32> to vector<1xf32>
    %reduce_sum3A_124 = vector.shape_cast %reduce_sum3A_123 : vector<1xf32> to vector<1x1x1xf32>
    %reduce_sum3A_125 = vector.extract %reduce_sum3A_124[0, 0, 0] : f32 from vector<1x1x1xf32>
    %add3A_126 = arith.addf %get3A_120, %reduce_sum3A_125 : f32
    %swap3A_127 = arith.constant 0 : index
    %swap3A_128 = arith.constant 3 : index
    %swap3A_129 = memref.load %arg3[%swap3A_127, %swap3A_128] : memref<2x32xf32, #tpu.memory_space<smem>>
    memref.store %add3A_126, %arg3[%swap3A_127, %swap3A_128] : memref<2x32xf32, #tpu.memory_space<smem>>
    %get3A_130 = arith.constant 1 : index
    %get3A_131 = arith.constant 3 : index
    %get3A_132 = memref.load %arg3[%get3A_130, %get3A_131] : memref<2x32xf32, #tpu.memory_space<smem>>
    %mul3A_133 = arith.mulf %convert_element_type3A_117, %neg3A_24 : vector<512x1024xf32>
    %reduce_sum3A_134 = vector.shape_cast %mul3A_133 : vector<512x1024xf32> to vector<1x512x1024xf32>
    %reduce_sum3A_135 = arith.constant dense<0.000000e+00> : vector<1xf32>
    %reduce_sum3A_136 = vector.multi_reduction <add>, %reduce_sum3A_134, %reduce_sum3A_135 [1, 2] : vector<1x512x1024xf32> to vector<1xf32>
    %reduce_sum3A_137 = vector.shape_cast %reduce_sum3A_136 : vector<1xf32> to vector<1x1x1xf32>
    %reduce_sum3A_138 = vector.extract %reduce_sum3A_137[0, 0, 0] : f32 from vector<1x1x1xf32>
    %add3A_139 = arith.addf %get3A_132, %reduce_sum3A_138 : f32
    %swap3A_140 = arith.constant 1 : index
    %swap3A_141 = arith.constant 3 : index
    %swap3A_142 = memref.load %arg3[%swap3A_140, %swap3A_141] : memref<2x32xf32, #tpu.memory_space<smem>>
    memref.store %add3A_139, %arg3[%swap3A_140, %swap3A_141] : memref<2x32xf32, #tpu.memory_space<smem>>
    %eq3A_143 = arith.constant 4 : i32
    %eq3A_144 = vector.broadcast %eq3A_143 : i32 to vector<512x1024xi32>
    %eq3A_145 = arith.cmpi eq, %convert_element_type3A_9, %eq3A_144 : vector<512x1024xi32>
    %convert_element_type3A_146 = arith.extui %eq3A_145 : vector<512x1024xi1> to vector<512x1024xi32>
    %convert_element_type3A_147 = arith.sitofp %convert_element_type3A_146 : vector<512x1024xi32> to vector<512x1024xf32>
    %get3A_148 = arith.constant 0 : index
    %get3A_149 = arith.constant 4 : index
    %get3A_150 = memref.load %arg3[%get3A_148, %get3A_149] : memref<2x32xf32, #tpu.memory_space<smem>>
    %reduce_sum3A_151 = vector.shape_cast %convert_element_type3A_147 : vector<512x1024xf32> to vector<1x512x1024xf32>
    %reduce_sum3A_152 = arith.constant dense<0.000000e+00> : vector<1xf32>
    %reduce_sum3A_153 = vector.multi_reduction <add>, %reduce_sum3A_151, %reduce_sum3A_152 [1, 2] : vector<1x512x1024xf32> to vector<1xf32>
    %reduce_sum3A_154 = vector.shape_cast %reduce_sum3A_153 : vector<1xf32> to vector<1x1x1xf32>
    %reduce_sum3A_155 = vector.extract %reduce_sum3A_154[0, 0, 0] : f32 from vector<1x1x1xf32>
    %add3A_156 = arith.addf %get3A_150, %reduce_sum3A_155 : f32
    %swap3A_157 = arith.constant 0 : index
    %swap3A_158 = arith.constant 4 : index
    %swap3A_159 = memref.load %arg3[%swap3A_157, %swap3A_158] : memref<2x32xf32, #tpu.memory_space<smem>>
    memref.store %add3A_156, %arg3[%swap3A_157, %swap3A_158] : memref<2x32xf32, #tpu.memory_space<smem>>
    %get3A_160 = arith.constant 1 : index
    %get3A_161 = arith.constant 4 : index
    %get3A_162 = memref.load %arg3[%get3A_160, %get3A_161] : memref<2x32xf32, #tpu.memory_space<smem>>
    %mul3A_163 = arith.mulf %convert_element_type3A_147, %neg3A_24 : vector<512x1024xf32>
    %reduce_sum3A_164 = vector.shape_cast %mul3A_163 : vector<512x1024xf32> to vector<1x512x1024xf32>
    %reduce_sum3A_165 = arith.constant dense<0.000000e+00> : vector<1xf32>
    %reduce_sum3A_166 = vector.multi_reduction <add>, %reduce_sum3A_164, %reduce_sum3A_165 [1, 2] : vector<1x512x1024xf32> to vector<1xf32>
    %reduce_sum3A_167 = vector.shape_cast %reduce_sum3A_166 : vector<1xf32> to vector<1x1x1xf32>
    %reduce_sum3A_168 = vector.extract %reduce_sum3A_167[0, 0, 0] : f32 from vector<1x1x1xf32>
    %add3A_169 = arith.addf %get3A_162, %reduce_sum3A_168 : f32
    %swap3A_170 = arith.constant 1 : index
    %swap3A_171 = arith.constant 4 : index
    %swap3A_172 = memref.load %arg3[%swap3A_170, %swap3A_171] : memref<2x32xf32, #tpu.memory_space<smem>>
    memref.store %add3A_169, %arg3[%swap3A_170, %swap3A_171] : memref<2x32xf32, #tpu.memory_space<smem>>
    %eq3A_173 = arith.constant 5 : i32
    %eq3A_174 = vector.broadcast %eq3A_173 : i32 to vector<512x1024xi32>
    %eq3A_175 = arith.cmpi eq, %convert_element_type3A_9, %eq3A_174 : vector<512x1024xi32>
    %convert_element_type3A_176 = arith.extui %eq3A_175 : vector<512x1024xi1> to vector<512x1024xi32>
    %convert_element_type3A_177 = arith.sitofp %convert_element_type3A_176 : vector<512x1024xi32> to vector<512x1024xf32>
    %get3A_178 = arith.constant 0 : index
    %get3A_179 = arith.constant 5 : index
    %get3A_180 = memref.load %arg3[%get3A_178, %get3A_179] : memref<2x32xf32, #tpu.memory_space<smem>>
    %reduce_sum3A_181 = vector.shape_cast %convert_element_type3A_177 : vector<512x1024xf32> to vector<1x512x1024xf32>
    %reduce_sum3A_182 = arith.constant dense<0.000000e+00> : vector<1xf32>
    %reduce_sum3A_183 = vector.multi_reduction <add>, %reduce_sum3A_181, %reduce_sum3A_182 [1, 2] : vector<1x512x1024xf32> to vector<1xf32>
    %reduce_sum3A_184 = vector.shape_cast %reduce_sum3A_183 : vector<1xf32> to vector<1x1x1xf32>
    %reduce_sum3A_185 = vector.extract %reduce_sum3A_184[0, 0, 0] : f32 from vector<1x1x1xf32>
    %add3A_186 = arith.addf %get3A_180, %reduce_sum3A_185 : f32
    %swap3A_187 = arith.constant 0 : index
    %swap3A_188 = arith.constant 5 : index
    %swap3A_189 = memref.load %arg3[%swap3A_187, %swap3A_188] : memref<2x32xf32, #tpu.memory_space<smem>>
    memref.store %add3A_186, %arg3[%swap3A_187, %swap3A_188] : memref<2x32xf32, #tpu.memory_space<smem>>
    %get3A_190 = arith.constant 1 : index
    %get3A_191 = arith.constant 5 : index
    %get3A_192 = memref.load %arg3[%get3A_190, %get3A_191] : memref<2x32xf32, #tpu.memory_space<smem>>
    %mul3A_193 = arith.mulf %convert_element_type3A_177, %neg3A_24 : vector<512x1024xf32>
    %reduce_sum3A_194 = vector.shape_cast %mul3A_193 : vector<512x1024xf32> to vector<1x512x1024xf32>
    %reduce_sum3A_195 = arith.constant dense<0.000000e+00> : vector<1xf32>
    %reduce_sum3A_196 = vector.multi_reduction <add>, %reduce_sum3A_194, %reduce_sum3A_195 [1, 2] : vector<1x512x1024xf32> to vector<1xf32>
    %reduce_sum3A_197 = vector.shape_cast %reduce_sum3A_196 : vector<1xf32> to vector<1x1x1xf32>
    %reduce_sum3A_198 = vector.extract %reduce_sum3A_197[0, 0, 0] : f32 from vector<1x1x1xf32>
    %add3A_199 = arith.addf %get3A_192, %reduce_sum3A_198 : f32
    %swap3A_200 = arith.constant 1 : index
    %swap3A_201 = arith.constant 5 : index
    %swap3A_202 = memref.load %arg3[%swap3A_200, %swap3A_201] : memref<2x32xf32, #tpu.memory_space<smem>>
    memref.store %add3A_199, %arg3[%swap3A_200, %swap3A_201] : memref<2x32xf32, #tpu.memory_space<smem>>
    %eq3A_203 = arith.constant 6 : i32
    %eq3A_204 = vector.broadcast %eq3A_203 : i32 to vector<512x1024xi32>
    %eq3A_205 = arith.cmpi eq, %convert_element_type3A_9, %eq3A_204 : vector<512x1024xi32>
    %convert_element_type3A_206 = arith.extui %eq3A_205 : vector<512x1024xi1> to vector<512x1024xi32>
    %convert_element_type3A_207 = arith.sitofp %convert_element_type3A_206 : vector<512x1024xi32> to vector<512x1024xf32>
    %get3A_208 = arith.constant 0 : index
    %get3A_209 = arith.constant 6 : index
    %get3A_210 = memref.load %arg3[%get3A_208, %get3A_209] : memref<2x32xf32, #tpu.memory_space<smem>>
    %reduce_sum3A_211 = vector.shape_cast %convert_element_type3A_207 : vector<512x1024xf32> to vector<1x512x1024xf32>
    %reduce_sum3A_212 = arith.constant dense<0.000000e+00> : vector<1xf32>
    %reduce_sum3A_213 = vector.multi_reduction <add>, %reduce_sum3A_211, %reduce_sum3A_212 [1, 2] : vector<1x512x1024xf32> to vector<1xf32>
    %reduce_sum3A_214 = vector.shape_cast %reduce_sum3A_213 : vector<1xf32> to vector<1x1x1xf32>
    %reduce_sum3A_215 = vector.extract %reduce_sum3A_214[0, 0, 0] : f32 from vector<1x1x1xf32>
    %add3A_216 = arith.addf %get3A_210, %reduce_sum3A_215 : f32
    %swap3A_217 = arith.constant 0 : index
    %swap3A_218 = arith.constant 6 : index
    %swap3A_219 = memref.load %arg3[%swap3A_217, %swap3A_218] : memref<2x32xf32, #tpu.memory_space<smem>>
    memref.store %add3A_216, %arg3[%swap3A_217, %swap3A_218] : memref<2x32xf32, #tpu.memory_space<smem>>
    %get3A_220 = arith.constant 1 : index
    %get3A_221 = arith.constant 6 : index
    %get3A_222 = memref.load %arg3[%get3A_220, %get3A_221] : memref<2x32xf32, #tpu.memory_space<smem>>
    %mul3A_223 = arith.mulf %convert_element_type3A_207, %neg3A_24 : vector<512x1024xf32>
    %reduce_sum3A_224 = vector.shape_cast %mul3A_223 : vector<512x1024xf32> to vector<1x512x1024xf32>
    %reduce_sum3A_225 = arith.constant dense<0.000000e+00> : vector<1xf32>
    %reduce_sum3A_226 = vector.multi_reduction <add>, %reduce_sum3A_224, %reduce_sum3A_225 [1, 2] : vector<1x512x1024xf32> to vector<1xf32>
    %reduce_sum3A_227 = vector.shape_cast %reduce_sum3A_226 : vector<1xf32> to vector<1x1x1xf32>
    %reduce_sum3A_228 = vector.extract %reduce_sum3A_227[0, 0, 0] : f32 from vector<1x1x1xf32>
    %add3A_229 = arith.addf %get3A_222, %reduce_sum3A_228 : f32
    %swap3A_230 = arith.constant 1 : index
    %swap3A_231 = arith.constant 6 : index
    %swap3A_232 = memref.load %arg3[%swap3A_230, %swap3A_231] : memref<2x32xf32, #tpu.memory_space<smem>>
    memref.store %add3A_229, %arg3[%swap3A_230, %swap3A_231] : memref<2x32xf32, #tpu.memory_space<smem>>
    %eq3A_233 = arith.constant 7 : i32
    %eq3A_234 = vector.broadcast %eq3A_233 : i32 to vector<512x1024xi32>
    %eq3A_235 = arith.cmpi eq, %convert_element_type3A_9, %eq3A_234 : vector<512x1024xi32>
    %convert_element_type3A_236 = arith.extui %eq3A_235 : vector<512x1024xi1> to vector<512x1024xi32>
    %convert_element_type3A_237 = arith.sitofp %convert_element_type3A_236 : vector<512x1024xi32> to vector<512x1024xf32>
    %get3A_238 = arith.constant 0 : index
    %get3A_239 = arith.constant 7 : index
    %get3A_240 = memref.load %arg3[%get3A_238, %get3A_239] : memref<2x32xf32, #tpu.memory_space<smem>>
    %reduce_sum3A_241 = vector.shape_cast %convert_element_type3A_237 : vector<512x1024xf32> to vector<1x512x1024xf32>
    %reduce_sum3A_242 = arith.constant dense<0.000000e+00> : vector<1xf32>
    %reduce_sum3A_243 = vector.multi_reduction <add>, %reduce_sum3A_241, %reduce_sum3A_242 [1, 2] : vector<1x512x1024xf32> to vector<1xf32>
    %reduce_sum3A_244 = vector.shape_cast %reduce_sum3A_243 : vector<1xf32> to vector<1x1x1xf32>
    %reduce_sum3A_245 = vector.extract %reduce_sum3A_244[0, 0, 0] : f32 from vector<1x1x1xf32>
    %add3A_246 = arith.addf %get3A_240, %reduce_sum3A_245 : f32
    %swap3A_247 = arith.constant 0 : index
    %swap3A_248 = arith.constant 7 : index
    %swap3A_249 = memref.load %arg3[%swap3A_247, %swap3A_248] : memref<2x32xf32, #tpu.memory_space<smem>>
    memref.store %add3A_246, %arg3[%swap3A_247, %swap3A_248] : memref<2x32xf32, #tpu.memory_space<smem>>
    %get3A_250 = arith.constant 1 : index
    %get3A_251 = arith.constant 7 : index
    %get3A_252 = memref.load %arg3[%get3A_250, %get3A_251] : memref<2x32xf32, #tpu.memory_space<smem>>
    %mul3A_253 = arith.mulf %convert_element_type3A_237, %neg3A_24 : vector<512x1024xf32>
    %reduce_sum3A_254 = vector.shape_cast %mul3A_253 : vector<512x1024xf32> to vector<1x512x1024xf32>
    %reduce_sum3A_255 = arith.constant dense<0.000000e+00> : vector<1xf32>
    %reduce_sum3A_256 = vector.multi_reduction <add>, %reduce_sum3A_254, %reduce_sum3A_255 [1, 2] : vector<1x512x1024xf32> to vector<1xf32>
    %reduce_sum3A_257 = vector.shape_cast %reduce_sum3A_256 : vector<1xf32> to vector<1x1x1xf32>
    %reduce_sum3A_258 = vector.extract %reduce_sum3A_257[0, 0, 0] : f32 from vector<1x1x1xf32>
    %add3A_259 = arith.addf %get3A_252, %reduce_sum3A_258 : f32
    %swap3A_260 = arith.constant 1 : index
    %swap3A_261 = arith.constant 7 : index
    %swap3A_262 = memref.load %arg3[%swap3A_260, %swap3A_261] : memref<2x32xf32, #tpu.memory_space<smem>>
    memref.store %add3A_259, %arg3[%swap3A_260, %swap3A_261] : memref<2x32xf32, #tpu.memory_space<smem>>
    %eq3A_263 = arith.constant 8 : i32
    %eq3A_264 = vector.broadcast %eq3A_263 : i32 to vector<512x1024xi32>
    %eq3A_265 = arith.cmpi eq, %convert_element_type3A_9, %eq3A_264 : vector<512x1024xi32>
    %convert_element_type3A_266 = arith.extui %eq3A_265 : vector<512x1024xi1> to vector<512x1024xi32>
    %convert_element_type3A_267 = arith.sitofp %convert_element_type3A_266 : vector<512x1024xi32> to vector<512x1024xf32>
    %get3A_268 = arith.constant 0 : index
    %get3A_269 = arith.constant 8 : index
    %get3A_270 = memref.load %arg3[%get3A_268, %get3A_269] : memref<2x32xf32, #tpu.memory_space<smem>>
    %reduce_sum3A_271 = vector.shape_cast %convert_element_type3A_267 : vector<512x1024xf32> to vector<1x512x1024xf32>
    %reduce_sum3A_272 = arith.constant dense<0.000000e+00> : vector<1xf32>
    %reduce_sum3A_273 = vector.multi_reduction <add>, %reduce_sum3A_271, %reduce_sum3A_272 [1, 2] : vector<1x512x1024xf32> to vector<1xf32>
    %reduce_sum3A_274 = vector.shape_cast %reduce_sum3A_273 : vector<1xf32> to vector<1x1x1xf32>
    %reduce_sum3A_275 = vector.extract %reduce_sum3A_274[0, 0, 0] : f32 from vector<1x1x1xf32>
    %add3A_276 = arith.addf %get3A_270, %reduce_sum3A_275 : f32
    %swap3A_277 = arith.constant 0 : index
    %swap3A_278 = arith.constant 8 : index
    %swap3A_279 = memref.load %arg3[%swap3A_277, %swap3A_278] : memref<2x32xf32, #tpu.memory_space<smem>>
    memref.store %add3A_276, %arg3[%swap3A_277, %swap3A_278] : memref<2x32xf32, #tpu.memory_space<smem>>
    %get3A_280 = arith.constant 1 : index
    %get3A_281 = arith.constant 8 : index
    %get3A_282 = memref.load %arg3[%get3A_280, %get3A_281] : memref<2x32xf32, #tpu.memory_space<smem>>
    %mul3A_283 = arith.mulf %convert_element_type3A_267, %neg3A_24 : vector<512x1024xf32>
    %reduce_sum3A_284 = vector.shape_cast %mul3A_283 : vector<512x1024xf32> to vector<1x512x1024xf32>
    %reduce_sum3A_285 = arith.constant dense<0.000000e+00> : vector<1xf32>
    %reduce_sum3A_286 = vector.multi_reduction <add>, %reduce_sum3A_284, %reduce_sum3A_285 [1, 2] : vector<1x512x1024xf32> to vector<1xf32>
    %reduce_sum3A_287 = vector.shape_cast %reduce_sum3A_286 : vector<1xf32> to vector<1x1x1xf32>
    %reduce_sum3A_288 = vector.extract %reduce_sum3A_287[0, 0, 0] : f32 from vector<1x1x1xf32>
    %add3A_289 = arith.addf %get3A_282, %reduce_sum3A_288 : f32
    %swap3A_290 = arith.constant 1 : index
    %swap3A_291 = arith.constant 8 : index
    %swap3A_292 = memref.load %arg3[%swap3A_290, %swap3A_291] : memref<2x32xf32, #tpu.memory_space<smem>>
    memref.store %add3A_289, %arg3[%swap3A_290, %swap3A_291] : memref<2x32xf32, #tpu.memory_space<smem>>
    %eq3A_293 = arith.constant 9 : i32
    %eq3A_294 = vector.broadcast %eq3A_293 : i32 to vector<512x1024xi32>
    %eq3A_295 = arith.cmpi eq, %convert_element_type3A_9, %eq3A_294 : vector<512x1024xi32>
    %convert_element_type3A_296 = arith.extui %eq3A_295 : vector<512x1024xi1> to vector<512x1024xi32>
    %convert_element_type3A_297 = arith.sitofp %convert_element_type3A_296 : vector<512x1024xi32> to vector<512x1024xf32>
    %get3A_298 = arith.constant 0 : index
    %get3A_299 = arith.constant 9 : index
    %get3A_300 = memref.load %arg3[%get3A_298, %get3A_299] : memref<2x32xf32, #tpu.memory_space<smem>>
    %reduce_sum3A_301 = vector.shape_cast %convert_element_type3A_297 : vector<512x1024xf32> to vector<1x512x1024xf32>
    %reduce_sum3A_302 = arith.constant dense<0.000000e+00> : vector<1xf32>
    %reduce_sum3A_303 = vector.multi_reduction <add>, %reduce_sum3A_301, %reduce_sum3A_302 [1, 2] : vector<1x512x1024xf32> to vector<1xf32>
    %reduce_sum3A_304 = vector.shape_cast %reduce_sum3A_303 : vector<1xf32> to vector<1x1x1xf32>
    %reduce_sum3A_305 = vector.extract %reduce_sum3A_304[0, 0, 0] : f32 from vector<1x1x1xf32>
    %add3A_306 = arith.addf %get3A_300, %reduce_sum3A_305 : f32
    %swap3A_307 = arith.constant 0 : index
    %swap3A_308 = arith.constant 9 : index
    %swap3A_309 = memref.load %arg3[%swap3A_307, %swap3A_308] : memref<2x32xf32, #tpu.memory_space<smem>>
    memref.store %add3A_306, %arg3[%swap3A_307, %swap3A_308] : memref<2x32xf32, #tpu.memory_space<smem>>
    %get3A_310 = arith.constant 1 : index
    %get3A_311 = arith.constant 9 : index
    %get3A_312 = memref.load %arg3[%get3A_310, %get3A_311] : memref<2x32xf32, #tpu.memory_space<smem>>
    %mul3A_313 = arith.mulf %convert_element_type3A_297, %neg3A_24 : vector<512x1024xf32>
    %reduce_sum3A_314 = vector.shape_cast %mul3A_313 : vector<512x1024xf32> to vector<1x512x1024xf32>
    %reduce_sum3A_315 = arith.constant dense<0.000000e+00> : vector<1xf32>
    %reduce_sum3A_316 = vector.multi_reduction <add>, %reduce_sum3A_314, %reduce_sum3A_315 [1, 2] : vector<1x512x1024xf32> to vector<1xf32>
    %reduce_sum3A_317 = vector.shape_cast %reduce_sum3A_316 : vector<1xf32> to vector<1x1x1xf32>
    %reduce_sum3A_318 = vector.extract %reduce_sum3A_317[0, 0, 0] : f32 from vector<1x1x1xf32>
    %add3A_319 = arith.addf %get3A_312, %reduce_sum3A_318 : f32
    %swap3A_320 = arith.constant 1 : index
    %swap3A_321 = arith.constant 9 : index
    %swap3A_322 = memref.load %arg3[%swap3A_320, %swap3A_321] : memref<2x32xf32, #tpu.memory_space<smem>>
    memref.store %add3A_319, %arg3[%swap3A_320, %swap3A_321] : memref<2x32xf32, #tpu.memory_space<smem>>
    %eq3A_323 = arith.constant 10 : i32
    %eq3A_324 = vector.broadcast %eq3A_323 : i32 to vector<512x1024xi32>
    %eq3A_325 = arith.cmpi eq, %convert_element_type3A_9, %eq3A_324 : vector<512x1024xi32>
    %convert_element_type3A_326 = arith.extui %eq3A_325 : vector<512x1024xi1> to vector<512x1024xi32>
    %convert_element_type3A_327 = arith.sitofp %convert_element_type3A_326 : vector<512x1024xi32> to vector<512x1024xf32>
    %get3A_328 = arith.constant 0 : index
    %get3A_329 = arith.constant 10 : index
    %get3A_330 = memref.load %arg3[%get3A_328, %get3A_329] : memref<2x32xf32, #tpu.memory_space<smem>>
    %reduce_sum3A_331 = vector.shape_cast %convert_element_type3A_327 : vector<512x1024xf32> to vector<1x512x1024xf32>
    %reduce_sum3A_332 = arith.constant dense<0.000000e+00> : vector<1xf32>
    %reduce_sum3A_333 = vector.multi_reduction <add>, %reduce_sum3A_331, %reduce_sum3A_332 [1, 2] : vector<1x512x1024xf32> to vector<1xf32>
    %reduce_sum3A_334 = vector.shape_cast %reduce_sum3A_333 : vector<1xf32> to vector<1x1x1xf32>
    %reduce_sum3A_335 = vector.extract %reduce_sum3A_334[0, 0, 0] : f32 from vector<1x1x1xf32>
    %add3A_336 = arith.addf %get3A_330, %reduce_sum3A_335 : f32
    %swap3A_337 = arith.constant 0 : index
    %swap3A_338 = arith.constant 10 : index
    %swap3A_339 = memref.load %arg3[%swap3A_337, %swap3A_338] : memref<2x32xf32, #tpu.memory_space<smem>>
    memref.store %add3A_336, %arg3[%swap3A_337, %swap3A_338] : memref<2x32xf32, #tpu.memory_space<smem>>
    %get3A_340 = arith.constant 1 : index
    %get3A_341 = arith.constant 10 : index
    %get3A_342 = memref.load %arg3[%get3A_340, %get3A_341] : memref<2x32xf32, #tpu.memory_space<smem>>
    %mul3A_343 = arith.mulf %convert_element_type3A_327, %neg3A_24 : vector<512x1024xf32>
    %reduce_sum3A_344 = vector.shape_cast %mul3A_343 : vector<512x1024xf32> to vector<1x512x1024xf32>
    %reduce_sum3A_345 = arith.constant dense<0.000000e+00> : vector<1xf32>
    %reduce_sum3A_346 = vector.multi_reduction <add>, %reduce_sum3A_344, %reduce_sum3A_345 [1, 2] : vector<1x512x1024xf32> to vector<1xf32>
    %reduce_sum3A_347 = vector.shape_cast %reduce_sum3A_346 : vector<1xf32> to vector<1x1x1xf32>
    %reduce_sum3A_348 = vector.extract %reduce_sum3A_347[0, 0, 0] : f32 from vector<1x1x1xf32>
    %add3A_349 = arith.addf %get3A_342, %reduce_sum3A_348 : f32
    %swap3A_350 = arith.constant 1 : index
    %swap3A_351 = arith.constant 10 : index
    %swap3A_352 = memref.load %arg3[%swap3A_350, %swap3A_351] : memref<2x32xf32, #tpu.memory_space<smem>>
    memref.store %add3A_349, %arg3[%swap3A_350, %swap3A_351] : memref<2x32xf32, #tpu.memory_space<smem>>
    %eq3A_353 = arith.constant 11 : i32
    %eq3A_354 = vector.broadcast %eq3A_353 : i32 to vector<512x1024xi32>
    %eq3A_355 = arith.cmpi eq, %convert_element_type3A_9, %eq3A_354 : vector<512x1024xi32>
    %convert_element_type3A_356 = arith.extui %eq3A_355 : vector<512x1024xi1> to vector<512x1024xi32>
    %convert_element_type3A_357 = arith.sitofp %convert_element_type3A_356 : vector<512x1024xi32> to vector<512x1024xf32>
    %get3A_358 = arith.constant 0 : index
    %get3A_359 = arith.constant 11 : index
    %get3A_360 = memref.load %arg3[%get3A_358, %get3A_359] : memref<2x32xf32, #tpu.memory_space<smem>>
    %reduce_sum3A_361 = vector.shape_cast %convert_element_type3A_357 : vector<512x1024xf32> to vector<1x512x1024xf32>
    %reduce_sum3A_362 = arith.constant dense<0.000000e+00> : vector<1xf32>
    %reduce_sum3A_363 = vector.multi_reduction <add>, %reduce_sum3A_361, %reduce_sum3A_362 [1, 2] : vector<1x512x1024xf32> to vector<1xf32>
    %reduce_sum3A_364 = vector.shape_cast %reduce_sum3A_363 : vector<1xf32> to vector<1x1x1xf32>
    %reduce_sum3A_365 = vector.extract %reduce_sum3A_364[0, 0, 0] : f32 from vector<1x1x1xf32>
    %add3A_366 = arith.addf %get3A_360, %reduce_sum3A_365 : f32
    %swap3A_367 = arith.constant 0 : index
    %swap3A_368 = arith.constant 11 : index
    %swap3A_369 = memref.load %arg3[%swap3A_367, %swap3A_368] : memref<2x32xf32, #tpu.memory_space<smem>>
    memref.store %add3A_366, %arg3[%swap3A_367, %swap3A_368] : memref<2x32xf32, #tpu.memory_space<smem>>
    %get3A_370 = arith.constant 1 : index
    %get3A_371 = arith.constant 11 : index
    %get3A_372 = memref.load %arg3[%get3A_370, %get3A_371] : memref<2x32xf32, #tpu.memory_space<smem>>
    %mul3A_373 = arith.mulf %convert_element_type3A_357, %neg3A_24 : vector<512x1024xf32>
    %reduce_sum3A_374 = vector.shape_cast %mul3A_373 : vector<512x1024xf32> to vector<1x512x1024xf32>
    %reduce_sum3A_375 = arith.constant dense<0.000000e+00> : vector<1xf32>
    %reduce_sum3A_376 = vector.multi_reduction <add>, %reduce_sum3A_374, %reduce_sum3A_375 [1, 2] : vector<1x512x1024xf32> to vector<1xf32>
    %reduce_sum3A_377 = vector.shape_cast %reduce_sum3A_376 : vector<1xf32> to vector<1x1x1xf32>
    %reduce_sum3A_378 = vector.extract %reduce_sum3A_377[0, 0, 0] : f32 from vector<1x1x1xf32>
    %add3A_379 = arith.addf %get3A_372, %reduce_sum3A_378 : f32
    %swap3A_380 = arith.constant 1 : index
    %swap3A_381 = arith.constant 11 : index
    %swap3A_382 = memref.load %arg3[%swap3A_380, %swap3A_381] : memref<2x32xf32, #tpu.memory_space<smem>>
    memref.store %add3A_379, %arg3[%swap3A_380, %swap3A_381] : memref<2x32xf32, #tpu.memory_space<smem>>
    %eq3A_383 = arith.constant 12 : i32
    %eq3A_384 = vector.broadcast %eq3A_383 : i32 to vector<512x1024xi32>
    %eq3A_385 = arith.cmpi eq, %convert_element_type3A_9, %eq3A_384 : vector<512x1024xi32>
    %convert_element_type3A_386 = arith.extui %eq3A_385 : vector<512x1024xi1> to vector<512x1024xi32>
    %convert_element_type3A_387 = arith.sitofp %convert_element_type3A_386 : vector<512x1024xi32> to vector<512x1024xf32>
    %get3A_388 = arith.constant 0 : index
    %get3A_389 = arith.constant 12 : index
    %get3A_390 = memref.load %arg3[%get3A_388, %get3A_389] : memref<2x32xf32, #tpu.memory_space<smem>>
    %reduce_sum3A_391 = vector.shape_cast %convert_element_type3A_387 : vector<512x1024xf32> to vector<1x512x1024xf32>
    %reduce_sum3A_392 = arith.constant dense<0.000000e+00> : vector<1xf32>
    %reduce_sum3A_393 = vector.multi_reduction <add>, %reduce_sum3A_391, %reduce_sum3A_392 [1, 2] : vector<1x512x1024xf32> to vector<1xf32>
    %reduce_sum3A_394 = vector.shape_cast %reduce_sum3A_393 : vector<1xf32> to vector<1x1x1xf32>
    %reduce_sum3A_395 = vector.extract %reduce_sum3A_394[0, 0, 0] : f32 from vector<1x1x1xf32>
    %add3A_396 = arith.addf %get3A_390, %reduce_sum3A_395 : f32
    %swap3A_397 = arith.constant 0 : index
    %swap3A_398 = arith.constant 12 : index
    %swap3A_399 = memref.load %arg3[%swap3A_397, %swap3A_398] : memref<2x32xf32, #tpu.memory_space<smem>>
    memref.store %add3A_396, %arg3[%swap3A_397, %swap3A_398] : memref<2x32xf32, #tpu.memory_space<smem>>
    %get3A_400 = arith.constant 1 : index
    %get3A_401 = arith.constant 12 : index
    %get3A_402 = memref.load %arg3[%get3A_400, %get3A_401] : memref<2x32xf32, #tpu.memory_space<smem>>
    %mul3A_403 = arith.mulf %convert_element_type3A_387, %neg3A_24 : vector<512x1024xf32>
    %reduce_sum3A_404 = vector.shape_cast %mul3A_403 : vector<512x1024xf32> to vector<1x512x1024xf32>
    %reduce_sum3A_405 = arith.constant dense<0.000000e+00> : vector<1xf32>
    %reduce_sum3A_406 = vector.multi_reduction <add>, %reduce_sum3A_404, %reduce_sum3A_405 [1, 2] : vector<1x512x1024xf32> to vector<1xf32>
    %reduce_sum3A_407 = vector.shape_cast %reduce_sum3A_406 : vector<1xf32> to vector<1x1x1xf32>
    %reduce_sum3A_408 = vector.extract %reduce_sum3A_407[0, 0, 0] : f32 from vector<1x1x1xf32>
    %add3A_409 = arith.addf %get3A_402, %reduce_sum3A_408 : f32
    %swap3A_410 = arith.constant 1 : index
    %swap3A_411 = arith.constant 12 : index
    %swap3A_412 = memref.load %arg3[%swap3A_410, %swap3A_411] : memref<2x32xf32, #tpu.memory_space<smem>>
    memref.store %add3A_409, %arg3[%swap3A_410, %swap3A_411] : memref<2x32xf32, #tpu.memory_space<smem>>
    %eq3A_413 = arith.constant 13 : i32
    %eq3A_414 = vector.broadcast %eq3A_413 : i32 to vector<512x1024xi32>
    %eq3A_415 = arith.cmpi eq, %convert_element_type3A_9, %eq3A_414 : vector<512x1024xi32>
    %convert_element_type3A_416 = arith.extui %eq3A_415 : vector<512x1024xi1> to vector<512x1024xi32>
    %convert_element_type3A_417 = arith.sitofp %convert_element_type3A_416 : vector<512x1024xi32> to vector<512x1024xf32>
    %get3A_418 = arith.constant 0 : index
    %get3A_419 = arith.constant 13 : index
    %get3A_420 = memref.load %arg3[%get3A_418, %get3A_419] : memref<2x32xf32, #tpu.memory_space<smem>>
    %reduce_sum3A_421 = vector.shape_cast %convert_element_type3A_417 : vector<512x1024xf32> to vector<1x512x1024xf32>
    %reduce_sum3A_422 = arith.constant dense<0.000000e+00> : vector<1xf32>
    %reduce_sum3A_423 = vector.multi_reduction <add>, %reduce_sum3A_421, %reduce_sum3A_422 [1, 2] : vector<1x512x1024xf32> to vector<1xf32>
    %reduce_sum3A_424 = vector.shape_cast %reduce_sum3A_423 : vector<1xf32> to vector<1x1x1xf32>
    %reduce_sum3A_425 = vector.extract %reduce_sum3A_424[0, 0, 0] : f32 from vector<1x1x1xf32>
    %add3A_426 = arith.addf %get3A_420, %reduce_sum3A_425 : f32
    %swap3A_427 = arith.constant 0 : index
    %swap3A_428 = arith.constant 13 : index
    %swap3A_429 = memref.load %arg3[%swap3A_427, %swap3A_428] : memref<2x32xf32, #tpu.memory_space<smem>>
    memref.store %add3A_426, %arg3[%swap3A_427, %swap3A_428] : memref<2x32xf32, #tpu.memory_space<smem>>
    %get3A_430 = arith.constant 1 : index
    %get3A_431 = arith.constant 13 : index
    %get3A_432 = memref.load %arg3[%get3A_430, %get3A_431] : memref<2x32xf32, #tpu.memory_space<smem>>
    %mul3A_433 = arith.mulf %convert_element_type3A_417, %neg3A_24 : vector<512x1024xf32>
    %reduce_sum3A_434 = vector.shape_cast %mul3A_433 : vector<512x1024xf32> to vector<1x512x1024xf32>
    %reduce_sum3A_435 = arith.constant dense<0.000000e+00> : vector<1xf32>
    %reduce_sum3A_436 = vector.multi_reduction <add>, %reduce_sum3A_434, %reduce_sum3A_435 [1, 2] : vector<1x512x1024xf32> to vector<1xf32>
    %reduce_sum3A_437 = vector.shape_cast %reduce_sum3A_436 : vector<1xf32> to vector<1x1x1xf32>
    %reduce_sum3A_438 = vector.extract %reduce_sum3A_437[0, 0, 0] : f32 from vector<1x1x1xf32>
    %add3A_439 = arith.addf %get3A_432, %reduce_sum3A_438 : f32
    %swap3A_440 = arith.constant 1 : index
    %swap3A_441 = arith.constant 13 : index
    %swap3A_442 = memref.load %arg3[%swap3A_440, %swap3A_441] : memref<2x32xf32, #tpu.memory_space<smem>>
    memref.store %add3A_439, %arg3[%swap3A_440, %swap3A_441] : memref<2x32xf32, #tpu.memory_space<smem>>
    %eq3A_443 = arith.constant 14 : i32
    %eq3A_444 = vector.broadcast %eq3A_443 : i32 to vector<512x1024xi32>
    %eq3A_445 = arith.cmpi eq, %convert_element_type3A_9, %eq3A_444 : vector<512x1024xi32>
    %convert_element_type3A_446 = arith.extui %eq3A_445 : vector<512x1024xi1> to vector<512x1024xi32>
    %convert_element_type3A_447 = arith.sitofp %convert_element_type3A_446 : vector<512x1024xi32> to vector<512x1024xf32>
    %get3A_448 = arith.constant 0 : index
    %get3A_449 = arith.constant 14 : index
    %get3A_450 = memref.load %arg3[%get3A_448, %get3A_449] : memref<2x32xf32, #tpu.memory_space<smem>>
    %reduce_sum3A_451 = vector.shape_cast %convert_element_type3A_447 : vector<512x1024xf32> to vector<1x512x1024xf32>
    %reduce_sum3A_452 = arith.constant dense<0.000000e+00> : vector<1xf32>
    %reduce_sum3A_453 = vector.multi_reduction <add>, %reduce_sum3A_451, %reduce_sum3A_452 [1, 2] : vector<1x512x1024xf32> to vector<1xf32>
    %reduce_sum3A_454 = vector.shape_cast %reduce_sum3A_453 : vector<1xf32> to vector<1x1x1xf32>
    %reduce_sum3A_455 = vector.extract %reduce_sum3A_454[0, 0, 0] : f32 from vector<1x1x1xf32>
    %add3A_456 = arith.addf %get3A_450, %reduce_sum3A_455 : f32
    %swap3A_457 = arith.constant 0 : index
    %swap3A_458 = arith.constant 14 : index
    %swap3A_459 = memref.load %arg3[%swap3A_457, %swap3A_458] : memref<2x32xf32, #tpu.memory_space<smem>>
    memref.store %add3A_456, %arg3[%swap3A_457, %swap3A_458] : memref<2x32xf32, #tpu.memory_space<smem>>
    %get3A_460 = arith.constant 1 : index
    %get3A_461 = arith.constant 14 : index
    %get3A_462 = memref.load %arg3[%get3A_460, %get3A_461] : memref<2x32xf32, #tpu.memory_space<smem>>
    %mul3A_463 = arith.mulf %convert_element_type3A_447, %neg3A_24 : vector<512x1024xf32>
    %reduce_sum3A_464 = vector.shape_cast %mul3A_463 : vector<512x1024xf32> to vector<1x512x1024xf32>
    %reduce_sum3A_465 = arith.constant dense<0.000000e+00> : vector<1xf32>
    %reduce_sum3A_466 = vector.multi_reduction <add>, %reduce_sum3A_464, %reduce_sum3A_465 [1, 2] : vector<1x512x1024xf32> to vector<1xf32>
    %reduce_sum3A_467 = vector.shape_cast %reduce_sum3A_466 : vector<1xf32> to vector<1x1x1xf32>
    %reduce_sum3A_468 = vector.extract %reduce_sum3A_467[0, 0, 0] : f32 from vector<1x1x1xf32>
    %add3A_469 = arith.addf %get3A_462, %reduce_sum3A_468 : f32
    %swap3A_470 = arith.constant 1 : index
    %swap3A_471 = arith.constant 14 : index
    %swap3A_472 = memref.load %arg3[%swap3A_470, %swap3A_471] : memref<2x32xf32, #tpu.memory_space<smem>>
    memref.store %add3A_469, %arg3[%swap3A_470, %swap3A_471] : memref<2x32xf32, #tpu.memory_space<smem>>
    %eq3A_473 = arith.constant 15 : i32
    %eq3A_474 = vector.broadcast %eq3A_473 : i32 to vector<512x1024xi32>
    %eq3A_475 = arith.cmpi eq, %convert_element_type3A_9, %eq3A_474 : vector<512x1024xi32>
    %convert_element_type3A_476 = arith.extui %eq3A_475 : vector<512x1024xi1> to vector<512x1024xi32>
    %convert_element_type3A_477 = arith.sitofp %convert_element_type3A_476 : vector<512x1024xi32> to vector<512x1024xf32>
    %get3A_478 = arith.constant 0 : index
    %get3A_479 = arith.constant 15 : index
    %get3A_480 = memref.load %arg3[%get3A_478, %get3A_479] : memref<2x32xf32, #tpu.memory_space<smem>>
    %reduce_sum3A_481 = vector.shape_cast %convert_element_type3A_477 : vector<512x1024xf32> to vector<1x512x1024xf32>
    %reduce_sum3A_482 = arith.constant dense<0.000000e+00> : vector<1xf32>
    %reduce_sum3A_483 = vector.multi_reduction <add>, %reduce_sum3A_481, %reduce_sum3A_482 [1, 2] : vector<1x512x1024xf32> to vector<1xf32>
    %reduce_sum3A_484 = vector.shape_cast %reduce_sum3A_483 : vector<1xf32> to vector<1x1x1xf32>
    %reduce_sum3A_485 = vector.extract %reduce_sum3A_484[0, 0, 0] : f32 from vector<1x1x1xf32>
    %add3A_486 = arith.addf %get3A_480, %reduce_sum3A_485 : f32
    %swap3A_487 = arith.constant 0 : index
    %swap3A_488 = arith.constant 15 : index
    %swap3A_489 = memref.load %arg3[%swap3A_487, %swap3A_488] : memref<2x32xf32, #tpu.memory_space<smem>>
    memref.store %add3A_486, %arg3[%swap3A_487, %swap3A_488] : memref<2x32xf32, #tpu.memory_space<smem>>
    %get3A_490 = arith.constant 1 : index
    %get3A_491 = arith.constant 15 : index
    %get3A_492 = memref.load %arg3[%get3A_490, %get3A_491] : memref<2x32xf32, #tpu.memory_space<smem>>
    %mul3A_493 = arith.mulf %convert_element_type3A_477, %neg3A_24 : vector<512x1024xf32>
    %reduce_sum3A_494 = vector.shape_cast %mul3A_493 : vector<512x1024xf32> to vector<1x512x1024xf32>
    %reduce_sum3A_495 = arith.constant dense<0.000000e+00> : vector<1xf32>
    %reduce_sum3A_496 = vector.multi_reduction <add>, %reduce_sum3A_494, %reduce_sum3A_495 [1, 2] : vector<1x512x1024xf32> to vector<1xf32>
    %reduce_sum3A_497 = vector.shape_cast %reduce_sum3A_496 : vector<1xf32> to vector<1x1x1xf32>
    %reduce_sum3A_498 = vector.extract %reduce_sum3A_497[0, 0, 0] : f32 from vector<1x1x1xf32>
    %add3A_499 = arith.addf %get3A_492, %reduce_sum3A_498 : f32
    %swap3A_500 = arith.constant 1 : index
    %swap3A_501 = arith.constant 15 : index
    %swap3A_502 = memref.load %arg3[%swap3A_500, %swap3A_501] : memref<2x32xf32, #tpu.memory_space<smem>>
    memref.store %add3A_499, %arg3[%swap3A_500, %swap3A_501] : memref<2x32xf32, #tpu.memory_space<smem>>
    %eq3A_503 = arith.constant 16 : i32
    %eq3A_504 = vector.broadcast %eq3A_503 : i32 to vector<512x1024xi32>
    %eq3A_505 = arith.cmpi eq, %convert_element_type3A_9, %eq3A_504 : vector<512x1024xi32>
    %convert_element_type3A_506 = arith.extui %eq3A_505 : vector<512x1024xi1> to vector<512x1024xi32>
    %convert_element_type3A_507 = arith.sitofp %convert_element_type3A_506 : vector<512x1024xi32> to vector<512x1024xf32>
    %get3A_508 = arith.constant 0 : index
    %get3A_509 = arith.constant 16 : index
    %get3A_510 = memref.load %arg3[%get3A_508, %get3A_509] : memref<2x32xf32, #tpu.memory_space<smem>>
    %reduce_sum3A_511 = vector.shape_cast %convert_element_type3A_507 : vector<512x1024xf32> to vector<1x512x1024xf32>
    %reduce_sum3A_512 = arith.constant dense<0.000000e+00> : vector<1xf32>
    %reduce_sum3A_513 = vector.multi_reduction <add>, %reduce_sum3A_511, %reduce_sum3A_512 [1, 2] : vector<1x512x1024xf32> to vector<1xf32>
    %reduce_sum3A_514 = vector.shape_cast %reduce_sum3A_513 : vector<1xf32> to vector<1x1x1xf32>
    %reduce_sum3A_515 = vector.extract %reduce_sum3A_514[0, 0, 0] : f32 from vector<1x1x1xf32>
    %add3A_516 = arith.addf %get3A_510, %reduce_sum3A_515 : f32
    %swap3A_517 = arith.constant 0 : index
    %swap3A_518 = arith.constant 16 : index
    %swap3A_519 = memref.load %arg3[%swap3A_517, %swap3A_518] : memref<2x32xf32, #tpu.memory_space<smem>>
    memref.store %add3A_516, %arg3[%swap3A_517, %swap3A_518] : memref<2x32xf32, #tpu.memory_space<smem>>
    %get3A_520 = arith.constant 1 : index
    %get3A_521 = arith.constant 16 : index
    %get3A_522 = memref.load %arg3[%get3A_520, %get3A_521] : memref<2x32xf32, #tpu.memory_space<smem>>
    %mul3A_523 = arith.mulf %convert_element_type3A_507, %neg3A_24 : vector<512x1024xf32>
    %reduce_sum3A_524 = vector.shape_cast %mul3A_523 : vector<512x1024xf32> to vector<1x512x1024xf32>
    %reduce_sum3A_525 = arith.constant dense<0.000000e+00> : vector<1xf32>
    %reduce_sum3A_526 = vector.multi_reduction <add>, %reduce_sum3A_524, %reduce_sum3A_525 [1, 2] : vector<1x512x1024xf32> to vector<1xf32>
    %reduce_sum3A_527 = vector.shape_cast %reduce_sum3A_526 : vector<1xf32> to vector<1x1x1xf32>
    %reduce_sum3A_528 = vector.extract %reduce_sum3A_527[0, 0, 0] : f32 from vector<1x1x1xf32>
    %add3A_529 = arith.addf %get3A_522, %reduce_sum3A_528 : f32
    %swap3A_530 = arith.constant 1 : index
    %swap3A_531 = arith.constant 16 : index
    %swap3A_532 = memref.load %arg3[%swap3A_530, %swap3A_531] : memref<2x32xf32, #tpu.memory_space<smem>>
    memref.store %add3A_529, %arg3[%swap3A_530, %swap3A_531] : memref<2x32xf32, #tpu.memory_space<smem>>
    %eq3A_533 = arith.constant 17 : i32
    %eq3A_534 = vector.broadcast %eq3A_533 : i32 to vector<512x1024xi32>
    %eq3A_535 = arith.cmpi eq, %convert_element_type3A_9, %eq3A_534 : vector<512x1024xi32>
    %convert_element_type3A_536 = arith.extui %eq3A_535 : vector<512x1024xi1> to vector<512x1024xi32>
    %convert_element_type3A_537 = arith.sitofp %convert_element_type3A_536 : vector<512x1024xi32> to vector<512x1024xf32>
    %get3A_538 = arith.constant 0 : index
    %get3A_539 = arith.constant 17 : index
    %get3A_540 = memref.load %arg3[%get3A_538, %get3A_539] : memref<2x32xf32, #tpu.memory_space<smem>>
    %reduce_sum3A_541 = vector.shape_cast %convert_element_type3A_537 : vector<512x1024xf32> to vector<1x512x1024xf32>
    %reduce_sum3A_542 = arith.constant dense<0.000000e+00> : vector<1xf32>
    %reduce_sum3A_543 = vector.multi_reduction <add>, %reduce_sum3A_541, %reduce_sum3A_542 [1, 2] : vector<1x512x1024xf32> to vector<1xf32>
    %reduce_sum3A_544 = vector.shape_cast %reduce_sum3A_543 : vector<1xf32> to vector<1x1x1xf32>
    %reduce_sum3A_545 = vector.extract %reduce_sum3A_544[0, 0, 0] : f32 from vector<1x1x1xf32>
    %add3A_546 = arith.addf %get3A_540, %reduce_sum3A_545 : f32
    %swap3A_547 = arith.constant 0 : index
    %swap3A_548 = arith.constant 17 : index
    %swap3A_549 = memref.load %arg3[%swap3A_547, %swap3A_548] : memref<2x32xf32, #tpu.memory_space<smem>>
    memref.store %add3A_546, %arg3[%swap3A_547, %swap3A_548] : memref<2x32xf32, #tpu.memory_space<smem>>
    %get3A_550 = arith.constant 1 : index
    %get3A_551 = arith.constant 17 : index
    %get3A_552 = memref.load %arg3[%get3A_550, %get3A_551] : memref<2x32xf32, #tpu.memory_space<smem>>
    %mul3A_553 = arith.mulf %convert_element_type3A_537, %neg3A_24 : vector<512x1024xf32>
    %reduce_sum3A_554 = vector.shape_cast %mul3A_553 : vector<512x1024xf32> to vector<1x512x1024xf32>
    %reduce_sum3A_555 = arith.constant dense<0.000000e+00> : vector<1xf32>
    %reduce_sum3A_556 = vector.multi_reduction <add>, %reduce_sum3A_554, %reduce_sum3A_555 [1, 2] : vector<1x512x1024xf32> to vector<1xf32>
    %reduce_sum3A_557 = vector.shape_cast %reduce_sum3A_556 : vector<1xf32> to vector<1x1x1xf32>
    %reduce_sum3A_558 = vector.extract %reduce_sum3A_557[0, 0, 0] : f32 from vector<1x1x1xf32>
    %add3A_559 = arith.addf %get3A_552, %reduce_sum3A_558 : f32
    %swap3A_560 = arith.constant 1 : index
    %swap3A_561 = arith.constant 17 : index
    %swap3A_562 = memref.load %arg3[%swap3A_560, %swap3A_561] : memref<2x32xf32, #tpu.memory_space<smem>>
    memref.store %add3A_559, %arg3[%swap3A_560, %swap3A_561] : memref<2x32xf32, #tpu.memory_space<smem>>
    %eq3A_563 = arith.constant 18 : i32
    %eq3A_564 = vector.broadcast %eq3A_563 : i32 to vector<512x1024xi32>
    %eq3A_565 = arith.cmpi eq, %convert_element_type3A_9, %eq3A_564 : vector<512x1024xi32>
    %convert_element_type3A_566 = arith.extui %eq3A_565 : vector<512x1024xi1> to vector<512x1024xi32>
    %convert_element_type3A_567 = arith.sitofp %convert_element_type3A_566 : vector<512x1024xi32> to vector<512x1024xf32>
    %get3A_568 = arith.constant 0 : index
    %get3A_569 = arith.constant 18 : index
    %get3A_570 = memref.load %arg3[%get3A_568, %get3A_569] : memref<2x32xf32, #tpu.memory_space<smem>>
    %reduce_sum3A_571 = vector.shape_cast %convert_element_type3A_567 : vector<512x1024xf32> to vector<1x512x1024xf32>
    %reduce_sum3A_572 = arith.constant dense<0.000000e+00> : vector<1xf32>
    %reduce_sum3A_573 = vector.multi_reduction <add>, %reduce_sum3A_571, %reduce_sum3A_572 [1, 2] : vector<1x512x1024xf32> to vector<1xf32>
    %reduce_sum3A_574 = vector.shape_cast %reduce_sum3A_573 : vector<1xf32> to vector<1x1x1xf32>
    %reduce_sum3A_575 = vector.extract %reduce_sum3A_574[0, 0, 0] : f32 from vector<1x1x1xf32>
    %add3A_576 = arith.addf %get3A_570, %reduce_sum3A_575 : f32
    %swap3A_577 = arith.constant 0 : index
    %swap3A_578 = arith.constant 18 : index
    %swap3A_579 = memref.load %arg3[%swap3A_577, %swap3A_578] : memref<2x32xf32, #tpu.memory_space<smem>>
    memref.store %add3A_576, %arg3[%swap3A_577, %swap3A_578] : memref<2x32xf32, #tpu.memory_space<smem>>
    %get3A_580 = arith.constant 1 : index
    %get3A_581 = arith.constant 18 : index
    %get3A_582 = memref.load %arg3[%get3A_580, %get3A_581] : memref<2x32xf32, #tpu.memory_space<smem>>
    %mul3A_583 = arith.mulf %convert_element_type3A_567, %neg3A_24 : vector<512x1024xf32>
    %reduce_sum3A_584 = vector.shape_cast %mul3A_583 : vector<512x1024xf32> to vector<1x512x1024xf32>
    %reduce_sum3A_585 = arith.constant dense<0.000000e+00> : vector<1xf32>
    %reduce_sum3A_586 = vector.multi_reduction <add>, %reduce_sum3A_584, %reduce_sum3A_585 [1, 2] : vector<1x512x1024xf32> to vector<1xf32>
    %reduce_sum3A_587 = vector.shape_cast %reduce_sum3A_586 : vector<1xf32> to vector<1x1x1xf32>
    %reduce_sum3A_588 = vector.extract %reduce_sum3A_587[0, 0, 0] : f32 from vector<1x1x1xf32>
    %add3A_589 = arith.addf %get3A_582, %reduce_sum3A_588 : f32
    %swap3A_590 = arith.constant 1 : index
    %swap3A_591 = arith.constant 18 : index
    %swap3A_592 = memref.load %arg3[%swap3A_590, %swap3A_591] : memref<2x32xf32, #tpu.memory_space<smem>>
    memref.store %add3A_589, %arg3[%swap3A_590, %swap3A_591] : memref<2x32xf32, #tpu.memory_space<smem>>
    %eq3A_593 = arith.constant 19 : i32
    %eq3A_594 = vector.broadcast %eq3A_593 : i32 to vector<512x1024xi32>
    %eq3A_595 = arith.cmpi eq, %convert_element_type3A_9, %eq3A_594 : vector<512x1024xi32>
    %convert_element_type3A_596 = arith.extui %eq3A_595 : vector<512x1024xi1> to vector<512x1024xi32>
    %convert_element_type3A_597 = arith.sitofp %convert_element_type3A_596 : vector<512x1024xi32> to vector<512x1024xf32>
    %get3A_598 = arith.constant 0 : index
    %get3A_599 = arith.constant 19 : index
    %get3A_600 = memref.load %arg3[%get3A_598, %get3A_599] : memref<2x32xf32, #tpu.memory_space<smem>>
    %reduce_sum3A_601 = vector.shape_cast %convert_element_type3A_597 : vector<512x1024xf32> to vector<1x512x1024xf32>
    %reduce_sum3A_602 = arith.constant dense<0.000000e+00> : vector<1xf32>
    %reduce_sum3A_603 = vector.multi_reduction <add>, %reduce_sum3A_601, %reduce_sum3A_602 [1, 2] : vector<1x512x1024xf32> to vector<1xf32>
    %reduce_sum3A_604 = vector.shape_cast %reduce_sum3A_603 : vector<1xf32> to vector<1x1x1xf32>
    %reduce_sum3A_605 = vector.extract %reduce_sum3A_604[0, 0, 0] : f32 from vector<1x1x1xf32>
    %add3A_606 = arith.addf %get3A_600, %reduce_sum3A_605 : f32
    %swap3A_607 = arith.constant 0 : index
    %swap3A_608 = arith.constant 19 : index
    %swap3A_609 = memref.load %arg3[%swap3A_607, %swap3A_608] : memref<2x32xf32, #tpu.memory_space<smem>>
    memref.store %add3A_606, %arg3[%swap3A_607, %swap3A_608] : memref<2x32xf32, #tpu.memory_space<smem>>
    %get3A_610 = arith.constant 1 : index
    %get3A_611 = arith.constant 19 : index
    %get3A_612 = memref.load %arg3[%get3A_610, %get3A_611] : memref<2x32xf32, #tpu.memory_space<smem>>
    %mul3A_613 = arith.mulf %convert_element_type3A_597, %neg3A_24 : vector<512x1024xf32>
    %reduce_sum3A_614 = vector.shape_cast %mul3A_613 : vector<512x1024xf32> to vector<1x512x1024xf32>
    %reduce_sum3A_615 = arith.constant dense<0.000000e+00> : vector<1xf32>
    %reduce_sum3A_616 = vector.multi_reduction <add>, %reduce_sum3A_614, %reduce_sum3A_615 [1, 2] : vector<1x512x1024xf32> to vector<1xf32>
    %reduce_sum3A_617 = vector.shape_cast %reduce_sum3A_616 : vector<1xf32> to vector<1x1x1xf32>
    %reduce_sum3A_618 = vector.extract %reduce_sum3A_617[0, 0, 0] : f32 from vector<1x1x1xf32>
    %add3A_619 = arith.addf %get3A_612, %reduce_sum3A_618 : f32
    %swap3A_620 = arith.constant 1 : index
    %swap3A_621 = arith.constant 19 : index
    %swap3A_622 = memref.load %arg3[%swap3A_620, %swap3A_621] : memref<2x32xf32, #tpu.memory_space<smem>>
    memref.store %add3A_619, %arg3[%swap3A_620, %swap3A_621] : memref<2x32xf32, #tpu.memory_space<smem>>
    %eq3A_623 = arith.constant 20 : i32
    %eq3A_624 = vector.broadcast %eq3A_623 : i32 to vector<512x1024xi32>
    %eq3A_625 = arith.cmpi eq, %convert_element_type3A_9, %eq3A_624 : vector<512x1024xi32>
    %convert_element_type3A_626 = arith.extui %eq3A_625 : vector<512x1024xi1> to vector<512x1024xi32>
    %convert_element_type3A_627 = arith.sitofp %convert_element_type3A_626 : vector<512x1024xi32> to vector<512x1024xf32>
    %get3A_628 = arith.constant 0 : index
    %get3A_629 = arith.constant 20 : index
    %get3A_630 = memref.load %arg3[%get3A_628, %get3A_629] : memref<2x32xf32, #tpu.memory_space<smem>>
    %reduce_sum3A_631 = vector.shape_cast %convert_element_type3A_627 : vector<512x1024xf32> to vector<1x512x1024xf32>
    %reduce_sum3A_632 = arith.constant dense<0.000000e+00> : vector<1xf32>
    %reduce_sum3A_633 = vector.multi_reduction <add>, %reduce_sum3A_631, %reduce_sum3A_632 [1, 2] : vector<1x512x1024xf32> to vector<1xf32>
    %reduce_sum3A_634 = vector.shape_cast %reduce_sum3A_633 : vector<1xf32> to vector<1x1x1xf32>
    %reduce_sum3A_635 = vector.extract %reduce_sum3A_634[0, 0, 0] : f32 from vector<1x1x1xf32>
    %add3A_636 = arith.addf %get3A_630, %reduce_sum3A_635 : f32
    %swap3A_637 = arith.constant 0 : index
    %swap3A_638 = arith.constant 20 : index
    %swap3A_639 = memref.load %arg3[%swap3A_637, %swap3A_638] : memref<2x32xf32, #tpu.memory_space<smem>>
    memref.store %add3A_636, %arg3[%swap3A_637, %swap3A_638] : memref<2x32xf32, #tpu.memory_space<smem>>
    %get3A_640 = arith.constant 1 : index
    %get3A_641 = arith.constant 20 : index
    %get3A_642 = memref.load %arg3[%get3A_640, %get3A_641] : memref<2x32xf32, #tpu.memory_space<smem>>
    %mul3A_643 = arith.mulf %convert_element_type3A_627, %neg3A_24 : vector<512x1024xf32>
    %reduce_sum3A_644 = vector.shape_cast %mul3A_643 : vector<512x1024xf32> to vector<1x512x1024xf32>
    %reduce_sum3A_645 = arith.constant dense<0.000000e+00> : vector<1xf32>
    %reduce_sum3A_646 = vector.multi_reduction <add>, %reduce_sum3A_644, %reduce_sum3A_645 [1, 2] : vector<1x512x1024xf32> to vector<1xf32>
    %reduce_sum3A_647 = vector.shape_cast %reduce_sum3A_646 : vector<1xf32> to vector<1x1x1xf32>
    %reduce_sum3A_648 = vector.extract %reduce_sum3A_647[0, 0, 0] : f32 from vector<1x1x1xf32>
    %add3A_649 = arith.addf %get3A_642, %reduce_sum3A_648 : f32
    %swap3A_650 = arith.constant 1 : index
    %swap3A_651 = arith.constant 20 : index
    %swap3A_652 = memref.load %arg3[%swap3A_650, %swap3A_651] : memref<2x32xf32, #tpu.memory_space<smem>>
    memref.store %add3A_649, %arg3[%swap3A_650, %swap3A_651] : memref<2x32xf32, #tpu.memory_space<smem>>
    %eq3A_653 = arith.constant 21 : i32
    %eq3A_654 = vector.broadcast %eq3A_653 : i32 to vector<512x1024xi32>
    %eq3A_655 = arith.cmpi eq, %convert_element_type3A_9, %eq3A_654 : vector<512x1024xi32>
    %convert_element_type3A_656 = arith.extui %eq3A_655 : vector<512x1024xi1> to vector<512x1024xi32>
    %convert_element_type3A_657 = arith.sitofp %convert_element_type3A_656 : vector<512x1024xi32> to vector<512x1024xf32>
    %get3A_658 = arith.constant 0 : index
    %get3A_659 = arith.constant 21 : index
    %get3A_660 = memref.load %arg3[%get3A_658, %get3A_659] : memref<2x32xf32, #tpu.memory_space<smem>>
    %reduce_sum3A_661 = vector.shape_cast %convert_element_type3A_657 : vector<512x1024xf32> to vector<1x512x1024xf32>
    %reduce_sum3A_662 = arith.constant dense<0.000000e+00> : vector<1xf32>
    %reduce_sum3A_663 = vector.multi_reduction <add>, %reduce_sum3A_661, %reduce_sum3A_662 [1, 2] : vector<1x512x1024xf32> to vector<1xf32>
    %reduce_sum3A_664 = vector.shape_cast %reduce_sum3A_663 : vector<1xf32> to vector<1x1x1xf32>
    %reduce_sum3A_665 = vector.extract %reduce_sum3A_664[0, 0, 0] : f32 from vector<1x1x1xf32>
    %add3A_666 = arith.addf %get3A_660, %reduce_sum3A_665 : f32
    %swap3A_667 = arith.constant 0 : index
    %swap3A_668 = arith.constant 21 : index
    %swap3A_669 = memref.load %arg3[%swap3A_667, %swap3A_668] : memref<2x32xf32, #tpu.memory_space<smem>>
    memref.store %add3A_666, %arg3[%swap3A_667, %swap3A_668] : memref<2x32xf32, #tpu.memory_space<smem>>
    %get3A_670 = arith.constant 1 : index
    %get3A_671 = arith.constant 21 : index
    %get3A_672 = memref.load %arg3[%get3A_670, %get3A_671] : memref<2x32xf32, #tpu.memory_space<smem>>
    %mul3A_673 = arith.mulf %convert_element_type3A_657, %neg3A_24 : vector<512x1024xf32>
    %reduce_sum3A_674 = vector.shape_cast %mul3A_673 : vector<512x1024xf32> to vector<1x512x1024xf32>
    %reduce_sum3A_675 = arith.constant dense<0.000000e+00> : vector<1xf32>
    %reduce_sum3A_676 = vector.multi_reduction <add>, %reduce_sum3A_674, %reduce_sum3A_675 [1, 2] : vector<1x512x1024xf32> to vector<1xf32>
    %reduce_sum3A_677 = vector.shape_cast %reduce_sum3A_676 : vector<1xf32> to vector<1x1x1xf32>
    %reduce_sum3A_678 = vector.extract %reduce_sum3A_677[0, 0, 0] : f32 from vector<1x1x1xf32>
    %add3A_679 = arith.addf %get3A_672, %reduce_sum3A_678 : f32
    %swap3A_680 = arith.constant 1 : index
    %swap3A_681 = arith.constant 21 : index
    %swap3A_682 = memref.load %arg3[%swap3A_680, %swap3A_681] : memref<2x32xf32, #tpu.memory_space<smem>>
    memref.store %add3A_679, %arg3[%swap3A_680, %swap3A_681] : memref<2x32xf32, #tpu.memory_space<smem>>
    %eq3A_683 = arith.constant 22 : i32
    %eq3A_684 = vector.broadcast %eq3A_683 : i32 to vector<512x1024xi32>
    %eq3A_685 = arith.cmpi eq, %convert_element_type3A_9, %eq3A_684 : vector<512x1024xi32>
    %convert_element_type3A_686 = arith.extui %eq3A_685 : vector<512x1024xi1> to vector<512x1024xi32>
    %convert_element_type3A_687 = arith.sitofp %convert_element_type3A_686 : vector<512x1024xi32> to vector<512x1024xf32>
    %get3A_688 = arith.constant 0 : index
    %get3A_689 = arith.constant 22 : index
    %get3A_690 = memref.load %arg3[%get3A_688, %get3A_689] : memref<2x32xf32, #tpu.memory_space<smem>>
    %reduce_sum3A_691 = vector.shape_cast %convert_element_type3A_687 : vector<512x1024xf32> to vector<1x512x1024xf32>
    %reduce_sum3A_692 = arith.constant dense<0.000000e+00> : vector<1xf32>
    %reduce_sum3A_693 = vector.multi_reduction <add>, %reduce_sum3A_691, %reduce_sum3A_692 [1, 2] : vector<1x512x1024xf32> to vector<1xf32>
    %reduce_sum3A_694 = vector.shape_cast %reduce_sum3A_693 : vector<1xf32> to vector<1x1x1xf32>
    %reduce_sum3A_695 = vector.extract %reduce_sum3A_694[0, 0, 0] : f32 from vector<1x1x1xf32>
    %add3A_696 = arith.addf %get3A_690, %reduce_sum3A_695 : f32
    %swap3A_697 = arith.constant 0 : index
    %swap3A_698 = arith.constant 22 : index
    %swap3A_699 = memref.load %arg3[%swap3A_697, %swap3A_698] : memref<2x32xf32, #tpu.memory_space<smem>>
    memref.store %add3A_696, %arg3[%swap3A_697, %swap3A_698] : memref<2x32xf32, #tpu.memory_space<smem>>
    %get3A_700 = arith.constant 1 : index
    %get3A_701 = arith.constant 22 : index
    %get3A_702 = memref.load %arg3[%get3A_700, %get3A_701] : memref<2x32xf32, #tpu.memory_space<smem>>
    %mul3A_703 = arith.mulf %convert_element_type3A_687, %neg3A_24 : vector<512x1024xf32>
    %reduce_sum3A_704 = vector.shape_cast %mul3A_703 : vector<512x1024xf32> to vector<1x512x1024xf32>
    %reduce_sum3A_705 = arith.constant dense<0.000000e+00> : vector<1xf32>
    %reduce_sum3A_706 = vector.multi_reduction <add>, %reduce_sum3A_704, %reduce_sum3A_705 [1, 2] : vector<1x512x1024xf32> to vector<1xf32>
    %reduce_sum3A_707 = vector.shape_cast %reduce_sum3A_706 : vector<1xf32> to vector<1x1x1xf32>
    %reduce_sum3A_708 = vector.extract %reduce_sum3A_707[0, 0, 0] : f32 from vector<1x1x1xf32>
    %add3A_709 = arith.addf %get3A_702, %reduce_sum3A_708 : f32
    %swap3A_710 = arith.constant 1 : index
    %swap3A_711 = arith.constant 22 : index
    %swap3A_712 = memref.load %arg3[%swap3A_710, %swap3A_711] : memref<2x32xf32, #tpu.memory_space<smem>>
    memref.store %add3A_709, %arg3[%swap3A_710, %swap3A_711] : memref<2x32xf32, #tpu.memory_space<smem>>
    %eq3A_713 = arith.constant 23 : i32
    %eq3A_714 = vector.broadcast %eq3A_713 : i32 to vector<512x1024xi32>
    %eq3A_715 = arith.cmpi eq, %convert_element_type3A_9, %eq3A_714 : vector<512x1024xi32>
    %convert_element_type3A_716 = arith.extui %eq3A_715 : vector<512x1024xi1> to vector<512x1024xi32>
    %convert_element_type3A_717 = arith.sitofp %convert_element_type3A_716 : vector<512x1024xi32> to vector<512x1024xf32>
    %get3A_718 = arith.constant 0 : index
    %get3A_719 = arith.constant 23 : index
    %get3A_720 = memref.load %arg3[%get3A_718, %get3A_719] : memref<2x32xf32, #tpu.memory_space<smem>>
    %reduce_sum3A_721 = vector.shape_cast %convert_element_type3A_717 : vector<512x1024xf32> to vector<1x512x1024xf32>
    %reduce_sum3A_722 = arith.constant dense<0.000000e+00> : vector<1xf32>
    %reduce_sum3A_723 = vector.multi_reduction <add>, %reduce_sum3A_721, %reduce_sum3A_722 [1, 2] : vector<1x512x1024xf32> to vector<1xf32>
    %reduce_sum3A_724 = vector.shape_cast %reduce_sum3A_723 : vector<1xf32> to vector<1x1x1xf32>
    %reduce_sum3A_725 = vector.extract %reduce_sum3A_724[0, 0, 0] : f32 from vector<1x1x1xf32>
    %add3A_726 = arith.addf %get3A_720, %reduce_sum3A_725 : f32
    %swap3A_727 = arith.constant 0 : index
    %swap3A_728 = arith.constant 23 : index
    %swap3A_729 = memref.load %arg3[%swap3A_727, %swap3A_728] : memref<2x32xf32, #tpu.memory_space<smem>>
    memref.store %add3A_726, %arg3[%swap3A_727, %swap3A_728] : memref<2x32xf32, #tpu.memory_space<smem>>
    %get3A_730 = arith.constant 1 : index
    %get3A_731 = arith.constant 23 : index
    %get3A_732 = memref.load %arg3[%get3A_730, %get3A_731] : memref<2x32xf32, #tpu.memory_space<smem>>
    %mul3A_733 = arith.mulf %convert_element_type3A_717, %neg3A_24 : vector<512x1024xf32>
    %reduce_sum3A_734 = vector.shape_cast %mul3A_733 : vector<512x1024xf32> to vector<1x512x1024xf32>
    %reduce_sum3A_735 = arith.constant dense<0.000000e+00> : vector<1xf32>
    %reduce_sum3A_736 = vector.multi_reduction <add>, %reduce_sum3A_734, %reduce_sum3A_735 [1, 2] : vector<1x512x1024xf32> to vector<1xf32>
    %reduce_sum3A_737 = vector.shape_cast %reduce_sum3A_736 : vector<1xf32> to vector<1x1x1xf32>
    %reduce_sum3A_738 = vector.extract %reduce_sum3A_737[0, 0, 0] : f32 from vector<1x1x1xf32>
    %add3A_739 = arith.addf %get3A_732, %reduce_sum3A_738 : f32
    %swap3A_740 = arith.constant 1 : index
    %swap3A_741 = arith.constant 23 : index
    %swap3A_742 = memref.load %arg3[%swap3A_740, %swap3A_741] : memref<2x32xf32, #tpu.memory_space<smem>>
    memref.store %add3A_739, %arg3[%swap3A_740, %swap3A_741] : memref<2x32xf32, #tpu.memory_space<smem>>
    %eq3A_743 = arith.constant 24 : i32
    %eq3A_744 = vector.broadcast %eq3A_743 : i32 to vector<512x1024xi32>
    %eq3A_745 = arith.cmpi eq, %convert_element_type3A_9, %eq3A_744 : vector<512x1024xi32>
    %convert_element_type3A_746 = arith.extui %eq3A_745 : vector<512x1024xi1> to vector<512x1024xi32>
    %convert_element_type3A_747 = arith.sitofp %convert_element_type3A_746 : vector<512x1024xi32> to vector<512x1024xf32>
    %get3A_748 = arith.constant 0 : index
    %get3A_749 = arith.constant 24 : index
    %get3A_750 = memref.load %arg3[%get3A_748, %get3A_749] : memref<2x32xf32, #tpu.memory_space<smem>>
    %reduce_sum3A_751 = vector.shape_cast %convert_element_type3A_747 : vector<512x1024xf32> to vector<1x512x1024xf32>
    %reduce_sum3A_752 = arith.constant dense<0.000000e+00> : vector<1xf32>
    %reduce_sum3A_753 = vector.multi_reduction <add>, %reduce_sum3A_751, %reduce_sum3A_752 [1, 2] : vector<1x512x1024xf32> to vector<1xf32>
    %reduce_sum3A_754 = vector.shape_cast %reduce_sum3A_753 : vector<1xf32> to vector<1x1x1xf32>
    %reduce_sum3A_755 = vector.extract %reduce_sum3A_754[0, 0, 0] : f32 from vector<1x1x1xf32>
    %add3A_756 = arith.addf %get3A_750, %reduce_sum3A_755 : f32
    %swap3A_757 = arith.constant 0 : index
    %swap3A_758 = arith.constant 24 : index
    %swap3A_759 = memref.load %arg3[%swap3A_757, %swap3A_758] : memref<2x32xf32, #tpu.memory_space<smem>>
    memref.store %add3A_756, %arg3[%swap3A_757, %swap3A_758] : memref<2x32xf32, #tpu.memory_space<smem>>
    %get3A_760 = arith.constant 1 : index
    %get3A_761 = arith.constant 24 : index
    %get3A_762 = memref.load %arg3[%get3A_760, %get3A_761] : memref<2x32xf32, #tpu.memory_space<smem>>
    %mul3A_763 = arith.mulf %convert_element_type3A_747, %neg3A_24 : vector<512x1024xf32>
    %reduce_sum3A_764 = vector.shape_cast %mul3A_763 : vector<512x1024xf32> to vector<1x512x1024xf32>
    %reduce_sum3A_765 = arith.constant dense<0.000000e+00> : vector<1xf32>
    %reduce_sum3A_766 = vector.multi_reduction <add>, %reduce_sum3A_764, %reduce_sum3A_765 [1, 2] : vector<1x512x1024xf32> to vector<1xf32>
    %reduce_sum3A_767 = vector.shape_cast %reduce_sum3A_766 : vector<1xf32> to vector<1x1x1xf32>
    %reduce_sum3A_768 = vector.extract %reduce_sum3A_767[0, 0, 0] : f32 from vector<1x1x1xf32>
    %add3A_769 = arith.addf %get3A_762, %reduce_sum3A_768 : f32
    %swap3A_770 = arith.constant 1 : index
    %swap3A_771 = arith.constant 24 : index
    %swap3A_772 = memref.load %arg3[%swap3A_770, %swap3A_771] : memref<2x32xf32, #tpu.memory_space<smem>>
    memref.store %add3A_769, %arg3[%swap3A_770, %swap3A_771] : memref<2x32xf32, #tpu.memory_space<smem>>
    %eq3A_773 = arith.constant 25 : i32
    %eq3A_774 = vector.broadcast %eq3A_773 : i32 to vector<512x1024xi32>
    %eq3A_775 = arith.cmpi eq, %convert_element_type3A_9, %eq3A_774 : vector<512x1024xi32>
    %convert_element_type3A_776 = arith.extui %eq3A_775 : vector<512x1024xi1> to vector<512x1024xi32>
    %convert_element_type3A_777 = arith.sitofp %convert_element_type3A_776 : vector<512x1024xi32> to vector<512x1024xf32>
    %get3A_778 = arith.constant 0 : index
    %get3A_779 = arith.constant 25 : index
    %get3A_780 = memref.load %arg3[%get3A_778, %get3A_779] : memref<2x32xf32, #tpu.memory_space<smem>>
    %reduce_sum3A_781 = vector.shape_cast %convert_element_type3A_777 : vector<512x1024xf32> to vector<1x512x1024xf32>
    %reduce_sum3A_782 = arith.constant dense<0.000000e+00> : vector<1xf32>
    %reduce_sum3A_783 = vector.multi_reduction <add>, %reduce_sum3A_781, %reduce_sum3A_782 [1, 2] : vector<1x512x1024xf32> to vector<1xf32>
    %reduce_sum3A_784 = vector.shape_cast %reduce_sum3A_783 : vector<1xf32> to vector<1x1x1xf32>
    %reduce_sum3A_785 = vector.extract %reduce_sum3A_784[0, 0, 0] : f32 from vector<1x1x1xf32>
    %add3A_786 = arith.addf %get3A_780, %reduce_sum3A_785 : f32
    %swap3A_787 = arith.constant 0 : index
    %swap3A_788 = arith.constant 25 : index
    %swap3A_789 = memref.load %arg3[%swap3A_787, %swap3A_788] : memref<2x32xf32, #tpu.memory_space<smem>>
    memref.store %add3A_786, %arg3[%swap3A_787, %swap3A_788] : memref<2x32xf32, #tpu.memory_space<smem>>
    %get3A_790 = arith.constant 1 : index
    %get3A_791 = arith.constant 25 : index
    %get3A_792 = memref.load %arg3[%get3A_790, %get3A_791] : memref<2x32xf32, #tpu.memory_space<smem>>
    %mul3A_793 = arith.mulf %convert_element_type3A_777, %neg3A_24 : vector<512x1024xf32>
    %reduce_sum3A_794 = vector.shape_cast %mul3A_793 : vector<512x1024xf32> to vector<1x512x1024xf32>
    %reduce_sum3A_795 = arith.constant dense<0.000000e+00> : vector<1xf32>
    %reduce_sum3A_796 = vector.multi_reduction <add>, %reduce_sum3A_794, %reduce_sum3A_795 [1, 2] : vector<1x512x1024xf32> to vector<1xf32>
    %reduce_sum3A_797 = vector.shape_cast %reduce_sum3A_796 : vector<1xf32> to vector<1x1x1xf32>
    %reduce_sum3A_798 = vector.extract %reduce_sum3A_797[0, 0, 0] : f32 from vector<1x1x1xf32>
    %add3A_799 = arith.addf %get3A_792, %reduce_sum3A_798 : f32
    %swap3A_800 = arith.constant 1 : index
    %swap3A_801 = arith.constant 25 : index
    %swap3A_802 = memref.load %arg3[%swap3A_800, %swap3A_801] : memref<2x32xf32, #tpu.memory_space<smem>>
    memref.store %add3A_799, %arg3[%swap3A_800, %swap3A_801] : memref<2x32xf32, #tpu.memory_space<smem>>
    %eq3A_803 = arith.constant 26 : i32
    %eq3A_804 = vector.broadcast %eq3A_803 : i32 to vector<512x1024xi32>
    %eq3A_805 = arith.cmpi eq, %convert_element_type3A_9, %eq3A_804 : vector<512x1024xi32>
    %convert_element_type3A_806 = arith.extui %eq3A_805 : vector<512x1024xi1> to vector<512x1024xi32>
    %convert_element_type3A_807 = arith.sitofp %convert_element_type3A_806 : vector<512x1024xi32> to vector<512x1024xf32>
    %get3A_808 = arith.constant 0 : index
    %get3A_809 = arith.constant 26 : index
    %get3A_810 = memref.load %arg3[%get3A_808, %get3A_809] : memref<2x32xf32, #tpu.memory_space<smem>>
    %reduce_sum3A_811 = vector.shape_cast %convert_element_type3A_807 : vector<512x1024xf32> to vector<1x512x1024xf32>
    %reduce_sum3A_812 = arith.constant dense<0.000000e+00> : vector<1xf32>
    %reduce_sum3A_813 = vector.multi_reduction <add>, %reduce_sum3A_811, %reduce_sum3A_812 [1, 2] : vector<1x512x1024xf32> to vector<1xf32>
    %reduce_sum3A_814 = vector.shape_cast %reduce_sum3A_813 : vector<1xf32> to vector<1x1x1xf32>
    %reduce_sum3A_815 = vector.extract %reduce_sum3A_814[0, 0, 0] : f32 from vector<1x1x1xf32>
    %add3A_816 = arith.addf %get3A_810, %reduce_sum3A_815 : f32
    %swap3A_817 = arith.constant 0 : index
    %swap3A_818 = arith.constant 26 : index
    %swap3A_819 = memref.load %arg3[%swap3A_817, %swap3A_818] : memref<2x32xf32, #tpu.memory_space<smem>>
    memref.store %add3A_816, %arg3[%swap3A_817, %swap3A_818] : memref<2x32xf32, #tpu.memory_space<smem>>
    %get3A_820 = arith.constant 1 : index
    %get3A_821 = arith.constant 26 : index
    %get3A_822 = memref.load %arg3[%get3A_820, %get3A_821] : memref<2x32xf32, #tpu.memory_space<smem>>
    %mul3A_823 = arith.mulf %convert_element_type3A_807, %neg3A_24 : vector<512x1024xf32>
    %reduce_sum3A_824 = vector.shape_cast %mul3A_823 : vector<512x1024xf32> to vector<1x512x1024xf32>
    %reduce_sum3A_825 = arith.constant dense<0.000000e+00> : vector<1xf32>
    %reduce_sum3A_826 = vector.multi_reduction <add>, %reduce_sum3A_824, %reduce_sum3A_825 [1, 2] : vector<1x512x1024xf32> to vector<1xf32>
    %reduce_sum3A_827 = vector.shape_cast %reduce_sum3A_826 : vector<1xf32> to vector<1x1x1xf32>
    %reduce_sum3A_828 = vector.extract %reduce_sum3A_827[0, 0, 0] : f32 from vector<1x1x1xf32>
    %add3A_829 = arith.addf %get3A_822, %reduce_sum3A_828 : f32
    %swap3A_830 = arith.constant 1 : index
    %swap3A_831 = arith.constant 26 : index
    %swap3A_832 = memref.load %arg3[%swap3A_830, %swap3A_831] : memref<2x32xf32, #tpu.memory_space<smem>>
    memref.store %add3A_829, %arg3[%swap3A_830, %swap3A_831] : memref<2x32xf32, #tpu.memory_space<smem>>
    %eq3A_833 = arith.constant 27 : i32
    %eq3A_834 = vector.broadcast %eq3A_833 : i32 to vector<512x1024xi32>
    %eq3A_835 = arith.cmpi eq, %convert_element_type3A_9, %eq3A_834 : vector<512x1024xi32>
    %convert_element_type3A_836 = arith.extui %eq3A_835 : vector<512x1024xi1> to vector<512x1024xi32>
    %convert_element_type3A_837 = arith.sitofp %convert_element_type3A_836 : vector<512x1024xi32> to vector<512x1024xf32>
    %get3A_838 = arith.constant 0 : index
    %get3A_839 = arith.constant 27 : index
    %get3A_840 = memref.load %arg3[%get3A_838, %get3A_839] : memref<2x32xf32, #tpu.memory_space<smem>>
    %reduce_sum3A_841 = vector.shape_cast %convert_element_type3A_837 : vector<512x1024xf32> to vector<1x512x1024xf32>
    %reduce_sum3A_842 = arith.constant dense<0.000000e+00> : vector<1xf32>
    %reduce_sum3A_843 = vector.multi_reduction <add>, %reduce_sum3A_841, %reduce_sum3A_842 [1, 2] : vector<1x512x1024xf32> to vector<1xf32>
    %reduce_sum3A_844 = vector.shape_cast %reduce_sum3A_843 : vector<1xf32> to vector<1x1x1xf32>
    %reduce_sum3A_845 = vector.extract %reduce_sum3A_844[0, 0, 0] : f32 from vector<1x1x1xf32>
    %add3A_846 = arith.addf %get3A_840, %reduce_sum3A_845 : f32
    %swap3A_847 = arith.constant 0 : index
    %swap3A_848 = arith.constant 27 : index
    %swap3A_849 = memref.load %arg3[%swap3A_847, %swap3A_848] : memref<2x32xf32, #tpu.memory_space<smem>>
    memref.store %add3A_846, %arg3[%swap3A_847, %swap3A_848] : memref<2x32xf32, #tpu.memory_space<smem>>
    %get3A_850 = arith.constant 1 : index
    %get3A_851 = arith.constant 27 : index
    %get3A_852 = memref.load %arg3[%get3A_850, %get3A_851] : memref<2x32xf32, #tpu.memory_space<smem>>
    %mul3A_853 = arith.mulf %convert_element_type3A_837, %neg3A_24 : vector<512x1024xf32>
    %reduce_sum3A_854 = vector.shape_cast %mul3A_853 : vector<512x1024xf32> to vector<1x512x1024xf32>
    %reduce_sum3A_855 = arith.constant dense<0.000000e+00> : vector<1xf32>
    %reduce_sum3A_856 = vector.multi_reduction <add>, %reduce_sum3A_854, %reduce_sum3A_855 [1, 2] : vector<1x512x1024xf32> to vector<1xf32>
    %reduce_sum3A_857 = vector.shape_cast %reduce_sum3A_856 : vector<1xf32> to vector<1x1x1xf32>
    %reduce_sum3A_858 = vector.extract %reduce_sum3A_857[0, 0, 0] : f32 from vector<1x1x1xf32>
    %add3A_859 = arith.addf %get3A_852, %reduce_sum3A_858 : f32
    %swap3A_860 = arith.constant 1 : index
    %swap3A_861 = arith.constant 27 : index
    %swap3A_862 = memref.load %arg3[%swap3A_860, %swap3A_861] : memref<2x32xf32, #tpu.memory_space<smem>>
    memref.store %add3A_859, %arg3[%swap3A_860, %swap3A_861] : memref<2x32xf32, #tpu.memory_space<smem>>
    %eq3A_863 = arith.constant 28 : i32
    %eq3A_864 = vector.broadcast %eq3A_863 : i32 to vector<512x1024xi32>
    %eq3A_865 = arith.cmpi eq, %convert_element_type3A_9, %eq3A_864 : vector<512x1024xi32>
    %convert_element_type3A_866 = arith.extui %eq3A_865 : vector<512x1024xi1> to vector<512x1024xi32>
    %convert_element_type3A_867 = arith.sitofp %convert_element_type3A_866 : vector<512x1024xi32> to vector<512x1024xf32>
    %get3A_868 = arith.constant 0 : index
    %get3A_869 = arith.constant 28 : index
    %get3A_870 = memref.load %arg3[%get3A_868, %get3A_869] : memref<2x32xf32, #tpu.memory_space<smem>>
    %reduce_sum3A_871 = vector.shape_cast %convert_element_type3A_867 : vector<512x1024xf32> to vector<1x512x1024xf32>
    %reduce_sum3A_872 = arith.constant dense<0.000000e+00> : vector<1xf32>
    %reduce_sum3A_873 = vector.multi_reduction <add>, %reduce_sum3A_871, %reduce_sum3A_872 [1, 2] : vector<1x512x1024xf32> to vector<1xf32>
    %reduce_sum3A_874 = vector.shape_cast %reduce_sum3A_873 : vector<1xf32> to vector<1x1x1xf32>
    %reduce_sum3A_875 = vector.extract %reduce_sum3A_874[0, 0, 0] : f32 from vector<1x1x1xf32>
    %add3A_876 = arith.addf %get3A_870, %reduce_sum3A_875 : f32
    %swap3A_877 = arith.constant 0 : index
    %swap3A_878 = arith.constant 28 : index
    %swap3A_879 = memref.load %arg3[%swap3A_877, %swap3A_878] : memref<2x32xf32, #tpu.memory_space<smem>>
    memref.store %add3A_876, %arg3[%swap3A_877, %swap3A_878] : memref<2x32xf32, #tpu.memory_space<smem>>
    %get3A_880 = arith.constant 1 : index
    %get3A_881 = arith.constant 28 : index
    %get3A_882 = memref.load %arg3[%get3A_880, %get3A_881] : memref<2x32xf32, #tpu.memory_space<smem>>
    %mul3A_883 = arith.mulf %convert_element_type3A_867, %neg3A_24 : vector<512x1024xf32>
    %reduce_sum3A_884 = vector.shape_cast %mul3A_883 : vector<512x1024xf32> to vector<1x512x1024xf32>
    %reduce_sum3A_885 = arith.constant dense<0.000000e+00> : vector<1xf32>
    %reduce_sum3A_886 = vector.multi_reduction <add>, %reduce_sum3A_884, %reduce_sum3A_885 [1, 2] : vector<1x512x1024xf32> to vector<1xf32>
    %reduce_sum3A_887 = vector.shape_cast %reduce_sum3A_886 : vector<1xf32> to vector<1x1x1xf32>
    %reduce_sum3A_888 = vector.extract %reduce_sum3A_887[0, 0, 0] : f32 from vector<1x1x1xf32>
    %add3A_889 = arith.addf %get3A_882, %reduce_sum3A_888 : f32
    %swap3A_890 = arith.constant 1 : index
    %swap3A_891 = arith.constant 28 : index
    %swap3A_892 = memref.load %arg3[%swap3A_890, %swap3A_891] : memref<2x32xf32, #tpu.memory_space<smem>>
    memref.store %add3A_889, %arg3[%swap3A_890, %swap3A_891] : memref<2x32xf32, #tpu.memory_space<smem>>
    %eq3A_893 = arith.constant 29 : i32
    %eq3A_894 = vector.broadcast %eq3A_893 : i32 to vector<512x1024xi32>
    %eq3A_895 = arith.cmpi eq, %convert_element_type3A_9, %eq3A_894 : vector<512x1024xi32>
    %convert_element_type3A_896 = arith.extui %eq3A_895 : vector<512x1024xi1> to vector<512x1024xi32>
    %convert_element_type3A_897 = arith.sitofp %convert_element_type3A_896 : vector<512x1024xi32> to vector<512x1024xf32>
    %get3A_898 = arith.constant 0 : index
    %get3A_899 = arith.constant 29 : index
    %get3A_900 = memref.load %arg3[%get3A_898, %get3A_899] : memref<2x32xf32, #tpu.memory_space<smem>>
    %reduce_sum3A_901 = vector.shape_cast %convert_element_type3A_897 : vector<512x1024xf32> to vector<1x512x1024xf32>
    %reduce_sum3A_902 = arith.constant dense<0.000000e+00> : vector<1xf32>
    %reduce_sum3A_903 = vector.multi_reduction <add>, %reduce_sum3A_901, %reduce_sum3A_902 [1, 2] : vector<1x512x1024xf32> to vector<1xf32>
    %reduce_sum3A_904 = vector.shape_cast %reduce_sum3A_903 : vector<1xf32> to vector<1x1x1xf32>
    %reduce_sum3A_905 = vector.extract %reduce_sum3A_904[0, 0, 0] : f32 from vector<1x1x1xf32>
    %add3A_906 = arith.addf %get3A_900, %reduce_sum3A_905 : f32
    %swap3A_907 = arith.constant 0 : index
    %swap3A_908 = arith.constant 29 : index
    %swap3A_909 = memref.load %arg3[%swap3A_907, %swap3A_908] : memref<2x32xf32, #tpu.memory_space<smem>>
    memref.store %add3A_906, %arg3[%swap3A_907, %swap3A_908] : memref<2x32xf32, #tpu.memory_space<smem>>
    %get3A_910 = arith.constant 1 : index
    %get3A_911 = arith.constant 29 : index
    %get3A_912 = memref.load %arg3[%get3A_910, %get3A_911] : memref<2x32xf32, #tpu.memory_space<smem>>
    %mul3A_913 = arith.mulf %convert_element_type3A_897, %neg3A_24 : vector<512x1024xf32>
    %reduce_sum3A_914 = vector.shape_cast %mul3A_913 : vector<512x1024xf32> to vector<1x512x1024xf32>
    %reduce_sum3A_915 = arith.constant dense<0.000000e+00> : vector<1xf32>
    %reduce_sum3A_916 = vector.multi_reduction <add>, %reduce_sum3A_914, %reduce_sum3A_915 [1, 2] : vector<1x512x1024xf32> to vector<1xf32>
    %reduce_sum3A_917 = vector.shape_cast %reduce_sum3A_916 : vector<1xf32> to vector<1x1x1xf32>
    %reduce_sum3A_918 = vector.extract %reduce_sum3A_917[0, 0, 0] : f32 from vector<1x1x1xf32>
    %add3A_919 = arith.addf %get3A_912, %reduce_sum3A_918 : f32
    %swap3A_920 = arith.constant 1 : index
    %swap3A_921 = arith.constant 29 : index
    %swap3A_922 = memref.load %arg3[%swap3A_920, %swap3A_921] : memref<2x32xf32, #tpu.memory_space<smem>>
    memref.store %add3A_919, %arg3[%swap3A_920, %swap3A_921] : memref<2x32xf32, #tpu.memory_space<smem>>
    return
  }
  func.func @transform_0(%arg0: i32) -> (i32, i32) {
    %add3A = arith.constant 24 : i32
    %add3A_0 = arith.addi %add3A, %arg0 : i32
    %c0_i32 = arith.constant 0 : i32
    %c0_i32_1 = arith.constant 0 : i32
    return %add3A_0, %c0_i32 : i32, i32
  }
  func.func @transform_1(%arg0: i32) -> (i32, i32) {
    %add3A = arith.constant 24 : i32
    %add3A_0 = arith.addi %add3A, %arg0 : i32
    %c0_i32 = arith.constant 0 : i32
    %c0_i32_1 = arith.constant 0 : i32
    return %add3A_0, %c0_i32 : i32, i32
  }
  func.func @transform_2(%arg0: i32) -> (i32, i32) {
    %c0_i32 = arith.constant 0 : i32
    %c0_i32_0 = arith.constant 0 : i32
    %c0_i32_1 = arith.constant 0 : i32
    return %c0_i32, %c0_i32_0 : i32, i32
  }
}

</mosaic_0001>

<sc_bundles>
// kernel: kernel.5.cloned.1.call-start
scs
__scs_entry_jumppad:
0x0: {  	(pc) =	sbr.rel $0x88, $3  }
0x1: {  	(tag) =	ssettag $0x0;
	lr =	simm.s32 $0x1  }
0x2: {  	[smem:$0x3F9F] =	sst lr;
	_ =	strace $0xD0000000  }
0x3: {  	_ = 	snop  }
0x4: {  	_ = 	snop  }
0x5: {  	_ = 	snop  }
0x6: {  	_ = 	snop  }
0x7: {  	_ = 	snop  }
__scs_overlays_trampoline_lowered:
0x8: {  	[smem:$0x3FAE] =	sst s0  }
0x9: {  	[smem:$0x3FAF] =	sst s1  }
0xa: {  	[smem:$0x3FB0] =	sst s2  }
0xb: {  	[smem:$0x3FB1] =	sst s3  }
0xc: {  	[smem:$0x3FB2] =	sst s4  }
0xd: {  	[smem:$0x3FB3] =	sst s5  }
0xe: {  	[smem:$0x3FB4] =	sst s6  }
0xf: {  	[smem:$0x3FB5] =	sst s7  }
0x10: {  	[smem:$0x3FB6] =	sst s8  }
0x11: {  	[smem:$0x3FB7] =	sst s9;
	s0 =	simm.s32 @!p0 $0x0  }
0x12: {  	s1 =	sld [smem:$0x3F9D];
	s0 =	simm.s32 @p0 $0x1  }
0x13: {  	[smem:$0x3FB8] =	sst s0;
	s0 =	simm.s32 @!p1 $0x0  }
0x14: {  	s2 =	sld [smem:$0x3F9C];
	s0 =	simm.s32 @p1 $0x1  }
0x15: {  	[smem:$0x3FB9] =	sst s0;
	s0 =	simm.s32 @!p2 $0x0  }
0x16: {  	s3 =	sld [smem:$0x3FDB];
	s0 =	simm.s32 @p2 $0x1  }
0x17: {  	s4 =	simm.s32 $0x1BF5;
	[smem:$0x3FBB] =	sst s0  }
0x18: {  	s0 =	sld [smem:$0x3F9E];
	_ =	swait.ge [sflag:s4], $0x0  }
0x19: {  	s7 =	sld [smem:$0x3F9F]  }
0x1a: {  	s8 =	sadd.s32 $0xFFFFE003, lr  }
0x1b: {  	s9 =	sadd.s32 $0xFFFFFEF7, lr;
	s5 =	simm.s32 $0xFFFFFFFF;
	p2 =	slt.u32 s8, $0xFFFFF086  }
0x1c: {  	p1 =	slt.u32 s9, $0xF7A;
	s5 =	simm.s32 @!p2 $0x0  }
0x1d: {  	s5 =	simm.s32 @p1 $0x1;
	p0 =	seq.s32 s7, s2  }
0x1e: {  	s7 =	smul.u32 @!p0 $0xF7A, s2;
	p2 =	seq.s32 @!p0 s5, $0x0  }
0x1f: {  	s9 =	smul.u32 $0xF7A, s1;
	s8 =	simm.s32 @!p0 $0x1BF5;
	p2 =	por !p2, p0  }
0x20: {  	[sflag:s8] =	ssyncset.s32 @!p0 $0xFFFFF086;
	s6 =	sadd.s32 @!p0 s3, s7;
	s7 =	simm.s32 @!p0 $0x108  }
0x21: {  	s3 =	sadd.s32 s3, s9;
	s6 =	sadd.s32 @!p0 $0x88, s6;
	s7 =	simm.s32 @p2 $0x1082  }
0x22: {  	[simem:s7], [sflag:s8] =	dma.local @!p0 [hbm:s6], $0xF7A  }
0x23: {  	s9 =	sor.u32 $0xD0000000, s2;
	s6 =	simm.s32 $0x108;
	_ =	swait.ge @!p0 [sflag:s8], $0x0  }
0x24: {  	s3 =	sadd.s32 $0x88, s3;
	s6 =	simm.s32 @!p1 $0x1082;
	[sflag:s4] =	ssyncset.s32 $0xFFFFF086  }
0x25: {  	[simem:s6], [sflag:s4] =	dma.local [hbm:s3], $0xF7A  }
0x26: {  	[smem:$0x3F9F] =	sst s1;
	(tag) =	ssettag s2;
	_ =	strace s9  }
0x27: {  	s1 =	sld [smem:$0x3FAF]  }
0x28: {  	s2 =	sld [smem:$0x3FB0]  }
0x29: {  	s4 =	sld [smem:$0x3FB2]  }
0x2a: {  	p0 =	seq.s32 s5, $0x0;
	s5 =	sld [smem:$0x3FB3]  }
0x2b: {  	s6 =	sld [smem:$0x3FB4]  }
0x2c: {  	s7 =	sld [smem:$0x3FB5]  }
0x2d: {  	s3 =	simm.s32 $0x108;
	s8 =	sld [smem:$0x3FB6]  }
0x2e: {  	s3 =	simm.s32 @!p0 $0x1082;
	s9 =	sld [smem:$0x3FB7]  }
0x2f: {  	lr =	sadd.s32 s0, s3;
	s0 =	sld [smem:$0x3FAE]  }
0x30: {  	s3 =	sld [smem:$0x3FB1]  }
0x31: {  	[smem:$0x3FBA] =	sst s10  }
0x32: {  	s10 =	sld [smem:$0x3FB8];
	_ =	sdelay $0x3  }
0x33: {  	p0 =	seq.s32 s10, $0x1;
	s10 =	sld [smem:$0x3FBA];
	_ =	sdelay $0x3  }
0x34: {  	[smem:$0x3FBA] =	sst s10  }
0x35: {  	s10 =	sld [smem:$0x3FB9];
	_ =	sdelay $0x3  }
0x36: {  	p1 =	seq.s32 s10, $0x1;
	s10 =	sld [smem:$0x3FBA];
	_ =	sdelay $0x3  }
0x37: {  	[smem:$0x3FBA] =	sst s10  }
0x38: {  	s10 =	sld [smem:$0x3FBB]  }
0x39: {  	_ = 	snop;
	(pc) =	sbr.ind lr, $3  }
0x3a: {  	_ = 	snop  }
0x3b: {  	_ = 	snop  }
0x3c: {  	p2 =	seq.s32 s10, $0x1;
	s10 =	sld [smem:$0x3FBA]  }
0x3d: {  	_ =	shalt  }
0x3e: {  	_ =	shalt  }
0x3f: {  	_ =	shalt  }
0x40: {  	_ =	shalt  }
0x41: {  	_ =	shalt  }
0x42: {  	_ =	shalt  }
0x43: {  	_ =	shalt  }
0x44: {  	_ =	shalt  }
0x45: {  	_ =	shalt  }
0x46: {  	_ =	shalt  }
0x47: {  	_ =	shalt  }
0x48: {  	_ =	shalt  }
0x49: {  	_ =	shalt  }
0x4a: {  	_ =	shalt  }
0x4b: {  	_ =	shalt  }
0x4c: {  	_ =	shalt  }
0x4d: {  	_ =	shalt  }
0x4e: {  	_ =	shalt  }
0x4f: {  	_ =	shalt  }
0x50: {  	_ =	shalt  }
0x51: {  	_ =	shalt  }
0x52: {  	_ =	shalt  }
0x53: {  	_ =	shalt  }
0x54: {  	_ =	shalt  }
0x55: {  	_ =	shalt  }
0x56: {  	_ =	shalt  }
0x57: {  	_ =	shalt  }
0x58: {  	_ =	shalt  }
0x59: {  	_ =	shalt  }
0x5a: {  	_ =	shalt  }
0x5b: {  	_ =	shalt  }
0x5c: {  	_ =	shalt  }
0x5d: {  	_ =	shalt  }
0x5e: {  	_ =	shalt  }
0x5f: {  	_ =	shalt  }
0x60: {  	_ =	shalt  }
0x61: {  	_ =	shalt  }
0x62: {  	_ =	shalt  }
0x63: {  	_ =	shalt  }
0x64: {  	_ =	shalt  }
0x65: {  	_ =	shalt  }
0x66: {  	_ =	shalt  }
0x67: {  	_ =	shalt  }
0x68: {  	_ =	shalt  }
0x69: {  	_ =	shalt  }
0x6a: {  	_ =	shalt  }
0x6b: {  	_ =	shalt  }
0x6c: {  	_ =	shalt  }
0x6d: {  	_ =	shalt  }
0x6e: {  	_ =	shalt  }
0x6f: {  	_ =	shalt  }
0x70: {  	_ =	shalt  }
0x71: {  	_ =	shalt  }
0x72: {  	_ =	shalt  }
0x73: {  	_ =	shalt  }
0x74: {  	_ =	shalt  }
0x75: {  	_ =	shalt  }
0x76: {  	_ =	shalt  }
0x77: {  	_ =	shalt  }
0x78: {  	_ =	shalt  }
0x79: {  	_ =	shalt  }
0x7a: {  	_ =	shalt  }
0x7b: {  	_ =	shalt  }
0x7c: {  	_ =	shalt  }
0x7d: {  	_ =	shalt  }
0x7e: {  	_ =	shalt  }
0x7f: {  	_ =	shalt  }
0x80: {  	_ =	shalt  }
0x81: {  	_ =	shalt  }
0x82: {  	_ =	shalt  }
0x83: {  	_ =	shalt  }
0x84: {  	_ =	shalt  }
0x85: {  	_ =	shalt  }
0x86: {  	_ =	shalt  }
0x87: {  	_ =	shalt  }
.Lfunc_end0:
.L_simem_size_0:
called_computation_lowered:
.L_overlay_start_0:
0x88: {  	s2 =	sld [smem:$0x3FD9]  }
0x89: {  	s3 =	sld [smem:$0x3FFE];
	_ =	sdelay $0x1  }
0x8a: {  	s1 =	srdreg.scid  }
0x8b: {  	s0 =	sand.u32 $0x1, s1  }
0x8c: {  	s17 =	sshll.u32 s0, $0xA;
	s2 =	sadd.s32 s3, s2  }
0x8d: {  	s2 =	sadd.s32 s2, s17  }
0x8e: {  	[smem:$0x3FC6] =	sst s2  }
0x8f: {  	_ = 	snop  }
0x90: {  	s2 =	sld [smem:$0x3FC9]  }
0x91: {  	s18 =	sld [smem:$0x3FC8];
	(tm) =	ssettm $0x1  }
0x92: {  	s4 =	sld [smem:$0x3FFB];
	_ =	sdelay $0x3  }
0x93: {  	_ =	strace s4  }
0x94: {  	s4 =	sld [smem:$0x3FFC];
	_ =	sdelay $0x3  }
0x95: {  	_ =	strace s4  }
0x96: {  	s4 =	sld [smem:$0x3FFD];
	_ =	sdelay $0x3  }
0x97: {  	_ =	strace s4  }
0x98: {  	_ =	strace $0x8FFFFFFF  }
0x99: {  	s19 =	sld [smem:$0x3FDB];
	_ =	sdelay $0x1  }
0x9a: {  	s5 =	simm.s32 $_scs_section_size  }
0x9b: {  	s6 =	simm.s32 $_size__tile_overlayer_lowered;
	s7 =	simm.s32 $_tile_overlayer_lowered  }
0x9c: {  	s22 =	simm.s32 $0x1BFF;
	s21 =	sshll.u32 s7, $0x1;
	s4 =	sadd.s32 s5, s19  }
0x9d: {  	s8 =	simm.s32 $0x0;
	s20 =	sshll.u32 s6, $0x1;
	s6 =	sadd.s32 s21, s4  }
0x9e: {  	[timem:s8], [sflag:s22] =	dma.local [hbm:s6], s20  }
0x9f: {  	_ =	swait.ge [sflag:s22], s20  }
0xa0: {  	s5 =	ssub.s32 $0x0, s20;
	[sflag:s22] =	ssyncset.done $0x0  }
0xa1: {  	[sflag:s22] =	ssyncadd.s32 s5;
	_ =	sdelay $0x1  }
0xa2: {  	s23 =	simm.s32 $0x1B8B  }
0xa3: {  	_ =	swait.ge [sflag:s23], $0x1  }
0xa4: {  	[sflag:s23] =	ssyncset.done $0x0  }
0xa5: {  	s25 =	simm.s32 $0x1B8E;
	s24 =	sld [smem:$0x3FFE];
	[sflag:s23] =	ssyncadd.s32 $0xFFFFFFFF  }
0xa6: {  	s26 =	simm.s32 $execute0_lowered;
	[smem:$0x3FD2] =	sst s25  }
0xa7: {  	s6 =	sshll.u32 s26, $0x1;
	_ =	strace $0x80000046;
	[dreg:$0x1] =	wrdreg $0xFFFFFFFF  }
0xa8: {  	s28 =	simm.s32 $_size_execute0_lowered;
	s4 =	sadd.s32 s4, s6;
	[dreg:$0x0] =	wrdreg $0x0  }
0xa9: {  	s6 =	sshll.u32 s28, $0x1;
	[dreg:$0x2] =	wrdreg s4  }
0xaa: {  	[dreg:$0x3] =	wrdreg s6  }
0xab: {  	[dreg:$0x4] =	wrdreg $0xC0  }
0xac: {  	_ =	task [dreg:s8], $0x5FFFF  }
0xad: {  	[dreg:$0x1] =	wrdreg $0xFFFFFFFF  }
0xae: {  	[dreg:$0x0] =	wrdreg $0x60  }
0xaf: {  	[dreg:$0x2] =	wrdreg s2  }
0xb0: {  	[dreg:$0x3] =	wrdreg s18  }
0xb1: {  	[dreg:$0x4] =	wrdreg s24  }
0xb2: {  	[dreg:$0x5] =	wrdreg $0x9  }
0xb3: {  	_ =	task.clear_ibuf [dreg:s8], $0x6FFFF;
	_ =	strace $0x90000046  }
0xb4: {  	s29 =	simm.s32 $0x9;
	_ =	strace $0x80000048  }
0xb5: {  	_ =	swait.ge [sflag:s29], $0x1  }
0xb6: {  	[sflag:s29] =	ssyncadd.s32 $0xFFFFFFFF  }
0xb7: {  	_ =	strace $0x90000048  }
0xb8: {  	_ =	sfence  }
0xb9: {  	s30 =	sld [smem:$0x0];
	_ =	sdelay $0x2  }
0xba: {  	s31 =	sshll.u32 s1, $0xD;
	s1 =	sshrl.u32 s1, $0x2  }
0xbb: {  	s3 =	sand.u32 $0x4000, s31;
	s1 =	sadd.s32 s1, s30  }
0xbc: {  	s0 =	sor.u32 s3, s0;
	s1 =	sshll.u32 s1, $0x11  }
0xbd: {  	s0 =	sor.u32 s1, s0  }
0xbe: {  	s0 =	sadd.s32 $0x8F2B, s0  }
0xbf: {  	[sflag:s0] =	ssyncadd.remote.s32 $0x1  }
0xc0: {  	_ =	sfence.sel $0xFFFF  }
0xc1: {  	[dreg:$0x0] =	wrdreg $0xFFFFFFFF;
	(pc) =	sbr.abs _section_cstart, $3  }
0xc2: {  	[dreg:$0x1] =	wrdreg $0xFFFFFFFF  }
0xc3: {  	_ =	task.clear_ibuf [dreg:s8], $0x2FFFF;
	_ =	strace $0x9FFFFFFF  }
0xc4: {  	(tm) =	ssettm $0x7FFFFFFF  }
0xc5: {  	_ =	shalt  }
tec
execute0_lowered:
.L_overlay_start_1:
0x0: {  	(tag) =	ssettag $0x1  }
0x1: {  	s1 =	rddreg [dreg:$0x0]  }
0x2: {  	s2 =	rddreg [dreg:$0x1]  }
0x3: {  	s0 =	rddreg [dreg:$0x2]  }
0x4: {  	s4 =	simm.s32 $0x0;
	s3 =	srdreg.scid;
	s7 =	stileid.u32  }
0x5: {  	s13 =	simm.s32 $0x3;
	s16 =	simm.s32 $0xC000;
	s17 =	simm.s32 $0x14000  }
0x6: {  	s18 =	simm.s32 $0x1;
	s19 =	simm.s32 $0x18000;
	s20 =	simm.s32 $0x18800  }
0x7: {  	s21 =	simm.s32 $0x2;
	s22 =	simm.s32 $0x80;
	s23 =	simm.s32 $0x400  }
0x8: {  	s24 =	simm.s32 $0x0;
	s3 =	sand.u32 $0x1, s3;
	s5 =	sshll.u32 s7, $0x1  }
0x9: {  	[smem:$0x7FF] =	sst s4;
	s7 =	sshll.u32 s7, $0x9;
	s6 =	sor.u32 s3, s5  }
0xa: {  	_ =	strace $0x80000047;
	s3 =	ssub.s32 $0x2, s3;
	s31 =	smul.u32 $0xC000, s6  }
0xb: {  	s8 =	sshll.u32 s6, $0x4;
	s9 =	sshrl.u32 s3, $0x1;
	s10 =	smul.u32 $0x180, s6  }
0xc: {  	s5 =	sadd.s32 $0x600, s0;
	s7 =	sor.u32 s7, s8;
	s3 =	ssub.s32 s3, s9  }
0xd: {  	s7 =	sand.u32 $0x1870, s7;
	s6 =	sadd.s32 s1, s31;
	s8 =	sor.u32 $0x10, s10  }
0xe: {  	v0 =	vimm.f32 $0.0e+00;
	v1 =	vimm.f32 $1.000000000e+00;
	v2 =	vlaneseq.u32;
	s9 =	sor.u32 $0x20, s10;
	s12 =	smax.u32 s3, $0x1;
	s0 =	sadd.s32 s7, s0  }
0xf: {  	v3 =	vor.u32 $0x200, v2;
	v4 =	vor.u32 $0x400, v2;
	v5 =	vor.u32 $0x600, v2;
	s7 =	sadd.s32 s2, s31;
	s10 =	sadd.s32 $0x1600, s0;
	s11 =	sadd.s32 $0x3600, s0  }
.LBB2_1:
0x10: {  	[tilespmem:s4], [sflag:$0x3] =	stream.linear.gather [hbm4b:s5+s4], $0x8000, $0x38;
	[tilespmem:$0x19000] =	vst v63  }
0x11: {  	_ =	swait.ge [sflag:s13], $0x8000  }
0x12: {  	[sflag:s13] =	ssyncset.done $0x0  }
0x13: {  	[sflag:s13] =	ssyncadd.s32 $0xFFFF8000  }
0x14: {  	[tilespmem:$0x18000] =	vst v0  }
0x15: {  	[tilespmem:$0x18800] =	vst v0  }
0x16: {  	[tilespmem:$0x18010] =	vst v0  }
0x17: {  	[tilespmem:$0x18810] =	vst v0  }
0x18: {  	[tilespmem:$0x18020] =	vst v0  }
0x19: {  	[tilespmem:$0x18820] =	vst v0  }
0x1a: {  	[tilespmem:$0x18030] =	vst v0  }
0x1b: {  	[tilespmem:$0x18830] =	vst v0  }
0x1c: {  	[tilespmem:$0x18040] =	vst v0  }
0x1d: {  	[tilespmem:$0x18840] =	vst v0  }
0x1e: {  	[tilespmem:$0x18050] =	vst v0  }
0x1f: {  	[tilespmem:$0x18850] =	vst v0  }
0x20: {  	[tilespmem:$0x18060] =	vst v0  }
0x21: {  	[tilespmem:$0x18860] =	vst v0  }
0x22: {  	[tilespmem:$0x18070] =	vst v0  }
0x23: {  	[tilespmem:$0x18870] =	vst v0  }
0x24: {  	[tilespmem:$0x18080] =	vst v0  }
0x25: {  	[tilespmem:$0x18880] =	vst v0  }
0x26: {  	[tilespmem:$0x18090] =	vst v0  }
0x27: {  	[tilespmem:$0x18890] =	vst v0  }
0x28: {  	[tilespmem:$0x180A0] =	vst v0  }
0x29: {  	[tilespmem:$0x188A0] =	vst v0  }
0x2a: {  	[tilespmem:$0x180B0] =	vst v0  }
0x2b: {  	[tilespmem:$0x188B0] =	vst v0  }
0x2c: {  	[tilespmem:$0x180C0] =	vst v0  }
0x2d: {  	[tilespmem:$0x188C0] =	vst v0  }
0x2e: {  	[tilespmem:$0x180D0] =	vst v0  }
0x2f: {  	[tilespmem:$0x188D0] =	vst v0  }
0x30: {  	[tilespmem:$0x180E0] =	vst v0  }
0x31: {  	[tilespmem:$0x188E0] =	vst v0  }
0x32: {  	[tilespmem:$0x180F0] =	vst v0  }
0x33: {  	[tilespmem:$0x188F0] =	vst v0  }
0x34: {  	[tilespmem:$0x18100] =	vst v0  }
0x35: {  	[tilespmem:$0x18900] =	vst v0  }
0x36: {  	[tilespmem:$0x18110] =	vst v0  }
0x37: {  	[tilespmem:$0x18910] =	vst v0  }
0x38: {  	[tilespmem:$0x18120] =	vst v0  }
0x39: {  	[tilespmem:$0x18920] =	vst v0  }
0x3a: {  	[tilespmem:$0x18130] =	vst v0  }
0x3b: {  	[tilespmem:$0x18930] =	vst v0  }
0x3c: {  	[tilespmem:$0x18140] =	vst v0  }
0x3d: {  	[tilespmem:$0x18940] =	vst v0  }
0x3e: {  	[tilespmem:$0x18150] =	vst v0  }
0x3f: {  	[tilespmem:$0x18950] =	vst v0  }
0x40: {  	[tilespmem:$0x18160] =	vst v0  }
0x41: {  	[tilespmem:$0x18960] =	vst v0  }
0x42: {  	[tilespmem:$0x18170] =	vst v0  }
0x43: {  	[tilespmem:$0x18970] =	vst v0  }
0x44: {  	[tilespmem:$0x18180] =	vst v0  }
0x45: {  	[tilespmem:$0x18980] =	vst v0  }
0x46: {  	[tilespmem:$0x18190] =	vst v0  }
0x47: {  	[tilespmem:$0x18990] =	vst v0  }
0x48: {  	[tilespmem:$0x181A0] =	vst v0  }
0x49: {  	[tilespmem:$0x189A0] =	vst v0  }
0x4a: {  	[tilespmem:$0x181B0] =	vst v0  }
0x4b: {  	[tilespmem:$0x189B0] =	vst v0  }
0x4c: {  	[tilespmem:$0x181C0] =	vst v0  }
0x4d: {  	[tilespmem:$0x189C0] =	vst v0  }
0x4e: {  	[tilespmem:$0x181D0] =	vst v0  }
0x4f: {  	[tilespmem:$0x189D0] =	vst v0  }
0x50: {  	[tilespmem:$0x181E0] =	vst v0  }
0x51: {  	[tilespmem:$0x189E0] =	vst v0  }
0x52: {  	[tilespmem:$0x181F0] =	vst v0  }
0x53: {  	[tilespmem:$0x189F0] =	vst v0  }
0x54: {  	[tilespmem:$0x18200] =	vst v0  }
0x55: {  	[tilespmem:$0x18A00] =	vst v0  }
0x56: {  	[tilespmem:$0x18210] =	vst v0  }
0x57: {  	[tilespmem:$0x18A10] =	vst v0  }
0x58: {  	[tilespmem:$0x18220] =	vst v0  }
0x59: {  	[tilespmem:$0x18A20] =	vst v0  }
0x5a: {  	[tilespmem:$0x18230] =	vst v0  }
0x5b: {  	[tilespmem:$0x18A30] =	vst v0  }
0x5c: {  	[tilespmem:$0x18240] =	vst v0  }
0x5d: {  	[tilespmem:$0x18A40] =	vst v0  }
0x5e: {  	[tilespmem:$0x18250] =	vst v0  }
0x5f: {  	[tilespmem:$0x18A50] =	vst v0  }
0x60: {  	[tilespmem:$0x18260] =	vst v0  }
0x61: {  	[tilespmem:$0x18A60] =	vst v0  }
0x62: {  	[tilespmem:$0x18270] =	vst v0  }
0x63: {  	[tilespmem:$0x18A70] =	vst v0  }
0x64: {  	[tilespmem:$0x18280] =	vst v0  }
0x65: {  	[tilespmem:$0x18A80] =	vst v0  }
0x66: {  	[tilespmem:$0x18290] =	vst v0  }
0x67: {  	[tilespmem:$0x18A90] =	vst v0  }
0x68: {  	[tilespmem:$0x182A0] =	vst v0  }
0x69: {  	[tilespmem:$0x18AA0] =	vst v0  }
0x6a: {  	[tilespmem:$0x182B0] =	vst v0  }
0x6b: {  	[tilespmem:$0x18AB0] =	vst v0  }
0x6c: {  	[tilespmem:$0x182C0] =	vst v0  }
0x6d: {  	[tilespmem:$0x18AC0] =	vst v0  }
0x6e: {  	[tilespmem:$0x182D0] =	vst v0  }
0x6f: {  	[tilespmem:$0x18AD0] =	vst v0  }
0x70: {  	[tilespmem:$0x182E0] =	vst v0  }
0x71: {  	[tilespmem:$0x18AE0] =	vst v0  }
0x72: {  	[tilespmem:$0x182F0] =	vst v0  }
0x73: {  	[tilespmem:$0x18AF0] =	vst v0  }
0x74: {  	[tilespmem:$0x18300] =	vst v0  }
0x75: {  	[tilespmem:$0x18B00] =	vst v0  }
0x76: {  	[tilespmem:$0x18310] =	vst v0  }
0x77: {  	[tilespmem:$0x18B10] =	vst v0  }
0x78: {  	[tilespmem:$0x18320] =	vst v0  }
0x79: {  	[tilespmem:$0x18B20] =	vst v0  }
0x7a: {  	[tilespmem:$0x18330] =	vst v0  }
0x7b: {  	[tilespmem:$0x18B30] =	vst v0  }
0x7c: {  	[tilespmem:$0x18340] =	vst v0  }
0x7d: {  	[tilespmem:$0x18B40] =	vst v0  }
0x7e: {  	[tilespmem:$0x18350] =	vst v0  }
0x7f: {  	[tilespmem:$0x18B50] =	vst v0  }
0x80: {  	[tilespmem:$0x18360] =	vst v0  }
0x81: {  	[tilespmem:$0x18B60] =	vst v0  }
0x82: {  	[tilespmem:$0x18370] =	vst v0  }
0x83: {  	[tilespmem:$0x18B70] =	vst v0  }
0x84: {  	[tilespmem:$0x18380] =	vst v0  }
0x85: {  	[tilespmem:$0x18B80] =	vst v0  }
0x86: {  	[tilespmem:$0x18390] =	vst v0  }
0x87: {  	[tilespmem:$0x18B90] =	vst v0  }
0x88: {  	[tilespmem:$0x183A0] =	vst v0  }
0x89: {  	[tilespmem:$0x18BA0] =	vst v0  }
0x8a: {  	[tilespmem:$0x183B0] =	vst v0  }
0x8b: {  	[tilespmem:$0x18BB0] =	vst v0  }
0x8c: {  	[tilespmem:$0x183C0] =	vst v0  }
0x8d: {  	[tilespmem:$0x18BC0] =	vst v0  }
0x8e: {  	[tilespmem:$0x183D0] =	vst v0  }
0x8f: {  	[tilespmem:$0x18BD0] =	vst v0  }
0x90: {  	[tilespmem:$0x183E0] =	vst v0  }
0x91: {  	[tilespmem:$0x18BE0] =	vst v0  }
0x92: {  	[tilespmem:$0x183F0] =	vst v0  }
0x93: {  	[tilespmem:$0x18BF0] =	vst v0  }
0x94: {  	[tilespmem:$0x18400] =	vst v0  }
0x95: {  	[tilespmem:$0x18C00] =	vst v0  }
0x96: {  	[tilespmem:$0x18410] =	vst v0  }
0x97: {  	[tilespmem:$0x18C10] =	vst v0  }
0x98: {  	[tilespmem:$0x18420] =	vst v0  }
0x99: {  	[tilespmem:$0x18C20] =	vst v0  }
0x9a: {  	[tilespmem:$0x18430] =	vst v0  }
0x9b: {  	[tilespmem:$0x18C30] =	vst v0  }
0x9c: {  	[tilespmem:$0x18440] =	vst v0  }
0x9d: {  	[tilespmem:$0x18C40] =	vst v0  }
0x9e: {  	[tilespmem:$0x18450] =	vst v0  }
0x9f: {  	[tilespmem:$0x18C50] =	vst v0  }
0xa0: {  	[tilespmem:$0x18460] =	vst v0  }
0xa1: {  	[tilespmem:$0x18C60] =	vst v0  }
0xa2: {  	[tilespmem:$0x18470] =	vst v0  }
0xa3: {  	[tilespmem:$0x18C70] =	vst v0  }
0xa4: {  	[tilespmem:$0x18480] =	vst v0  }
0xa5: {  	[tilespmem:$0x18C80] =	vst v0  }
0xa6: {  	[tilespmem:$0x18490] =	vst v0  }
0xa7: {  	[tilespmem:$0x18C90] =	vst v0  }
0xa8: {  	[tilespmem:$0x184A0] =	vst v0  }
0xa9: {  	[tilespmem:$0x18CA0] =	vst v0  }
0xaa: {  	[tilespmem:$0x184B0] =	vst v0  }
0xab: {  	[tilespmem:$0x18CB0] =	vst v0  }
0xac: {  	[tilespmem:$0x184C0] =	vst v0  }
0xad: {  	[tilespmem:$0x18CC0] =	vst v0  }
0xae: {  	[tilespmem:$0x184D0] =	vst v0  }
0xaf: {  	[tilespmem:$0x18CD0] =	vst v0  }
0xb0: {  	[tilespmem:$0x184E0] =	vst v0  }
0xb1: {  	[tilespmem:$0x18CE0] =	vst v0  }
0xb2: {  	[tilespmem:$0x184F0] =	vst v0  }
0xb3: {  	[tilespmem:$0x18CF0] =	vst v0  }
0xb4: {  	[tilespmem:$0x18500] =	vst v0  }
0xb5: {  	[tilespmem:$0x18D00] =	vst v0  }
0xb6: {  	[tilespmem:$0x18510] =	vst v0  }
0xb7: {  	[tilespmem:$0x18D10] =	vst v0  }
0xb8: {  	[tilespmem:$0x18520] =	vst v0  }
0xb9: {  	[tilespmem:$0x18D20] =	vst v0  }
0xba: {  	[tilespmem:$0x18530] =	vst v0  }
0xbb: {  	[tilespmem:$0x18D30] =	vst v0  }
0xbc: {  	[tilespmem:$0x18540] =	vst v0  }
0xbd: {  	[tilespmem:$0x18D40] =	vst v0  }
0xbe: {  	[tilespmem:$0x18550] =	vst v0  }
0xbf: {  	[tilespmem:$0x18D50] =	vst v0  }
0xc0: {  	[tilespmem:$0x18560] =	vst v0  }
0xc1: {  	[tilespmem:$0x18D60] =	vst v0  }
0xc2: {  	[tilespmem:$0x18570] =	vst v0  }
0xc3: {  	[tilespmem:$0x18D70] =	vst v0  }
0xc4: {  	[tilespmem:$0x18580] =	vst v0  }
0xc5: {  	[tilespmem:$0x18D80] =	vst v0  }
0xc6: {  	[tilespmem:$0x18590] =	vst v0  }
0xc7: {  	[tilespmem:$0x18D90] =	vst v0  }
0xc8: {  	[tilespmem:$0x185A0] =	vst v0  }
0xc9: {  	[tilespmem:$0x18DA0] =	vst v0  }
0xca: {  	[tilespmem:$0x185B0] =	vst v0  }
0xcb: {  	[tilespmem:$0x18DB0] =	vst v0  }
0xcc: {  	[tilespmem:$0x185C0] =	vst v0  }
0xcd: {  	[tilespmem:$0x18DC0] =	vst v0  }
0xce: {  	[tilespmem:$0x185D0] =	vst v0  }
0xcf: {  	[tilespmem:$0x18DD0] =	vst v0  }
0xd0: {  	[tilespmem:$0x185E0] =	vst v0  }
0xd1: {  	[tilespmem:$0x18DE0] =	vst v0  }
0xd2: {  	[tilespmem:$0x185F0] =	vst v0  }
0xd3: {  	[tilespmem:$0x18DF0] =	vst v0  }
0xd4: {  	[tilespmem:$0x18600] =	vst v0  }
0xd5: {  	[tilespmem:$0x18E00] =	vst v0  }
0xd6: {  	[tilespmem:$0x18610] =	vst v0  }
0xd7: {  	[tilespmem:$0x18E10] =	vst v0  }
0xd8: {  	[tilespmem:$0x18620] =	vst v0  }
0xd9: {  	[tilespmem:$0x18E20] =	vst v0  }
0xda: {  	[tilespmem:$0x18630] =	vst v0  }
0xdb: {  	[tilespmem:$0x18E30] =	vst v0  }
0xdc: {  	[tilespmem:$0x18640] =	vst v0  }
0xdd: {  	[tilespmem:$0x18E40] =	vst v0  }
0xde: {  	[tilespmem:$0x18650] =	vst v0  }
0xdf: {  	[tilespmem:$0x18E50] =	vst v0  }
0xe0: {  	[tilespmem:$0x18660] =	vst v0  }
0xe1: {  	[tilespmem:$0x18E60] =	vst v0  }
0xe2: {  	[tilespmem:$0x18670] =	vst v0  }
0xe3: {  	[tilespmem:$0x18E70] =	vst v0  }
0xe4: {  	[tilespmem:$0x18680] =	vst v0  }
0xe5: {  	[tilespmem:$0x18E80] =	vst v0  }
0xe6: {  	[tilespmem:$0x18690] =	vst v0  }
0xe7: {  	[tilespmem:$0x18E90] =	vst v0  }
0xe8: {  	[tilespmem:$0x186A0] =	vst v0  }
0xe9: {  	[tilespmem:$0x18EA0] =	vst v0  }
0xea: {  	[tilespmem:$0x186B0] =	vst v0  }
0xeb: {  	[tilespmem:$0x18EB0] =	vst v0  }
0xec: {  	[tilespmem:$0x186C0] =	vst v0  }
0xed: {  	[tilespmem:$0x18EC0] =	vst v0  }
0xee: {  	[tilespmem:$0x186D0] =	vst v0  }
0xef: {  	[tilespmem:$0x18ED0] =	vst v0  }
0xf0: {  	[tilespmem:$0x186E0] =	vst v0  }
0xf1: {  	[tilespmem:$0x18EE0] =	vst v0  }
0xf2: {  	[tilespmem:$0x186F0] =	vst v0  }
0xf3: {  	[tilespmem:$0x18EF0] =	vst v0  }
0xf4: {  	[tilespmem:$0x18700] =	vst v0  }
0xf5: {  	[tilespmem:$0x18F00] =	vst v0  }
0xf6: {  	[tilespmem:$0x18710] =	vst v0  }
0xf7: {  	[tilespmem:$0x18F10] =	vst v0  }
0xf8: {  	[tilespmem:$0x18720] =	vst v0  }
0xf9: {  	[tilespmem:$0x18F20] =	vst v0  }
0xfa: {  	[tilespmem:$0x18730] =	vst v0  }
0xfb: {  	[tilespmem:$0x18F30] =	vst v0  }
0xfc: {  	[tilespmem:$0x18740] =	vst v0  }
0xfd: {  	[tilespmem:$0x18F40] =	vst v0  }
0xfe: {  	[tilespmem:$0x18750] =	vst v0  }
0xff: {  	[tilespmem:$0x18F50] =	vst v0  }
0x100: {  	[tilespmem:$0x18760] =	vst v0  }
0x101: {  	[tilespmem:$0x18F60] =	vst v0  }
0x102: {  	[tilespmem:$0x18770] =	vst v0  }
0x103: {  	[tilespmem:$0x18F70] =	vst v0  }
0x104: {  	[tilespmem:$0x18780] =	vst v0  }
0x105: {  	[tilespmem:$0x18F80] =	vst v0  }
0x106: {  	[tilespmem:$0x18790] =	vst v0  }
0x107: {  	[tilespmem:$0x18F90] =	vst v0  }
0x108: {  	[tilespmem:$0x187A0] =	vst v0  }
0x109: {  	[tilespmem:$0x18FA0] =	vst v0  }
0x10a: {  	[tilespmem:$0x187B0] =	vst v0  }
0x10b: {  	[tilespmem:$0x18FB0] =	vst v0  }
0x10c: {  	[tilespmem:$0x187C0] =	vst v0  }
0x10d: {  	[tilespmem:$0x18FC0] =	vst v0  }
0x10e: {  	[tilespmem:$0x187D0] =	vst v0  }
0x10f: {  	[tilespmem:$0x18FD0] =	vst v0  }
0x110: {  	[tilespmem:$0x187E0] =	vst v0  }
0x111: {  	[tilespmem:$0x18FE0] =	vst v0  }
0x112: {  	[tilespmem:$0x18FF0] =	vst v0  }
0x113: {  	s0 =	simm.s32 $0x8000;
	[tilespmem:$0x187F0] =	vst v0  }
0x114: {  	[tilespmem:s0], [sflag:$0x1] =	stream.linear.gather [hbm4b:s6+s4], $0x4000, $0x38;
	[tilespmem:$0x19000] =	vst v63  }
0x115: {  	s31 =	simm.s32 $0x10000;
	s25 =	simm.s32 $0x0  }
0x116: {  	[tilespmem:s31], [sflag:$0x1] =	stream.linear.gather [hbm4b:s7+s4], $0x4000, $0x38;
	[tilespmem:$0x19000] =	vst v63  }
.LBB2_2:
0x117: {  	s26 =	sshll.u32 s25, $0x5  }
0x118: {  	s0 =	sadd.s32 s26, s8  }
0x119: {  	s0 =	sshll.u32 s0, $0x7  }
0x11a: {  	s14 =	simm.s32 $0x0;
	s3 =	sadd.s32 s1, s0  }
0x11b: {  	[tilespmem:s16], [sflag:$0x2] =	stream.linear.gather [hbm4b:s3+s14], $0x4000, $0x38;
	[tilespmem:$0x19000] =	vst v63  }
0x11c: {  	s0 =	sadd.s32 s2, s0  }
0x11d: {  	[tilespmem:s17], [sflag:$0x2] =	stream.linear.gather [hbm4b:s0+s14], $0x4000, $0x38;
	[tilespmem:$0x19000] =	vst v63  }
0x11e: {  	_ =	swait.ge [sflag:s18], $0x4000  }
0x11f: {  	[sflag:s18] =	ssyncset.done $0x0  }
0x120: {  	[sflag:s18] =	ssyncadd.s32 $0xFFFFC000  }
0x121: {  	s15 =	sand.u32 $0x1C00, s14;
	s3 =	sand.u32 $0x2000, s14;
	_ =	swait.ge [sflag:s18], $0x4000  }
0x122: {  	s0 =	sor.u32 s15, s3;
	s15 =	sand.u32 $0x380, s14;
	[sflag:s18] =	ssyncset.done $0x0  }
0x123: {  	s31 =	sor.u32 s15, s0;
	[sflag:s18] =	ssyncadd.s32 $0xFFFFC000  }
0x124: {  	v6 =	vld [tilespmem:s31+$0x8040];
	_ =	sdelay $0x2  }
0x125: {  	v7 =	vld [tilespmem:s31+$0x10040];
	_ =	sdelay $0x1  }
0x126: {  	v8 =	vsub.f32 $1.000000000e+00, v6  }
0x127: {  	v9 =	vshrl.u32 v6, $0xF  }
0x128: {  	v8 =	vshrl.u32 v8, $0xF  }
0x129: {  	v6 =	vsub.f32 v6, v7;
	_ =	sdelay $0x1  }
0x12a: {  	v6 =	vand.u32 $0x7FFFFFFF, v6  }
0x12b: {  	v6 =	vmul.f32 $3.000000000e+01, v6;
	v9 =	vld.idx.msk [tilespmem:v9+s4+$0x0], $0xffff  }
0x12c: {  	v8 =	vld.idx.msk [tilespmem:v8+s4+$0x0], $0xffff  }
0x12d: {  	v6 =	vtrunc.f32 v6  }
0x12e: {  	v10 =	vld [tilespmem:s31+$0x8000];
	v6 =	vcvt.f32.s32 v6  }
0x12f: {  	v11 =	vld [tilespmem:s31+$0x10000]  }
0x130: {  	v6 =	vshll.u32 v6, $0x4  }
0x131: {  	v6 =	vor.u32 v2, v6;
	v9 =	vsub.f32 v9, v8;
	_ =	sdelay $0x1  }
0x132: {  	v12 =	vsub.f32 $1.000000000e+00, v10;
	v7 =	vmul.f32 v9, v7  }
0x133: {  	v9 =	vshrl.u32 v10, $0xF;
	v10 =	vsub.f32 v10, v11  }
0x134: {  	v12 =	vshrl.u32 v12, $0xF;
	v7 =	vadd.f32 v7, v8  }
0x135: {  	[tilespmem:v6+s19+$0x0] =	vst.idx.add.f32.msk $0xffff, v1;
	v8 =	vand.u32 $0x7FFFFFFF, v10  }
0x136: {  	v8 =	vmul.f32 $3.000000000e+01, v8;
	[tilespmem:v6+s20+$0x0] =	vst.idx.add.f32.msk $0xffff, v7  }
0x137: {  	v6 =	vld [tilespmem:s31+$0x8050]  }
0x138: {  	v7 =	vtrunc.f32 v8;
	v8 =	vld.idx.msk [tilespmem:v9+s4+$0x0], $0xffff  }
0x139: {  	v9 =	vld.idx.msk [tilespmem:v12+s4+$0x0], $0xffff  }
0x13a: {  	v10 =	vld [tilespmem:s31+$0x10050];
	_ =	sdelay $0x1  }
0x13b: {  	v7 =	vcvt.f32.s32 v7;
	v12 =	vsub.f32 $1.000000000e+00, v6  }
0x13c: {  	v13 =	vshrl.u32 v6, $0xF  }
0x13d: {  	v7 =	vshll.u32 v7, $0x4;
	v8 =	vsub.f32 v8, v9;
	v12 =	vshrl.u32 v12, $0xF  }
0x13e: {  	v7 =	vor.u32 v2, v7;
	v6 =	vsub.f32 v6, v10  }
0x13f: {  	v8 =	vmul.f32 v8, v11  }
0x140: {  	v6 =	vand.u32 $0x7FFFFFFF, v6  }
0x141: {  	v6 =	vmul.f32 $3.000000000e+01, v6;
	v8 =	vadd.f32 v8, v9;
	v9 =	vld.idx.msk [tilespmem:v13+s4+$0x0], $0xffff  }
0x142: {  	v11 =	vld.idx.msk [tilespmem:v12+s4+$0x0], $0xffff  }
0x143: {  	[tilespmem:v7+s19+$0x0] =	vst.idx.add.f32.msk $0xffff, v1;
	v6 =	vtrunc.f32 v6  }
0x144: {  	[tilespmem:v7+s20+$0x0] =	vst.idx.add.f32.msk $0xffff, v8;
	v6 =	vcvt.f32.s32 v6  }
0x145: {  	s3 =	simm.s32 $0x80;
	s14 =	simm.s32 $0x400;
	v7 =	vld [tilespmem:s31+$0x8010]  }
0x146: {  	s0 =	sand.u32 $0x2000, s3;
	s3 =	sand.u32 $0x1C00, s14;
	s15 =	simm.s32 $0x10;
	v6 =	vshll.u32 v6, $0x4  }
0x147: {  	s0 =	sor.u32 s3, s0;
	s15 =	sand.u32 $0x380, s15;
	v8 =	vld [tilespmem:s31+$0x10010];
	v6 =	vadd.s32 v3, v6;
	v9 =	vsub.f32 v9, v11  }
0x148: {  	s28 =	sor.u32 s15, s0  }
0x149: {  	v14 =	vld [tilespmem:s28+$0x8040];
	v9 =	vmul.f32 v9, v10  }
0x14a: {  	v12 =	vsub.f32 $1.000000000e+00, v7;
	v10 =	vshrl.u32 v7, $0xF  }
0x14b: {  	v13 =	vld [tilespmem:s28+$0x10040];
	v9 =	vadd.f32 v9, v11  }
0x14c: {  	v12 =	vshrl.u32 v12, $0xF;
	v7 =	vsub.f32 v7, v8;
	[tilespmem:v6+s19+$0x0] =	vst.idx.add.f32.msk $0xffff, v1  }
0x14d: {  	[tilespmem:v6+s20+$0x0] =	vst.idx.add.f32.msk $0xffff, v9  }
0x14e: {  	v11 =	vsub.f32 $1.000000000e+00, v14;
	v6 =	vand.u32 $0x7FFFFFFF, v7;
	v7 =	vld [tilespmem:s31+$0x8060]  }
0x14f: {  	v6 =	vmul.f32 $3.000000000e+01, v6;
	v9 =	vld.idx.msk [tilespmem:v10+s4+$0x0], $0xffff  }
0x150: {  	v11 =	vshrl.u32 v11, $0xF;
	v15 =	vld [tilespmem:s31+$0x10060]  }
0x151: {  	v10 =	vld.idx.msk [tilespmem:v12+s4+$0x0], $0xffff;
	v12 =	vshrl.u32 v14, $0xF;
	v14 =	vsub.f32 v14, v13;
	v6 =	vtrunc.f32 v6  }
0x152: {  	v16 =	vld [tilespmem:s28+$0x8000];
	v6 =	vcvt.f32.s32 v6  }
0x153: {  	v14 =	vand.u32 $0x7FFFFFFF, v14  }
0x154: {  	v17 =	vld [tilespmem:s28+$0x10000];
	v18 =	vsub.f32 $1.000000000e+00, v7;
	v6 =	vshll.u32 v6, $0x4;
	v19 =	vshrl.u32 v7, $0xF  }
0x155: {  	v14 =	vmul.f32 $3.000000000e+01, v14;
	v7 =	vsub.f32 v7, v15;
	v6 =	vadd.s32 v3, v6  }
0x156: {  	v11 =	vld.idx.msk [tilespmem:v11+s4+$0x0], $0xffff;
	v9 =	vsub.f32 v9, v10;
	v18 =	vshrl.u32 v18, $0xF  }
0x157: {  	v20 =	vsub.f32 $1.000000000e+00, v16;
	v12 =	vld.idx.msk [tilespmem:v12+s4+$0x0], $0xffff;
	v14 =	vtrunc.f32 v14;
	v7 =	vand.u32 $0x7FFFFFFF, v7  }
0x158: {  	v8 =	vmul.f32 v9, v8;
	v9 =	vshrl.u32 v16, $0xF;
	v7 =	vmul.f32 $3.000000000e+01, v7  }
0x159: {  	v20 =	vshrl.u32 v20, $0xF;
	v14 =	vcvt.f32.s32 v14;
	v16 =	vsub.f32 v16, v17;
	v19 =	vld.idx.msk [tilespmem:v19+s4+$0x0], $0xffff  }
0x15a: {  	v8 =	vadd.f32 v8, v10;
	v7 =	vtrunc.f32 v7;
	[tilespmem:v6+s19+$0x0] =	vst.idx.add.f32.msk $0xffff, v1  }
0x15b: {  	v14 =	vshll.u32 v14, $0x4;
	v16 =	vand.u32 $0x7FFFFFFF, v16;
	v7 =	vcvt.f32.s32 v7;
	v10 =	vld.idx.msk [tilespmem:v18+s4+$0x0], $0xffff  }
0x15c: {  	[tilespmem:v6+s20+$0x0] =	vst.idx.add.f32.msk $0xffff, v8;
	v6 =	vsub.f32 v12, v11;
	v8 =	vor.u32 v2, v14;
	v12 =	vmul.f32 $3.000000000e+01, v16  }
0x15d: {  	v9 =	vld.idx.msk [tilespmem:v9+s4+$0x0], $0xffff  }
0x15e: {  	v14 =	vld.idx.msk [tilespmem:v20+s4+$0x0], $0xffff;
	v7 =	vshll.u32 v7, $0x4;
	v6 =	vmul.f32 v6, v13;
	v12 =	vtrunc.f32 v12  }
0x15f: {  	v18 =	vld [tilespmem:s31+$0x10020];
	v7 =	vadd.s32 v4, v7;
	v12 =	vcvt.f32.s32 v12  }
0x160: {  	v13 =	vld [tilespmem:s31+$0x8020];
	v6 =	vadd.f32 v6, v11;
	v16 =	vsub.f32 v19, v10  }
0x161: {  	[tilespmem:v8+s19+$0x0] =	vst.idx.add.f32.msk $0xffff, v1;
	v12 =	vshll.u32 v12, $0x4  }
0x162: {  	[tilespmem:v8+s20+$0x0] =	vst.idx.add.f32.msk $0xffff, v6;
	v6 =	vor.u32 v2, v12;
	v11 =	vmul.f32 v16, v15  }
0x163: {  	v8 =	vsub.f32 v9, v14;
	v9 =	vld [tilespmem:s28+$0x8050]  }
0x164: {  	[tilespmem:v7+s19+$0x0] =	vst.idx.add.f32.msk $0xffff, v1;
	v10 =	vadd.f32 v11, v10  }
0x165: {  	v8 =	vmul.f32 v8, v17;
	v11 =	vld [tilespmem:s28+$0x10050]  }
0x166: {  	[tilespmem:v7+s20+$0x0] =	vst.idx.add.f32.msk $0xffff, v10  }
0x167: {  	v8 =	vadd.f32 v8, v14;
	[tilespmem:v6+s19+$0x0] =	vst.idx.add.f32.msk $0xffff, v1  }
0x168: {  	v10 =	vsub.f32 v13, v18;
	v7 =	vld [tilespmem:s31+$0x8070]  }
0x169: {  	v12 =	vsub.f32 $1.000000000e+00, v9;
	[tilespmem:v6+s20+$0x0] =	vst.idx.add.f32.msk $0xffff, v8  }
0x16a: {  	v8 =	vshrl.u32 v9, $0xF;
	v10 =	vand.u32 $0x7FFFFFFF, v10;
	v15 =	vld [tilespmem:s28+$0x8010]  }
0x16b: {  	v6 =	vmul.f32 $3.000000000e+01, v10;
	v12 =	vshrl.u32 v12, $0xF  }
0x16c: {  	v10 =	vld [tilespmem:s31+$0x10070];
	v9 =	vsub.f32 v9, v11  }
0x16d: {  	s14 =	simm.s32 $0x800;
	s3 =	simm.s32 $0x100;
	v14 =	vsub.f32 $1.000000000e+00, v13;
	v13 =	vshrl.u32 v13, $0xF;
	v6 =	vtrunc.f32 v6  }
0x16e: {  	s30 =	simm.s32 $0x20;
	s0 =	sand.u32 $0x2000, s3;
	s3 =	sand.u32 $0x1C00, s14;
	v19 =	vld [tilespmem:s28+$0x10010];
	v9 =	vand.u32 $0x7FFFFFFF, v9;
	v16 =	vsub.f32 $1.000000000e+00, v7;
	v17 =	vshrl.u32 v7, $0xF  }
0x16f: {  	s15 =	sand.u32 $0x380, s30;
	s0 =	sor.u32 s3, s0;
	v8 =	vld.idx.msk [tilespmem:v8+s4+$0x0], $0xffff;
	v9 =	vmul.f32 $3.000000000e+01, v9;
	v20 =	vsub.f32 $1.000000000e+00, v15;
	v21 =	vshrl.u32 v15, $0xF  }
0x170: {  	s29 =	sor.u32 s15, s0;
	v6 =	vcvt.f32.s32 v6;
	v16 =	vshrl.u32 v16, $0xF;
	v12 =	vld.idx.msk [tilespmem:v12+s4+$0x0], $0xffff  }
0x171: {  	v22 =	vld [tilespmem:s29+$0x8040];
	v7 =	vsub.f32 v7, v10;
	v9 =	vtrunc.f32 v9;
	v20 =	vshrl.u32 v20, $0xF  }
0x172: {  	v14 =	vshrl.u32 v14, $0xF;
	v13 =	vld.idx.msk [tilespmem:v13+s4+$0x0], $0xffff;
	v6 =	vshll.u32 v6, $0x4;
	v9 =	vcvt.f32.s32 v9  }
0x173: {  	v15 =	vsub.f32 v15, v19;
	v6 =	vadd.s32 v4, v6;
	v7 =	vand.u32 $0x7FFFFFFF, v7;
	v17 =	vld.idx.msk [tilespmem:v17+s4+$0x0], $0xffff  }
0x174: {  	v7 =	vmul.f32 $3.000000000e+01, v7;
	v9 =	vshll.u32 v9, $0x4;
	v21 =	vld.idx.msk [tilespmem:v21+s4+$0x0], $0xffff  }
0x175: {  	v15 =	vand.u32 $0x7FFFFFFF, v15;
	v9 =	vadd.s32 v3, v9;
	v16 =	vld.idx.msk [tilespmem:v16+s4+$0x0], $0xffff;
	v8 =	vsub.f32 v8, v12  }
0x176: {  	v15 =	vmul.f32 $3.000000000e+01, v15;
	v7 =	vtrunc.f32 v7;
	v20 =	vld.idx.msk [tilespmem:v20+s4+$0x0], $0xffff  }
0x177: {  	v14 =	vld.idx.msk [tilespmem:v14+s4+$0x0], $0xffff;
	v7 =	vcvt.f32.s32 v7;
	v8 =	vmul.f32 v8, v11  }
0x178: {  	v15 =	vtrunc.f32 v15;
	[tilespmem:v6+s19+$0x0] =	vst.idx.add.f32.msk $0xffff, v1  }
0x179: {  	v11 =	vld [tilespmem:s29+$0x10040];
	v7 =	vshll.u32 v7, $0x4;
	v8 =	vadd.f32 v8, v12;
	v12 =	vcvt.f32.s32 v15  }
0x17a: {  	v7 =	vadd.s32 v5, v7;
	[tilespmem:v9+s19+$0x0] =	vst.idx.add.f32.msk $0xffff, v1;
	v17 =	vsub.f32 v17, v16  }
0x17b: {  	[tilespmem:v9+s20+$0x0] =	vst.idx.add.f32.msk $0xffff, v8;
	v8 =	vshll.u32 v12, $0x4;
	v12 =	vsub.f32 v21, v20  }
0x17c: {  	v10 =	vmul.f32 v17, v10;
	v9 =	vld [tilespmem:s28+$0x8060]  }
0x17d: {  	v13 =	vsub.f32 v13, v14;
	v8 =	vadd.s32 v3, v8;
	v17 =	vld [tilespmem:s29+$0x10000];
	v12 =	vmul.f32 v12, v19  }
0x17e: {  	v10 =	vadd.f32 v10, v16;
	v16 =	vld [tilespmem:s28+$0x10060]  }
0x17f: {  	v13 =	vmul.f32 v13, v18;
	[tilespmem:v7+s19+$0x0] =	vst.idx.add.f32.msk $0xffff, v1;
	v12 =	vadd.f32 v12, v20  }
0x180: {  	v15 =	vshrl.u32 v22, $0xF;
	v20 =	vsub.f32 v22, v11;
	[tilespmem:v7+s20+$0x0] =	vst.idx.add.f32.msk $0xffff, v10;
	v10 =	vsub.f32 $1.000000000e+00, v22  }
0x181: {  	v13 =	vadd.f32 v13, v14;
	v7 =	vld [tilespmem:s29+$0x8000]  }
0x182: {  	[tilespmem:v8+s19+$0x0] =	vst.idx.add.f32.msk $0xffff, v1;
	v19 =	vsub.f32 $1.000000000e+00, v9;
	v20 =	vand.u32 $0x7FFFFFFF, v20;
	v10 =	vshrl.u32 v10, $0xF  }
0x183: {  	[tilespmem:v8+s20+$0x0] =	vst.idx.add.f32.msk $0xffff, v12;
	v12 =	vshrl.u32 v9, $0xF;
	v20 =	vmul.f32 $3.000000000e+01, v20;
	v9 =	vsub.f32 v9, v16  }
0x184: {  	[tilespmem:v6+s20+$0x0] =	vst.idx.add.f32.msk $0xffff, v13;
	v19 =	vshrl.u32 v19, $0xF  }
0x185: {  	v15 =	vld.idx.msk [tilespmem:v15+s4+$0x0], $0xffff;
	v20 =	vtrunc.f32 v20;
	v9 =	vand.u32 $0x7FFFFFFF, v9  }
0x186: {  	v21 =	vld [tilespmem:s28+$0x8020];
	v8 =	vsub.f32 $1.000000000e+00, v7;
	v22 =	vshrl.u32 v7, $0xF;
	v9 =	vmul.f32 $3.000000000e+01, v9  }
0x187: {  	v7 =	vsub.f32 v7, v17;
	v20 =	vcvt.f32.s32 v20;
	v10 =	vld.idx.msk [tilespmem:v10+s4+$0x0], $0xffff  }
0x188: {  	v18 =	vshrl.u32 v8, $0xF;
	v12 =	vld.idx.msk [tilespmem:v12+s4+$0x0], $0xffff;
	v9 =	vtrunc.f32 v9  }
0x189: {  	v7 =	vand.u32 $0x7FFFFFFF, v7;
	v20 =	vshll.u32 v20, $0x4;
	v14 =	vld.idx.msk [tilespmem:v19+s4+$0x0], $0xffff;
	v9 =	vcvt.f32.s32 v9  }
0x18a: {  	v8 =	vld [tilespmem:s28+$0x10020];
	v20 =	vor.u32 v2, v20;
	v7 =	vmul.f32 $3.000000000e+01, v7  }
0x18b: {  	v19 =	vld.idx.msk [tilespmem:v22+s4+$0x0], $0xffff;
	v22 =	vshrl.u32 v21, $0xF;
	v9 =	vshll.u32 v9, $0x4  }
0x18c: {  	v23 =	vld [tilespmem:s31+$0x8030];
	v7 =	vtrunc.f32 v7;
	v15 =	vsub.f32 v15, v10;
	v9 =	vadd.s32 v4, v9  }
0x18d: {  	v7 =	vcvt.f32.s32 v7;
	v18 =	vld.idx.msk [tilespmem:v18+s4+$0x0], $0xffff  }
0x18e: {  	v6 =	vld [tilespmem:s31+$0x10030];
	v12 =	vsub.f32 v12, v14;
	v11 =	vmul.f32 v15, v11  }
0x18f: {  	[tilespmem:v20+s19+$0x0] =	vst.idx.add.f32.msk $0xffff, v1;
	v7 =	vshll.u32 v7, $0x4  }
0x190: {  	v24 =	vld.idx.msk [tilespmem:v22+s4+$0x0], $0xffff;
	v10 =	vadd.f32 v11, v10;
	v11 =	vmul.f32 v12, v16;
	v12 =	vsub.f32 v21, v8  }
0x191: {  	v7 =	vor.u32 v2, v7;
	[tilespmem:v9+s19+$0x0] =	vst.idx.add.f32.msk $0xffff, v1  }
0x192: {  	[tilespmem:v20+s20+$0x0] =	vst.idx.add.f32.msk $0xffff, v10;
	v10 =	vsub.f32 v19, v18;
	v11 =	vadd.f32 v11, v14;
	v12 =	vand.u32 $0x7FFFFFFF, v12  }
0x193: {  	v13 =	vsub.f32 v23, v6;
	v15 =	vld [tilespmem:s29+$0x8050];
	v12 =	vmul.f32 $3.000000000e+01, v12  }
0x194: {  	v10 =	vmul.f32 v10, v17;
	[tilespmem:v9+s20+$0x0] =	vst.idx.add.f32.msk $0xffff, v11;
	v9 =	vsub.f32 $1.000000000e+00, v21  }
0x195: {  	v13 =	vand.u32 $0x7FFFFFFF, v13;
	v14 =	vld [tilespmem:s29+$0x10050];
	v12 =	vtrunc.f32 v12  }
0x196: {  	v11 =	vld [tilespmem:s28+$0x8070];
	v10 =	vadd.f32 v10, v18;
	v16 =	vshrl.u32 v9, $0xF;
	v9 =	vcvt.f32.s32 v12  }
0x197: {  	v13 =	vmul.f32 $3.000000000e+01, v13;
	[tilespmem:v7+s19+$0x0] =	vst.idx.add.f32.msk $0xffff, v1  }
0x198: {  	v12 =	vsub.f32 $1.000000000e+00, v15;
	[tilespmem:v7+s20+$0x0] =	vst.idx.add.f32.msk $0xffff, v10;
	v7 =	vshrl.u32 v15, $0xF;
	v9 =	vshll.u32 v9, $0x4  }
0x199: {  	v10 =	vld [tilespmem:s28+$0x10070];
	v9 =	vadd.s32 v4, v9  }
0x19a: {  	v20 =	vtrunc.f32 v13;
	v17 =	vsub.f32 $1.000000000e+00, v23;
	v19 =	vld [tilespmem:s29+$0x8010];
	v12 =	vshrl.u32 v12, $0xF  }
0x19b: {  	v21 =	vsub.f32 v15, v14;
	v13 =	vld [tilespmem:s29+$0x10010];
	v18 =	vsub.f32 $1.000000000e+00, v11;
	v22 =	vshrl.u32 v11, $0xF  }
0x19c: {  	v25 =	vcvt.f32.s32 v20;
	v17 =	vshrl.u32 v17, $0xF;
	v15 =	vld.idx.msk [tilespmem:v16+s4+$0x0], $0xffff  }
0x19d: {  	v27 =	vshrl.u32 v23, $0xF;
	v16 =	vand.u32 $0x7FFFFFFF, v21;
	v26 =	vshrl.u32 v18, $0xF;
	v20 =	vld.idx.msk [tilespmem:v7+s4+$0x0], $0xffff  }
0x19e: {  	v16 =	vmul.f32 $3.000000000e+01, v16;
	v7 =	vshll.u32 v25, $0x4;
	v11 =	vsub.f32 v11, v10;
	[tilespmem:v9+s19+$0x0] =	vst.idx.add.f32.msk $0xffff, v1  }
0x19f: {  	v7 =	vadd.s32 v5, v7;
	v21 =	vsub.f32 $1.000000000e+00, v19;
	v23 =	vshrl.u32 v19, $0xF;
	v18 =	vld.idx.msk [tilespmem:v12+s4+$0x0], $0xffff  }
0x1a0: {  	v25 =	vsub.f32 v19, v13;
	v12 =	vtrunc.f32 v16;
	v11 =	vand.u32 $0x7FFFFFFF, v11;
	v16 =	vld.idx.msk [tilespmem:v22+s4+$0x0], $0xffff  }
0x1a1: {  	v19 =	vcvt.f32.s32 v12;
	v28 =	vmul.f32 $3.000000000e+01, v11;
	v22 =	vshrl.u32 v21, $0xF;
	v11 =	vld.idx.msk [tilespmem:v17+s4+$0x0], $0xffff  }
0x1a2: {  	v25 =	vand.u32 $0x7FFFFFFF, v25;
	v21 =	vsub.f32 v24, v15;
	v12 =	vld.idx.msk [tilespmem:v26+s4+$0x0], $0xffff  }
0x1a3: {  	s3 =	simm.s32 $0xC00;
	s0 =	simm.s32 $0x180;
	s31 =	simm.s32 $0x4;
	v17 =	vld.idx.msk [tilespmem:v27+s4+$0x0], $0xffff;
	v24 =	vmul.f32 $3.000000000e+01, v25;
	v25 =	vshll.u32 v19, $0x4;
	v19 =	vtrunc.f32 v28  }
.LBB2_3:
0x1a4: {  	s14 =	sand.u32 $0x2000, s0;
	s15 =	sand.u32 $0x1C00, s3;
	v23 =	vld.idx.msk [tilespmem:v23+s4+$0x0], $0xffff;
	v20 =	vsub.f32 v20, v18;
	v25 =	vadd.s32 v3, v25;
	s30 =	sadd.s32 $0x10, s30;
	v19 =	vcvt.f32.s32 v19  }
0x1a5: {  	v8 =	vmul.f32 v21, v8;
	s14 =	sor.u32 s15, s14;
	s15 =	sand.u32 $0x380, s30;
	v24 =	vtrunc.f32 v24;
	[tilespmem:v7+s19+$0x0] =	vst.idx.add.f32.msk $0xffff, v1  }
0x1a6: {  	s14 =	sor.u32 s15, s14;
	v21 =	vcvt.f32.s32 v24;
	v22 =	vld.idx.msk [tilespmem:v22+s4+$0x0], $0xffff;
	v14 =	vmul.f32 v20, v14;
	v19 =	vshll.u32 v19, $0x4  }
0x1a7: {  	s31 =	sadd.s32 $0x2, s31;
	v15 =	vadd.f32 v8, v15;
	v8 =	vsub.f32 v16, v12;
	v20 =	vld [tilespmem:s14+$0x10040];
	v16 =	vadd.s32 v5, v19  }
0x1a8: {  	p0 =	slt.u32 s31, $0xFE;
	v19 =	vld [tilespmem:s14+$0x8040];
	v21 =	vshll.u32 v21, $0x4;
	v14 =	vadd.f32 v14, v18  }
0x1a9: {  	v8 =	vmul.f32 v8, v10;
	v18 =	vadd.s32 v3, v21;
	[tilespmem:v25+s19+$0x0] =	vst.idx.add.f32.msk $0xffff, v1  }
0x1aa: {  	v10 =	vsub.f32 v17, v11;
	[tilespmem:v25+s20+$0x0] =	vst.idx.add.f32.msk $0xffff, v14  }
0x1ab: {  	v8 =	vadd.f32 v8, v12;
	v14 =	vld [tilespmem:s29+$0x8060]  }
0x1ac: {  	v6 =	vmul.f32 v10, v6;
	v12 =	vsub.f32 v23, v22;
	[tilespmem:v16+s19+$0x0] =	vst.idx.add.f32.msk $0xffff, v1  }
0x1ad: {  	[tilespmem:v16+s20+$0x0] =	vst.idx.add.f32.msk $0xffff, v8  }
0x1ae: {  	v11 =	vadd.f32 v6, v11;
	v10 =	vsub.f32 $1.000000000e+00, v19;
	v12 =	vmul.f32 v12, v13;
	v8 =	vld [tilespmem:s14+$0x8000]  }
0x1af: {  	v6 =	vshrl.u32 v19, $0xF;
	v13 =	vld [tilespmem:s14+$0x10000]  }
0x1b0: {  	v10 =	vshrl.u32 v10, $0xF;
	v12 =	vadd.f32 v12, v22;
	v16 =	vld [tilespmem:s29+$0x10060]  }
0x1b1: {  	v17 =	vsub.f32 $1.000000000e+00, v14;
	[tilespmem:v18+s19+$0x0] =	vst.idx.add.f32.msk $0xffff, v1  }
0x1b2: {  	v19 =	vsub.f32 v19, v20;
	[tilespmem:v18+s20+$0x0] =	vst.idx.add.f32.msk $0xffff, v12;
	v12 =	vshrl.u32 v14, $0xF  }
0x1b3: {  	v17 =	vshrl.u32 v17, $0xF;
	v18 =	vshrl.u32 v8, $0xF;
	v21 =	vsub.f32 $1.000000000e+00, v8;
	v22 =	vld [tilespmem:s29+$0x8020]  }
0x1b4: {  	v19 =	vand.u32 $0x7FFFFFFF, v19;
	v8 =	vsub.f32 v8, v13;
	v6 =	vld.idx.msk [tilespmem:v6+s4+$0x0], $0xffff  }
0x1b5: {  	v19 =	vmul.f32 $3.000000000e+01, v19;
	v21 =	vshrl.u32 v21, $0xF;
	v10 =	vld.idx.msk [tilespmem:v10+s4+$0x0], $0xffff;
	v14 =	vsub.f32 v14, v16  }
0x1b6: {  	v23 =	vand.u32 $0x7FFFFFFF, v8;
	v8 =	vld [tilespmem:s29+$0x10020]  }
0x1b7: {  	v19 =	vtrunc.f32 v19;
	v23 =	vmul.f32 $3.000000000e+01, v23;
	v14 =	vand.u32 $0x7FFFFFFF, v14;
	v12 =	vld.idx.msk [tilespmem:v12+s4+$0x0], $0xffff  }
0x1b8: {  	v19 =	vcvt.f32.s32 v19;
	v24 =	vsub.f32 $1.000000000e+00, v22;
	v14 =	vmul.f32 $3.000000000e+01, v14;
	v17 =	vld.idx.msk [tilespmem:v17+s4+$0x0], $0xffff  }
0x1b9: {  	v25 =	vshrl.u32 v22, $0xF;
	v23 =	vtrunc.f32 v23;
	v18 =	vld.idx.msk [tilespmem:v18+s4+$0x0], $0xffff  }
0x1ba: {  	v19 =	vshll.u32 v19, $0x4;
	v23 =	vcvt.f32.s32 v23;
	v21 =	vld.idx.msk [tilespmem:v21+s4+$0x0], $0xffff;
	v14 =	vtrunc.f32 v14  }
0x1bb: {  	v19 =	vor.u32 v2, v19;
	v6 =	vsub.f32 v6, v10;
	v14 =	vcvt.f32.s32 v14;
	[tilespmem:v9+s20+$0x0] =	vst.idx.add.f32.msk $0xffff, v15  }
0x1bc: {  	v15 =	vsub.f32 v22, v8;
	v22 =	vshrl.u32 v24, $0xF;
	v9 =	vshll.u32 v23, $0x4;
	v23 =	vld [tilespmem:s28+$0x8030]  }
0x1bd: {  	v24 =	vor.u32 v2, v9;
	v9 =	vmul.f32 v6, v20;
	v14 =	vshll.u32 v14, $0x4;
	v6 =	vld [tilespmem:s28+$0x10030];
	s28 =	smov.u32 s29;
	s29 =	smov.u32 s14  }
0x1be: {  	v15 =	vand.u32 $0x7FFFFFFF, v15;
	v12 =	vsub.f32 v12, v17;
	v25 =	vld.idx.msk [tilespmem:v25+s4+$0x0], $0xffff;
	v14 =	vadd.s32 v4, v14  }
0x1bf: {  	v9 =	vadd.f32 v9, v10;
	v10 =	vmul.f32 $3.000000000e+01, v15;
	[tilespmem:v7+s20+$0x0] =	vst.idx.add.f32.msk $0xffff, v11  }
0x1c0: {  	v7 =	vsub.f32 v18, v21;
	v11 =	vmul.f32 v12, v16;
	[tilespmem:v19+s19+$0x0] =	vst.idx.add.f32.msk $0xffff, v1  }
0x1c1: {  	[tilespmem:v19+s20+$0x0] =	vst.idx.add.f32.msk $0xffff, v9;
	v9 =	vtrunc.f32 v10;
	v26 =	vshrl.u32 v23, $0xF;
	v10 =	vsub.f32 $1.000000000e+00, v23  }
0x1c2: {  	v7 =	vmul.f32 v7, v13;
	v11 =	vadd.f32 v11, v17;
	v12 =	vld [tilespmem:s29+$0x8050];
	v9 =	vcvt.f32.s32 v9  }
0x1c3: {  	v13 =	vsub.f32 v23, v6;
	[tilespmem:v14+s19+$0x0] =	vst.idx.add.f32.msk $0xffff, v1;
	v17 =	vshrl.u32 v10, $0xF  }
0x1c4: {  	v7 =	vadd.f32 v7, v21;
	v9 =	vshll.u32 v9, $0x4;
	[tilespmem:v14+s20+$0x0] =	vst.idx.add.f32.msk $0xffff, v11  }
0x1c5: {  	v10 =	vand.u32 $0x7FFFFFFF, v13;
	v9 =	vadd.s32 v4, v9;
	v11 =	vld [tilespmem:s28+$0x8070]  }
0x1c6: {  	v10 =	vmul.f32 $3.000000000e+01, v10;
	v14 =	vld [tilespmem:s29+$0x10050]  }
0x1c7: {  	[tilespmem:v24+s19+$0x0] =	vst.idx.add.f32.msk $0xffff, v1;
	v13 =	vsub.f32 $1.000000000e+00, v12  }
0x1c8: {  	v16 =	vshrl.u32 v12, $0xF;
	[tilespmem:v24+s20+$0x0] =	vst.idx.add.f32.msk $0xffff, v7;
	v7 =	vtrunc.f32 v10  }
0x1c9: {  	v18 =	vshrl.u32 v13, $0xF;
	v10 =	vld [tilespmem:s28+$0x10070];
	v7 =	vcvt.f32.s32 v7  }
0x1ca: {  	v19 =	vld [tilespmem:s29+$0x8010];
	v20 =	vsub.f32 $1.000000000e+00, v11  }
0x1cb: {  	v21 =	vshrl.u32 v11, $0xF;
	v13 =	vld [tilespmem:s29+$0x10010];
	v12 =	vsub.f32 v12, v14;
	v7 =	vshll.u32 v7, $0x4  }
0x1cc: {  	v15 =	vld.idx.msk [tilespmem:v22+s4+$0x0], $0xffff;
	v24 =	vshrl.u32 v20, $0xF;
	v7 =	vadd.s32 v5, v7  }
0x1cd: {  	v12 =	vand.u32 $0x7FFFFFFF, v12;
	v20 =	vld.idx.msk [tilespmem:v16+s4+$0x0], $0xffff  }
0x1ce: {  	v12 =	vmul.f32 $3.000000000e+01, v12;
	v18 =	vld.idx.msk [tilespmem:v18+s4+$0x0], $0xffff;
	v11 =	vsub.f32 v11, v10  }
.Ltmp0:
0x1cf: {  	v23 =	vshrl.u32 v19, $0xF;
	v22 =	vsub.f32 $1.000000000e+00, v19;
	[tilespmem:v9+s19+$0x0] =	vst.idx.add.f32.msk $0xffff, v1;
	(pc) =	sbr.rel @p0 .LBB2_3-.Ltmp0, $4  }
0x1d0: {  	v19 =	vsub.f32 v19, v13;
	v12 =	vtrunc.f32 v12;
	v11 =	vand.u32 $0x7FFFFFFF, v11;
	v16 =	vld.idx.msk [tilespmem:v21+s4+$0x0], $0xffff  }
0x1d1: {  	v22 =	vshrl.u32 v22, $0xF;
	v27 =	vcvt.f32.s32 v12;
	v28 =	vmul.f32 $3.000000000e+01, v11;
	v12 =	vld.idx.msk [tilespmem:v24+s4+$0x0], $0xffff  }
0x1d2: {  	v21 =	vsub.f32 v25, v15;
	v19 =	vand.u32 $0x7FFFFFFF, v19;
	v11 =	vld.idx.msk [tilespmem:v17+s4+$0x0], $0xffff  }
0x1d3: {  	s0 =	sadd.s32 $0x80, s0;
	s3 =	sadd.s32 $0x400, s3;
	v24 =	vmul.f32 $3.000000000e+01, v19;
	v25 =	vshll.u32 v27, $0x4;
	v19 =	vtrunc.f32 v28;
	v17 =	vld.idx.msk [tilespmem:v26+s4+$0x0], $0xffff  }
0x1d4: {  	_ =	sdelay $0x3  }
0x1d5: {  	v23 =	vld.idx.msk [tilespmem:v23+s4+$0x0], $0xffff  }
0x1d6: {  	v22 =	vld.idx.msk [tilespmem:v22+s4+$0x0], $0xffff  }
0x1d7: {  	v20 =	vsub.f32 v20, v18;
	v25 =	vadd.s32 v3, v25;
	v24 =	vtrunc.f32 v24  }
0x1d8: {  	v24 =	vcvt.f32.s32 v24  }
0x1d9: {  	v14 =	vmul.f32 v20, v14  }
0x1da: {  	v20 =	vshll.u32 v24, $0x4  }
0x1db: {  	v14 =	vadd.f32 v14, v18;
	v18 =	vadd.s32 v3, v20;
	v20 =	vsub.f32 v23, v22  }
0x1dc: {  	[tilespmem:v25+s19+$0x0] =	vst.idx.add.f32.msk $0xffff, v1  }
0x1dd: {  	[tilespmem:v25+s20+$0x0] =	vst.idx.add.f32.msk $0xffff, v14;
	v13 =	vmul.f32 v20, v13  }
0x1de: {  	v14 =	vld [tilespmem:s29+$0x8060]  }
0x1df: {  	v20 =	vld [tilespmem:s29+$0x10060];
	v13 =	vadd.f32 v13, v22  }
0x1e0: {  	[tilespmem:v18+s19+$0x0] =	vst.idx.add.f32.msk $0xffff, v1  }
0x1e1: {  	[tilespmem:v18+s20+$0x0] =	vst.idx.add.f32.msk $0xffff, v13  }
0x1e2: {  	v13 =	vld [tilespmem:s29+$0x8020];
	_ =	sdelay $0x1  }
0x1e3: {  	v18 =	vsub.f32 $1.000000000e+00, v14  }
0x1e4: {  	v22 =	vshrl.u32 v14, $0xF;
	v23 =	vld [tilespmem:s29+$0x10020]  }
0x1e5: {  	v18 =	vshrl.u32 v18, $0xF  }
0x1e6: {  	v14 =	vsub.f32 v14, v20;
	v24 =	vsub.f32 $1.000000000e+00, v13  }
0x1e7: {  	v25 =	vshrl.u32 v13, $0xF  }
0x1e8: {  	v14 =	vand.u32 $0x7FFFFFFF, v14;
	v24 =	vshrl.u32 v24, $0xF  }
0x1e9: {  	v14 =	vmul.f32 $3.000000000e+01, v14;
	v22 =	vld.idx.msk [tilespmem:v22+s4+$0x0], $0xffff;
	v13 =	vsub.f32 v13, v23  }
0x1ea: {  	v18 =	vld.idx.msk [tilespmem:v18+s4+$0x0], $0xffff  }
0x1eb: {  	v8 =	vmul.f32 v21, v8;
	v14 =	vtrunc.f32 v14;
	v13 =	vand.u32 $0x7FFFFFFF, v13  }
0x1ec: {  	v14 =	vcvt.f32.s32 v14;
	v13 =	vmul.f32 $3.000000000e+01, v13;
	v21 =	vld.idx.msk [tilespmem:v25+s4+$0x0], $0xffff  }
0x1ed: {  	v24 =	vld.idx.msk [tilespmem:v24+s4+$0x0], $0xffff  }
0x1ee: {  	v8 =	vadd.f32 v8, v15;
	v14 =	vshll.u32 v14, $0x4;
	v13 =	vtrunc.f32 v13  }
0x1ef: {  	v14 =	vadd.s32 v4, v14;
	v13 =	vcvt.f32.s32 v13;
	v15 =	vsub.f32 v22, v18;
	_ =	sdelay $0x1  }
0x1f0: {  	[tilespmem:v9+s20+$0x0] =	vst.idx.add.f32.msk $0xffff, v8;
	v9 =	vshll.u32 v13, $0x4;
	v8 =	vmul.f32 v15, v20  }
0x1f1: {  	v13 =	vld [tilespmem:s28+$0x8030];
	v9 =	vadd.s32 v4, v9;
	v15 =	vsub.f32 v21, v24  }
0x1f2: {  	v20 =	vld [tilespmem:s28+$0x10030];
	v8 =	vadd.f32 v8, v18  }
0x1f3: {  	[tilespmem:v14+s19+$0x0] =	vst.idx.add.f32.msk $0xffff, v1;
	v15 =	vmul.f32 v15, v23  }
0x1f4: {  	[tilespmem:v14+s20+$0x0] =	vst.idx.add.f32.msk $0xffff, v8  }
0x1f5: {  	v8 =	vld [tilespmem:s29+$0x8070];
	v14 =	vadd.f32 v15, v24  }
0x1f6: {  	[tilespmem:v9+s19+$0x0] =	vst.idx.add.f32.msk $0xffff, v1  }
0x1f7: {  	[tilespmem:v9+s20+$0x0] =	vst.idx.add.f32.msk $0xffff, v14  }
0x1f8: {  	v14 =	vld [tilespmem:s29+$0x10070]  }
0x1f9: {  	v9 =	vld [tilespmem:s29+$0x8030]  }
0x1fa: {  	v23 =	vsub.f32 v13, v20;
	v18 =	vsub.f32 $1.000000000e+00, v8  }
0x1fb: {  	v15 =	vcvt.f32.s32 v19;
	v19 =	vsub.f32 $1.000000000e+00, v13;
	v13 =	vshrl.u32 v13, $0xF  }
0x1fc: {  	v16 =	vsub.f32 v16, v12;
	v22 =	vld [tilespmem:s29+$0x10030];
	v18 =	vshrl.u32 v18, $0xF  }
0x1fd: {  	v17 =	vsub.f32 v17, v11;
	v23 =	vand.u32 $0x7FFFFFFF, v23;
	v19 =	vshrl.u32 v19, $0xF  }
0x1fe: {  	v21 =	vshrl.u32 v8, $0xF;
	v8 =	vsub.f32 v8, v14;
	v24 =	vsub.f32 $1.000000000e+00, v9  }
0x1ff: {  	v10 =	vmul.f32 v16, v10;
	v23 =	vmul.f32 $3.000000000e+01, v23;
	v25 =	vshrl.u32 v9, $0xF  }
0x200: {  	v15 =	vshll.u32 v15, $0x4;
	v13 =	vld.idx.msk [tilespmem:v13+s4+$0x0], $0xffff;
	v8 =	vand.u32 $0x7FFFFFFF, v8;
	v24 =	vshrl.u32 v24, $0xF  }
0x201: {  	v15 =	vadd.s32 v5, v15;
	v9 =	vsub.f32 v9, v22;
	v8 =	vmul.f32 $3.000000000e+01, v8;
	v16 =	vld.idx.msk [tilespmem:v18+s4+$0x0], $0xffff  }
0x202: {  	v6 =	vmul.f32 v17, v6;
	v17 =	vtrunc.f32 v23;
	v18 =	vld.idx.msk [tilespmem:v19+s4+$0x0], $0xffff  }
0x203: {  	v17 =	vcvt.f32.s32 v17;
	v21 =	vld.idx.msk [tilespmem:v21+s4+$0x0], $0xffff;
	v9 =	vand.u32 $0x7FFFFFFF, v9;
	v8 =	vtrunc.f32 v8  }
0x204: {  	v10 =	vadd.f32 v10, v12;
	v9 =	vmul.f32 $3.000000000e+01, v9;
	v8 =	vcvt.f32.s32 v8;
	v12 =	vld.idx.msk [tilespmem:v25+s4+$0x0], $0xffff  }
0x205: {  	v6 =	vadd.f32 v6, v11;
	v11 =	vshll.u32 v17, $0x4;
	v19 =	vld.idx.msk [tilespmem:v24+s4+$0x0], $0xffff  }
0x206: {  	v11 =	vadd.s32 v5, v11;
	[tilespmem:v15+s19+$0x0] =	vst.idx.add.f32.msk $0xffff, v1;
	v9 =	vtrunc.f32 v9;
	v8 =	vshll.u32 v8, $0x4  }
0x207: {  	[tilespmem:v15+s20+$0x0] =	vst.idx.add.f32.msk $0xffff, v10;
	v9 =	vcvt.f32.s32 v9;
	v10 =	vsub.f32 v13, v18;
	v8 =	vadd.s32 v5, v8  }
0x208: {  	[tilespmem:v7+s19+$0x0] =	vst.idx.add.f32.msk $0xffff, v1;
	v17 =	vsub.f32 v21, v16  }
0x209: {  	[tilespmem:v7+s20+$0x0] =	vst.idx.add.f32.msk $0xffff, v6;
	v7 =	vshll.u32 v9, $0x4;
	v9 =	vmul.f32 v10, v20  }
0x20a: {  	v6 =	vmul.f32 v17, v14;
	v7 =	vadd.s32 v5, v7;
	v10 =	vsub.f32 v12, v19  }
0x20b: {  	[tilespmem:v11+s19+$0x0] =	vst.idx.add.f32.msk $0xffff, v1;
	v9 =	vadd.f32 v9, v18  }
0x20c: {  	v6 =	vadd.f32 v6, v16;
	[tilespmem:v8+s19+$0x0] =	vst.idx.add.f32.msk $0xffff, v1;
	v10 =	vmul.f32 v10, v22  }
0x20d: {  	p0 =	seq.s32 s25, $0xB;
	[tilespmem:v11+s20+$0x0] =	vst.idx.add.f32.msk $0xffff, v9  }
0x20e: {  	s0 =	sadd.s32 @!p0 s26, s9;
	[tilespmem:v8+s20+$0x0] =	vst.idx.add.f32.msk $0xffff, v6;
	v6 =	vadd.f32 v10, v19  }
0x20f: {  	s0 =	sshll.u32 @!p0 s0, $0x7;
	[tilespmem:v7+s19+$0x0] =	vst.idx.add.f32.msk $0xffff, v1  }
0x210: {  	s14 =	simm.s32 @!p0 $0x0;
	s15 =	simm.s32 @!p0 $0x8000;
	s3 =	sadd.s32 @!p0 s1, s0;
	[tilespmem:v7+s20+$0x0] =	vst.idx.add.f32.msk $0xffff, v6  }
0x211: {  	[tilespmem:s15], [sflag:$0x1] =	stream.linear.gather @!p0 [hbm4b:s3+s14], $0x4000, $0x38;
	[tilespmem:$0x19000] =	vst v63  }
0x212: {  	s0 =	sadd.s32 @!p0 s2, s0;
	s3 =	simm.s32 @!p0 $0x10000  }
0x213: {  	[tilespmem:s3], [sflag:$0x1] =	stream.linear.gather @!p0 [hbm4b:s0+s14], $0x4000, $0x38;
	[tilespmem:$0x19000] =	vst v63  }
0x214: {  	_ =	swait.ge [sflag:s21], $0x4000  }
0x215: {  	[sflag:s21] =	ssyncset.done $0x0  }
0x216: {  	s15 =	simm.s32 $0x0;
	[sflag:s21] =	ssyncadd.s32 $0xFFFFC000  }
0x217: {  	s26 =	sand.u32 $0x2000, s15;
	s31 =	sand.u32 $0x1C00, s15;
	_ =	swait.ge [sflag:s21], $0x4000  }
0x218: {  	s3 =	sor.u32 s31, s26;
	s0 =	sand.u32 $0x380, s15;
	[sflag:s21] =	ssyncset.done $0x0  }
0x219: {  	s30 =	sor.u32 s0, s3;
	[sflag:s21] =	ssyncadd.s32 $0xFFFFC000  }
0x21a: {  	v6 =	vld [tilespmem:s30+$0xC040];
	_ =	sdelay $0x2  }
0x21b: {  	v7 =	vld [tilespmem:s30+$0x14040];
	_ =	sdelay $0x1  }
0x21c: {  	v8 =	vsub.f32 $1.000000000e+00, v6  }
0x21d: {  	v9 =	vshrl.u32 v6, $0xF  }
0x21e: {  	v8 =	vshrl.u32 v8, $0xF  }
0x21f: {  	v6 =	vsub.f32 v6, v7;
	_ =	sdelay $0x1  }
0x220: {  	v6 =	vand.u32 $0x7FFFFFFF, v6  }
0x221: {  	v6 =	vmul.f32 $3.000000000e+01, v6;
	v9 =	vld.idx.msk [tilespmem:v9+s4+$0x0], $0xffff  }
0x222: {  	v8 =	vld.idx.msk [tilespmem:v8+s4+$0x0], $0xffff  }
0x223: {  	v6 =	vtrunc.f32 v6  }
0x224: {  	v10 =	vld [tilespmem:s30+$0xC000];
	v6 =	vcvt.f32.s32 v6  }
0x225: {  	v11 =	vld [tilespmem:s30+$0x14000]  }
0x226: {  	v6 =	vshll.u32 v6, $0x4  }
0x227: {  	v6 =	vor.u32 v2, v6;
	v9 =	vsub.f32 v9, v8;
	_ =	sdelay $0x1  }
0x228: {  	v12 =	vsub.f32 $1.000000000e+00, v10;
	v7 =	vmul.f32 v9, v7  }
0x229: {  	v9 =	vshrl.u32 v10, $0xF;
	v10 =	vsub.f32 v10, v11  }
0x22a: {  	v12 =	vshrl.u32 v12, $0xF;
	v7 =	vadd.f32 v7, v8  }
0x22b: {  	[tilespmem:v6+s19+$0x0] =	vst.idx.add.f32.msk $0xffff, v1;
	v8 =	vand.u32 $0x7FFFFFFF, v10  }
0x22c: {  	v8 =	vmul.f32 $3.000000000e+01, v8;
	[tilespmem:v6+s20+$0x0] =	vst.idx.add.f32.msk $0xffff, v7  }
0x22d: {  	v6 =	vld [tilespmem:s30+$0xC050]  }
0x22e: {  	v7 =	vtrunc.f32 v8;
	v8 =	vld.idx.msk [tilespmem:v9+s4+$0x0], $0xffff  }
0x22f: {  	v9 =	vld.idx.msk [tilespmem:v12+s4+$0x0], $0xffff  }
0x230: {  	v10 =	vld [tilespmem:s30+$0x14050];
	_ =	sdelay $0x1  }
0x231: {  	v7 =	vcvt.f32.s32 v7;
	v12 =	vsub.f32 $1.000000000e+00, v6  }
0x232: {  	v13 =	vshrl.u32 v6, $0xF  }
0x233: {  	v7 =	vshll.u32 v7, $0x4;
	v8 =	vsub.f32 v8, v9;
	v12 =	vshrl.u32 v12, $0xF  }
0x234: {  	v7 =	vor.u32 v2, v7;
	v6 =	vsub.f32 v6, v10  }
0x235: {  	v8 =	vmul.f32 v8, v11  }
0x236: {  	v6 =	vand.u32 $0x7FFFFFFF, v6  }
0x237: {  	v6 =	vmul.f32 $3.000000000e+01, v6;
	v8 =	vadd.f32 v8, v9;
	v9 =	vld.idx.msk [tilespmem:v13+s4+$0x0], $0xffff  }
0x238: {  	v11 =	vld.idx.msk [tilespmem:v12+s4+$0x0], $0xffff  }
0x239: {  	[tilespmem:v7+s19+$0x0] =	vst.idx.add.f32.msk $0xffff, v1;
	v6 =	vtrunc.f32 v6  }
0x23a: {  	[tilespmem:v7+s20+$0x0] =	vst.idx.add.f32.msk $0xffff, v8;
	v6 =	vcvt.f32.s32 v6  }
0x23b: {  	s14 =	simm.s32 $0x80;
	s15 =	simm.s32 $0x400;
	v7 =	vld [tilespmem:s30+$0xC010]  }
0x23c: {  	s26 =	simm.s32 $0x10;
	s0 =	sand.u32 $0x2000, s14;
	s3 =	sand.u32 $0x1C00, s15;
	v6 =	vshll.u32 v6, $0x4  }
0x23d: {  	s31 =	sand.u32 $0x380, s26;
	s0 =	sor.u32 s3, s0;
	v8 =	vld [tilespmem:s30+$0x14010];
	v6 =	vadd.s32 v3, v6;
	v9 =	vsub.f32 v9, v11  }
0x23e: {  	s26 =	sor.u32 s31, s0  }
0x23f: {  	v14 =	vld [tilespmem:s26+$0xC040];
	v9 =	vmul.f32 v9, v10  }
0x240: {  	v12 =	vsub.f32 $1.000000000e+00, v7;
	v10 =	vshrl.u32 v7, $0xF  }
0x241: {  	v13 =	vld [tilespmem:s26+$0x14040];
	v9 =	vadd.f32 v9, v11  }
0x242: {  	v12 =	vshrl.u32 v12, $0xF;
	v7 =	vsub.f32 v7, v8;
	[tilespmem:v6+s19+$0x0] =	vst.idx.add.f32.msk $0xffff, v1  }
0x243: {  	[tilespmem:v6+s20+$0x0] =	vst.idx.add.f32.msk $0xffff, v9  }
0x244: {  	v11 =	vsub.f32 $1.000000000e+00, v14;
	v6 =	vand.u32 $0x7FFFFFFF, v7;
	v7 =	vld [tilespmem:s30+$0xC060]  }
0x245: {  	v6 =	vmul.f32 $3.000000000e+01, v6;
	v9 =	vld.idx.msk [tilespmem:v10+s4+$0x0], $0xffff  }
0x246: {  	v11 =	vshrl.u32 v11, $0xF;
	v15 =	vld [tilespmem:s30+$0x14060]  }
0x247: {  	v10 =	vld.idx.msk [tilespmem:v12+s4+$0x0], $0xffff;
	v12 =	vshrl.u32 v14, $0xF;
	v14 =	vsub.f32 v14, v13;
	v6 =	vtrunc.f32 v6  }
0x248: {  	v16 =	vld [tilespmem:s26+$0xC000];
	v6 =	vcvt.f32.s32 v6  }
0x249: {  	v14 =	vand.u32 $0x7FFFFFFF, v14  }
0x24a: {  	v17 =	vld [tilespmem:s26+$0x14000];
	v18 =	vsub.f32 $1.000000000e+00, v7;
	v6 =	vshll.u32 v6, $0x4;
	v19 =	vshrl.u32 v7, $0xF  }
0x24b: {  	v14 =	vmul.f32 $3.000000000e+01, v14;
	v7 =	vsub.f32 v7, v15;
	v6 =	vadd.s32 v3, v6  }
0x24c: {  	v11 =	vld.idx.msk [tilespmem:v11+s4+$0x0], $0xffff;
	v9 =	vsub.f32 v9, v10;
	v18 =	vshrl.u32 v18, $0xF  }
0x24d: {  	v20 =	vsub.f32 $1.000000000e+00, v16;
	v12 =	vld.idx.msk [tilespmem:v12+s4+$0x0], $0xffff;
	v14 =	vtrunc.f32 v14;
	v7 =	vand.u32 $0x7FFFFFFF, v7  }
0x24e: {  	v8 =	vmul.f32 v9, v8;
	v9 =	vshrl.u32 v16, $0xF;
	v7 =	vmul.f32 $3.000000000e+01, v7  }
0x24f: {  	v20 =	vshrl.u32 v20, $0xF;
	v14 =	vcvt.f32.s32 v14;
	v16 =	vsub.f32 v16, v17;
	v19 =	vld.idx.msk [tilespmem:v19+s4+$0x0], $0xffff  }
0x250: {  	v8 =	vadd.f32 v8, v10;
	v7 =	vtrunc.f32 v7;
	[tilespmem:v6+s19+$0x0] =	vst.idx.add.f32.msk $0xffff, v1  }
0x251: {  	v14 =	vshll.u32 v14, $0x4;
	v16 =	vand.u32 $0x7FFFFFFF, v16;
	v7 =	vcvt.f32.s32 v7;
	v10 =	vld.idx.msk [tilespmem:v18+s4+$0x0], $0xffff  }
0x252: {  	[tilespmem:v6+s20+$0x0] =	vst.idx.add.f32.msk $0xffff, v8;
	v6 =	vsub.f32 v12, v11;
	v8 =	vor.u32 v2, v14;
	v12 =	vmul.f32 $3.000000000e+01, v16  }
0x253: {  	v9 =	vld.idx.msk [tilespmem:v9+s4+$0x0], $0xffff  }
0x254: {  	v14 =	vld.idx.msk [tilespmem:v20+s4+$0x0], $0xffff;
	v7 =	vshll.u32 v7, $0x4;
	v6 =	vmul.f32 v6, v13;
	v12 =	vtrunc.f32 v12  }
0x255: {  	v18 =	vld [tilespmem:s30+$0x14020];
	v7 =	vadd.s32 v4, v7;
	v12 =	vcvt.f32.s32 v12  }
0x256: {  	v13 =	vld [tilespmem:s30+$0xC020];
	v6 =	vadd.f32 v6, v11;
	v16 =	vsub.f32 v19, v10  }
0x257: {  	[tilespmem:v8+s19+$0x0] =	vst.idx.add.f32.msk $0xffff, v1;
	v12 =	vshll.u32 v12, $0x4  }
0x258: {  	[tilespmem:v8+s20+$0x0] =	vst.idx.add.f32.msk $0xffff, v6;
	v6 =	vor.u32 v2, v12;
	v11 =	vmul.f32 v16, v15  }
0x259: {  	v8 =	vsub.f32 v9, v14;
	v9 =	vld [tilespmem:s26+$0xC050]  }
0x25a: {  	[tilespmem:v7+s19+$0x0] =	vst.idx.add.f32.msk $0xffff, v1;
	v10 =	vadd.f32 v11, v10  }
0x25b: {  	v8 =	vmul.f32 v8, v17;
	v11 =	vld [tilespmem:s26+$0x14050]  }
0x25c: {  	[tilespmem:v7+s20+$0x0] =	vst.idx.add.f32.msk $0xffff, v10  }
0x25d: {  	v8 =	vadd.f32 v8, v14;
	[tilespmem:v6+s19+$0x0] =	vst.idx.add.f32.msk $0xffff, v1  }
0x25e: {  	v10 =	vsub.f32 v13, v18;
	v7 =	vld [tilespmem:s30+$0xC070]  }
0x25f: {  	v12 =	vsub.f32 $1.000000000e+00, v9;
	[tilespmem:v6+s20+$0x0] =	vst.idx.add.f32.msk $0xffff, v8  }
0x260: {  	v8 =	vshrl.u32 v9, $0xF;
	v10 =	vand.u32 $0x7FFFFFFF, v10;
	v15 =	vld [tilespmem:s26+$0xC010]  }
0x261: {  	v6 =	vmul.f32 $3.000000000e+01, v10;
	v12 =	vshrl.u32 v12, $0xF  }
0x262: {  	v10 =	vld [tilespmem:s30+$0x14070];
	v9 =	vsub.f32 v9, v11  }
0x263: {  	s14 =	simm.s32 $0x100;
	s15 =	simm.s32 $0x800;
	v14 =	vsub.f32 $1.000000000e+00, v13;
	v13 =	vshrl.u32 v13, $0xF;
	v6 =	vtrunc.f32 v6  }
0x264: {  	s29 =	simm.s32 $0x20;
	s3 =	sand.u32 $0x1C00, s15;
	s0 =	sand.u32 $0x2000, s14;
	v19 =	vld [tilespmem:s26+$0x14010];
	v9 =	vand.u32 $0x7FFFFFFF, v9;
	v16 =	vsub.f32 $1.000000000e+00, v7;
	v17 =	vshrl.u32 v7, $0xF  }
0x265: {  	s31 =	sand.u32 $0x380, s29;
	s0 =	sor.u32 s3, s0;
	v8 =	vld.idx.msk [tilespmem:v8+s4+$0x0], $0xffff;
	v9 =	vmul.f32 $3.000000000e+01, v9;
	v20 =	vsub.f32 $1.000000000e+00, v15;
	v21 =	vshrl.u32 v15, $0xF  }
0x266: {  	s28 =	sor.u32 s31, s0;
	v6 =	vcvt.f32.s32 v6;
	v16 =	vshrl.u32 v16, $0xF;
	v12 =	vld.idx.msk [tilespmem:v12+s4+$0x0], $0xffff  }
0x267: {  	v22 =	vld [tilespmem:s28+$0xC040];
	v7 =	vsub.f32 v7, v10;
	v9 =	vtrunc.f32 v9;
	v20 =	vshrl.u32 v20, $0xF  }
0x268: {  	v14 =	vshrl.u32 v14, $0xF;
	v13 =	vld.idx.msk [tilespmem:v13+s4+$0x0], $0xffff;
	v6 =	vshll.u32 v6, $0x4;
	v9 =	vcvt.f32.s32 v9  }
0x269: {  	v15 =	vsub.f32 v15, v19;
	v6 =	vadd.s32 v4, v6;
	v7 =	vand.u32 $0x7FFFFFFF, v7;
	v17 =	vld.idx.msk [tilespmem:v17+s4+$0x0], $0xffff  }
0x26a: {  	v7 =	vmul.f32 $3.000000000e+01, v7;
	v9 =	vshll.u32 v9, $0x4;
	v21 =	vld.idx.msk [tilespmem:v21+s4+$0x0], $0xffff  }
0x26b: {  	v15 =	vand.u32 $0x7FFFFFFF, v15;
	v9 =	vadd.s32 v3, v9;
	v16 =	vld.idx.msk [tilespmem:v16+s4+$0x0], $0xffff;
	v8 =	vsub.f32 v8, v12  }
0x26c: {  	v15 =	vmul.f32 $3.000000000e+01, v15;
	v7 =	vtrunc.f32 v7;
	v20 =	vld.idx.msk [tilespmem:v20+s4+$0x0], $0xffff  }
0x26d: {  	v14 =	vld.idx.msk [tilespmem:v14+s4+$0x0], $0xffff;
	v7 =	vcvt.f32.s32 v7;
	v8 =	vmul.f32 v8, v11  }
0x26e: {  	v15 =	vtrunc.f32 v15;
	[tilespmem:v6+s19+$0x0] =	vst.idx.add.f32.msk $0xffff, v1  }
0x26f: {  	v11 =	vld [tilespmem:s28+$0x14040];
	v7 =	vshll.u32 v7, $0x4;
	v8 =	vadd.f32 v8, v12;
	v12 =	vcvt.f32.s32 v15  }
0x270: {  	v7 =	vadd.s32 v5, v7;
	[tilespmem:v9+s19+$0x0] =	vst.idx.add.f32.msk $0xffff, v1;
	v17 =	vsub.f32 v17, v16  }
0x271: {  	[tilespmem:v9+s20+$0x0] =	vst.idx.add.f32.msk $0xffff, v8;
	v8 =	vshll.u32 v12, $0x4;
	v12 =	vsub.f32 v21, v20  }
0x272: {  	v10 =	vmul.f32 v17, v10;
	v9 =	vld [tilespmem:s26+$0xC060]  }
0x273: {  	v13 =	vsub.f32 v13, v14;
	v8 =	vadd.s32 v3, v8;
	v17 =	vld [tilespmem:s28+$0x14000];
	v12 =	vmul.f32 v12, v19  }
0x274: {  	v10 =	vadd.f32 v10, v16;
	v16 =	vld [tilespmem:s26+$0x14060]  }
0x275: {  	v13 =	vmul.f32 v13, v18;
	[tilespmem:v7+s19+$0x0] =	vst.idx.add.f32.msk $0xffff, v1;
	v12 =	vadd.f32 v12, v20  }
0x276: {  	v15 =	vshrl.u32 v22, $0xF;
	v20 =	vsub.f32 v22, v11;
	[tilespmem:v7+s20+$0x0] =	vst.idx.add.f32.msk $0xffff, v10;
	v10 =	vsub.f32 $1.000000000e+00, v22  }
0x277: {  	v13 =	vadd.f32 v13, v14;
	v7 =	vld [tilespmem:s28+$0xC000]  }
0x278: {  	[tilespmem:v8+s19+$0x0] =	vst.idx.add.f32.msk $0xffff, v1;
	v19 =	vsub.f32 $1.000000000e+00, v9;
	v20 =	vand.u32 $0x7FFFFFFF, v20;
	v10 =	vshrl.u32 v10, $0xF  }
0x279: {  	[tilespmem:v8+s20+$0x0] =	vst.idx.add.f32.msk $0xffff, v12;
	v12 =	vshrl.u32 v9, $0xF;
	v20 =	vmul.f32 $3.000000000e+01, v20;
	v9 =	vsub.f32 v9, v16  }
0x27a: {  	[tilespmem:v6+s20+$0x0] =	vst.idx.add.f32.msk $0xffff, v13;
	v19 =	vshrl.u32 v19, $0xF  }
0x27b: {  	v15 =	vld.idx.msk [tilespmem:v15+s4+$0x0], $0xffff;
	v20 =	vtrunc.f32 v20;
	v9 =	vand.u32 $0x7FFFFFFF, v9  }
0x27c: {  	v21 =	vld [tilespmem:s26+$0xC020];
	v8 =	vsub.f32 $1.000000000e+00, v7;
	v22 =	vshrl.u32 v7, $0xF;
	v9 =	vmul.f32 $3.000000000e+01, v9  }
0x27d: {  	v7 =	vsub.f32 v7, v17;
	v20 =	vcvt.f32.s32 v20;
	v10 =	vld.idx.msk [tilespmem:v10+s4+$0x0], $0xffff  }
0x27e: {  	v18 =	vshrl.u32 v8, $0xF;
	v12 =	vld.idx.msk [tilespmem:v12+s4+$0x0], $0xffff;
	v9 =	vtrunc.f32 v9  }
0x27f: {  	v7 =	vand.u32 $0x7FFFFFFF, v7;
	v20 =	vshll.u32 v20, $0x4;
	v14 =	vld.idx.msk [tilespmem:v19+s4+$0x0], $0xffff;
	v9 =	vcvt.f32.s32 v9  }
0x280: {  	v8 =	vld [tilespmem:s26+$0x14020];
	v20 =	vor.u32 v2, v20;
	v7 =	vmul.f32 $3.000000000e+01, v7  }
0x281: {  	v19 =	vld.idx.msk [tilespmem:v22+s4+$0x0], $0xffff;
	v22 =	vshrl.u32 v21, $0xF;
	v9 =	vshll.u32 v9, $0x4  }
0x282: {  	v23 =	vld [tilespmem:s30+$0xC030];
	v7 =	vtrunc.f32 v7;
	v15 =	vsub.f32 v15, v10;
	v9 =	vadd.s32 v4, v9  }
0x283: {  	v7 =	vcvt.f32.s32 v7;
	v18 =	vld.idx.msk [tilespmem:v18+s4+$0x0], $0xffff  }
0x284: {  	v6 =	vld [tilespmem:s30+$0x14030];
	v12 =	vsub.f32 v12, v14;
	v11 =	vmul.f32 v15, v11  }
0x285: {  	[tilespmem:v20+s19+$0x0] =	vst.idx.add.f32.msk $0xffff, v1;
	v7 =	vshll.u32 v7, $0x4  }
0x286: {  	v24 =	vld.idx.msk [tilespmem:v22+s4+$0x0], $0xffff;
	v10 =	vadd.f32 v11, v10;
	v11 =	vmul.f32 v12, v16;
	v12 =	vsub.f32 v21, v8  }
0x287: {  	v7 =	vor.u32 v2, v7;
	[tilespmem:v9+s19+$0x0] =	vst.idx.add.f32.msk $0xffff, v1  }
0x288: {  	[tilespmem:v20+s20+$0x0] =	vst.idx.add.f32.msk $0xffff, v10;
	v10 =	vsub.f32 v19, v18;
	v11 =	vadd.f32 v11, v14;
	v12 =	vand.u32 $0x7FFFFFFF, v12  }
0x289: {  	v13 =	vsub.f32 v23, v6;
	v15 =	vld [tilespmem:s28+$0xC050];
	v12 =	vmul.f32 $3.000000000e+01, v12  }
0x28a: {  	v10 =	vmul.f32 v10, v17;
	[tilespmem:v9+s20+$0x0] =	vst.idx.add.f32.msk $0xffff, v11;
	v9 =	vsub.f32 $1.000000000e+00, v21  }
0x28b: {  	v13 =	vand.u32 $0x7FFFFFFF, v13;
	v14 =	vld [tilespmem:s28+$0x14050];
	v12 =	vtrunc.f32 v12  }
0x28c: {  	v11 =	vld [tilespmem:s26+$0xC070];
	v10 =	vadd.f32 v10, v18;
	v16 =	vshrl.u32 v9, $0xF;
	v9 =	vcvt.f32.s32 v12  }
0x28d: {  	v13 =	vmul.f32 $3.000000000e+01, v13;
	[tilespmem:v7+s19+$0x0] =	vst.idx.add.f32.msk $0xffff, v1  }
0x28e: {  	v12 =	vsub.f32 $1.000000000e+00, v15;
	[tilespmem:v7+s20+$0x0] =	vst.idx.add.f32.msk $0xffff, v10;
	v7 =	vshrl.u32 v15, $0xF;
	v9 =	vshll.u32 v9, $0x4  }
0x28f: {  	v10 =	vld [tilespmem:s26+$0x14070];
	v9 =	vadd.s32 v4, v9  }
0x290: {  	v20 =	vtrunc.f32 v13;
	v17 =	vsub.f32 $1.000000000e+00, v23;
	v19 =	vld [tilespmem:s28+$0xC010];
	v12 =	vshrl.u32 v12, $0xF  }
0x291: {  	v21 =	vsub.f32 v15, v14;
	v13 =	vld [tilespmem:s28+$0x14010];
	v18 =	vsub.f32 $1.000000000e+00, v11;
	v22 =	vshrl.u32 v11, $0xF  }
0x292: {  	v25 =	vcvt.f32.s32 v20;
	v17 =	vshrl.u32 v17, $0xF;
	v15 =	vld.idx.msk [tilespmem:v16+s4+$0x0], $0xffff  }
0x293: {  	v27 =	vshrl.u32 v23, $0xF;
	v16 =	vand.u32 $0x7FFFFFFF, v21;
	v26 =	vshrl.u32 v18, $0xF;
	v20 =	vld.idx.msk [tilespmem:v7+s4+$0x0], $0xffff  }
0x294: {  	v16 =	vmul.f32 $3.000000000e+01, v16;
	v7 =	vshll.u32 v25, $0x4;
	v11 =	vsub.f32 v11, v10;
	[tilespmem:v9+s19+$0x0] =	vst.idx.add.f32.msk $0xffff, v1  }
0x295: {  	v7 =	vadd.s32 v5, v7;
	v21 =	vsub.f32 $1.000000000e+00, v19;
	v23 =	vshrl.u32 v19, $0xF;
	v18 =	vld.idx.msk [tilespmem:v12+s4+$0x0], $0xffff  }
0x296: {  	v25 =	vsub.f32 v19, v13;
	v12 =	vtrunc.f32 v16;
	v11 =	vand.u32 $0x7FFFFFFF, v11;
	v16 =	vld.idx.msk [tilespmem:v22+s4+$0x0], $0xffff  }
0x297: {  	v19 =	vcvt.f32.s32 v12;
	v28 =	vmul.f32 $3.000000000e+01, v11;
	v22 =	vshrl.u32 v21, $0xF;
	v11 =	vld.idx.msk [tilespmem:v17+s4+$0x0], $0xffff  }
0x298: {  	v25 =	vand.u32 $0x7FFFFFFF, v25;
	v21 =	vsub.f32 v24, v15;
	v12 =	vld.idx.msk [tilespmem:v26+s4+$0x0], $0xffff  }
0x299: {  	s3 =	simm.s32 $0xC00;
	s0 =	simm.s32 $0x180;
	s30 =	simm.s32 $0x4;
	v17 =	vld.idx.msk [tilespmem:v27+s4+$0x0], $0xffff;
	v24 =	vmul.f32 $3.000000000e+01, v25;
	v25 =	vshll.u32 v19, $0x4;
	v19 =	vtrunc.f32 v28  }
.LBB2_5:
0x29a: {  	s14 =	sand.u32 $0x2000, s0;
	s15 =	sand.u32 $0x1C00, s3;
	v23 =	vld.idx.msk [tilespmem:v23+s4+$0x0], $0xffff;
	v20 =	vsub.f32 v20, v18;
	v25 =	vadd.s32 v3, v25;
	s29 =	sadd.s32 $0x10, s29;
	v19 =	vcvt.f32.s32 v19  }
0x29b: {  	v8 =	vmul.f32 v21, v8;
	s14 =	sor.u32 s15, s14;
	s15 =	sand.u32 $0x380, s29;
	v24 =	vtrunc.f32 v24;
	[tilespmem:v7+s19+$0x0] =	vst.idx.add.f32.msk $0xffff, v1  }
0x29c: {  	s14 =	sor.u32 s15, s14;
	v21 =	vcvt.f32.s32 v24;
	v22 =	vld.idx.msk [tilespmem:v22+s4+$0x0], $0xffff;
	v14 =	vmul.f32 v20, v14;
	v19 =	vshll.u32 v19, $0x4  }
0x29d: {  	s30 =	sadd.s32 $0x2, s30;
	v15 =	vadd.f32 v8, v15;
	v8 =	vsub.f32 v16, v12;
	v20 =	vld [tilespmem:s14+$0x14040];
	v16 =	vadd.s32 v5, v19  }
0x29e: {  	p0 =	slt.u32 s30, $0xFE;
	v19 =	vld [tilespmem:s14+$0xC040];
	v21 =	vshll.u32 v21, $0x4;
	v14 =	vadd.f32 v14, v18  }
0x29f: {  	v8 =	vmul.f32 v8, v10;
	v18 =	vadd.s32 v3, v21;
	[tilespmem:v25+s19+$0x0] =	vst.idx.add.f32.msk $0xffff, v1  }
0x2a0: {  	v10 =	vsub.f32 v17, v11;
	[tilespmem:v25+s20+$0x0] =	vst.idx.add.f32.msk $0xffff, v14  }
0x2a1: {  	v8 =	vadd.f32 v8, v12;
	v14 =	vld [tilespmem:s28+$0xC060]  }
0x2a2: {  	v6 =	vmul.f32 v10, v6;
	v12 =	vsub.f32 v23, v22;
	[tilespmem:v16+s19+$0x0] =	vst.idx.add.f32.msk $0xffff, v1  }
0x2a3: {  	[tilespmem:v16+s20+$0x0] =	vst.idx.add.f32.msk $0xffff, v8  }
0x2a4: {  	v11 =	vadd.f32 v6, v11;
	v10 =	vsub.f32 $1.000000000e+00, v19;
	v12 =	vmul.f32 v12, v13;
	v8 =	vld [tilespmem:s14+$0xC000]  }
0x2a5: {  	v6 =	vshrl.u32 v19, $0xF;
	v13 =	vld [tilespmem:s14+$0x14000]  }
0x2a6: {  	v10 =	vshrl.u32 v10, $0xF;
	v12 =	vadd.f32 v12, v22;
	v16 =	vld [tilespmem:s28+$0x14060]  }
0x2a7: {  	v17 =	vsub.f32 $1.000000000e+00, v14;
	[tilespmem:v18+s19+$0x0] =	vst.idx.add.f32.msk $0xffff, v1  }
0x2a8: {  	v19 =	vsub.f32 v19, v20;
	[tilespmem:v18+s20+$0x0] =	vst.idx.add.f32.msk $0xffff, v12;
	v12 =	vshrl.u32 v14, $0xF  }
0x2a9: {  	v17 =	vshrl.u32 v17, $0xF;
	v18 =	vshrl.u32 v8, $0xF;
	v21 =	vsub.f32 $1.000000000e+00, v8;
	v22 =	vld [tilespmem:s28+$0xC020]  }
0x2aa: {  	v19 =	vand.u32 $0x7FFFFFFF, v19;
	v8 =	vsub.f32 v8, v13;
	v6 =	vld.idx.msk [tilespmem:v6+s4+$0x0], $0xffff  }
0x2ab: {  	v19 =	vmul.f32 $3.000000000e+01, v19;
	v21 =	vshrl.u32 v21, $0xF;
	v10 =	vld.idx.msk [tilespmem:v10+s4+$0x0], $0xffff;
	v14 =	vsub.f32 v14, v16  }
0x2ac: {  	v23 =	vand.u32 $0x7FFFFFFF, v8;
	v8 =	vld [tilespmem:s28+$0x14020]  }
0x2ad: {  	v19 =	vtrunc.f32 v19;
	v23 =	vmul.f32 $3.000000000e+01, v23;
	v14 =	vand.u32 $0x7FFFFFFF, v14;
	v12 =	vld.idx.msk [tilespmem:v12+s4+$0x0], $0xffff  }
0x2ae: {  	v19 =	vcvt.f32.s32 v19;
	v24 =	vsub.f32 $1.000000000e+00, v22;
	v14 =	vmul.f32 $3.000000000e+01, v14;
	v17 =	vld.idx.msk [tilespmem:v17+s4+$0x0], $0xffff  }
0x2af: {  	v25 =	vshrl.u32 v22, $0xF;
	v23 =	vtrunc.f32 v23;
	v18 =	vld.idx.msk [tilespmem:v18+s4+$0x0], $0xffff  }
0x2b0: {  	v19 =	vshll.u32 v19, $0x4;
	v23 =	vcvt.f32.s32 v23;
	v21 =	vld.idx.msk [tilespmem:v21+s4+$0x0], $0xffff;
	v14 =	vtrunc.f32 v14  }
0x2b1: {  	v19 =	vor.u32 v2, v19;
	v6 =	vsub.f32 v6, v10;
	v14 =	vcvt.f32.s32 v14;
	[tilespmem:v9+s20+$0x0] =	vst.idx.add.f32.msk $0xffff, v15  }
0x2b2: {  	v15 =	vsub.f32 v22, v8;
	v22 =	vshrl.u32 v24, $0xF;
	v9 =	vshll.u32 v23, $0x4;
	v23 =	vld [tilespmem:s26+$0xC030]  }
0x2b3: {  	v24 =	vor.u32 v2, v9;
	v9 =	vmul.f32 v6, v20;
	v14 =	vshll.u32 v14, $0x4;
	v6 =	vld [tilespmem:s26+$0x14030];
	s26 =	smov.u32 s28;
	s28 =	smov.u32 s14  }
0x2b4: {  	v15 =	vand.u32 $0x7FFFFFFF, v15;
	v12 =	vsub.f32 v12, v17;
	v25 =	vld.idx.msk [tilespmem:v25+s4+$0x0], $0xffff;
	v14 =	vadd.s32 v4, v14  }
0x2b5: {  	v9 =	vadd.f32 v9, v10;
	v10 =	vmul.f32 $3.000000000e+01, v15;
	[tilespmem:v7+s20+$0x0] =	vst.idx.add.f32.msk $0xffff, v11  }
0x2b6: {  	v7 =	vsub.f32 v18, v21;
	v11 =	vmul.f32 v12, v16;
	[tilespmem:v19+s19+$0x0] =	vst.idx.add.f32.msk $0xffff, v1  }
0x2b7: {  	[tilespmem:v19+s20+$0x0] =	vst.idx.add.f32.msk $0xffff, v9;
	v9 =	vtrunc.f32 v10;
	v26 =	vshrl.u32 v23, $0xF;
	v10 =	vsub.f32 $1.000000000e+00, v23  }
0x2b8: {  	v7 =	vmul.f32 v7, v13;
	v11 =	vadd.f32 v11, v17;
	v12 =	vld [tilespmem:s28+$0xC050];
	v9 =	vcvt.f32.s32 v9  }
0x2b9: {  	v13 =	vsub.f32 v23, v6;
	[tilespmem:v14+s19+$0x0] =	vst.idx.add.f32.msk $0xffff, v1;
	v17 =	vshrl.u32 v10, $0xF  }
0x2ba: {  	v7 =	vadd.f32 v7, v21;
	v9 =	vshll.u32 v9, $0x4;
	[tilespmem:v14+s20+$0x0] =	vst.idx.add.f32.msk $0xffff, v11  }
0x2bb: {  	v10 =	vand.u32 $0x7FFFFFFF, v13;
	v9 =	vadd.s32 v4, v9;
	v11 =	vld [tilespmem:s26+$0xC070]  }
0x2bc: {  	v10 =	vmul.f32 $3.000000000e+01, v10;
	v14 =	vld [tilespmem:s28+$0x14050]  }
0x2bd: {  	[tilespmem:v24+s19+$0x0] =	vst.idx.add.f32.msk $0xffff, v1;
	v13 =	vsub.f32 $1.000000000e+00, v12  }
0x2be: {  	v16 =	vshrl.u32 v12, $0xF;
	[tilespmem:v24+s20+$0x0] =	vst.idx.add.f32.msk $0xffff, v7;
	v7 =	vtrunc.f32 v10  }
0x2bf: {  	v18 =	vshrl.u32 v13, $0xF;
	v10 =	vld [tilespmem:s26+$0x14070];
	v7 =	vcvt.f32.s32 v7  }
0x2c0: {  	v19 =	vld [tilespmem:s28+$0xC010];
	v20 =	vsub.f32 $1.000000000e+00, v11  }
0x2c1: {  	v21 =	vshrl.u32 v11, $0xF;
	v13 =	vld [tilespmem:s28+$0x14010];
	v12 =	vsub.f32 v12, v14;
	v7 =	vshll.u32 v7, $0x4  }
0x2c2: {  	v15 =	vld.idx.msk [tilespmem:v22+s4+$0x0], $0xffff;
	v24 =	vshrl.u32 v20, $0xF;
	v7 =	vadd.s32 v5, v7  }
0x2c3: {  	v12 =	vand.u32 $0x7FFFFFFF, v12;
	v20 =	vld.idx.msk [tilespmem:v16+s4+$0x0], $0xffff  }
0x2c4: {  	v12 =	vmul.f32 $3.000000000e+01, v12;
	v18 =	vld.idx.msk [tilespmem:v18+s4+$0x0], $0xffff;
	v11 =	vsub.f32 v11, v10  }
.Ltmp1:
0x2c5: {  	v23 =	vshrl.u32 v19, $0xF;
	v22 =	vsub.f32 $1.000000000e+00, v19;
	[tilespmem:v9+s19+$0x0] =	vst.idx.add.f32.msk $0xffff, v1;
	(pc) =	sbr.rel @p0 .LBB2_5-.Ltmp1, $4  }
0x2c6: {  	v19 =	vsub.f32 v19, v13;
	v12 =	vtrunc.f32 v12;
	v11 =	vand.u32 $0x7FFFFFFF, v11;
	v16 =	vld.idx.msk [tilespmem:v21+s4+$0x0], $0xffff  }
0x2c7: {  	v22 =	vshrl.u32 v22, $0xF;
	v27 =	vcvt.f32.s32 v12;
	v28 =	vmul.f32 $3.000000000e+01, v11;
	v12 =	vld.idx.msk [tilespmem:v24+s4+$0x0], $0xffff  }
0x2c8: {  	v21 =	vsub.f32 v25, v15;
	v19 =	vand.u32 $0x7FFFFFFF, v19;
	v11 =	vld.idx.msk [tilespmem:v17+s4+$0x0], $0xffff  }
0x2c9: {  	s0 =	sadd.s32 $0x80, s0;
	s3 =	sadd.s32 $0x400, s3;
	v24 =	vmul.f32 $3.000000000e+01, v19;
	v25 =	vshll.u32 v27, $0x4;
	v19 =	vtrunc.f32 v28;
	v17 =	vld.idx.msk [tilespmem:v26+s4+$0x0], $0xffff  }
0x2ca: {  	_ =	sdelay $0x3  }
0x2cb: {  	v23 =	vld.idx.msk [tilespmem:v23+s4+$0x0], $0xffff  }
0x2cc: {  	v22 =	vld.idx.msk [tilespmem:v22+s4+$0x0], $0xffff  }
0x2cd: {  	v20 =	vsub.f32 v20, v18;
	v25 =	vadd.s32 v3, v25;
	v24 =	vtrunc.f32 v24  }
0x2ce: {  	v24 =	vcvt.f32.s32 v24  }
0x2cf: {  	v14 =	vmul.f32 v20, v14  }
0x2d0: {  	v28 =	vshll.u32 v24, $0x4  }
0x2d1: {  	v14 =	vadd.f32 v14, v18;
	v29 =	vadd.s32 v3, v28;
	v30 =	vsub.f32 v23, v22  }
0x2d2: {  	[tilespmem:v25+s19+$0x0] =	vst.idx.add.f32.msk $0xffff, v1  }
0x2d3: {  	[tilespmem:v25+s20+$0x0] =	vst.idx.add.f32.msk $0xffff, v14;
	v13 =	vmul.f32 v30, v13  }
0x2d4: {  	v14 =	vld [tilespmem:s28+$0xC060]  }
0x2d5: {  	v31 =	vld [tilespmem:s28+$0x14060];
	v13 =	vadd.f32 v13, v22  }
0x2d6: {  	[tilespmem:v29+s19+$0x0] =	vst.idx.add.f32.msk $0xffff, v1  }
0x2d7: {  	[tilespmem:v29+s20+$0x0] =	vst.idx.add.f32.msk $0xffff, v13  }
0x2d8: {  	v13 =	vld [tilespmem:s28+$0xC020]  }
0x2d9: {  	v32 =	vsub.f32 $1.000000000e+00, v14  }
0x2da: {  	v33 =	vshrl.u32 v14, $0xF;
	v34 =	vld [tilespmem:s28+$0x14020]  }
0x2db: {  	v18 =	vshrl.u32 v32, $0xF  }
0x2dc: {  	v14 =	vsub.f32 v14, v31  }
0x2dd: {  	v35 =	vsub.f32 $1.000000000e+00, v13  }
0x2de: {  	v14 =	vand.u32 $0x7FFFFFFF, v14;
	v36 =	vshrl.u32 v13, $0xF  }
0x2df: {  	v14 =	vmul.f32 $3.000000000e+01, v14;
	v22 =	vld.idx.msk [tilespmem:v33+s4+$0x0], $0xffff;
	v13 =	vsub.f32 v13, v34;
	v24 =	vshrl.u32 v35, $0xF  }
0x2e0: {  	v18 =	vld.idx.msk [tilespmem:v18+s4+$0x0], $0xffff  }
0x2e1: {  	v8 =	vmul.f32 v21, v8;
	v14 =	vtrunc.f32 v14;
	v13 =	vand.u32 $0x7FFFFFFF, v13  }
0x2e2: {  	v14 =	vcvt.f32.s32 v14;
	v13 =	vmul.f32 $3.000000000e+01, v13  }
0x2e3: {  	v37 =	vld.idx.msk [tilespmem:v36+s4+$0x0], $0xffff  }
0x2e4: {  	v8 =	vadd.f32 v8, v15;
	v14 =	vshll.u32 v14, $0x4;
	v13 =	vtrunc.f32 v13;
	v24 =	vld.idx.msk [tilespmem:v24+s4+$0x0], $0xffff  }
0x2e5: {  	v14 =	vadd.s32 v4, v14;
	v13 =	vcvt.f32.s32 v13;
	v38 =	vsub.f32 v22, v18;
	_ =	sdelay $0x1  }
0x2e6: {  	[tilespmem:v9+s20+$0x0] =	vst.idx.add.f32.msk $0xffff, v8;
	v40 =	vshll.u32 v13, $0x4;
	v39 =	vmul.f32 v38, v31  }
0x2e7: {  	v41 =	vld [tilespmem:s26+$0xC030];
	v9 =	vadd.s32 v4, v40  }
0x2e8: {  	v43 =	vld [tilespmem:s26+$0x14030];
	v8 =	vadd.f32 v39, v18;
	v42 =	vsub.f32 v37, v24  }
0x2e9: {  	[tilespmem:v14+s19+$0x0] =	vst.idx.add.f32.msk $0xffff, v1  }
0x2ea: {  	[tilespmem:v14+s20+$0x0] =	vst.idx.add.f32.msk $0xffff, v8;
	v15 =	vmul.f32 v42, v34  }
0x2eb: {  	v8 =	vld [tilespmem:s28+$0xC070]  }
0x2ec: {  	[tilespmem:v9+s19+$0x0] =	vst.idx.add.f32.msk $0xffff, v1;
	v44 =	vadd.f32 v15, v24  }
0x2ed: {  	v45 =	vld [tilespmem:s28+$0x14070]  }
0x2ee: {  	v51 =	vsub.f32 v41, v43;
	[tilespmem:v9+s20+$0x0] =	vst.idx.add.f32.msk $0xffff, v44  }
0x2ef: {  	v48 =	vsub.f32 $1.000000000e+00, v41;
	v9 =	vld [tilespmem:s28+$0xC030]  }
0x2f0: {  	v23 =	vand.u32 $0x7FFFFFFF, v51  }
0x2f1: {  	v46 =	vcvt.f32.s32 v19;
	v19 =	vshrl.u32 v48, $0xF;
	v23 =	vmul.f32 $3.000000000e+01, v23  }
0x2f2: {  	v13 =	vshrl.u32 v41, $0xF;
	v47 =	vsub.f32 $1.000000000e+00, v8;
	v50 =	vld [tilespmem:s28+$0x14030]  }
0x2f3: {  	v17 =	vsub.f32 v17, v11;
	v55 =	vtrunc.f32 v23;
	v49 =	vshrl.u32 v8, $0xF  }
0x2f4: {  	v8 =	vsub.f32 v8, v45;
	v18 =	vshrl.u32 v47, $0xF;
	v52 =	vsub.f32 $1.000000000e+00, v9  }
0x2f5: {  	v6 =	vmul.f32 v17, v6;
	v17 =	vcvt.f32.s32 v55;
	v53 =	vshrl.u32 v9, $0xF  }
0x2f6: {  	v56 =	vld.idx.msk [tilespmem:v19+s4+$0x0], $0xffff;
	v8 =	vand.u32 $0x7FFFFFFF, v8;
	v24 =	vshrl.u32 v52, $0xF  }
0x2f7: {  	v58 =	vshll.u32 v17, $0x4;
	v13 =	vld.idx.msk [tilespmem:v13+s4+$0x0], $0xffff;
	v8 =	vmul.f32 $3.000000000e+01, v8;
	v9 =	vsub.f32 v9, v50  }
0x2f8: {  	v16 =	vsub.f32 v16, v12;
	v6 =	vadd.f32 v6, v11;
	v11 =	vadd.s32 v5, v58;
	v21 =	vld.idx.msk [tilespmem:v49+s4+$0x0], $0xffff  }
0x2f9: {  	v15 =	vshll.u32 v46, $0x4;
	v8 =	vtrunc.f32 v8;
	v54 =	vld.idx.msk [tilespmem:v18+s4+$0x0], $0xffff;
	v9 =	vand.u32 $0x7FFFFFFF, v9  }
0x2fa: {  	v15 =	vadd.s32 v5, v15;
	v8 =	vcvt.f32.s32 v8;
	v9 =	vmul.f32 $3.000000000e+01, v9;
	v59 =	vld.idx.msk [tilespmem:v53+s4+$0x0], $0xffff  }
0x2fb: {  	v57 =	vld.idx.msk [tilespmem:v24+s4+$0x0], $0xffff  }
0x2fc: {  	[tilespmem:v7+s19+$0x0] =	vst.idx.add.f32.msk $0xffff, v1;
	v10 =	vmul.f32 v16, v10;
	v8 =	vshll.u32 v8, $0x4;
	v9 =	vtrunc.f32 v9  }
0x2fd: {  	[tilespmem:v7+s20+$0x0] =	vst.idx.add.f32.msk $0xffff, v6;
	v61 =	vsub.f32 v13, v56;
	v8 =	vadd.s32 v5, v8;
	v9 =	vcvt.f32.s32 v9  }
0x2fe: {  	[tilespmem:v11+s19+$0x0] =	vst.idx.add.f32.msk $0xffff, v1;
	v60 =	vsub.f32 v21, v54  }
0x2ff: {  	v10 =	vadd.f32 v10, v12;
	v62 =	vmul.f32 v61, v43;
	[tilespmem:v15+s19+$0x0] =	vst.idx.add.f32.msk $0xffff, v1;
	v7 =	vshll.u32 v9, $0x4  }
0x300: {  	s25 =	sadd.s32 $0x1, s25;
	v6 =	vmul.f32 v60, v45;
	v7 =	vadd.s32 v5, v7;
	v63 =	vsub.f32 v59, v57  }
0x301: {  	p0 =	sne.s32 s25, $0xC;
	[tilespmem:v15+s20+$0x0] =	vst.idx.add.f32.msk $0xffff, v10;
	v9 =	vadd.f32 v62, v56  }
.Ltmp2:
0x302: {  	[tilespmem:v8+s19+$0x0] =	vst.idx.add.f32.msk $0xffff, v1;
	v6 =	vadd.f32 v6, v54;
	v10 =	vmul.f32 v63, v50;
	(pc) =	sbr.rel @p0 .LBB2_2-.Ltmp2, $4  }
0x303: {  	[tilespmem:v11+s20+$0x0] =	vst.idx.add.f32.msk $0xffff, v9  }
0x304: {  	[tilespmem:v8+s20+$0x0] =	vst.idx.add.f32.msk $0xffff, v6;
	v6 =	vadd.f32 v10, v57  }
0x305: {  	[tilespmem:v7+s19+$0x0] =	vst.idx.add.f32.msk $0xffff, v1  }
0x306: {  	[tilespmem:v7+s20+$0x0] =	vst.idx.add.f32.msk $0xffff, v6  }
0x307: {  	[hbm4b:s10+s22] =	stream.strided.scatter [tilespmem:s19], [sflag:$0x3], $0x800, s23, s22, $0x38;
	[tilespmem:$0x19000] =	vst v63  }
0x308: {  	s24 =	sadd.s32 $0x1, s24;
	_ =	swait.ge [sflag:s13], $0x800  }
0x309: {  	p0 =	sne.s32 s24, s12;
	[sflag:s13] =	ssyncset.done $0x0  }
.Ltmp3:
0x30a: {  	[sflag:s13] =	ssyncadd.s32 $0xFFFFF800;
	(pc) =	sbr.rel @p0 .LBB2_1-.Ltmp3, $4  }
0x30b: {  	[hbm4b:s11+s22] =	stream.strided.scatter [tilespmem:s20], [sflag:$0x3], $0x800, s23, s22, $0x38;
	[tilespmem:$0x19000] =	vst v63  }
0x30c: {  	_ =	swait.ge [sflag:s13], $0x800  }
0x30d: {  	[sflag:s13] =	ssyncset.done $0x0  }
0x30e: {  	[sflag:s13] =	ssyncadd.s32 $0xFFFFF800  }
0x30f: {  	_ =	sfence.sel $0x180000  }
0x310: {  	[bflag:$0x0] =	sbarrier.arrive $0xFFFF  }
0x311: {  	_ =	strace $0x90000047  }
0x312: {  	s0 =	stileid.u32;
	[bflag:$0x2] =	sbarrier.arrive $0xFFFF  }
0x313: {  	p0 =	sne.s32 s0, $0x0;
	s0 =	rddreg [dreg:$0x3]  }
0x314: {  	s0 =	sadd.s32 @!p0 $0x100000, s0  }
0x315: {  	[sflag:s0] =	ssyncadd.tile.s32 @!p0 $0x1;
	_ =	shalt  }
.Lfunc_end2:
_tile_overlayer_lowered:
.L_overlay_start_2:
0x316: {  	(tag) =	ssettag $0x2  }
0x317: {  	s0 =	rddreg [dreg:$0x0];
	s2 =	stileid.u32  }
0x318: {  	s1 =	rddreg [dreg:$0x1];
	p0 =	sne.s32 s2, $0x0  }
0x319: {  	s3 =	rddreg [dreg:$0x2];
	[bflag:$0x3] =	sbarrier.arrive $0xFFFF;
	s2 =	simm.s32 @!p0 $0x1C03  }
0x31a: {  	[timem:s3], [sflag:s2] =	dma.local @!p0 [hbm:s0], s1  }
0x31b: {  	s0 =	simm.s32 @!p0 $0x3  }
0x31c: {  	_ =	swait.ge @!p0 [sflag:s0], s1  }
0x31d: {  	s1 =	ssub.s32 @!p0 $0x0, s1;
	[sflag:s0] =	ssyncset.done @!p0 $0x0  }
0x31e: {  	[sflag:s0] =	ssyncadd.s32 @!p0 s1  }
0x31f: {  	[bflag:$0x3] =	sbarrier.arrive $0xFFFF  }
0x320: {  	_ =	shalt  }

</sc_bundles>
